<compile_context>
chip_gen: v7x
topology: tpu7x:2x2x1
jax: 0.10.2.dev20260603
libtpu: 0.0.44.dev20260713+nightly
codegen_flags: <defaults>
</compile_context>

<pallas_src>
import functools

import jax
import jax.numpy as jnp
from jax import lax
from jax.experimental import pallas as pl
from jax.experimental.pallas import tpu as pltpu
from jax.experimental.pallas import tpu_sc as plsc

N = 10000
D = 128
NC = 2
NS = 16
L = 16
NW = NC * NS
CH = 128
N_PAD = 10112
ROWS_PER_TILE = N_PAD // NS
TBL_STRIPE = 632
NHALF = 2


def _sc_gather(idx2, pq, chunk0, n_my_chunks):
    k_per_t = n_my_chunks // NS
    npass = 2
    k_pass = k_per_t // npass
    mesh = plsc.VectorSubcoreMesh(core_axis_name="c", subcore_axis_name="s")

    @functools.partial(
        pl.kernel,
        out_type=jax.ShapeDtypeStruct((NC, n_my_chunks * CH, D), jnp.float32),
        mesh=mesh,
        scratch_types=[
            pltpu.VMEM((k_pass, CH), jnp.int32),
            pltpu.VMEM((CH, D), jnp.float32),
            pltpu.VMEM((CH, D), jnp.float32),
            pltpu.VMEM_SHARED((N, D), jnp.float32),
            pltpu.SemaphoreType.DMA,
            pltpu.SemaphoreType.DMA,
            pltpu.SemaphoreType.DMA,
            pltpu.SemaphoreType.DMA,
        ],
    )
    def k(idx_hbm, pq_hbm, out_hbm, idx_v, r0, r1, tbl,
          sg0, sg1, sw0, sw1):
        c = lax.axis_index("c")
        s = lax.axis_index("s")

        @pl.when(s < NS - 1)
        def _():
            pltpu.sync_copy(pq_hbm.at[c, pl.ds(s * TBL_STRIPE, TBL_STRIPE)],
                            tbl.at[pl.ds(s * TBL_STRIPE, TBL_STRIPE)])

        @pl.when(s == NS - 1)
        def _():
            last = N - (NS - 1) * TBL_STRIPE
            pltpu.sync_copy(
                pq_hbm.at[c, pl.ds((NS - 1) * TBL_STRIPE, last)],
                tbl.at[pl.ds((NS - 1) * TBL_STRIPE, last)])

        plsc.subcore_barrier()

        rs, sgs, sws = (r0, r1), (sg0, sg1), (sw0, sw1)

        def phase(obase, j, slot):
            @pl.when(j >= 2)
            def _():
                pltpu.make_async_copy(
                    rs[slot], out_hbm.at[c, pl.ds(obase * CH, CH)],
                    sws[slot]).wait()

            pltpu.async_copy(tbl.at[idx_v.at[j]], rs[slot], sgs[slot]).wait()
            pltpu.async_copy(rs[slot],
                             out_hbm.at[c, pl.ds((obase + j) * CH, CH)],
                             sws[slot])

        for p in range(npass):
            obase = s * k_per_t + p * k_pass
            pltpu.sync_copy(idx_hbm.at[c, pl.ds(chunk0 + obase, k_pass)],
                            idx_v)

            def body(jj, carry):
                phase(obase, 2 * jj, 0)
                phase(obase, 2 * jj + 1, 1)
                return carry

            lax.fori_loop(0, k_pass // 2, body, 0)
            for t in range(2):
                pltpu.make_async_copy(
                    rs[t], out_hbm.at[c, pl.ds(obase * CH, CH)],
                    sws[t]).wait()

    return k(idx2, pq)


def _sc_scatter(dst2d, m, chunk0, n_my_chunks):
    k_per_w = n_my_chunks // NW
    chunks_per_core = n_my_chunks // NC
    mesh = plsc.VectorSubcoreMesh(core_axis_name="c", subcore_axis_name="s")

    @functools.partial(
        pl.kernel,
        out_type=jax.ShapeDtypeStruct((NC, N_PAD, D), jnp.float32),
        mesh=mesh,
        scratch_types=[
            pltpu.VMEM((k_per_w, CH), jnp.int32),
            pltpu.VMEM((CH, D), jnp.float32),
            pltpu.VMEM((CH, D), jnp.float32),
            pltpu.VMEM_SHARED((N_PAD, D), jnp.float32),
            pltpu.SemaphoreType.DMA,
            pltpu.SemaphoreType.DMA,
        ],
    )
    def k(dst_hbm, m_hbm, out_hbm, idx_v, mb0, mb1, acc, srd0, srd1):
        c = lax.axis_index("c")
        s = lax.axis_index("s")

        @plsc.parallel_loop(0, CH)
        def zrow(r):
            for col in range(D // L):
                mb0[r, pl.ds(col * L, L)] = jnp.zeros((L,), jnp.float32)

        zb = s * ROWS_PER_TILE
        for t in range(ROWS_PER_TILE // CH):
            pltpu.sync_copy(mb0, acc.at[pl.ds(zb + t * CH, CH)])
        rem = ROWS_PER_TILE % CH
        if rem:
            pltpu.sync_copy(mb0.at[pl.ds(0, rem)],
                            acc.at[pl.ds(zb + (ROWS_PER_TILE // CH) * CH, rem)])
        plsc.subcore_barrier()

        wk = c * chunks_per_core + s * k_per_w
        pltpu.sync_copy(dst_hbm.at[pl.ds(chunk0 + wk, k_per_w)], idx_v)

        mbs, srds = (mb0, mb1), (srd0, srd1)

        def issue_rd(j, slot):
            pltpu.async_copy(m_hbm.at[pl.ds((wk + j) * CH, CH)], mbs[slot],
                             srds[slot])

        issue_rd(0, 0)
        issue_rd(1, 1)

        def phase(j, slot):
            pltpu.make_async_copy(m_hbm.at[pl.ds((wk + j) * CH, CH)],
                                  mbs[slot], srds[slot]).wait()
            pltpu.sync_copy(mbs[slot], acc.at[idx_v.at[j]], add=True)

            @pl.when(j + 2 < k_per_w)
            def _():
                issue_rd(j + 2, slot)

        def body(jj, carry):
            phase(2 * jj, 0)
            phase(2 * jj + 1, 1)
            return carry

        lax.fori_loop(0, k_per_w // 2, body, 0)
        plsc.subcore_barrier()
        pltpu.sync_copy(acc.at[pl.ds(zb, ROWS_PER_TILE)],
                        out_hbm.at[c, pl.ds(zb, ROWS_PER_TILE)])

    return k(dst2d, m)


def _tc_head(x, w_in, b_in, w1a, w1b, b1):
    def body(x_r, wi_r, bi_r, wa_r, wb_r, b1_r, pq_r):
        h = jnp.dot(x_r[...], wi_r[...], preferred_element_type=jnp.float32) + bi_r[...]
        pq_r[0] = jnp.dot(h, wa_r[...], preferred_element_type=jnp.float32) + b1_r[...]
        pq_r[1] = jnp.dot(h, wb_r[...], preferred_element_type=jnp.float32)

    return pl.pallas_call(
        body,
        out_shape=jax.ShapeDtypeStruct((NC, N, D), jnp.float32),
    )(x, w_in, b_in.reshape(1, D), w1a, w1b, b1.reshape(1, D))


def _sum_parts(part_refs):
    h = part_refs[0][0] + part_refs[0][1]
    for pr in part_refs[1:]:
        h = h + pr[0] + pr[1]
    return h


_NBLK = 2000


def _tc_mid(parts_list, w1a, w1b, b1):
    k = len(parts_list)

    def body(*refs):
        wa_r, wb_r, b1_r, pq_r = refs[k:]
        h = _sum_parts(refs[:k])
        pq_r[0] = jnp.dot(h, wa_r[...], preferred_element_type=jnp.float32) + b1_r[...]
        pq_r[1] = jnp.dot(h, wb_r[...], preferred_element_type=jnp.float32)

    return pl.pallas_call(
        body,
        grid=(N // _NBLK,),
        in_specs=[pl.BlockSpec((NC, _NBLK, D), lambda i: (0, i, 0))] * k + [
            pl.BlockSpec((D, D), lambda i: (0, 0)),
            pl.BlockSpec((D, D), lambda i: (0, 0)),
            pl.BlockSpec((1, D), lambda i: (0, 0)),
        ],
        out_specs=pl.BlockSpec((NC, _NBLK, D), lambda i: (0, i, 0)),
        out_shape=jax.ShapeDtypeStruct((NC, N, D), jnp.float32),
    )(*parts_list, w1a, w1b, b1.reshape(1, D))


def _tc_tail(parts_list, w_out, b_out):
    k = len(parts_list)

    def body(*refs):
        w_r, b1_r, o_r = refs[k:]
        h = _sum_parts(refs[:k])
        o_r[...] = jnp.dot(h, w_r[...], preferred_element_type=jnp.float32) + b1_r[...]

    return pl.pallas_call(
        body,
        grid=(N // _NBLK,),
        in_specs=[pl.BlockSpec((NC, _NBLK, D), lambda i: (0, i, 0))] * k + [
            pl.BlockSpec((D, D), lambda i: (0, 0)),
            pl.BlockSpec((1, D), lambda i: (0, 0)),
        ],
        out_specs=pl.BlockSpec((_NBLK, D), lambda i: (i, 0)),
        out_shape=jax.ShapeDtypeStruct((N, D), jnp.float32),
    )(*parts_list, w_out, b_out.reshape(1, D))


def _tc_edge_mlp(gq, w2, b2, w3, b3, n_rows):
    blk = 2048
    grid = n_rows // blk

    def body(pg_r, qg_r, w2_r, b2_r, w3_r, b3_r, m_r):
        h = jax.nn.relu(pg_r[0] + qg_r[0])
        h = jax.nn.relu(jnp.dot(h, w2_r[...], preferred_element_type=jnp.float32)
                        + b2_r[...])
        m_r[...] = jnp.dot(h, w3_r[...], preferred_element_type=jnp.float32) + b3_r[...]

    return pl.pallas_call(
        body,
        grid=(grid,),
        in_specs=[
            pl.BlockSpec((1, blk, D), lambda i: (0, i, 0)),
            pl.BlockSpec((1, blk, D), lambda i: (1, i, 0)),
            pl.BlockSpec((D, D), lambda i: (0, 0)),
            pl.BlockSpec((1, D), lambda i: (0, 0)),
            pl.BlockSpec((D, D), lambda i: (0, 0)),
            pl.BlockSpec((1, D), lambda i: (0, 0)),
        ],
        out_specs=pl.BlockSpec((blk, D), lambda i: (i, 0)),
        out_shape=jax.ShapeDtypeStruct((n_rows, D), jnp.float32),
    )(gq, gq, w2, b2.reshape(1, D), w3, b3.reshape(1, D))


def kernel(x, lframes, edge_index, w_in, b_in,
           blk0_w1, blk0_b1, blk0_w2, blk0_b2, blk0_w3, blk0_b3,
           blk1_w1, blk1_b1, blk1_w2, blk1_b2, blk1_w3, blk1_b3,
           w_out, b_out):
    e = edge_index.shape[1]
    quantum = NHALF * NW * CH * 8
    e_pad = ((e + quantum - 1) // quantum) * quantum
    pad = e_pad - e
    n_chunks = e_pad // CH
    half_chunks = n_chunks // NHALF

    src = edge_index[0]
    dst = edge_index[1]
    zpad = jnp.zeros((pad,), jnp.int32)
    idx2 = jnp.stack([
        jnp.concatenate([src, zpad]).reshape(n_chunks, CH),
        jnp.concatenate([dst, zpad]).reshape(n_chunks, CH),
    ])
    dsts2d = jnp.concatenate([dst, jnp.full((pad,), N, jnp.int32)]).reshape(
        n_chunks, CH)

    w1a0, w1b0 = blk0_w1[:D], blk0_w1[D:]
    w1a1, w1b1 = blk1_w1[:D], blk1_w1[D:]

    def run_block(pq, w2, b2, w3, b3):
        parts = []
        for hf in range(NHALF):
            gq = _sc_gather(idx2, pq, hf * half_chunks, half_chunks)
            m = _tc_edge_mlp(gq, w2, b2, w3, b3, half_chunks * CH)
            parts.append(_sc_scatter(dsts2d, m, hf * half_chunks, half_chunks))
        return parts

    pq = _tc_head(x, w_in, b_in, w1a0, w1b0, blk0_b1)
    parts = run_block(pq, blk0_w2, blk0_b2, blk0_w3, blk0_b3)
    pq = _tc_mid([p[:, :N] for p in parts], w1a1, w1b1, blk1_b1)
    parts = run_block(pq, blk1_w2, blk1_b2, blk1_w3, blk1_b3)
    return _tc_tail([p[:, :N] for p in parts], w_out, b_out)

# --- scband reference (transcript-rebuilt; emitter-appended) ---
"""Pipeline reference for scband-tfgraph-net-38053410242952 (READ-ONLY COPY).

The authoritative reference and input builder live on the scoring server;
editing this copy changes nothing except your own understanding.
"""

import jax, jax.numpy as jnp
import numpy as np

N = 10000
E = 320000
D = 128
NUM_BLOCKS = 2


def _mlp1(h, w1, b1, w2, b2, w3, b3):
    # MLP(in=2D, out=D, hidden_layers=2, hidden_channels=D):
    # Linear(2D,D) -> ReLU -> Linear(D,D) -> ReLU -> Linear(D,D)
    h = jax.nn.relu(h @ w1 + b1)
    h = jax.nn.relu(h @ w2 + b2)
    return h @ w3 + b3


def setup_inputs(seed: int = 0):
    key = jax.random.key(seed)
    ks = jax.random.split(key, 32)
    s = 0.05
    inp = {}
    inp["x"] = jax.random.normal(ks[0], (N, D), dtype=jnp.float32)
    inp["lframes"] = jax.random.normal(ks[1], (N, 3, 3), dtype=jnp.float32)
    inp["edge_index"] = jax.random.randint(ks[2], (2, E), 0, N, dtype=jnp.int32)
    inp["w_in"] = jax.random.normal(ks[3], (D, D), dtype=jnp.float32) * s
    inp["b_in"] = jnp.zeros((D,), dtype=jnp.float32)
    k = 4
    for b in range(NUM_BLOCKS):
        inp[f"blk{b}_w1"] = jax.random.normal(ks[k], (2 * D, D), dtype=jnp.float32) * s; k += 1
        inp[f"blk{b}_b1"] = jnp.zeros((D,), dtype=jnp.float32)
        inp[f"blk{b}_w2"] = jax.random.normal(ks[k], (D, D), dtype=jnp.float32) * s; k += 1
        inp[f"blk{b}_b2"] = jnp.zeros((D,), dtype=jnp.float32)
        inp[f"blk{b}_w3"] = jax.random.normal(ks[k], (D, D), dtype=jnp.float32) * s; k += 1
        inp[f"blk{b}_b3"] = jnp.zeros((D,), dtype=jnp.float32)
    inp["w_out"] = jax.random.normal(ks[k], (D, D), dtype=jnp.float32) * s
    inp["b_out"] = jnp.zeros((D,), dtype=jnp.float32)
    return inp


def reference(x, lframes, edge_index, w_in, b_in,
              blk0_w1, blk0_b1, blk0_w2, blk0_b2, blk0_w3, blk0_b3,
              blk1_w1, blk1_b1, blk1_w2, blk1_b2, blk1_w3, blk1_b3,
              w_out, b_out):
    # linear_in
    h = x @ w_in + b_in
    src = edge_index[0]
    dst = edge_index[1]
    blocks = [
        (blk0_w1, blk0_b1, blk0_w2, blk0_b2, blk0_w3, blk0_b3),
        (blk1_w1, blk1_b1, blk1_w2, blk1_b2, blk1_w3, blk1_b3),
    ]
    for (w1, b1, w2, b2, w3, b3) in blocks:
        # EdgeConv: message = mlp1(cat(x_j, x_i)), aggr='add' over dst; mlp2 = Identity
        x_j = h[src]
        x_i = h[dst]
        m = _mlp1(jnp.concatenate([x_j, x_i], axis=-1), w1, b1, w2, b2, w3, b3)
        h = jax.ops.segment_sum(m, dst, num_segments=N)
    out = h @ w_out + b_out
    return out

if __name__ == "__main__":
    import jax
    _d = setup_inputs()
    print(jax.jit(kernel)(*tuple(_d.values())))

</pallas_src>

<mosaic_0001>
#map = affine_map<(d0, d1) -> (0, 0, 0)>
module attributes {stable_mosaic.version = 14 : i64} {
  func.func @k(%arg0: i32, %arg1: i32, %arg2: memref<2x2560x128xi32, #tpu.memory_space<hbm>>, %arg3: memref<2x10000x128xf32, #tpu.memory_space<hbm>>, %arg4: memref<2x163840x128xf32, #tpu.memory_space<hbm>>, %arg5: memref<40x128xi32, #tpu.memory_space<vmem>>, %arg6: memref<128x128xf32, #tpu.memory_space<vmem>>, %arg7: memref<128x128xf32, #tpu.memory_space<vmem>>, %arg8: memref<10000x128xf32, #tpu.memory_space<vmem_shared>>, %arg9: memref<!tpu.dma_semaphore, #tpu.memory_space<semaphore_mem>>, %arg10: memref<!tpu.dma_semaphore, #tpu.memory_space<semaphore_mem>>, %arg11: memref<!tpu.dma_semaphore, #tpu.memory_space<semaphore_mem>>, %arg12: memref<!tpu.dma_semaphore, #tpu.memory_space<semaphore_mem>>) attributes {dimension_semantics = [#tpu.dimension_semantics<core_parallel>, #tpu.dimension_semantics<subcore_parallel>], iteration_bounds = array<i64: 2, 16>, scalar_prefetch = 0 : i64, scratch_operands = 8 : i64, tpu.core_type = #tpu.core_type<sc_vector_subcore>, window_params = [{transform_indices = #map}, {transform_indices = #map}, {transform_indices = #map}]} {
    %lt3A = arith.constant 15 : i32
    %lt3A_0 = arith.cmpi slt, %arg1, %lt3A : i32
    %convert_element_type3A = arith.extui %lt3A_0 : i1 to i32
    %cond3A = arith.constant 0 : i32
    %cond3A_1 = arith.cmpi ne, %convert_element_type3A, %cond3A : i32
    scf.if %cond3A_1 {
      %mul3A_58 = arith.constant 632 : i32
      %mul3A_59 = arith.muli %arg1, %mul3A_58 : i32
      %mul3A_60 = arith.constant 632 : i32
      %mul3A_61 = arith.muli %arg1, %mul3A_60 : i32
      "tpu.region"() ({
        %run_scoped3A = tpu.sem_alloc : memref<!tpu.dma_semaphore, #tpu.memory_space<semaphore_mem>>
        %dma_start3A = arith.constant 0 : i32
        %dma_start3A_62 = tpu.memref_slice %arg8[%mul3A_61, %dma_start3A] : memref<10000x128xf32, #tpu.memory_space<vmem_shared>> -> memref<632x128xf32, #tpu.memory_space<vmem_shared>>
        %dma_start3A_63 = arith.constant 0 : i32
        %dma_start3A_64 = tpu.memref_slice %arg3[%arg0, %mul3A_59, %dma_start3A_63] : memref<2x10000x128xf32, #tpu.memory_space<hbm>> -> memref<1x632x128xf32, #tpu.memory_space<hbm>>
        %dma_start3A_65 = tpu.memref_squeeze %dma_start3A_64 : memref<1x632x128xf32, #tpu.memory_space<hbm>> -> memref<632x128xf32, #tpu.memory_space<hbm>>
        tpu.enqueue_dma source(%dma_start3A_65 : memref<632x128xf32, #tpu.memory_space<hbm>>) target(%dma_start3A_62 : memref<632x128xf32, #tpu.memory_space<vmem_shared>>) target_semaphore(%run_scoped3A : memref<!tpu.dma_semaphore, #tpu.memory_space<semaphore_mem>>)
        %dma_wait3A_66 = arith.constant 0 : i32
        %dma_wait3A_67 = tpu.memref_slice %arg8[%mul3A_61, %dma_wait3A_66] : memref<10000x128xf32, #tpu.memory_space<vmem_shared>> -> memref<632x128xf32, #tpu.memory_space<vmem_shared>>
        %dma_wait3A_68 = arith.constant 0 : i32
        %dma_wait3A_69 = tpu.memref_slice %arg3[%arg0, %mul3A_59, %dma_wait3A_68] : memref<2x10000x128xf32, #tpu.memory_space<hbm>> -> memref<1x632x128xf32, #tpu.memory_space<hbm>>
        %dma_wait3A_70 = tpu.memref_squeeze %dma_wait3A_69 : memref<1x632x128xf32, #tpu.memory_space<hbm>> -> memref<632x128xf32, #tpu.memory_space<hbm>>
        tpu.wait_dma2 semaphore(%run_scoped3A : memref<!tpu.dma_semaphore, #tpu.memory_space<semaphore_mem>>) src(%dma_wait3A_70 : memref<632x128xf32, #tpu.memory_space<hbm>>) dst(%dma_wait3A_67 : memref<632x128xf32, #tpu.memory_space<vmem_shared>>)
        tpu.yield
      }) : () -> ()
    } else {
    }
    %eq3A = arith.constant 15 : i32
    %eq3A_2 = arith.cmpi eq, %arg1, %eq3A : i32
    %convert_element_type3A_3 = arith.extui %eq3A_2 : i1 to i32
    %cond3A_4 = arith.constant 0 : i32
    %cond3A_5 = arith.cmpi ne, %convert_element_type3A_3, %cond3A_4 : i32
    scf.if %cond3A_5 {
      "tpu.region"() ({
        %run_scoped3A = tpu.sem_alloc : memref<!tpu.dma_semaphore, #tpu.memory_space<semaphore_mem>>
        %dma_start3A = arith.constant 9480 : i32
        %dma_start3A_58 = arith.constant 0 : i32
        %dma_start3A_59 = tpu.memref_slice %arg8[%dma_start3A, %dma_start3A_58] : memref<10000x128xf32, #tpu.memory_space<vmem_shared>> -> memref<520x128xf32, #tpu.memory_space<vmem_shared>>
        %dma_start3A_60 = arith.constant 9480 : i32
        %dma_start3A_61 = arith.constant 0 : i32
        %dma_start3A_62 = tpu.memref_slice %arg3[%arg0, %dma_start3A_60, %dma_start3A_61] : memref<2x10000x128xf32, #tpu.memory_space<hbm>> -> memref<1x520x128xf32, #tpu.memory_space<hbm>>
        %dma_start3A_63 = tpu.memref_squeeze %dma_start3A_62 : memref<1x520x128xf32, #tpu.memory_space<hbm>> -> memref<520x128xf32, #tpu.memory_space<hbm>>
        tpu.enqueue_dma source(%dma_start3A_63 : memref<520x128xf32, #tpu.memory_space<hbm>>) target(%dma_start3A_59 : memref<520x128xf32, #tpu.memory_space<vmem_shared>>) target_semaphore(%run_scoped3A : memref<!tpu.dma_semaphore, #tpu.memory_space<semaphore_mem>>)
        %dma_wait3A_64 = arith.constant 9480 : i32
        %dma_wait3A_65 = arith.constant 0 : i32
        %dma_wait3A_66 = tpu.memref_slice %arg8[%dma_wait3A_64, %dma_wait3A_65] : memref<10000x128xf32, #tpu.memory_space<vmem_shared>> -> memref<520x128xf32, #tpu.memory_space<vmem_shared>>
        %dma_wait3A_67 = arith.constant 9480 : i32
        %dma_wait3A_68 = arith.constant 0 : i32
        %dma_wait3A_69 = tpu.memref_slice %arg3[%arg0, %dma_wait3A_67, %dma_wait3A_68] : memref<2x10000x128xf32, #tpu.memory_space<hbm>> -> memref<1x520x128xf32, #tpu.memory_space<hbm>>
        %dma_wait3A_70 = tpu.memref_squeeze %dma_wait3A_69 : memref<1x520x128xf32, #tpu.memory_space<hbm>> -> memref<520x128xf32, #tpu.memory_space<hbm>>
        tpu.wait_dma2 semaphore(%run_scoped3A : memref<!tpu.dma_semaphore, #tpu.memory_space<semaphore_mem>>) src(%dma_wait3A_70 : memref<520x128xf32, #tpu.memory_space<hbm>>) dst(%dma_wait3A_66 : memref<520x128xf32, #tpu.memory_space<vmem_shared>>)
        tpu.yield
      }) : () -> ()
    } else {
    }
    %barrier3A = arith.constant 0 : index
    tpu.barrier barrier_id(%barrier3A)
    %mul3A = arith.constant 80 : i32
    %mul3A_6 = arith.muli %arg1, %mul3A : i32
    %add3A = arith.constant 0 : i32
    %add3A_7 = arith.addi %mul3A_6, %add3A : i32
    %add3A_8 = arith.constant 0 : i32
    %add3A_9 = arith.addi %add3A_8, %add3A_7 : i32
    "tpu.region"() ({
      %run_scoped3A = tpu.sem_alloc : memref<!tpu.dma_semaphore, #tpu.memory_space<semaphore_mem>>
      %dma_start3A = arith.constant 0 : i32
      %dma_start3A_58 = tpu.memref_slice %arg2[%arg0, %add3A_9, %dma_start3A] : memref<2x2560x128xi32, #tpu.memory_space<hbm>> -> memref<1x40x128xi32, #tpu.memory_space<hbm>>
      %dma_start3A_59 = tpu.memref_squeeze %dma_start3A_58 : memref<1x40x128xi32, #tpu.memory_space<hbm>> -> memref<40x128xi32, #tpu.memory_space<hbm>>
      %dma_start3A_60 = arith.constant 0 : i32
      %dma_start3A_61 = tpu.memref_slice %arg2[%arg0, %add3A_9, %dma_start3A_60] : memref<2x2560x128xi32, #tpu.memory_space<hbm>> -> memref<1x40x128xi32, #tpu.memory_space<hbm>>
      %dma_start3A_62 = tpu.memref_squeeze %dma_start3A_61 : memref<1x40x128xi32, #tpu.memory_space<hbm>> -> memref<40x128xi32, #tpu.memory_space<hbm>>
      tpu.enqueue_dma source(%dma_start3A_62 : memref<40x128xi32, #tpu.memory_space<hbm>>) target(%arg5 : memref<40x128xi32, #tpu.memory_space<vmem>>) target_semaphore(%run_scoped3A : memref<!tpu.dma_semaphore, #tpu.memory_space<semaphore_mem>>)
      %dma_wait3A_63 = arith.constant 0 : i32
      %dma_wait3A_64 = tpu.memref_slice %arg2[%arg0, %add3A_9, %dma_wait3A_63] : memref<2x2560x128xi32, #tpu.memory_space<hbm>> -> memref<1x40x128xi32, #tpu.memory_space<hbm>>
      %dma_wait3A_65 = tpu.memref_squeeze %dma_wait3A_64 : memref<1x40x128xi32, #tpu.memory_space<hbm>> -> memref<40x128xi32, #tpu.memory_space<hbm>>
      %dma_wait3A_66 = arith.constant 0 : i32
      %dma_wait3A_67 = tpu.memref_slice %arg2[%arg0, %add3A_9, %dma_wait3A_66] : memref<2x2560x128xi32, #tpu.memory_space<hbm>> -> memref<1x40x128xi32, #tpu.memory_space<hbm>>
      %dma_wait3A_68 = tpu.memref_squeeze %dma_wait3A_67 : memref<1x40x128xi32, #tpu.memory_space<hbm>> -> memref<40x128xi32, #tpu.memory_space<hbm>>
      tpu.wait_dma2 semaphore(%run_scoped3A : memref<!tpu.dma_semaphore, #tpu.memory_space<semaphore_mem>>) src(%dma_wait3A_68 : memref<40x128xi32, #tpu.memory_space<hbm>>) dst(%arg5 : memref<40x128xi32, #tpu.memory_space<vmem>>)
      tpu.yield
    }) : () -> ()
    %scan3A = arith.constant 0 : i32
    %scan3A_10 = arith.constant 0 : i32
    %scan3A_11 = arith.constant 20 : i32
    %scan3A_12 = arith.addi %scan3A_10, %scan3A_11 : i32
    %scan3A_13 = arith.constant 1 : i32
    scf.for %scan3A_58 = %scan3A_10 to %scan3A_12 step %scan3A_13  : i32 {
      %mul3A_59 = arith.constant 2 : i32
      %mul3A_60 = arith.muli %mul3A_59, %scan3A_58 : i32
      %ge3A = arith.constant 2 : i32
      %ge3A_61 = arith.cmpi sge, %mul3A_60, %ge3A : i32
      %convert_element_type3A_62 = arith.extui %ge3A_61 : i1 to i32
      %cond3A_63 = arith.constant 0 : i32
      %cond3A_64 = arith.cmpi ne, %convert_element_type3A_62, %cond3A_63 : i32
      scf.if %cond3A_64 {
        %mul3A_115 = arith.constant 128 : i32
        %mul3A_116 = arith.muli %add3A_7, %mul3A_115 : i32
        %dma_wait3A_117 = arith.constant 0 : i32
        %dma_wait3A_118 = tpu.memref_slice %arg4[%arg0, %mul3A_116, %dma_wait3A_117] : memref<2x163840x128xf32, #tpu.memory_space<hbm>> -> memref<1x128x128xf32, #tpu.memory_space<hbm>>
        %dma_wait3A_119 = tpu.memref_squeeze %dma_wait3A_118 : memref<1x128x128xf32, #tpu.memory_space<hbm>> -> memref<128x128xf32, #tpu.memory_space<hbm>>
        %dma_wait3A_120 = arith.constant 0 : i32
        %dma_wait3A_121 = tpu.memref_slice %arg4[%arg0, %mul3A_116, %dma_wait3A_120] : memref<2x163840x128xf32, #tpu.memory_space<hbm>> -> memref<1x128x128xf32, #tpu.memory_space<hbm>>
        %dma_wait3A_122 = tpu.memref_squeeze %dma_wait3A_121 : memref<1x128x128xf32, #tpu.memory_space<hbm>> -> memref<128x128xf32, #tpu.memory_space<hbm>>
        tpu.wait_dma2 semaphore(%arg11 : memref<!tpu.dma_semaphore, #tpu.memory_space<semaphore_mem>>) src(%arg6 : memref<128x128xf32, #tpu.memory_space<vmem>>) dst(%dma_wait3A_122 : memref<128x128xf32, #tpu.memory_space<hbm>>)
      } else {
      }
      %dma_start3A = arith.constant 0 : i32
      %dma_start3A_65 = tpu.memref_slice %arg5[%mul3A_60, %dma_start3A] : memref<40x128xi32, #tpu.memory_space<vmem>> -> memref<1x128xi32, #tpu.memory_space<vmem>>
      %dma_start3A_66 = tpu.memref_squeeze %dma_start3A_65 : memref<1x128xi32, #tpu.memory_space<vmem>> -> memref<128xi32, #tpu.memory_space<vmem>>
      %dma_start3A_67 = arith.constant 0 : i32
      %dma_start3A_68 = arith.constant 0 : i32
      %dma_start3A_69 = tpu.memref_slice %arg8[%dma_start3A_67, %dma_start3A_68] : memref<10000x128xf32, #tpu.memory_space<vmem_shared>> -> memref<10000x128xf32, #tpu.memory_space<vmem_shared>>
      tpu.enqueue_indirect_dma source(%dma_start3A_69 : memref<10000x128xf32, #tpu.memory_space<vmem_shared>>) target(%arg6 : memref<128x128xf32, #tpu.memory_space<vmem>>) offsets(%dma_start3A_66 : memref<128xi32, #tpu.memory_space<vmem>>) semaphore(%arg9 : memref<!tpu.dma_semaphore, #tpu.memory_space<semaphore_mem>>)
      %dma_wait3A_70 = arith.constant 0 : i32
      %dma_wait3A_71 = tpu.memref_slice %arg5[%mul3A_60, %dma_wait3A_70] : memref<40x128xi32, #tpu.memory_space<vmem>> -> memref<1x128xi32, #tpu.memory_space<vmem>>
      %dma_wait3A_72 = tpu.memref_squeeze %dma_wait3A_71 : memref<1x128xi32, #tpu.memory_space<vmem>> -> memref<128xi32, #tpu.memory_space<vmem>>
      %dma_wait3A_73 = arith.constant 0 : i32
      %dma_wait3A_74 = arith.constant 0 : i32
      %dma_wait3A_75 = tpu.memref_slice %arg8[%dma_wait3A_73, %dma_wait3A_74] : memref<10000x128xf32, #tpu.memory_space<vmem_shared>> -> memref<10000x128xf32, #tpu.memory_space<vmem_shared>>
      tpu.wait_indirect_dma semaphore(%arg9 : memref<!tpu.dma_semaphore, #tpu.memory_space<semaphore_mem>>) src(%dma_wait3A_75 : memref<10000x128xf32, #tpu.memory_space<vmem_shared>>) dst(%arg6 : memref<128x128xf32, #tpu.memory_space<vmem>>)
      %add3A_76 = arith.addi %add3A_7, %mul3A_60 : i32
      %mul3A_77 = arith.constant 128 : i32
      %mul3A_78 = arith.muli %add3A_76, %mul3A_77 : i32
      %dma_start3A_79 = arith.constant 0 : i32
      %dma_start3A_80 = tpu.memref_slice %arg4[%arg0, %mul3A_78, %dma_start3A_79] : memref<2x163840x128xf32, #tpu.memory_space<hbm>> -> memref<1x128x128xf32, #tpu.memory_space<hbm>>
      %dma_start3A_81 = tpu.memref_squeeze %dma_start3A_80 : memref<1x128x128xf32, #tpu.memory_space<hbm>> -> memref<128x128xf32, #tpu.memory_space<hbm>>
      %dma_start3A_82 = arith.constant 0 : i32
      %dma_start3A_83 = tpu.memref_slice %arg4[%arg0, %mul3A_78, %dma_start3A_82] : memref<2x163840x128xf32, #tpu.memory_space<hbm>> -> memref<1x128x128xf32, #tpu.memory_space<hbm>>
      %dma_start3A_84 = tpu.memref_squeeze %dma_start3A_83 : memref<1x128x128xf32, #tpu.memory_space<hbm>> -> memref<128x128xf32, #tpu.memory_space<hbm>>
      tpu.enqueue_dma source(%arg6 : memref<128x128xf32, #tpu.memory_space<vmem>>) target(%dma_start3A_84 : memref<128x128xf32, #tpu.memory_space<hbm>>) target_semaphore(%arg11 : memref<!tpu.dma_semaphore, #tpu.memory_space<semaphore_mem>>)
      %mul3A_85 = arith.constant 2 : i32
      %mul3A_86 = arith.muli %mul3A_85, %scan3A_58 : i32
      %add3A_87 = arith.constant 1 : i32
      %add3A_88 = arith.addi %mul3A_86, %add3A_87 : i32
      %ge3A_89 = arith.constant 2 : i32
      %ge3A_90 = arith.cmpi sge, %add3A_88, %ge3A_89 : i32
      %convert_element_type3A_91 = arith.extui %ge3A_90 : i1 to i32
      %cond3A_92 = arith.constant 0 : i32
      %cond3A_93 = arith.cmpi ne, %convert_element_type3A_91, %cond3A_92 : i32
      scf.if %cond3A_93 {
        %mul3A_115 = arith.constant 128 : i32
        %mul3A_116 = arith.muli %add3A_7, %mul3A_115 : i32
        %dma_wait3A_117 = arith.constant 0 : i32
        %dma_wait3A_118 = tpu.memref_slice %arg4[%arg0, %mul3A_116, %dma_wait3A_117] : memref<2x163840x128xf32, #tpu.memory_space<hbm>> -> memref<1x128x128xf32, #tpu.memory_space<hbm>>
        %dma_wait3A_119 = tpu.memref_squeeze %dma_wait3A_118 : memref<1x128x128xf32, #tpu.memory_space<hbm>> -> memref<128x128xf32, #tpu.memory_space<hbm>>
        %dma_wait3A_120 = arith.constant 0 : i32
        %dma_wait3A_121 = tpu.memref_slice %arg4[%arg0, %mul3A_116, %dma_wait3A_120] : memref<2x163840x128xf32, #tpu.memory_space<hbm>> -> memref<1x128x128xf32, #tpu.memory_space<hbm>>
        %dma_wait3A_122 = tpu.memref_squeeze %dma_wait3A_121 : memref<1x128x128xf32, #tpu.memory_space<hbm>> -> memref<128x128xf32, #tpu.memory_space<hbm>>
        tpu.wait_dma2 semaphore(%arg12 : memref<!tpu.dma_semaphore, #tpu.memory_space<semaphore_mem>>) src(%arg7 : memref<128x128xf32, #tpu.memory_space<vmem>>) dst(%dma_wait3A_122 : memref<128x128xf32, #tpu.memory_space<hbm>>)
      } else {
      }
      %dma_start3A_94 = arith.constant 0 : i32
      %dma_start3A_95 = tpu.memref_slice %arg5[%add3A_88, %dma_start3A_94] : memref<40x128xi32, #tpu.memory_space<vmem>> -> memref<1x128xi32, #tpu.memory_space<vmem>>
      %dma_start3A_96 = tpu.memref_squeeze %dma_start3A_95 : memref<1x128xi32, #tpu.memory_space<vmem>> -> memref<128xi32, #tpu.memory_space<vmem>>
      %dma_start3A_97 = arith.constant 0 : i32
      %dma_start3A_98 = arith.constant 0 : i32
      %dma_start3A_99 = tpu.memref_slice %arg8[%dma_start3A_97, %dma_start3A_98] : memref<10000x128xf32, #tpu.memory_space<vmem_shared>> -> memref<10000x128xf32, #tpu.memory_space<vmem_shared>>
      tpu.enqueue_indirect_dma source(%dma_start3A_99 : memref<10000x128xf32, #tpu.memory_space<vmem_shared>>) target(%arg7 : memref<128x128xf32, #tpu.memory_space<vmem>>) offsets(%dma_start3A_96 : memref<128xi32, #tpu.memory_space<vmem>>) semaphore(%arg10 : memref<!tpu.dma_semaphore, #tpu.memory_space<semaphore_mem>>)
      %dma_wait3A_100 = arith.constant 0 : i32
      %dma_wait3A_101 = tpu.memref_slice %arg5[%add3A_88, %dma_wait3A_100] : memref<40x128xi32, #tpu.memory_space<vmem>> -> memref<1x128xi32, #tpu.memory_space<vmem>>
      %dma_wait3A_102 = tpu.memref_squeeze %dma_wait3A_101 : memref<1x128xi32, #tpu.memory_space<vmem>> -> memref<128xi32, #tpu.memory_space<vmem>>
      %dma_wait3A_103 = arith.constant 0 : i32
      %dma_wait3A_104 = arith.constant 0 : i32
      %dma_wait3A_105 = tpu.memref_slice %arg8[%dma_wait3A_103, %dma_wait3A_104] : memref<10000x128xf32, #tpu.memory_space<vmem_shared>> -> memref<10000x128xf32, #tpu.memory_space<vmem_shared>>
      tpu.wait_indirect_dma semaphore(%arg10 : memref<!tpu.dma_semaphore, #tpu.memory_space<semaphore_mem>>) src(%dma_wait3A_105 : memref<10000x128xf32, #tpu.memory_space<vmem_shared>>) dst(%arg7 : memref<128x128xf32, #tpu.memory_space<vmem>>)
      %add3A_106 = arith.addi %add3A_7, %add3A_88 : i32
      %mul3A_107 = arith.constant 128 : i32
      %mul3A_108 = arith.muli %add3A_106, %mul3A_107 : i32
      %dma_start3A_109 = arith.constant 0 : i32
      %dma_start3A_110 = tpu.memref_slice %arg4[%arg0, %mul3A_108, %dma_start3A_109] : memref<2x163840x128xf32, #tpu.memory_space<hbm>> -> memref<1x128x128xf32, #tpu.memory_space<hbm>>
      %dma_start3A_111 = tpu.memref_squeeze %dma_start3A_110 : memref<1x128x128xf32, #tpu.memory_space<hbm>> -> memref<128x128xf32, #tpu.memory_space<hbm>>
      %dma_start3A_112 = arith.constant 0 : i32
      %dma_start3A_113 = tpu.memref_slice %arg4[%arg0, %mul3A_108, %dma_start3A_112] : memref<2x163840x128xf32, #tpu.memory_space<hbm>> -> memref<1x128x128xf32, #tpu.memory_space<hbm>>
      %dma_start3A_114 = tpu.memref_squeeze %dma_start3A_113 : memref<1x128x128xf32, #tpu.memory_space<hbm>> -> memref<128x128xf32, #tpu.memory_space<hbm>>
      tpu.enqueue_dma source(%arg7 : memref<128x128xf32, #tpu.memory_space<vmem>>) target(%dma_start3A_114 : memref<128x128xf32, #tpu.memory_space<hbm>>) target_semaphore(%arg12 : memref<!tpu.dma_semaphore, #tpu.memory_space<semaphore_mem>>)
    }
    %scan3A_14 = arith.constant 20 : i32
    %mul3A_15 = arith.constant 128 : i32
    %mul3A_16 = arith.muli %add3A_7, %mul3A_15 : i32
    %dma_wait3A = arith.constant 0 : i32
    %dma_wait3A_17 = tpu.memref_slice %arg4[%arg0, %mul3A_16, %dma_wait3A] : memref<2x163840x128xf32, #tpu.memory_space<hbm>> -> memref<1x128x128xf32, #tpu.memory_space<hbm>>
    %dma_wait3A_18 = tpu.memref_squeeze %dma_wait3A_17 : memref<1x128x128xf32, #tpu.memory_space<hbm>> -> memref<128x128xf32, #tpu.memory_space<hbm>>
    %dma_wait3A_19 = arith.constant 0 : i32
    %dma_wait3A_20 = tpu.memref_slice %arg4[%arg0, %mul3A_16, %dma_wait3A_19] : memref<2x163840x128xf32, #tpu.memory_space<hbm>> -> memref<1x128x128xf32, #tpu.memory_space<hbm>>
    %dma_wait3A_21 = tpu.memref_squeeze %dma_wait3A_20 : memref<1x128x128xf32, #tpu.memory_space<hbm>> -> memref<128x128xf32, #tpu.memory_space<hbm>>
    tpu.wait_dma2 semaphore(%arg11 : memref<!tpu.dma_semaphore, #tpu.memory_space<semaphore_mem>>) src(%arg6 : memref<128x128xf32, #tpu.memory_space<vmem>>) dst(%dma_wait3A_21 : memref<128x128xf32, #tpu.memory_space<hbm>>)
    %mul3A_22 = arith.constant 128 : i32
    %mul3A_23 = arith.muli %add3A_7, %mul3A_22 : i32
    %dma_wait3A_24 = arith.constant 0 : i32
    %dma_wait3A_25 = tpu.memref_slice %arg4[%arg0, %mul3A_23, %dma_wait3A_24] : memref<2x163840x128xf32, #tpu.memory_space<hbm>> -> memref<1x128x128xf32, #tpu.memory_space<hbm>>
    %dma_wait3A_26 = tpu.memref_squeeze %dma_wait3A_25 : memref<1x128x128xf32, #tpu.memory_space<hbm>> -> memref<128x128xf32, #tpu.memory_space<hbm>>
    %dma_wait3A_27 = arith.constant 0 : i32
    %dma_wait3A_28 = tpu.memref_slice %arg4[%arg0, %mul3A_23, %dma_wait3A_27] : memref<2x163840x128xf32, #tpu.memory_space<hbm>> -> memref<1x128x128xf32, #tpu.memory_space<hbm>>
    %dma_wait3A_29 = tpu.memref_squeeze %dma_wait3A_28 : memref<1x128x128xf32, #tpu.memory_space<hbm>> -> memref<128x128xf32, #tpu.memory_space<hbm>>
    tpu.wait_dma2 semaphore(%arg12 : memref<!tpu.dma_semaphore, #tpu.memory_space<semaphore_mem>>) src(%arg7 : memref<128x128xf32, #tpu.memory_space<vmem>>) dst(%dma_wait3A_29 : memref<128x128xf32, #tpu.memory_space<hbm>>)
    %mul3A_30 = arith.constant 80 : i32
    %mul3A_31 = arith.muli %arg1, %mul3A_30 : i32
    %add3A_32 = arith.constant 40 : i32
    %add3A_33 = arith.addi %mul3A_31, %add3A_32 : i32
    %add3A_34 = arith.constant 0 : i32
    %add3A_35 = arith.addi %add3A_34, %add3A_33 : i32
    "tpu.region"() ({
      %run_scoped3A = tpu.sem_alloc : memref<!tpu.dma_semaphore, #tpu.memory_space<semaphore_mem>>
      %dma_start3A = arith.constant 0 : i32
      %dma_start3A_58 = tpu.memref_slice %arg2[%arg0, %add3A_35, %dma_start3A] : memref<2x2560x128xi32, #tpu.memory_space<hbm>> -> memref<1x40x128xi32, #tpu.memory_space<hbm>>
      %dma_start3A_59 = tpu.memref_squeeze %dma_start3A_58 : memref<1x40x128xi32, #tpu.memory_space<hbm>> -> memref<40x128xi32, #tpu.memory_space<hbm>>
      %dma_start3A_60 = arith.constant 0 : i32
      %dma_start3A_61 = tpu.memref_slice %arg2[%arg0, %add3A_35, %dma_start3A_60] : memref<2x2560x128xi32, #tpu.memory_space<hbm>> -> memref<1x40x128xi32, #tpu.memory_space<hbm>>
      %dma_start3A_62 = tpu.memref_squeeze %dma_start3A_61 : memref<1x40x128xi32, #tpu.memory_space<hbm>> -> memref<40x128xi32, #tpu.memory_space<hbm>>
      tpu.enqueue_dma source(%dma_start3A_62 : memref<40x128xi32, #tpu.memory_space<hbm>>) target(%arg5 : memref<40x128xi32, #tpu.memory_space<vmem>>) target_semaphore(%run_scoped3A : memref<!tpu.dma_semaphore, #tpu.memory_space<semaphore_mem>>)
      %dma_wait3A_63 = arith.constant 0 : i32
      %dma_wait3A_64 = tpu.memref_slice %arg2[%arg0, %add3A_35, %dma_wait3A_63] : memref<2x2560x128xi32, #tpu.memory_space<hbm>> -> memref<1x40x128xi32, #tpu.memory_space<hbm>>
      %dma_wait3A_65 = tpu.memref_squeeze %dma_wait3A_64 : memref<1x40x128xi32, #tpu.memory_space<hbm>> -> memref<40x128xi32, #tpu.memory_space<hbm>>
      %dma_wait3A_66 = arith.constant 0 : i32
      %dma_wait3A_67 = tpu.memref_slice %arg2[%arg0, %add3A_35, %dma_wait3A_66] : memref<2x2560x128xi32, #tpu.memory_space<hbm>> -> memref<1x40x128xi32, #tpu.memory_space<hbm>>
      %dma_wait3A_68 = tpu.memref_squeeze %dma_wait3A_67 : memref<1x40x128xi32, #tpu.memory_space<hbm>> -> memref<40x128xi32, #tpu.memory_space<hbm>>
      tpu.wait_dma2 semaphore(%run_scoped3A : memref<!tpu.dma_semaphore, #tpu.memory_space<semaphore_mem>>) src(%dma_wait3A_68 : memref<40x128xi32, #tpu.memory_space<hbm>>) dst(%arg5 : memref<40x128xi32, #tpu.memory_space<vmem>>)
      tpu.yield
    }) : () -> ()
    %scan3A_36 = arith.constant 0 : i32
    %scan3A_37 = arith.constant 0 : i32
    %scan3A_38 = arith.constant 20 : i32
    %scan3A_39 = arith.addi %scan3A_37, %scan3A_38 : i32
    %scan3A_40 = arith.constant 1 : i32
    scf.for %scan3A_58 = %scan3A_37 to %scan3A_39 step %scan3A_40  : i32 {
      %mul3A_59 = arith.constant 2 : i32
      %mul3A_60 = arith.muli %mul3A_59, %scan3A_58 : i32
      %ge3A = arith.constant 2 : i32
      %ge3A_61 = arith.cmpi sge, %mul3A_60, %ge3A : i32
      %convert_element_type3A_62 = arith.extui %ge3A_61 : i1 to i32
      %cond3A_63 = arith.constant 0 : i32
      %cond3A_64 = arith.cmpi ne, %convert_element_type3A_62, %cond3A_63 : i32
      scf.if %cond3A_64 {
        %mul3A_115 = arith.constant 128 : i32
        %mul3A_116 = arith.muli %add3A_33, %mul3A_115 : i32
        %dma_wait3A_117 = arith.constant 0 : i32
        %dma_wait3A_118 = tpu.memref_slice %arg4[%arg0, %mul3A_116, %dma_wait3A_117] : memref<2x163840x128xf32, #tpu.memory_space<hbm>> -> memref<1x128x128xf32, #tpu.memory_space<hbm>>
        %dma_wait3A_119 = tpu.memref_squeeze %dma_wait3A_118 : memref<1x128x128xf32, #tpu.memory_space<hbm>> -> memref<128x128xf32, #tpu.memory_space<hbm>>
        %dma_wait3A_120 = arith.constant 0 : i32
        %dma_wait3A_121 = tpu.memref_slice %arg4[%arg0, %mul3A_116, %dma_wait3A_120] : memref<2x163840x128xf32, #tpu.memory_space<hbm>> -> memref<1x128x128xf32, #tpu.memory_space<hbm>>
        %dma_wait3A_122 = tpu.memref_squeeze %dma_wait3A_121 : memref<1x128x128xf32, #tpu.memory_space<hbm>> -> memref<128x128xf32, #tpu.memory_space<hbm>>
        tpu.wait_dma2 semaphore(%arg11 : memref<!tpu.dma_semaphore, #tpu.memory_space<semaphore_mem>>) src(%arg6 : memref<128x128xf32, #tpu.memory_space<vmem>>) dst(%dma_wait3A_122 : memref<128x128xf32, #tpu.memory_space<hbm>>)
      } else {
      }
      %dma_start3A = arith.constant 0 : i32
      %dma_start3A_65 = tpu.memref_slice %arg5[%mul3A_60, %dma_start3A] : memref<40x128xi32, #tpu.memory_space<vmem>> -> memref<1x128xi32, #tpu.memory_space<vmem>>
      %dma_start3A_66 = tpu.memref_squeeze %dma_start3A_65 : memref<1x128xi32, #tpu.memory_space<vmem>> -> memref<128xi32, #tpu.memory_space<vmem>>
      %dma_start3A_67 = arith.constant 0 : i32
      %dma_start3A_68 = arith.constant 0 : i32
      %dma_start3A_69 = tpu.memref_slice %arg8[%dma_start3A_67, %dma_start3A_68] : memref<10000x128xf32, #tpu.memory_space<vmem_shared>> -> memref<10000x128xf32, #tpu.memory_space<vmem_shared>>
      tpu.enqueue_indirect_dma source(%dma_start3A_69 : memref<10000x128xf32, #tpu.memory_space<vmem_shared>>) target(%arg6 : memref<128x128xf32, #tpu.memory_space<vmem>>) offsets(%dma_start3A_66 : memref<128xi32, #tpu.memory_space<vmem>>) semaphore(%arg9 : memref<!tpu.dma_semaphore, #tpu.memory_space<semaphore_mem>>)
      %dma_wait3A_70 = arith.constant 0 : i32
      %dma_wait3A_71 = tpu.memref_slice %arg5[%mul3A_60, %dma_wait3A_70] : memref<40x128xi32, #tpu.memory_space<vmem>> -> memref<1x128xi32, #tpu.memory_space<vmem>>
      %dma_wait3A_72 = tpu.memref_squeeze %dma_wait3A_71 : memref<1x128xi32, #tpu.memory_space<vmem>> -> memref<128xi32, #tpu.memory_space<vmem>>
      %dma_wait3A_73 = arith.constant 0 : i32
      %dma_wait3A_74 = arith.constant 0 : i32
      %dma_wait3A_75 = tpu.memref_slice %arg8[%dma_wait3A_73, %dma_wait3A_74] : memref<10000x128xf32, #tpu.memory_space<vmem_shared>> -> memref<10000x128xf32, #tpu.memory_space<vmem_shared>>
      tpu.wait_indirect_dma semaphore(%arg9 : memref<!tpu.dma_semaphore, #tpu.memory_space<semaphore_mem>>) src(%dma_wait3A_75 : memref<10000x128xf32, #tpu.memory_space<vmem_shared>>) dst(%arg6 : memref<128x128xf32, #tpu.memory_space<vmem>>)
      %add3A_76 = arith.addi %add3A_33, %mul3A_60 : i32
      %mul3A_77 = arith.constant 128 : i32
      %mul3A_78 = arith.muli %add3A_76, %mul3A_77 : i32
      %dma_start3A_79 = arith.constant 0 : i32
      %dma_start3A_80 = tpu.memref_slice %arg4[%arg0, %mul3A_78, %dma_start3A_79] : memref<2x163840x128xf32, #tpu.memory_space<hbm>> -> memref<1x128x128xf32, #tpu.memory_space<hbm>>
      %dma_start3A_81 = tpu.memref_squeeze %dma_start3A_80 : memref<1x128x128xf32, #tpu.memory_space<hbm>> -> memref<128x128xf32, #tpu.memory_space<hbm>>
      %dma_start3A_82 = arith.constant 0 : i32
      %dma_start3A_83 = tpu.memref_slice %arg4[%arg0, %mul3A_78, %dma_start3A_82] : memref<2x163840x128xf32, #tpu.memory_space<hbm>> -> memref<1x128x128xf32, #tpu.memory_space<hbm>>
      %dma_start3A_84 = tpu.memref_squeeze %dma_start3A_83 : memref<1x128x128xf32, #tpu.memory_space<hbm>> -> memref<128x128xf32, #tpu.memory_space<hbm>>
      tpu.enqueue_dma source(%arg6 : memref<128x128xf32, #tpu.memory_space<vmem>>) target(%dma_start3A_84 : memref<128x128xf32, #tpu.memory_space<hbm>>) target_semaphore(%arg11 : memref<!tpu.dma_semaphore, #tpu.memory_space<semaphore_mem>>)
      %mul3A_85 = arith.constant 2 : i32
      %mul3A_86 = arith.muli %mul3A_85, %scan3A_58 : i32
      %add3A_87 = arith.constant 1 : i32
      %add3A_88 = arith.addi %mul3A_86, %add3A_87 : i32
      %ge3A_89 = arith.constant 2 : i32
      %ge3A_90 = arith.cmpi sge, %add3A_88, %ge3A_89 : i32
      %convert_element_type3A_91 = arith.extui %ge3A_90 : i1 to i32
      %cond3A_92 = arith.constant 0 : i32
      %cond3A_93 = arith.cmpi ne, %convert_element_type3A_91, %cond3A_92 : i32
      scf.if %cond3A_93 {
        %mul3A_115 = arith.constant 128 : i32
        %mul3A_116 = arith.muli %add3A_33, %mul3A_115 : i32
        %dma_wait3A_117 = arith.constant 0 : i32
        %dma_wait3A_118 = tpu.memref_slice %arg4[%arg0, %mul3A_116, %dma_wait3A_117] : memref<2x163840x128xf32, #tpu.memory_space<hbm>> -> memref<1x128x128xf32, #tpu.memory_space<hbm>>
        %dma_wait3A_119 = tpu.memref_squeeze %dma_wait3A_118 : memref<1x128x128xf32, #tpu.memory_space<hbm>> -> memref<128x128xf32, #tpu.memory_space<hbm>>
        %dma_wait3A_120 = arith.constant 0 : i32
        %dma_wait3A_121 = tpu.memref_slice %arg4[%arg0, %mul3A_116, %dma_wait3A_120] : memref<2x163840x128xf32, #tpu.memory_space<hbm>> -> memref<1x128x128xf32, #tpu.memory_space<hbm>>
        %dma_wait3A_122 = tpu.memref_squeeze %dma_wait3A_121 : memref<1x128x128xf32, #tpu.memory_space<hbm>> -> memref<128x128xf32, #tpu.memory_space<hbm>>
        tpu.wait_dma2 semaphore(%arg12 : memref<!tpu.dma_semaphore, #tpu.memory_space<semaphore_mem>>) src(%arg7 : memref<128x128xf32, #tpu.memory_space<vmem>>) dst(%dma_wait3A_122 : memref<128x128xf32, #tpu.memory_space<hbm>>)
      } else {
      }
      %dma_start3A_94 = arith.constant 0 : i32
      %dma_start3A_95 = tpu.memref_slice %arg5[%add3A_88, %dma_start3A_94] : memref<40x128xi32, #tpu.memory_space<vmem>> -> memref<1x128xi32, #tpu.memory_space<vmem>>
      %dma_start3A_96 = tpu.memref_squeeze %dma_start3A_95 : memref<1x128xi32, #tpu.memory_space<vmem>> -> memref<128xi32, #tpu.memory_space<vmem>>
      %dma_start3A_97 = arith.constant 0 : i32
      %dma_start3A_98 = arith.constant 0 : i32
      %dma_start3A_99 = tpu.memref_slice %arg8[%dma_start3A_97, %dma_start3A_98] : memref<10000x128xf32, #tpu.memory_space<vmem_shared>> -> memref<10000x128xf32, #tpu.memory_space<vmem_shared>>
      tpu.enqueue_indirect_dma source(%dma_start3A_99 : memref<10000x128xf32, #tpu.memory_space<vmem_shared>>) target(%arg7 : memref<128x128xf32, #tpu.memory_space<vmem>>) offsets(%dma_start3A_96 : memref<128xi32, #tpu.memory_space<vmem>>) semaphore(%arg10 : memref<!tpu.dma_semaphore, #tpu.memory_space<semaphore_mem>>)
      %dma_wait3A_100 = arith.constant 0 : i32
      %dma_wait3A_101 = tpu.memref_slice %arg5[%add3A_88, %dma_wait3A_100] : memref<40x128xi32, #tpu.memory_space<vmem>> -> memref<1x128xi32, #tpu.memory_space<vmem>>
      %dma_wait3A_102 = tpu.memref_squeeze %dma_wait3A_101 : memref<1x128xi32, #tpu.memory_space<vmem>> -> memref<128xi32, #tpu.memory_space<vmem>>
      %dma_wait3A_103 = arith.constant 0 : i32
      %dma_wait3A_104 = arith.constant 0 : i32
      %dma_wait3A_105 = tpu.memref_slice %arg8[%dma_wait3A_103, %dma_wait3A_104] : memref<10000x128xf32, #tpu.memory_space<vmem_shared>> -> memref<10000x128xf32, #tpu.memory_space<vmem_shared>>
      tpu.wait_indirect_dma semaphore(%arg10 : memref<!tpu.dma_semaphore, #tpu.memory_space<semaphore_mem>>) src(%dma_wait3A_105 : memref<10000x128xf32, #tpu.memory_space<vmem_shared>>) dst(%arg7 : memref<128x128xf32, #tpu.memory_space<vmem>>)
      %add3A_106 = arith.addi %add3A_33, %add3A_88 : i32
      %mul3A_107 = arith.constant 128 : i32
      %mul3A_108 = arith.muli %add3A_106, %mul3A_107 : i32
      %dma_start3A_109 = arith.constant 0 : i32
      %dma_start3A_110 = tpu.memref_slice %arg4[%arg0, %mul3A_108, %dma_start3A_109] : memref<2x163840x128xf32, #tpu.memory_space<hbm>> -> memref<1x128x128xf32, #tpu.memory_space<hbm>>
      %dma_start3A_111 = tpu.memref_squeeze %dma_start3A_110 : memref<1x128x128xf32, #tpu.memory_space<hbm>> -> memref<128x128xf32, #tpu.memory_space<hbm>>
      %dma_start3A_112 = arith.constant 0 : i32
      %dma_start3A_113 = tpu.memref_slice %arg4[%arg0, %mul3A_108, %dma_start3A_112] : memref<2x163840x128xf32, #tpu.memory_space<hbm>> -> memref<1x128x128xf32, #tpu.memory_space<hbm>>
      %dma_start3A_114 = tpu.memref_squeeze %dma_start3A_113 : memref<1x128x128xf32, #tpu.memory_space<hbm>> -> memref<128x128xf32, #tpu.memory_space<hbm>>
      tpu.enqueue_dma source(%arg7 : memref<128x128xf32, #tpu.memory_space<vmem>>) target(%dma_start3A_114 : memref<128x128xf32, #tpu.memory_space<hbm>>) target_semaphore(%arg12 : memref<!tpu.dma_semaphore, #tpu.memory_space<semaphore_mem>>)
    }
    %scan3A_41 = arith.constant 20 : i32
    %mul3A_42 = arith.constant 128 : i32
    %mul3A_43 = arith.muli %add3A_33, %mul3A_42 : i32
    %dma_wait3A_44 = arith.constant 0 : i32
    %dma_wait3A_45 = tpu.memref_slice %arg4[%arg0, %mul3A_43, %dma_wait3A_44] : memref<2x163840x128xf32, #tpu.memory_space<hbm>> -> memref<1x128x128xf32, #tpu.memory_space<hbm>>
    %dma_wait3A_46 = tpu.memref_squeeze %dma_wait3A_45 : memref<1x128x128xf32, #tpu.memory_space<hbm>> -> memref<128x128xf32, #tpu.memory_space<hbm>>
    %dma_wait3A_47 = arith.constant 0 : i32
    %dma_wait3A_48 = tpu.memref_slice %arg4[%arg0, %mul3A_43, %dma_wait3A_47] : memref<2x163840x128xf32, #tpu.memory_space<hbm>> -> memref<1x128x128xf32, #tpu.memory_space<hbm>>
    %dma_wait3A_49 = tpu.memref_squeeze %dma_wait3A_48 : memref<1x128x128xf32, #tpu.memory_space<hbm>> -> memref<128x128xf32, #tpu.memory_space<hbm>>
    tpu.wait_dma2 semaphore(%arg11 : memref<!tpu.dma_semaphore, #tpu.memory_space<semaphore_mem>>) src(%arg6 : memref<128x128xf32, #tpu.memory_space<vmem>>) dst(%dma_wait3A_49 : memref<128x128xf32, #tpu.memory_space<hbm>>)
    %mul3A_50 = arith.constant 128 : i32
    %mul3A_51 = arith.muli %add3A_33, %mul3A_50 : i32
    %dma_wait3A_52 = arith.constant 0 : i32
    %dma_wait3A_53 = tpu.memref_slice %arg4[%arg0, %mul3A_51, %dma_wait3A_52] : memref<2x163840x128xf32, #tpu.memory_space<hbm>> -> memref<1x128x128xf32, #tpu.memory_space<hbm>>
    %dma_wait3A_54 = tpu.memref_squeeze %dma_wait3A_53 : memref<1x128x128xf32, #tpu.memory_space<hbm>> -> memref<128x128xf32, #tpu.memory_space<hbm>>
    %dma_wait3A_55 = arith.constant 0 : i32
    %dma_wait3A_56 = tpu.memref_slice %arg4[%arg0, %mul3A_51, %dma_wait3A_55] : memref<2x163840x128xf32, #tpu.memory_space<hbm>> -> memref<1x128x128xf32, #tpu.memory_space<hbm>>
    %dma_wait3A_57 = tpu.memref_squeeze %dma_wait3A_56 : memref<1x128x128xf32, #tpu.memory_space<hbm>> -> memref<128x128xf32, #tpu.memory_space<hbm>>
    tpu.wait_dma2 semaphore(%arg12 : memref<!tpu.dma_semaphore, #tpu.memory_space<semaphore_mem>>) src(%arg7 : memref<128x128xf32, #tpu.memory_space<vmem>>) dst(%dma_wait3A_57 : memref<128x128xf32, #tpu.memory_space<hbm>>)
    return
  }
}

#map = affine_map<(d0, d1) -> (0, 0)>
#map1 = affine_map<(d0, d1) -> (0, 0, 0)>
module attributes {stable_mosaic.version = 14 : i64} {
  func.func @k(%arg0: i32, %arg1: i32, %arg2: memref<2560x128xi32, #tpu.memory_space<hbm>>, %arg3: memref<163840x128xf32, #tpu.memory_space<hbm>>, %arg4: memref<2x10112x128xf32, #tpu.memory_space<hbm>>, %arg5: memref<40x128xi32, #tpu.memory_space<vmem>>, %arg6: memref<128x128xf32, #tpu.memory_space<vmem>>, %arg7: memref<128x128xf32, #tpu.memory_space<vmem>>, %arg8: memref<10112x128xf32, #tpu.memory_space<vmem_shared>>, %arg9: memref<!tpu.dma_semaphore, #tpu.memory_space<semaphore_mem>>, %arg10: memref<!tpu.dma_semaphore, #tpu.memory_space<semaphore_mem>>) attributes {dimension_semantics = [#tpu.dimension_semantics<core_parallel>, #tpu.dimension_semantics<subcore_parallel>], iteration_bounds = array<i64: 2, 16>, scalar_prefetch = 0 : i64, scratch_operands = 6 : i64, tpu.core_type = #tpu.core_type<sc_vector_subcore>, window_params = [{transform_indices = #map}, {transform_indices = #map}, {transform_indices = #map1}]} {
    %parallel_loop3A = arith.constant 0 : i32
    %parallel_loop3A_0 = arith.constant 128 : i32
    %parallel_loop3A_1 = arith.constant 1 : i32
    scf.for %parallel_loop3A_40 = %parallel_loop3A to %parallel_loop3A_0 step %parallel_loop3A_1  : i32 {
      %parallel_loop3A_41 = arith.constant 0.000000e+00 : f32
      %parallel_loop3A_42 = vector.broadcast %parallel_loop3A_41 : f32 to vector<16xf32>
      %parallel_loop3A_43 = arith.index_cast %parallel_loop3A_40 : i32 to index
      %parallel_loop3A_44 = arith.constant 0 : index
      %parallel_loop3A_45 = tpu.vector_load %arg6[%parallel_loop3A_43, %parallel_loop3A_44] {strides = array<i32>} : memref<128x128xf32, #tpu.memory_space<vmem>>, vector<1x16xf32>,
      %parallel_loop3A_46 = vector.shape_cast %parallel_loop3A_45 : vector<1x16xf32> to vector<16xf32>
      %parallel_loop3A_47 = vector.shape_cast %parallel_loop3A_42 : vector<16xf32> to vector<1x16xf32>
      tpu.vector_store %arg6[%parallel_loop3A_43, %parallel_loop3A_44], %parallel_loop3A_47 {strides = array<i32>} : memref<128x128xf32, #tpu.memory_space<vmem>>, vector<1x16xf32>,
      %parallel_loop3A_48 = arith.constant 0.000000e+00 : f32
      %parallel_loop3A_49 = vector.broadcast %parallel_loop3A_48 : f32 to vector<16xf32>
      %parallel_loop3A_50 = arith.index_cast %parallel_loop3A_40 : i32 to index
      %parallel_loop3A_51 = arith.constant 16 : index
      %parallel_loop3A_52 = tpu.vector_load %arg6[%parallel_loop3A_50, %parallel_loop3A_51] {strides = array<i32>} : memref<128x128xf32, #tpu.memory_space<vmem>>, vector<1x16xf32>,
      %parallel_loop3A_53 = vector.shape_cast %parallel_loop3A_52 : vector<1x16xf32> to vector<16xf32>
      %parallel_loop3A_54 = vector.shape_cast %parallel_loop3A_49 : vector<16xf32> to vector<1x16xf32>
      tpu.vector_store %arg6[%parallel_loop3A_50, %parallel_loop3A_51], %parallel_loop3A_54 {strides = array<i32>} : memref<128x128xf32, #tpu.memory_space<vmem>>, vector<1x16xf32>,
      %parallel_loop3A_55 = arith.constant 0.000000e+00 : f32
      %parallel_loop3A_56 = vector.broadcast %parallel_loop3A_55 : f32 to vector<16xf32>
      %parallel_loop3A_57 = arith.index_cast %parallel_loop3A_40 : i32 to index
      %parallel_loop3A_58 = arith.constant 32 : index
      %parallel_loop3A_59 = tpu.vector_load %arg6[%parallel_loop3A_57, %parallel_loop3A_58] {strides = array<i32>} : memref<128x128xf32, #tpu.memory_space<vmem>>, vector<1x16xf32>,
      %parallel_loop3A_60 = vector.shape_cast %parallel_loop3A_59 : vector<1x16xf32> to vector<16xf32>
      %parallel_loop3A_61 = vector.shape_cast %parallel_loop3A_56 : vector<16xf32> to vector<1x16xf32>
      tpu.vector_store %arg6[%parallel_loop3A_57, %parallel_loop3A_58], %parallel_loop3A_61 {strides = array<i32>} : memref<128x128xf32, #tpu.memory_space<vmem>>, vector<1x16xf32>,
      %parallel_loop3A_62 = arith.constant 0.000000e+00 : f32
      %parallel_loop3A_63 = vector.broadcast %parallel_loop3A_62 : f32 to vector<16xf32>
      %parallel_loop3A_64 = arith.index_cast %parallel_loop3A_40 : i32 to index
      %parallel_loop3A_65 = arith.constant 48 : index
      %parallel_loop3A_66 = tpu.vector_load %arg6[%parallel_loop3A_64, %parallel_loop3A_65] {strides = array<i32>} : memref<128x128xf32, #tpu.memory_space<vmem>>, vector<1x16xf32>,
      %parallel_loop3A_67 = vector.shape_cast %parallel_loop3A_66 : vector<1x16xf32> to vector<16xf32>
      %parallel_loop3A_68 = vector.shape_cast %parallel_loop3A_63 : vector<16xf32> to vector<1x16xf32>
      tpu.vector_store %arg6[%parallel_loop3A_64, %parallel_loop3A_65], %parallel_loop3A_68 {strides = array<i32>} : memref<128x128xf32, #tpu.memory_space<vmem>>, vector<1x16xf32>,
      %parallel_loop3A_69 = arith.constant 0.000000e+00 : f32
      %parallel_loop3A_70 = vector.broadcast %parallel_loop3A_69 : f32 to vector<16xf32>
      %parallel_loop3A_71 = arith.index_cast %parallel_loop3A_40 : i32 to index
      %parallel_loop3A_72 = arith.constant 64 : index
      %parallel_loop3A_73 = tpu.vector_load %arg6[%parallel_loop3A_71, %parallel_loop3A_72] {strides = array<i32>} : memref<128x128xf32, #tpu.memory_space<vmem>>, vector<1x16xf32>,
      %parallel_loop3A_74 = vector.shape_cast %parallel_loop3A_73 : vector<1x16xf32> to vector<16xf32>
      %parallel_loop3A_75 = vector.shape_cast %parallel_loop3A_70 : vector<16xf32> to vector<1x16xf32>
      tpu.vector_store %arg6[%parallel_loop3A_71, %parallel_loop3A_72], %parallel_loop3A_75 {strides = array<i32>} : memref<128x128xf32, #tpu.memory_space<vmem>>, vector<1x16xf32>,
      %parallel_loop3A_76 = arith.constant 0.000000e+00 : f32
      %parallel_loop3A_77 = vector.broadcast %parallel_loop3A_76 : f32 to vector<16xf32>
      %parallel_loop3A_78 = arith.index_cast %parallel_loop3A_40 : i32 to index
      %parallel_loop3A_79 = arith.constant 80 : index
      %parallel_loop3A_80 = tpu.vector_load %arg6[%parallel_loop3A_78, %parallel_loop3A_79] {strides = array<i32>} : memref<128x128xf32, #tpu.memory_space<vmem>>, vector<1x16xf32>,
      %parallel_loop3A_81 = vector.shape_cast %parallel_loop3A_80 : vector<1x16xf32> to vector<16xf32>
      %parallel_loop3A_82 = vector.shape_cast %parallel_loop3A_77 : vector<16xf32> to vector<1x16xf32>
      tpu.vector_store %arg6[%parallel_loop3A_78, %parallel_loop3A_79], %parallel_loop3A_82 {strides = array<i32>} : memref<128x128xf32, #tpu.memory_space<vmem>>, vector<1x16xf32>,
      %parallel_loop3A_83 = arith.constant 0.000000e+00 : f32
      %parallel_loop3A_84 = vector.broadcast %parallel_loop3A_83 : f32 to vector<16xf32>
      %parallel_loop3A_85 = arith.index_cast %parallel_loop3A_40 : i32 to index
      %parallel_loop3A_86 = arith.constant 96 : index
      %parallel_loop3A_87 = tpu.vector_load %arg6[%parallel_loop3A_85, %parallel_loop3A_86] {strides = array<i32>} : memref<128x128xf32, #tpu.memory_space<vmem>>, vector<1x16xf32>,
      %parallel_loop3A_88 = vector.shape_cast %parallel_loop3A_87 : vector<1x16xf32> to vector<16xf32>
      %parallel_loop3A_89 = vector.shape_cast %parallel_loop3A_84 : vector<16xf32> to vector<1x16xf32>
      tpu.vector_store %arg6[%parallel_loop3A_85, %parallel_loop3A_86], %parallel_loop3A_89 {strides = array<i32>} : memref<128x128xf32, #tpu.memory_space<vmem>>, vector<1x16xf32>,
      %parallel_loop3A_90 = arith.constant 0.000000e+00 : f32
      %parallel_loop3A_91 = vector.broadcast %parallel_loop3A_90 : f32 to vector<16xf32>
      %parallel_loop3A_92 = arith.index_cast %parallel_loop3A_40 : i32 to index
      %parallel_loop3A_93 = arith.constant 112 : index
      %parallel_loop3A_94 = tpu.vector_load %arg6[%parallel_loop3A_92, %parallel_loop3A_93] {strides = array<i32>} : memref<128x128xf32, #tpu.memory_space<vmem>>, vector<1x16xf32>,
      %parallel_loop3A_95 = vector.shape_cast %parallel_loop3A_94 : vector<1x16xf32> to vector<16xf32>
      %parallel_loop3A_96 = vector.shape_cast %parallel_loop3A_91 : vector<16xf32> to vector<1x16xf32>
      tpu.vector_store %arg6[%parallel_loop3A_92, %parallel_loop3A_93], %parallel_loop3A_96 {strides = array<i32>} : memref<128x128xf32, #tpu.memory_space<vmem>>, vector<1x16xf32>,
    } {sc.loop_unroll_factor = 1 : i64, sc.parallel_access}
    %mul3A = arith.constant 632 : i32
    %mul3A_2 = arith.muli %arg1, %mul3A : i32
    %add3A = arith.constant 0 : i32
    %add3A_3 = arith.addi %mul3A_2, %add3A : i32
    "tpu.region"() ({
      %run_scoped3A = tpu.sem_alloc : memref<!tpu.dma_semaphore, #tpu.memory_space<semaphore_mem>>
      %dma_start3A_40 = arith.constant 0 : i32
      %dma_start3A_41 = tpu.memref_slice %arg8[%add3A_3, %dma_start3A_40] : memref<10112x128xf32, #tpu.memory_space<vmem_shared>> -> memref<128x128xf32, #tpu.memory_space<vmem_shared>>
      %dma_start3A_42 = arith.constant 0 : i32
      %dma_start3A_43 = tpu.memref_slice %arg8[%add3A_3, %dma_start3A_42] : memref<10112x128xf32, #tpu.memory_space<vmem_shared>> -> memref<128x128xf32, #tpu.memory_space<vmem_shared>>
      tpu.enqueue_dma source(%arg6 : memref<128x128xf32, #tpu.memory_space<vmem>>) target(%dma_start3A_43 : memref<128x128xf32, #tpu.memory_space<vmem_shared>>) target_semaphore(%run_scoped3A : memref<!tpu.dma_semaphore, #tpu.memory_space<semaphore_mem>>)
      %dma_wait3A = arith.constant 0 : i32
      %dma_wait3A_44 = tpu.memref_slice %arg8[%add3A_3, %dma_wait3A] : memref<10112x128xf32, #tpu.memory_space<vmem_shared>> -> memref<128x128xf32, #tpu.memory_space<vmem_shared>>
      %dma_wait3A_45 = arith.constant 0 : i32
      %dma_wait3A_46 = tpu.memref_slice %arg8[%add3A_3, %dma_wait3A_45] : memref<10112x128xf32, #tpu.memory_space<vmem_shared>> -> memref<128x128xf32, #tpu.memory_space<vmem_shared>>
      tpu.wait_dma2 semaphore(%run_scoped3A : memref<!tpu.dma_semaphore, #tpu.memory_space<semaphore_mem>>) src(%arg6 : memref<128x128xf32, #tpu.memory_space<vmem>>) dst(%dma_wait3A_46 : memref<128x128xf32, #tpu.memory_space<vmem_shared>>)
      tpu.yield
    }) : () -> ()
    %add3A_4 = arith.constant 128 : i32
    %add3A_5 = arith.addi %mul3A_2, %add3A_4 : i32
    "tpu.region"() ({
      %run_scoped3A = tpu.sem_alloc : memref<!tpu.dma_semaphore, #tpu.memory_space<semaphore_mem>>
      %dma_start3A_40 = arith.constant 0 : i32
      %dma_start3A_41 = tpu.memref_slice %arg8[%add3A_5, %dma_start3A_40] : memref<10112x128xf32, #tpu.memory_space<vmem_shared>> -> memref<128x128xf32, #tpu.memory_space<vmem_shared>>
      %dma_start3A_42 = arith.constant 0 : i32
      %dma_start3A_43 = tpu.memref_slice %arg8[%add3A_5, %dma_start3A_42] : memref<10112x128xf32, #tpu.memory_space<vmem_shared>> -> memref<128x128xf32, #tpu.memory_space<vmem_shared>>
      tpu.enqueue_dma source(%arg6 : memref<128x128xf32, #tpu.memory_space<vmem>>) target(%dma_start3A_43 : memref<128x128xf32, #tpu.memory_space<vmem_shared>>) target_semaphore(%run_scoped3A : memref<!tpu.dma_semaphore, #tpu.memory_space<semaphore_mem>>)
      %dma_wait3A = arith.constant 0 : i32
      %dma_wait3A_44 = tpu.memref_slice %arg8[%add3A_5, %dma_wait3A] : memref<10112x128xf32, #tpu.memory_space<vmem_shared>> -> memref<128x128xf32, #tpu.memory_space<vmem_shared>>
      %dma_wait3A_45 = arith.constant 0 : i32
      %dma_wait3A_46 = tpu.memref_slice %arg8[%add3A_5, %dma_wait3A_45] : memref<10112x128xf32, #tpu.memory_space<vmem_shared>> -> memref<128x128xf32, #tpu.memory_space<vmem_shared>>
      tpu.wait_dma2 semaphore(%run_scoped3A : memref<!tpu.dma_semaphore, #tpu.memory_space<semaphore_mem>>) src(%arg6 : memref<128x128xf32, #tpu.memory_space<vmem>>) dst(%dma_wait3A_46 : memref<128x128xf32, #tpu.memory_space<vmem_shared>>)
      tpu.yield
    }) : () -> ()
    %add3A_6 = arith.constant 256 : i32
    %add3A_7 = arith.addi %mul3A_2, %add3A_6 : i32
    "tpu.region"() ({
      %run_scoped3A = tpu.sem_alloc : memref<!tpu.dma_semaphore, #tpu.memory_space<semaphore_mem>>
      %dma_start3A_40 = arith.constant 0 : i32
      %dma_start3A_41 = tpu.memref_slice %arg8[%add3A_7, %dma_start3A_40] : memref<10112x128xf32, #tpu.memory_space<vmem_shared>> -> memref<128x128xf32, #tpu.memory_space<vmem_shared>>
      %dma_start3A_42 = arith.constant 0 : i32
      %dma_start3A_43 = tpu.memref_slice %arg8[%add3A_7, %dma_start3A_42] : memref<10112x128xf32, #tpu.memory_space<vmem_shared>> -> memref<128x128xf32, #tpu.memory_space<vmem_shared>>
      tpu.enqueue_dma source(%arg6 : memref<128x128xf32, #tpu.memory_space<vmem>>) target(%dma_start3A_43 : memref<128x128xf32, #tpu.memory_space<vmem_shared>>) target_semaphore(%run_scoped3A : memref<!tpu.dma_semaphore, #tpu.memory_space<semaphore_mem>>)
      %dma_wait3A = arith.constant 0 : i32
      %dma_wait3A_44 = tpu.memref_slice %arg8[%add3A_7, %dma_wait3A] : memref<10112x128xf32, #tpu.memory_space<vmem_shared>> -> memref<128x128xf32, #tpu.memory_space<vmem_shared>>
      %dma_wait3A_45 = arith.constant 0 : i32
      %dma_wait3A_46 = tpu.memref_slice %arg8[%add3A_7, %dma_wait3A_45] : memref<10112x128xf32, #tpu.memory_space<vmem_shared>> -> memref<128x128xf32, #tpu.memory_space<vmem_shared>>
      tpu.wait_dma2 semaphore(%run_scoped3A : memref<!tpu.dma_semaphore, #tpu.memory_space<semaphore_mem>>) src(%arg6 : memref<128x128xf32, #tpu.memory_space<vmem>>) dst(%dma_wait3A_46 : memref<128x128xf32, #tpu.memory_space<vmem_shared>>)
      tpu.yield
    }) : () -> ()
    %add3A_8 = arith.constant 384 : i32
    %add3A_9 = arith.addi %mul3A_2, %add3A_8 : i32
    "tpu.region"() ({
      %run_scoped3A = tpu.sem_alloc : memref<!tpu.dma_semaphore, #tpu.memory_space<semaphore_mem>>
      %dma_start3A_40 = arith.constant 0 : i32
      %dma_start3A_41 = tpu.memref_slice %arg8[%add3A_9, %dma_start3A_40] : memref<10112x128xf32, #tpu.memory_space<vmem_shared>> -> memref<128x128xf32, #tpu.memory_space<vmem_shared>>
      %dma_start3A_42 = arith.constant 0 : i32
      %dma_start3A_43 = tpu.memref_slice %arg8[%add3A_9, %dma_start3A_42] : memref<10112x128xf32, #tpu.memory_space<vmem_shared>> -> memref<128x128xf32, #tpu.memory_space<vmem_shared>>
      tpu.enqueue_dma source(%arg6 : memref<128x128xf32, #tpu.memory_space<vmem>>) target(%dma_start3A_43 : memref<128x128xf32, #tpu.memory_space<vmem_shared>>) target_semaphore(%run_scoped3A : memref<!tpu.dma_semaphore, #tpu.memory_space<semaphore_mem>>)
      %dma_wait3A = arith.constant 0 : i32
      %dma_wait3A_44 = tpu.memref_slice %arg8[%add3A_9, %dma_wait3A] : memref<10112x128xf32, #tpu.memory_space<vmem_shared>> -> memref<128x128xf32, #tpu.memory_space<vmem_shared>>
      %dma_wait3A_45 = arith.constant 0 : i32
      %dma_wait3A_46 = tpu.memref_slice %arg8[%add3A_9, %dma_wait3A_45] : memref<10112x128xf32, #tpu.memory_space<vmem_shared>> -> memref<128x128xf32, #tpu.memory_space<vmem_shared>>
      tpu.wait_dma2 semaphore(%run_scoped3A : memref<!tpu.dma_semaphore, #tpu.memory_space<semaphore_mem>>) src(%arg6 : memref<128x128xf32, #tpu.memory_space<vmem>>) dst(%dma_wait3A_46 : memref<128x128xf32, #tpu.memory_space<vmem_shared>>)
      tpu.yield
    }) : () -> ()
    %add3A_10 = arith.constant 512 : i32
    %add3A_11 = arith.addi %mul3A_2, %add3A_10 : i32
    "tpu.region"() ({
      %run_scoped3A = tpu.sem_alloc : memref<!tpu.dma_semaphore, #tpu.memory_space<semaphore_mem>>
      %dma_start3A_40 = arith.constant 0 : i32
      %dma_start3A_41 = arith.constant 0 : i32
      %dma_start3A_42 = tpu.memref_slice %arg6[%dma_start3A_40, %dma_start3A_41] : memref<128x128xf32, #tpu.memory_space<vmem>> -> memref<120x128xf32, #tpu.memory_space<vmem>>
      %dma_start3A_43 = arith.constant 0 : i32
      %dma_start3A_44 = tpu.memref_slice %arg8[%add3A_11, %dma_start3A_43] : memref<10112x128xf32, #tpu.memory_space<vmem_shared>> -> memref<120x128xf32, #tpu.memory_space<vmem_shared>>
      %dma_start3A_45 = arith.constant 0 : i32
      %dma_start3A_46 = tpu.memref_slice %arg8[%add3A_11, %dma_start3A_45] : memref<10112x128xf32, #tpu.memory_space<vmem_shared>> -> memref<120x128xf32, #tpu.memory_space<vmem_shared>>
      %dma_start3A_47 = arith.constant 0 : i32
      %dma_start3A_48 = arith.constant 0 : i32
      %dma_start3A_49 = tpu.memref_slice %arg6[%dma_start3A_47, %dma_start3A_48] : memref<128x128xf32, #tpu.memory_space<vmem>> -> memref<120x128xf32, #tpu.memory_space<vmem>>
      tpu.enqueue_dma source(%dma_start3A_49 : memref<120x128xf32, #tpu.memory_space<vmem>>) target(%dma_start3A_46 : memref<120x128xf32, #tpu.memory_space<vmem_shared>>) target_semaphore(%run_scoped3A : memref<!tpu.dma_semaphore, #tpu.memory_space<semaphore_mem>>)
      %dma_wait3A = arith.constant 0 : i32
      %dma_wait3A_50 = arith.constant 0 : i32
      %dma_wait3A_51 = tpu.memref_slice %arg6[%dma_wait3A, %dma_wait3A_50] : memref<128x128xf32, #tpu.memory_space<vmem>> -> memref<120x128xf32, #tpu.memory_space<vmem>>
      %dma_wait3A_52 = arith.constant 0 : i32
      %dma_wait3A_53 = tpu.memref_slice %arg8[%add3A_11, %dma_wait3A_52] : memref<10112x128xf32, #tpu.memory_space<vmem_shared>> -> memref<120x128xf32, #tpu.memory_space<vmem_shared>>
      %dma_wait3A_54 = arith.constant 0 : i32
      %dma_wait3A_55 = tpu.memref_slice %arg8[%add3A_11, %dma_wait3A_54] : memref<10112x128xf32, #tpu.memory_space<vmem_shared>> -> memref<120x128xf32, #tpu.memory_space<vmem_shared>>
      %dma_wait3A_56 = arith.constant 0 : i32
      %dma_wait3A_57 = arith.constant 0 : i32
      %dma_wait3A_58 = tpu.memref_slice %arg6[%dma_wait3A_56, %dma_wait3A_57] : memref<128x128xf32, #tpu.memory_space<vmem>> -> memref<120x128xf32, #tpu.memory_space<vmem>>
      tpu.wait_dma2 semaphore(%run_scoped3A : memref<!tpu.dma_semaphore, #tpu.memory_space<semaphore_mem>>) src(%dma_wait3A_58 : memref<120x128xf32, #tpu.memory_space<vmem>>) dst(%dma_wait3A_55 : memref<120x128xf32, #tpu.memory_space<vmem_shared>>)
      tpu.yield
    }) : () -> ()
    %barrier3A = arith.constant 0 : index
    tpu.barrier barrier_id(%barrier3A)
    %mul3A_12 = arith.constant 640 : i32
    %mul3A_13 = arith.muli %arg0, %mul3A_12 : i32
    %mul3A_14 = arith.constant 40 : i32
    %mul3A_15 = arith.muli %arg1, %mul3A_14 : i32
    %add3A_16 = arith.addi %mul3A_13, %mul3A_15 : i32
    %add3A_17 = arith.constant 1280 : i32
    %add3A_18 = arith.addi %add3A_17, %add3A_16 : i32
    "tpu.region"() ({
      %run_scoped3A = tpu.sem_alloc : memref<!tpu.dma_semaphore, #tpu.memory_space<semaphore_mem>>
      %dma_start3A_40 = arith.constant 0 : i32
      %dma_start3A_41 = tpu.memref_slice %arg2[%add3A_18, %dma_start3A_40] : memref<2560x128xi32, #tpu.memory_space<hbm>> -> memref<40x128xi32, #tpu.memory_space<hbm>>
      %dma_start3A_42 = arith.constant 0 : i32
      %dma_start3A_43 = tpu.memref_slice %arg2[%add3A_18, %dma_start3A_42] : memref<2560x128xi32, #tpu.memory_space<hbm>> -> memref<40x128xi32, #tpu.memory_space<hbm>>
      tpu.enqueue_dma source(%dma_start3A_43 : memref<40x128xi32, #tpu.memory_space<hbm>>) target(%arg5 : memref<40x128xi32, #tpu.memory_space<vmem>>) target_semaphore(%run_scoped3A : memref<!tpu.dma_semaphore, #tpu.memory_space<semaphore_mem>>)
      %dma_wait3A = arith.constant 0 : i32
      %dma_wait3A_44 = tpu.memref_slice %arg2[%add3A_18, %dma_wait3A] : memref<2560x128xi32, #tpu.memory_space<hbm>> -> memref<40x128xi32, #tpu.memory_space<hbm>>
      %dma_wait3A_45 = arith.constant 0 : i32
      %dma_wait3A_46 = tpu.memref_slice %arg2[%add3A_18, %dma_wait3A_45] : memref<2560x128xi32, #tpu.memory_space<hbm>> -> memref<40x128xi32, #tpu.memory_space<hbm>>
      tpu.wait_dma2 semaphore(%run_scoped3A : memref<!tpu.dma_semaphore, #tpu.memory_space<semaphore_mem>>) src(%dma_wait3A_46 : memref<40x128xi32, #tpu.memory_space<hbm>>) dst(%arg5 : memref<40x128xi32, #tpu.memory_space<vmem>>)
      tpu.yield
    }) : () -> ()
    %add3A_19 = arith.constant 0 : i32
    %add3A_20 = arith.addi %add3A_16, %add3A_19 : i32
    %mul3A_21 = arith.constant 128 : i32
    %mul3A_22 = arith.muli %add3A_20, %mul3A_21 : i32
    %dma_start3A = arith.constant 0 : i32
    %dma_start3A_23 = tpu.memref_slice %arg3[%mul3A_22, %dma_start3A] : memref<163840x128xf32, #tpu.memory_space<hbm>> -> memref<128x128xf32, #tpu.memory_space<hbm>>
    %dma_start3A_24 = arith.constant 0 : i32
    %dma_start3A_25 = tpu.memref_slice %arg3[%mul3A_22, %dma_start3A_24] : memref<163840x128xf32, #tpu.memory_space<hbm>> -> memref<128x128xf32, #tpu.memory_space<hbm>>
    tpu.enqueue_dma source(%dma_start3A_25 : memref<128x128xf32, #tpu.memory_space<hbm>>) target(%arg6 : memref<128x128xf32, #tpu.memory_space<vmem>>) target_semaphore(%arg9 : memref<!tpu.dma_semaphore, #tpu.memory_space<semaphore_mem>>)
    %add3A_26 = arith.constant 1 : i32
    %add3A_27 = arith.addi %add3A_16, %add3A_26 : i32
    %mul3A_28 = arith.constant 128 : i32
    %mul3A_29 = arith.muli %add3A_27, %mul3A_28 : i32
    %dma_start3A_30 = arith.constant 0 : i32
    %dma_start3A_31 = tpu.memref_slice %arg3[%mul3A_29, %dma_start3A_30] : memref<163840x128xf32, #tpu.memory_space<hbm>> -> memref<128x128xf32, #tpu.memory_space<hbm>>
    %dma_start3A_32 = arith.constant 0 : i32
    %dma_start3A_33 = tpu.memref_slice %arg3[%mul3A_29, %dma_start3A_32] : memref<163840x128xf32, #tpu.memory_space<hbm>> -> memref<128x128xf32, #tpu.memory_space<hbm>>
    tpu.enqueue_dma source(%dma_start3A_33 : memref<128x128xf32, #tpu.memory_space<hbm>>) target(%arg7 : memref<128x128xf32, #tpu.memory_space<vmem>>) target_semaphore(%arg10 : memref<!tpu.dma_semaphore, #tpu.memory_space<semaphore_mem>>)
    %scan3A = arith.constant 0 : i32
    %scan3A_34 = arith.constant 0 : i32
    %scan3A_35 = arith.constant 20 : i32
    %scan3A_36 = arith.addi %scan3A_34, %scan3A_35 : i32
    %scan3A_37 = arith.constant 1 : i32
    scf.for %scan3A_40 = %scan3A_34 to %scan3A_36 step %scan3A_37  : i32 {
      %mul3A_41 = arith.constant 2 : i32
      %mul3A_42 = arith.muli %mul3A_41, %scan3A_40 : i32
      %add3A_43 = arith.addi %add3A_16, %mul3A_42 : i32
      %mul3A_44 = arith.constant 128 : i32
      %mul3A_45 = arith.muli %add3A_43, %mul3A_44 : i32
      %dma_wait3A = arith.constant 0 : i32
      %dma_wait3A_46 = tpu.memref_slice %arg3[%mul3A_45, %dma_wait3A] : memref<163840x128xf32, #tpu.memory_space<hbm>> -> memref<128x128xf32, #tpu.memory_space<hbm>>
      %dma_wait3A_47 = arith.constant 0 : i32
      %dma_wait3A_48 = tpu.memref_slice %arg3[%mul3A_45, %dma_wait3A_47] : memref<163840x128xf32, #tpu.memory_space<hbm>> -> memref<128x128xf32, #tpu.memory_space<hbm>>
      tpu.wait_dma2 semaphore(%arg9 : memref<!tpu.dma_semaphore, #tpu.memory_space<semaphore_mem>>) src(%dma_wait3A_48 : memref<128x128xf32, #tpu.memory_space<hbm>>) dst(%arg6 : memref<128x128xf32, #tpu.memory_space<vmem>>)
      "tpu.region"() ({
        %run_scoped3A = tpu.sem_alloc : memref<!tpu.dma_semaphore, #tpu.memory_space<semaphore_mem>>
        %dma_start3A_71 = arith.constant 0 : i32
        %dma_start3A_72 = tpu.memref_slice %arg5[%mul3A_42, %dma_start3A_71] : memref<40x128xi32, #tpu.memory_space<vmem>> -> memref<1x128xi32, #tpu.memory_space<vmem>>
        %dma_start3A_73 = tpu.memref_squeeze %dma_start3A_72 : memref<1x128xi32, #tpu.memory_space<vmem>> -> memref<128xi32, #tpu.memory_space<vmem>>
        %dma_start3A_74 = arith.constant 0 : i32
        %dma_start3A_75 = arith.constant 0 : i32
        %dma_start3A_76 = tpu.memref_slice %arg8[%dma_start3A_74, %dma_start3A_75] : memref<10112x128xf32, #tpu.memory_space<vmem_shared>> -> memref<10112x128xf32, #tpu.memory_space<vmem_shared>>
        tpu.enqueue_indirect_dma source(%arg6 : memref<128x128xf32, #tpu.memory_space<vmem>>) target(%dma_start3A_76 : memref<10112x128xf32, #tpu.memory_space<vmem_shared>>) offsets(%dma_start3A_73 : memref<128xi32, #tpu.memory_space<vmem>>) semaphore(%run_scoped3A : memref<!tpu.dma_semaphore, #tpu.memory_space<semaphore_mem>>) {add = true}
        %dma_wait3A_77 = arith.constant 0 : i32
        %dma_wait3A_78 = tpu.memref_slice %arg5[%mul3A_42, %dma_wait3A_77] : memref<40x128xi32, #tpu.memory_space<vmem>> -> memref<1x128xi32, #tpu.memory_space<vmem>>
        %dma_wait3A_79 = tpu.memref_squeeze %dma_wait3A_78 : memref<1x128xi32, #tpu.memory_space<vmem>> -> memref<128xi32, #tpu.memory_space<vmem>>
        %dma_wait3A_80 = arith.constant 0 : i32
        %dma_wait3A_81 = arith.constant 0 : i32
        %dma_wait3A_82 = tpu.memref_slice %arg8[%dma_wait3A_80, %dma_wait3A_81] : memref<10112x128xf32, #tpu.memory_space<vmem_shared>> -> memref<10112x128xf32, #tpu.memory_space<vmem_shared>>
        tpu.wait_indirect_dma semaphore(%run_scoped3A : memref<!tpu.dma_semaphore, #tpu.memory_space<semaphore_mem>>) src(%arg6 : memref<128x128xf32, #tpu.memory_space<vmem>>) dst(%dma_wait3A_82 : memref<10112x128xf32, #tpu.memory_space<vmem_shared>>)
        tpu.yield
      }) : () -> ()
      %add3A_49 = arith.constant 2 : i32
      %add3A_50 = arith.addi %mul3A_42, %add3A_49 : i32
      %lt3A = arith.constant 40 : i32
      %lt3A_51 = arith.cmpi slt, %add3A_50, %lt3A : i32
      %convert_element_type3A = arith.extui %lt3A_51 : i1 to i32
      %cond3A = arith.constant 0 : i32
      %cond3A_52 = arith.cmpi ne, %convert_element_type3A, %cond3A : i32
      scf.if %cond3A_52 {
        %add3A_71 = arith.constant 2 : i32
        %add3A_72 = arith.addi %mul3A_42, %add3A_71 : i32
        %add3A_73 = arith.addi %add3A_16, %add3A_72 : i32
        %mul3A_74 = arith.constant 128 : i32
        %mul3A_75 = arith.muli %add3A_73, %mul3A_74 : i32
        %dma_start3A_76 = arith.constant 0 : i32
        %dma_start3A_77 = tpu.memref_slice %arg3[%mul3A_75, %dma_start3A_76] : memref<163840x128xf32, #tpu.memory_space<hbm>> -> memref<128x128xf32, #tpu.memory_space<hbm>>
        %dma_start3A_78 = arith.constant 0 : i32
        %dma_start3A_79 = tpu.memref_slice %arg3[%mul3A_75, %dma_start3A_78] : memref<163840x128xf32, #tpu.memory_space<hbm>> -> memref<128x128xf32, #tpu.memory_space<hbm>>
        tpu.enqueue_dma source(%dma_start3A_79 : memref<128x128xf32, #tpu.memory_space<hbm>>) target(%arg6 : memref<128x128xf32, #tpu.memory_space<vmem>>) target_semaphore(%arg9 : memref<!tpu.dma_semaphore, #tpu.memory_space<semaphore_mem>>)
      } else {
      }
      %mul3A_53 = arith.constant 2 : i32
      %mul3A_54 = arith.muli %mul3A_53, %scan3A_40 : i32
      %add3A_55 = arith.constant 1 : i32
      %add3A_56 = arith.addi %mul3A_54, %add3A_55 : i32
      %add3A_57 = arith.addi %add3A_16, %add3A_56 : i32
      %mul3A_58 = arith.constant 128 : i32
      %mul3A_59 = arith.muli %add3A_57, %mul3A_58 : i32
      %dma_wait3A_60 = arith.constant 0 : i32
      %dma_wait3A_61 = tpu.memref_slice %arg3[%mul3A_59, %dma_wait3A_60] : memref<163840x128xf32, #tpu.memory_space<hbm>> -> memref<128x128xf32, #tpu.memory_space<hbm>>
      %dma_wait3A_62 = arith.constant 0 : i32
      %dma_wait3A_63 = tpu.memref_slice %arg3[%mul3A_59, %dma_wait3A_62] : memref<163840x128xf32, #tpu.memory_space<hbm>> -> memref<128x128xf32, #tpu.memory_space<hbm>>
      tpu.wait_dma2 semaphore(%arg10 : memref<!tpu.dma_semaphore, #tpu.memory_space<semaphore_mem>>) src(%dma_wait3A_63 : memref<128x128xf32, #tpu.memory_space<hbm>>) dst(%arg7 : memref<128x128xf32, #tpu.memory_space<vmem>>)
      "tpu.region"() ({
        %run_scoped3A = tpu.sem_alloc : memref<!tpu.dma_semaphore, #tpu.memory_space<semaphore_mem>>
        %dma_start3A_71 = arith.constant 0 : i32
        %dma_start3A_72 = tpu.memref_slice %arg5[%add3A_56, %dma_start3A_71] : memref<40x128xi32, #tpu.memory_space<vmem>> -> memref<1x128xi32, #tpu.memory_space<vmem>>
        %dma_start3A_73 = tpu.memref_squeeze %dma_start3A_72 : memref<1x128xi32, #tpu.memory_space<vmem>> -> memref<128xi32, #tpu.memory_space<vmem>>
        %dma_start3A_74 = arith.constant 0 : i32
        %dma_start3A_75 = arith.constant 0 : i32
        %dma_start3A_76 = tpu.memref_slice %arg8[%dma_start3A_74, %dma_start3A_75] : memref<10112x128xf32, #tpu.memory_space<vmem_shared>> -> memref<10112x128xf32, #tpu.memory_space<vmem_shared>>
        tpu.enqueue_indirect_dma source(%arg7 : memref<128x128xf32, #tpu.memory_space<vmem>>) target(%dma_start3A_76 : memref<10112x128xf32, #tpu.memory_space<vmem_shared>>) offsets(%dma_start3A_73 : memref<128xi32, #tpu.memory_space<vmem>>) semaphore(%run_scoped3A : memref<!tpu.dma_semaphore, #tpu.memory_space<semaphore_mem>>) {add = true}
        %dma_wait3A_77 = arith.constant 0 : i32
        %dma_wait3A_78 = tpu.memref_slice %arg5[%add3A_56, %dma_wait3A_77] : memref<40x128xi32, #tpu.memory_space<vmem>> -> memref<1x128xi32, #tpu.memory_space<vmem>>
        %dma_wait3A_79 = tpu.memref_squeeze %dma_wait3A_78 : memref<1x128xi32, #tpu.memory_space<vmem>> -> memref<128xi32, #tpu.memory_space<vmem>>
        %dma_wait3A_80 = arith.constant 0 : i32
        %dma_wait3A_81 = arith.constant 0 : i32
        %dma_wait3A_82 = tpu.memref_slice %arg8[%dma_wait3A_80, %dma_wait3A_81] : memref<10112x128xf32, #tpu.memory_space<vmem_shared>> -> memref<10112x128xf32, #tpu.memory_space<vmem_shared>>
        tpu.wait_indirect_dma semaphore(%run_scoped3A : memref<!tpu.dma_semaphore, #tpu.memory_space<semaphore_mem>>) src(%arg7 : memref<128x128xf32, #tpu.memory_space<vmem>>) dst(%dma_wait3A_82 : memref<10112x128xf32, #tpu.memory_space<vmem_shared>>)
        tpu.yield
      }) : () -> ()
      %add3A_64 = arith.constant 2 : i32
      %add3A_65 = arith.addi %add3A_56, %add3A_64 : i32
      %lt3A_66 = arith.constant 40 : i32
      %lt3A_67 = arith.cmpi slt, %add3A_65, %lt3A_66 : i32
      %convert_element_type3A_68 = arith.extui %lt3A_67 : i1 to i32
      %cond3A_69 = arith.constant 0 : i32
      %cond3A_70 = arith.cmpi ne, %convert_element_type3A_68, %cond3A_69 : i32
      scf.if %cond3A_70 {
        %add3A_71 = arith.constant 2 : i32
        %add3A_72 = arith.addi %add3A_56, %add3A_71 : i32
        %add3A_73 = arith.addi %add3A_16, %add3A_72 : i32
        %mul3A_74 = arith.constant 128 : i32
        %mul3A_75 = arith.muli %add3A_73, %mul3A_74 : i32
        %dma_start3A_76 = arith.constant 0 : i32
        %dma_start3A_77 = tpu.memref_slice %arg3[%mul3A_75, %dma_start3A_76] : memref<163840x128xf32, #tpu.memory_space<hbm>> -> memref<128x128xf32, #tpu.memory_space<hbm>>
        %dma_start3A_78 = arith.constant 0 : i32
        %dma_start3A_79 = tpu.memref_slice %arg3[%mul3A_75, %dma_start3A_78] : memref<163840x128xf32, #tpu.memory_space<hbm>> -> memref<128x128xf32, #tpu.memory_space<hbm>>
        tpu.enqueue_dma source(%dma_start3A_79 : memref<128x128xf32, #tpu.memory_space<hbm>>) target(%arg7 : memref<128x128xf32, #tpu.memory_space<vmem>>) target_semaphore(%arg10 : memref<!tpu.dma_semaphore, #tpu.memory_space<semaphore_mem>>)
      } else {
      }
    }
    %scan3A_38 = arith.constant 20 : i32
    %barrier3A_39 = arith.constant 0 : index
    tpu.barrier barrier_id(%barrier3A_39)
    "tpu.region"() ({
      %run_scoped3A = tpu.sem_alloc : memref<!tpu.dma_semaphore, #tpu.memory_space<semaphore_mem>>
      %dma_start3A_40 = arith.constant 0 : i32
      %dma_start3A_41 = tpu.memref_slice %arg4[%arg0, %mul3A_2, %dma_start3A_40] : memref<2x10112x128xf32, #tpu.memory_space<hbm>> -> memref<1x632x128xf32, #tpu.memory_space<hbm>>
      %dma_start3A_42 = tpu.memref_squeeze %dma_start3A_41 : memref<1x632x128xf32, #tpu.memory_space<hbm>> -> memref<632x128xf32, #tpu.memory_space<hbm>>
      %dma_start3A_43 = arith.constant 0 : i32
      %dma_start3A_44 = tpu.memref_slice %arg8[%mul3A_2, %dma_start3A_43] : memref<10112x128xf32, #tpu.memory_space<vmem_shared>> -> memref<632x128xf32, #tpu.memory_space<vmem_shared>>
      tpu.enqueue_dma source(%dma_start3A_44 : memref<632x128xf32, #tpu.memory_space<vmem_shared>>) target(%dma_start3A_42 : memref<632x128xf32, #tpu.memory_space<hbm>>) target_semaphore(%run_scoped3A : memref<!tpu.dma_semaphore, #tpu.memory_space<semaphore_mem>>)
      %dma_wait3A = arith.constant 0 : i32
      %dma_wait3A_45 = tpu.memref_slice %arg4[%arg0, %mul3A_2, %dma_wait3A] : memref<2x10112x128xf32, #tpu.memory_space<hbm>> -> memref<1x632x128xf32, #tpu.memory_space<hbm>>
      %dma_wait3A_46 = tpu.memref_squeeze %dma_wait3A_45 : memref<1x632x128xf32, #tpu.memory_space<hbm>> -> memref<632x128xf32, #tpu.memory_space<hbm>>
      %dma_wait3A_47 = arith.constant 0 : i32
      %dma_wait3A_48 = tpu.memref_slice %arg8[%mul3A_2, %dma_wait3A_47] : memref<10112x128xf32, #tpu.memory_space<vmem_shared>> -> memref<632x128xf32, #tpu.memory_space<vmem_shared>>
      tpu.wait_dma2 semaphore(%run_scoped3A : memref<!tpu.dma_semaphore, #tpu.memory_space<semaphore_mem>>) src(%dma_wait3A_48 : memref<632x128xf32, #tpu.memory_space<vmem_shared>>) dst(%dma_wait3A_46 : memref<632x128xf32, #tpu.memory_space<hbm>>)
      tpu.yield
    }) : () -> ()
    return
  }
}

#map = affine_map<(d0, d1) -> (0, 0)>
#map1 = affine_map<(d0, d1) -> (0, 0, 0)>
module attributes {stable_mosaic.version = 14 : i64} {
  func.func @k(%arg0: i32, %arg1: i32, %arg2: memref<2560x128xi32, #tpu.memory_space<hbm>>, %arg3: memref<163840x128xf32, #tpu.memory_space<hbm>>, %arg4: memref<2x10112x128xf32, #tpu.memory_space<hbm>>, %arg5: memref<40x128xi32, #tpu.memory_space<vmem>>, %arg6: memref<128x128xf32, #tpu.memory_space<vmem>>, %arg7: memref<128x128xf32, #tpu.memory_space<vmem>>, %arg8: memref<10112x128xf32, #tpu.memory_space<vmem_shared>>, %arg9: memref<!tpu.dma_semaphore, #tpu.memory_space<semaphore_mem>>, %arg10: memref<!tpu.dma_semaphore, #tpu.memory_space<semaphore_mem>>) attributes {dimension_semantics = [#tpu.dimension_semantics<core_parallel>, #tpu.dimension_semantics<subcore_parallel>], iteration_bounds = array<i64: 2, 16>, scalar_prefetch = 0 : i64, scratch_operands = 6 : i64, tpu.core_type = #tpu.core_type<sc_vector_subcore>, window_params = [{transform_indices = #map}, {transform_indices = #map}, {transform_indices = #map1}]} {
    %parallel_loop3A = arith.constant 0 : i32
    %parallel_loop3A_0 = arith.constant 128 : i32
    %parallel_loop3A_1 = arith.constant 1 : i32
    scf.for %parallel_loop3A_40 = %parallel_loop3A to %parallel_loop3A_0 step %parallel_loop3A_1  : i32 {
      %parallel_loop3A_41 = arith.constant 0.000000e+00 : f32
      %parallel_loop3A_42 = vector.broadcast %parallel_loop3A_41 : f32 to vector<16xf32>
      %parallel_loop3A_43 = arith.index_cast %parallel_loop3A_40 : i32 to index
      %parallel_loop3A_44 = arith.constant 0 : index
      %parallel_loop3A_45 = tpu.vector_load %arg6[%parallel_loop3A_43, %parallel_loop3A_44] {strides = array<i32>} : memref<128x128xf32, #tpu.memory_space<vmem>>, vector<1x16xf32>,
      %parallel_loop3A_46 = vector.shape_cast %parallel_loop3A_45 : vector<1x16xf32> to vector<16xf32>
      %parallel_loop3A_47 = vector.shape_cast %parallel_loop3A_42 : vector<16xf32> to vector<1x16xf32>
      tpu.vector_store %arg6[%parallel_loop3A_43, %parallel_loop3A_44], %parallel_loop3A_47 {strides = array<i32>} : memref<128x128xf32, #tpu.memory_space<vmem>>, vector<1x16xf32>,
      %parallel_loop3A_48 = arith.constant 0.000000e+00 : f32
      %parallel_loop3A_49 = vector.broadcast %parallel_loop3A_48 : f32 to vector<16xf32>
      %parallel_loop3A_50 = arith.index_cast %parallel_loop3A_40 : i32 to index
      %parallel_loop3A_51 = arith.constant 16 : index
      %parallel_loop3A_52 = tpu.vector_load %arg6[%parallel_loop3A_50, %parallel_loop3A_51] {strides = array<i32>} : memref<128x128xf32, #tpu.memory_space<vmem>>, vector<1x16xf32>,
      %parallel_loop3A_53 = vector.shape_cast %parallel_loop3A_52 : vector<1x16xf32> to vector<16xf32>
      %parallel_loop3A_54 = vector.shape_cast %parallel_loop3A_49 : vector<16xf32> to vector<1x16xf32>
      tpu.vector_store %arg6[%parallel_loop3A_50, %parallel_loop3A_51], %parallel_loop3A_54 {strides = array<i32>} : memref<128x128xf32, #tpu.memory_space<vmem>>, vector<1x16xf32>,
      %parallel_loop3A_55 = arith.constant 0.000000e+00 : f32
      %parallel_loop3A_56 = vector.broadcast %parallel_loop3A_55 : f32 to vector<16xf32>
      %parallel_loop3A_57 = arith.index_cast %parallel_loop3A_40 : i32 to index
      %parallel_loop3A_58 = arith.constant 32 : index
      %parallel_loop3A_59 = tpu.vector_load %arg6[%parallel_loop3A_57, %parallel_loop3A_58] {strides = array<i32>} : memref<128x128xf32, #tpu.memory_space<vmem>>, vector<1x16xf32>,
      %parallel_loop3A_60 = vector.shape_cast %parallel_loop3A_59 : vector<1x16xf32> to vector<16xf32>
      %parallel_loop3A_61 = vector.shape_cast %parallel_loop3A_56 : vector<16xf32> to vector<1x16xf32>
      tpu.vector_store %arg6[%parallel_loop3A_57, %parallel_loop3A_58], %parallel_loop3A_61 {strides = array<i32>} : memref<128x128xf32, #tpu.memory_space<vmem>>, vector<1x16xf32>,
      %parallel_loop3A_62 = arith.constant 0.000000e+00 : f32
      %parallel_loop3A_63 = vector.broadcast %parallel_loop3A_62 : f32 to vector<16xf32>
      %parallel_loop3A_64 = arith.index_cast %parallel_loop3A_40 : i32 to index
      %parallel_loop3A_65 = arith.constant 48 : index
      %parallel_loop3A_66 = tpu.vector_load %arg6[%parallel_loop3A_64, %parallel_loop3A_65] {strides = array<i32>} : memref<128x128xf32, #tpu.memory_space<vmem>>, vector<1x16xf32>,
      %parallel_loop3A_67 = vector.shape_cast %parallel_loop3A_66 : vector<1x16xf32> to vector<16xf32>
      %parallel_loop3A_68 = vector.shape_cast %parallel_loop3A_63 : vector<16xf32> to vector<1x16xf32>
      tpu.vector_store %arg6[%parallel_loop3A_64, %parallel_loop3A_65], %parallel_loop3A_68 {strides = array<i32>} : memref<128x128xf32, #tpu.memory_space<vmem>>, vector<1x16xf32>,
      %parallel_loop3A_69 = arith.constant 0.000000e+00 : f32
      %parallel_loop3A_70 = vector.broadcast %parallel_loop3A_69 : f32 to vector<16xf32>
      %parallel_loop3A_71 = arith.index_cast %parallel_loop3A_40 : i32 to index
      %parallel_loop3A_72 = arith.constant 64 : index
      %parallel_loop3A_73 = tpu.vector_load %arg6[%parallel_loop3A_71, %parallel_loop3A_72] {strides = array<i32>} : memref<128x128xf32, #tpu.memory_space<vmem>>, vector<1x16xf32>,
      %parallel_loop3A_74 = vector.shape_cast %parallel_loop3A_73 : vector<1x16xf32> to vector<16xf32>
      %parallel_loop3A_75 = vector.shape_cast %parallel_loop3A_70 : vector<16xf32> to vector<1x16xf32>
      tpu.vector_store %arg6[%parallel_loop3A_71, %parallel_loop3A_72], %parallel_loop3A_75 {strides = array<i32>} : memref<128x128xf32, #tpu.memory_space<vmem>>, vector<1x16xf32>,
      %parallel_loop3A_76 = arith.constant 0.000000e+00 : f32
      %parallel_loop3A_77 = vector.broadcast %parallel_loop3A_76 : f32 to vector<16xf32>
      %parallel_loop3A_78 = arith.index_cast %parallel_loop3A_40 : i32 to index
      %parallel_loop3A_79 = arith.constant 80 : index
      %parallel_loop3A_80 = tpu.vector_load %arg6[%parallel_loop3A_78, %parallel_loop3A_79] {strides = array<i32>} : memref<128x128xf32, #tpu.memory_space<vmem>>, vector<1x16xf32>,
      %parallel_loop3A_81 = vector.shape_cast %parallel_loop3A_80 : vector<1x16xf32> to vector<16xf32>
      %parallel_loop3A_82 = vector.shape_cast %parallel_loop3A_77 : vector<16xf32> to vector<1x16xf32>
      tpu.vector_store %arg6[%parallel_loop3A_78, %parallel_loop3A_79], %parallel_loop3A_82 {strides = array<i32>} : memref<128x128xf32, #tpu.memory_space<vmem>>, vector<1x16xf32>,
      %parallel_loop3A_83 = arith.constant 0.000000e+00 : f32
      %parallel_loop3A_84 = vector.broadcast %parallel_loop3A_83 : f32 to vector<16xf32>
      %parallel_loop3A_85 = arith.index_cast %parallel_loop3A_40 : i32 to index
      %parallel_loop3A_86 = arith.constant 96 : index
      %parallel_loop3A_87 = tpu.vector_load %arg6[%parallel_loop3A_85, %parallel_loop3A_86] {strides = array<i32>} : memref<128x128xf32, #tpu.memory_space<vmem>>, vector<1x16xf32>,
      %parallel_loop3A_88 = vector.shape_cast %parallel_loop3A_87 : vector<1x16xf32> to vector<16xf32>
      %parallel_loop3A_89 = vector.shape_cast %parallel_loop3A_84 : vector<16xf32> to vector<1x16xf32>
      tpu.vector_store %arg6[%parallel_loop3A_85, %parallel_loop3A_86], %parallel_loop3A_89 {strides = array<i32>} : memref<128x128xf32, #tpu.memory_space<vmem>>, vector<1x16xf32>,
      %parallel_loop3A_90 = arith.constant 0.000000e+00 : f32
      %parallel_loop3A_91 = vector.broadcast %parallel_loop3A_90 : f32 to vector<16xf32>
      %parallel_loop3A_92 = arith.index_cast %parallel_loop3A_40 : i32 to index
      %parallel_loop3A_93 = arith.constant 112 : index
      %parallel_loop3A_94 = tpu.vector_load %arg6[%parallel_loop3A_92, %parallel_loop3A_93] {strides = array<i32>} : memref<128x128xf32, #tpu.memory_space<vmem>>, vector<1x16xf32>,
      %parallel_loop3A_95 = vector.shape_cast %parallel_loop3A_94 : vector<1x16xf32> to vector<16xf32>
      %parallel_loop3A_96 = vector.shape_cast %parallel_loop3A_91 : vector<16xf32> to vector<1x16xf32>
      tpu.vector_store %arg6[%parallel_loop3A_92, %parallel_loop3A_93], %parallel_loop3A_96 {strides = array<i32>} : memref<128x128xf32, #tpu.memory_space<vmem>>, vector<1x16xf32>,
    } {sc.loop_unroll_factor = 1 : i64, sc.parallel_access}
    %mul3A = arith.constant 632 : i32
    %mul3A_2 = arith.muli %arg1, %mul3A : i32
    %add3A = arith.constant 0 : i32
    %add3A_3 = arith.addi %mul3A_2, %add3A : i32
    "tpu.region"() ({
      %run_scoped3A = tpu.sem_alloc : memref<!tpu.dma_semaphore, #tpu.memory_space<semaphore_mem>>
      %dma_start3A_40 = arith.constant 0 : i32
      %dma_start3A_41 = tpu.memref_slice %arg8[%add3A_3, %dma_start3A_40] : memref<10112x128xf32, #tpu.memory_space<vmem_shared>> -> memref<128x128xf32, #tpu.memory_space<vmem_shared>>
      %dma_start3A_42 = arith.constant 0 : i32
      %dma_start3A_43 = tpu.memref_slice %arg8[%add3A_3, %dma_start3A_42] : memref<10112x128xf32, #tpu.memory_space<vmem_shared>> -> memref<128x128xf32, #tpu.memory_space<vmem_shared>>
      tpu.enqueue_dma source(%arg6 : memref<128x128xf32, #tpu.memory_space<vmem>>) target(%dma_start3A_43 : memref<128x128xf32, #tpu.memory_space<vmem_shared>>) target_semaphore(%run_scoped3A : memref<!tpu.dma_semaphore, #tpu.memory_space<semaphore_mem>>)
      %dma_wait3A = arith.constant 0 : i32
      %dma_wait3A_44 = tpu.memref_slice %arg8[%add3A_3, %dma_wait3A] : memref<10112x128xf32, #tpu.memory_space<vmem_shared>> -> memref<128x128xf32, #tpu.memory_space<vmem_shared>>
      %dma_wait3A_45 = arith.constant 0 : i32
      %dma_wait3A_46 = tpu.memref_slice %arg8[%add3A_3, %dma_wait3A_45] : memref<10112x128xf32, #tpu.memory_space<vmem_shared>> -> memref<128x128xf32, #tpu.memory_space<vmem_shared>>
      tpu.wait_dma2 semaphore(%run_scoped3A : memref<!tpu.dma_semaphore, #tpu.memory_space<semaphore_mem>>) src(%arg6 : memref<128x128xf32, #tpu.memory_space<vmem>>) dst(%dma_wait3A_46 : memref<128x128xf32, #tpu.memory_space<vmem_shared>>)
      tpu.yield
    }) : () -> ()
    %add3A_4 = arith.constant 128 : i32
    %add3A_5 = arith.addi %mul3A_2, %add3A_4 : i32
    "tpu.region"() ({
      %run_scoped3A = tpu.sem_alloc : memref<!tpu.dma_semaphore, #tpu.memory_space<semaphore_mem>>
      %dma_start3A_40 = arith.constant 0 : i32
      %dma_start3A_41 = tpu.memref_slice %arg8[%add3A_5, %dma_start3A_40] : memref<10112x128xf32, #tpu.memory_space<vmem_shared>> -> memref<128x128xf32, #tpu.memory_space<vmem_shared>>
      %dma_start3A_42 = arith.constant 0 : i32
      %dma_start3A_43 = tpu.memref_slice %arg8[%add3A_5, %dma_start3A_42] : memref<10112x128xf32, #tpu.memory_space<vmem_shared>> -> memref<128x128xf32, #tpu.memory_space<vmem_shared>>
      tpu.enqueue_dma source(%arg6 : memref<128x128xf32, #tpu.memory_space<vmem>>) target(%dma_start3A_43 : memref<128x128xf32, #tpu.memory_space<vmem_shared>>) target_semaphore(%run_scoped3A : memref<!tpu.dma_semaphore, #tpu.memory_space<semaphore_mem>>)
      %dma_wait3A = arith.constant 0 : i32
      %dma_wait3A_44 = tpu.memref_slice %arg8[%add3A_5, %dma_wait3A] : memref<10112x128xf32, #tpu.memory_space<vmem_shared>> -> memref<128x128xf32, #tpu.memory_space<vmem_shared>>
      %dma_wait3A_45 = arith.constant 0 : i32
      %dma_wait3A_46 = tpu.memref_slice %arg8[%add3A_5, %dma_wait3A_45] : memref<10112x128xf32, #tpu.memory_space<vmem_shared>> -> memref<128x128xf32, #tpu.memory_space<vmem_shared>>
      tpu.wait_dma2 semaphore(%run_scoped3A : memref<!tpu.dma_semaphore, #tpu.memory_space<semaphore_mem>>) src(%arg6 : memref<128x128xf32, #tpu.memory_space<vmem>>) dst(%dma_wait3A_46 : memref<128x128xf32, #tpu.memory_space<vmem_shared>>)
      tpu.yield
    }) : () -> ()
    %add3A_6 = arith.constant 256 : i32
    %add3A_7 = arith.addi %mul3A_2, %add3A_6 : i32
    "tpu.region"() ({
      %run_scoped3A = tpu.sem_alloc : memref<!tpu.dma_semaphore, #tpu.memory_space<semaphore_mem>>
      %dma_start3A_40 = arith.constant 0 : i32
      %dma_start3A_41 = tpu.memref_slice %arg8[%add3A_7, %dma_start3A_40] : memref<10112x128xf32, #tpu.memory_space<vmem_shared>> -> memref<128x128xf32, #tpu.memory_space<vmem_shared>>
      %dma_start3A_42 = arith.constant 0 : i32
      %dma_start3A_43 = tpu.memref_slice %arg8[%add3A_7, %dma_start3A_42] : memref<10112x128xf32, #tpu.memory_space<vmem_shared>> -> memref<128x128xf32, #tpu.memory_space<vmem_shared>>
      tpu.enqueue_dma source(%arg6 : memref<128x128xf32, #tpu.memory_space<vmem>>) target(%dma_start3A_43 : memref<128x128xf32, #tpu.memory_space<vmem_shared>>) target_semaphore(%run_scoped3A : memref<!tpu.dma_semaphore, #tpu.memory_space<semaphore_mem>>)
      %dma_wait3A = arith.constant 0 : i32
      %dma_wait3A_44 = tpu.memref_slice %arg8[%add3A_7, %dma_wait3A] : memref<10112x128xf32, #tpu.memory_space<vmem_shared>> -> memref<128x128xf32, #tpu.memory_space<vmem_shared>>
      %dma_wait3A_45 = arith.constant 0 : i32
      %dma_wait3A_46 = tpu.memref_slice %arg8[%add3A_7, %dma_wait3A_45] : memref<10112x128xf32, #tpu.memory_space<vmem_shared>> -> memref<128x128xf32, #tpu.memory_space<vmem_shared>>
      tpu.wait_dma2 semaphore(%run_scoped3A : memref<!tpu.dma_semaphore, #tpu.memory_space<semaphore_mem>>) src(%arg6 : memref<128x128xf32, #tpu.memory_space<vmem>>) dst(%dma_wait3A_46 : memref<128x128xf32, #tpu.memory_space<vmem_shared>>)
      tpu.yield
    }) : () -> ()
    %add3A_8 = arith.constant 384 : i32
    %add3A_9 = arith.addi %mul3A_2, %add3A_8 : i32
    "tpu.region"() ({
      %run_scoped3A = tpu.sem_alloc : memref<!tpu.dma_semaphore, #tpu.memory_space<semaphore_mem>>
      %dma_start3A_40 = arith.constant 0 : i32
      %dma_start3A_41 = tpu.memref_slice %arg8[%add3A_9, %dma_start3A_40] : memref<10112x128xf32, #tpu.memory_space<vmem_shared>> -> memref<128x128xf32, #tpu.memory_space<vmem_shared>>
      %dma_start3A_42 = arith.constant 0 : i32
      %dma_start3A_43 = tpu.memref_slice %arg8[%add3A_9, %dma_start3A_42] : memref<10112x128xf32, #tpu.memory_space<vmem_shared>> -> memref<128x128xf32, #tpu.memory_space<vmem_shared>>
      tpu.enqueue_dma source(%arg6 : memref<128x128xf32, #tpu.memory_space<vmem>>) target(%dma_start3A_43 : memref<128x128xf32, #tpu.memory_space<vmem_shared>>) target_semaphore(%run_scoped3A : memref<!tpu.dma_semaphore, #tpu.memory_space<semaphore_mem>>)
      %dma_wait3A = arith.constant 0 : i32
      %dma_wait3A_44 = tpu.memref_slice %arg8[%add3A_9, %dma_wait3A] : memref<10112x128xf32, #tpu.memory_space<vmem_shared>> -> memref<128x128xf32, #tpu.memory_space<vmem_shared>>
      %dma_wait3A_45 = arith.constant 0 : i32
      %dma_wait3A_46 = tpu.memref_slice %arg8[%add3A_9, %dma_wait3A_45] : memref<10112x128xf32, #tpu.memory_space<vmem_shared>> -> memref<128x128xf32, #tpu.memory_space<vmem_shared>>
      tpu.wait_dma2 semaphore(%run_scoped3A : memref<!tpu.dma_semaphore, #tpu.memory_space<semaphore_mem>>) src(%arg6 : memref<128x128xf32, #tpu.memory_space<vmem>>) dst(%dma_wait3A_46 : memref<128x128xf32, #tpu.memory_space<vmem_shared>>)
      tpu.yield
    }) : () -> ()
    %add3A_10 = arith.constant 512 : i32
    %add3A_11 = arith.addi %mul3A_2, %add3A_10 : i32
    "tpu.region"() ({
      %run_scoped3A = tpu.sem_alloc : memref<!tpu.dma_semaphore, #tpu.memory_space<semaphore_mem>>
      %dma_start3A_40 = arith.constant 0 : i32
      %dma_start3A_41 = arith.constant 0 : i32
      %dma_start3A_42 = tpu.memref_slice %arg6[%dma_start3A_40, %dma_start3A_41] : memref<128x128xf32, #tpu.memory_space<vmem>> -> memref<120x128xf32, #tpu.memory_space<vmem>>
      %dma_start3A_43 = arith.constant 0 : i32
      %dma_start3A_44 = tpu.memref_slice %arg8[%add3A_11, %dma_start3A_43] : memref<10112x128xf32, #tpu.memory_space<vmem_shared>> -> memref<120x128xf32, #tpu.memory_space<vmem_shared>>
      %dma_start3A_45 = arith.constant 0 : i32
      %dma_start3A_46 = tpu.memref_slice %arg8[%add3A_11, %dma_start3A_45] : memref<10112x128xf32, #tpu.memory_space<vmem_shared>> -> memref<120x128xf32, #tpu.memory_space<vmem_shared>>
      %dma_start3A_47 = arith.constant 0 : i32
      %dma_start3A_48 = arith.constant 0 : i32
      %dma_start3A_49 = tpu.memref_slice %arg6[%dma_start3A_47, %dma_start3A_48] : memref<128x128xf32, #tpu.memory_space<vmem>> -> memref<120x128xf32, #tpu.memory_space<vmem>>
      tpu.enqueue_dma source(%dma_start3A_49 : memref<120x128xf32, #tpu.memory_space<vmem>>) target(%dma_start3A_46 : memref<120x128xf32, #tpu.memory_space<vmem_shared>>) target_semaphore(%run_scoped3A : memref<!tpu.dma_semaphore, #tpu.memory_space<semaphore_mem>>)
      %dma_wait3A = arith.constant 0 : i32
      %dma_wait3A_50 = arith.constant 0 : i32
      %dma_wait3A_51 = tpu.memref_slice %arg6[%dma_wait3A, %dma_wait3A_50] : memref<128x128xf32, #tpu.memory_space<vmem>> -> memref<120x128xf32, #tpu.memory_space<vmem>>
      %dma_wait3A_52 = arith.constant 0 : i32
      %dma_wait3A_53 = tpu.memref_slice %arg8[%add3A_11, %dma_wait3A_52] : memref<10112x128xf32, #tpu.memory_space<vmem_shared>> -> memref<120x128xf32, #tpu.memory_space<vmem_shared>>
      %dma_wait3A_54 = arith.constant 0 : i32
      %dma_wait3A_55 = tpu.memref_slice %arg8[%add3A_11, %dma_wait3A_54] : memref<10112x128xf32, #tpu.memory_space<vmem_shared>> -> memref<120x128xf32, #tpu.memory_space<vmem_shared>>
      %dma_wait3A_56 = arith.constant 0 : i32
      %dma_wait3A_57 = arith.constant 0 : i32
      %dma_wait3A_58 = tpu.memref_slice %arg6[%dma_wait3A_56, %dma_wait3A_57] : memref<128x128xf32, #tpu.memory_space<vmem>> -> memref<120x128xf32, #tpu.memory_space<vmem>>
      tpu.wait_dma2 semaphore(%run_scoped3A : memref<!tpu.dma_semaphore, #tpu.memory_space<semaphore_mem>>) src(%dma_wait3A_58 : memref<120x128xf32, #tpu.memory_space<vmem>>) dst(%dma_wait3A_55 : memref<120x128xf32, #tpu.memory_space<vmem_shared>>)
      tpu.yield
    }) : () -> ()
    %barrier3A = arith.constant 0 : index
    tpu.barrier barrier_id(%barrier3A)
    %mul3A_12 = arith.constant 640 : i32
    %mul3A_13 = arith.muli %arg0, %mul3A_12 : i32
    %mul3A_14 = arith.constant 40 : i32
    %mul3A_15 = arith.muli %arg1, %mul3A_14 : i32
    %add3A_16 = arith.addi %mul3A_13, %mul3A_15 : i32
    %add3A_17 = arith.constant 0 : i32
    %add3A_18 = arith.addi %add3A_17, %add3A_16 : i32
    "tpu.region"() ({
      %run_scoped3A = tpu.sem_alloc : memref<!tpu.dma_semaphore, #tpu.memory_space<semaphore_mem>>
      %dma_start3A_40 = arith.constant 0 : i32
      %dma_start3A_41 = tpu.memref_slice %arg2[%add3A_18, %dma_start3A_40] : memref<2560x128xi32, #tpu.memory_space<hbm>> -> memref<40x128xi32, #tpu.memory_space<hbm>>
      %dma_start3A_42 = arith.constant 0 : i32
      %dma_start3A_43 = tpu.memref_slice %arg2[%add3A_18, %dma_start3A_42] : memref<2560x128xi32, #tpu.memory_space<hbm>> -> memref<40x128xi32, #tpu.memory_space<hbm>>
      tpu.enqueue_dma source(%dma_start3A_43 : memref<40x128xi32, #tpu.memory_space<hbm>>) target(%arg5 : memref<40x128xi32, #tpu.memory_space<vmem>>) target_semaphore(%run_scoped3A : memref<!tpu.dma_semaphore, #tpu.memory_space<semaphore_mem>>)
      %dma_wait3A = arith.constant 0 : i32
      %dma_wait3A_44 = tpu.memref_slice %arg2[%add3A_18, %dma_wait3A] : memref<2560x128xi32, #tpu.memory_space<hbm>> -> memref<40x128xi32, #tpu.memory_space<hbm>>
      %dma_wait3A_45 = arith.constant 0 : i32
      %dma_wait3A_46 = tpu.memref_slice %arg2[%add3A_18, %dma_wait3A_45] : memref<2560x128xi32, #tpu.memory_space<hbm>> -> memref<40x128xi32, #tpu.memory_space<hbm>>
      tpu.wait_dma2 semaphore(%run_scoped3A : memref<!tpu.dma_semaphore, #tpu.memory_space<semaphore_mem>>) src(%dma_wait3A_46 : memref<40x128xi32, #tpu.memory_space<hbm>>) dst(%arg5 : memref<40x128xi32, #tpu.memory_space<vmem>>)
      tpu.yield
    }) : () -> ()
    %add3A_19 = arith.constant 0 : i32
    %add3A_20 = arith.addi %add3A_16, %add3A_19 : i32
    %mul3A_21 = arith.constant 128 : i32
    %mul3A_22 = arith.muli %add3A_20, %mul3A_21 : i32
    %dma_start3A = arith.constant 0 : i32
    %dma_start3A_23 = tpu.memref_slice %arg3[%mul3A_22, %dma_start3A] : memref<163840x128xf32, #tpu.memory_space<hbm>> -> memref<128x128xf32, #tpu.memory_space<hbm>>
    %dma_start3A_24 = arith.constant 0 : i32
    %dma_start3A_25 = tpu.memref_slice %arg3[%mul3A_22, %dma_start3A_24] : memref<163840x128xf32, #tpu.memory_space<hbm>> -> memref<128x128xf32, #tpu.memory_space<hbm>>
    tpu.enqueue_dma source(%dma_start3A_25 : memref<128x128xf32, #tpu.memory_space<hbm>>) target(%arg6 : memref<128x128xf32, #tpu.memory_space<vmem>>) target_semaphore(%arg9 : memref<!tpu.dma_semaphore, #tpu.memory_space<semaphore_mem>>)
    %add3A_26 = arith.constant 1 : i32
    %add3A_27 = arith.addi %add3A_16, %add3A_26 : i32
    %mul3A_28 = arith.constant 128 : i32
    %mul3A_29 = arith.muli %add3A_27, %mul3A_28 : i32
    %dma_start3A_30 = arith.constant 0 : i32
    %dma_start3A_31 = tpu.memref_slice %arg3[%mul3A_29, %dma_start3A_30] : memref<163840x128xf32, #tpu.memory_space<hbm>> -> memref<128x128xf32, #tpu.memory_space<hbm>>
    %dma_start3A_32 = arith.constant 0 : i32
    %dma_start3A_33 = tpu.memref_slice %arg3[%mul3A_29, %dma_start3A_32] : memref<163840x128xf32, #tpu.memory_space<hbm>> -> memref<128x128xf32, #tpu.memory_space<hbm>>
    tpu.enqueue_dma source(%dma_start3A_33 : memref<128x128xf32, #tpu.memory_space<hbm>>) target(%arg7 : memref<128x128xf32, #tpu.memory_space<vmem>>) target_semaphore(%arg10 : memref<!tpu.dma_semaphore, #tpu.memory_space<semaphore_mem>>)
    %scan3A = arith.constant 0 : i32
    %scan3A_34 = arith.constant 0 : i32
    %scan3A_35 = arith.constant 20 : i32
    %scan3A_36 = arith.addi %scan3A_34, %scan3A_35 : i32
    %scan3A_37 = arith.constant 1 : i32
    scf.for %scan3A_40 = %scan3A_34 to %scan3A_36 step %scan3A_37  : i32 {
      %mul3A_41 = arith.constant 2 : i32
      %mul3A_42 = arith.muli %mul3A_41, %scan3A_40 : i32
      %add3A_43 = arith.addi %add3A_16, %mul3A_42 : i32
      %mul3A_44 = arith.constant 128 : i32
      %mul3A_45 = arith.muli %add3A_43, %mul3A_44 : i32
      %dma_wait3A = arith.constant 0 : i32
      %dma_wait3A_46 = tpu.memref_slice %arg3[%mul3A_45, %dma_wait3A] : memref<163840x128xf32, #tpu.memory_space<hbm>> -> memref<128x128xf32, #tpu.memory_space<hbm>>
      %dma_wait3A_47 = arith.constant 0 : i32
      %dma_wait3A_48 = tpu.memref_slice %arg3[%mul3A_45, %dma_wait3A_47] : memref<163840x128xf32, #tpu.memory_space<hbm>> -> memref<128x128xf32, #tpu.memory_space<hbm>>
      tpu.wait_dma2 semaphore(%arg9 : memref<!tpu.dma_semaphore, #tpu.memory_space<semaphore_mem>>) src(%dma_wait3A_48 : memref<128x128xf32, #tpu.memory_space<hbm>>) dst(%arg6 : memref<128x128xf32, #tpu.memory_space<vmem>>)
      "tpu.region"() ({
        %run_scoped3A = tpu.sem_alloc : memref<!tpu.dma_semaphore, #tpu.memory_space<semaphore_mem>>
        %dma_start3A_71 = arith.constant 0 : i32
        %dma_start3A_72 = tpu.memref_slice %arg5[%mul3A_42, %dma_start3A_71] : memref<40x128xi32, #tpu.memory_space<vmem>> -> memref<1x128xi32, #tpu.memory_space<vmem>>
        %dma_start3A_73 = tpu.memref_squeeze %dma_start3A_72 : memref<1x128xi32, #tpu.memory_space<vmem>> -> memref<128xi32, #tpu.memory_space<vmem>>
        %dma_start3A_74 = arith.constant 0 : i32
        %dma_start3A_75 = arith.constant 0 : i32
        %dma_start3A_76 = tpu.memref_slice %arg8[%dma_start3A_74, %dma_start3A_75] : memref<10112x128xf32, #tpu.memory_space<vmem_shared>> -> memref<10112x128xf32, #tpu.memory_space<vmem_shared>>
        tpu.enqueue_indirect_dma source(%arg6 : memref<128x128xf32, #tpu.memory_space<vmem>>) target(%dma_start3A_76 : memref<10112x128xf32, #tpu.memory_space<vmem_shared>>) offsets(%dma_start3A_73 : memref<128xi32, #tpu.memory_space<vmem>>) semaphore(%run_scoped3A : memref<!tpu.dma_semaphore, #tpu.memory_space<semaphore_mem>>) {add = true}
        %dma_wait3A_77 = arith.constant 0 : i32
        %dma_wait3A_78 = tpu.memref_slice %arg5[%mul3A_42, %dma_wait3A_77] : memref<40x128xi32, #tpu.memory_space<vmem>> -> memref<1x128xi32, #tpu.memory_space<vmem>>
        %dma_wait3A_79 = tpu.memref_squeeze %dma_wait3A_78 : memref<1x128xi32, #tpu.memory_space<vmem>> -> memref<128xi32, #tpu.memory_space<vmem>>
        %dma_wait3A_80 = arith.constant 0 : i32
        %dma_wait3A_81 = arith.constant 0 : i32
        %dma_wait3A_82 = tpu.memref_slice %arg8[%dma_wait3A_80, %dma_wait3A_81] : memref<10112x128xf32, #tpu.memory_space<vmem_shared>> -> memref<10112x128xf32, #tpu.memory_space<vmem_shared>>
        tpu.wait_indirect_dma semaphore(%run_scoped3A : memref<!tpu.dma_semaphore, #tpu.memory_space<semaphore_mem>>) src(%arg6 : memref<128x128xf32, #tpu.memory_space<vmem>>) dst(%dma_wait3A_82 : memref<10112x128xf32, #tpu.memory_space<vmem_shared>>)
        tpu.yield
      }) : () -> ()
      %add3A_49 = arith.constant 2 : i32
      %add3A_50 = arith.addi %mul3A_42, %add3A_49 : i32
      %lt3A = arith.constant 40 : i32
      %lt3A_51 = arith.cmpi slt, %add3A_50, %lt3A : i32
      %convert_element_type3A = arith.extui %lt3A_51 : i1 to i32
      %cond3A = arith.constant 0 : i32
      %cond3A_52 = arith.cmpi ne, %convert_element_type3A, %cond3A : i32
      scf.if %cond3A_52 {
        %add3A_71 = arith.constant 2 : i32
        %add3A_72 = arith.addi %mul3A_42, %add3A_71 : i32
        %add3A_73 = arith.addi %add3A_16, %add3A_72 : i32
        %mul3A_74 = arith.constant 128 : i32
        %mul3A_75 = arith.muli %add3A_73, %mul3A_74 : i32
        %dma_start3A_76 = arith.constant 0 : i32
        %dma_start3A_77 = tpu.memref_slice %arg3[%mul3A_75, %dma_start3A_76] : memref<163840x128xf32, #tpu.memory_space<hbm>> -> memref<128x128xf32, #tpu.memory_space<hbm>>
        %dma_start3A_78 = arith.constant 0 : i32
        %dma_start3A_79 = tpu.memref_slice %arg3[%mul3A_75, %dma_start3A_78] : memref<163840x128xf32, #tpu.memory_space<hbm>> -> memref<128x128xf32, #tpu.memory_space<hbm>>
        tpu.enqueue_dma source(%dma_start3A_79 : memref<128x128xf32, #tpu.memory_space<hbm>>) target(%arg6 : memref<128x128xf32, #tpu.memory_space<vmem>>) target_semaphore(%arg9 : memref<!tpu.dma_semaphore, #tpu.memory_space<semaphore_mem>>)
      } else {
      }
      %mul3A_53 = arith.constant 2 : i32
      %mul3A_54 = arith.muli %mul3A_53, %scan3A_40 : i32
      %add3A_55 = arith.constant 1 : i32
      %add3A_56 = arith.addi %mul3A_54, %add3A_55 : i32
      %add3A_57 = arith.addi %add3A_16, %add3A_56 : i32
      %mul3A_58 = arith.constant 128 : i32
      %mul3A_59 = arith.muli %add3A_57, %mul3A_58 : i32
      %dma_wait3A_60 = arith.constant 0 : i32
      %dma_wait3A_61 = tpu.memref_slice %arg3[%mul3A_59, %dma_wait3A_60] : memref<163840x128xf32, #tpu.memory_space<hbm>> -> memref<128x128xf32, #tpu.memory_space<hbm>>
      %dma_wait3A_62 = arith.constant 0 : i32
      %dma_wait3A_63 = tpu.memref_slice %arg3[%mul3A_59, %dma_wait3A_62] : memref<163840x128xf32, #tpu.memory_space<hbm>> -> memref<128x128xf32, #tpu.memory_space<hbm>>
      tpu.wait_dma2 semaphore(%arg10 : memref<!tpu.dma_semaphore, #tpu.memory_space<semaphore_mem>>) src(%dma_wait3A_63 : memref<128x128xf32, #tpu.memory_space<hbm>>) dst(%arg7 : memref<128x128xf32, #tpu.memory_space<vmem>>)
      "tpu.region"() ({
        %run_scoped3A = tpu.sem_alloc : memref<!tpu.dma_semaphore, #tpu.memory_space<semaphore_mem>>
        %dma_start3A_71 = arith.constant 0 : i32
        %dma_start3A_72 = tpu.memref_slice %arg5[%add3A_56, %dma_start3A_71] : memref<40x128xi32, #tpu.memory_space<vmem>> -> memref<1x128xi32, #tpu.memory_space<vmem>>
        %dma_start3A_73 = tpu.memref_squeeze %dma_start3A_72 : memref<1x128xi32, #tpu.memory_space<vmem>> -> memref<128xi32, #tpu.memory_space<vmem>>
        %dma_start3A_74 = arith.constant 0 : i32
        %dma_start3A_75 = arith.constant 0 : i32
        %dma_start3A_76 = tpu.memref_slice %arg8[%dma_start3A_74, %dma_start3A_75] : memref<10112x128xf32, #tpu.memory_space<vmem_shared>> -> memref<10112x128xf32, #tpu.memory_space<vmem_shared>>
        tpu.enqueue_indirect_dma source(%arg7 : memref<128x128xf32, #tpu.memory_space<vmem>>) target(%dma_start3A_76 : memref<10112x128xf32, #tpu.memory_space<vmem_shared>>) offsets(%dma_start3A_73 : memref<128xi32, #tpu.memory_space<vmem>>) semaphore(%run_scoped3A : memref<!tpu.dma_semaphore, #tpu.memory_space<semaphore_mem>>) {add = true}
        %dma_wait3A_77 = arith.constant 0 : i32
        %dma_wait3A_78 = tpu.memref_slice %arg5[%add3A_56, %dma_wait3A_77] : memref<40x128xi32, #tpu.memory_space<vmem>> -> memref<1x128xi32, #tpu.memory_space<vmem>>
        %dma_wait3A_79 = tpu.memref_squeeze %dma_wait3A_78 : memref<1x128xi32, #tpu.memory_space<vmem>> -> memref<128xi32, #tpu.memory_space<vmem>>
        %dma_wait3A_80 = arith.constant 0 : i32
        %dma_wait3A_81 = arith.constant 0 : i32
        %dma_wait3A_82 = tpu.memref_slice %arg8[%dma_wait3A_80, %dma_wait3A_81] : memref<10112x128xf32, #tpu.memory_space<vmem_shared>> -> memref<10112x128xf32, #tpu.memory_space<vmem_shared>>
        tpu.wait_indirect_dma semaphore(%run_scoped3A : memref<!tpu.dma_semaphore, #tpu.memory_space<semaphore_mem>>) src(%arg7 : memref<128x128xf32, #tpu.memory_space<vmem>>) dst(%dma_wait3A_82 : memref<10112x128xf32, #tpu.memory_space<vmem_shared>>)
        tpu.yield
      }) : () -> ()
      %add3A_64 = arith.constant 2 : i32
      %add3A_65 = arith.addi %add3A_56, %add3A_64 : i32
      %lt3A_66 = arith.constant 40 : i32
      %lt3A_67 = arith.cmpi slt, %add3A_65, %lt3A_66 : i32
      %convert_element_type3A_68 = arith.extui %lt3A_67 : i1 to i32
      %cond3A_69 = arith.constant 0 : i32
      %cond3A_70 = arith.cmpi ne, %convert_element_type3A_68, %cond3A_69 : i32
      scf.if %cond3A_70 {
        %add3A_71 = arith.constant 2 : i32
        %add3A_72 = arith.addi %add3A_56, %add3A_71 : i32
        %add3A_73 = arith.addi %add3A_16, %add3A_72 : i32
        %mul3A_74 = arith.constant 128 : i32
        %mul3A_75 = arith.muli %add3A_73, %mul3A_74 : i32
        %dma_start3A_76 = arith.constant 0 : i32
        %dma_start3A_77 = tpu.memref_slice %arg3[%mul3A_75, %dma_start3A_76] : memref<163840x128xf32, #tpu.memory_space<hbm>> -> memref<128x128xf32, #tpu.memory_space<hbm>>
        %dma_start3A_78 = arith.constant 0 : i32
        %dma_start3A_79 = tpu.memref_slice %arg3[%mul3A_75, %dma_start3A_78] : memref<163840x128xf32, #tpu.memory_space<hbm>> -> memref<128x128xf32, #tpu.memory_space<hbm>>
        tpu.enqueue_dma source(%dma_start3A_79 : memref<128x128xf32, #tpu.memory_space<hbm>>) target(%arg7 : memref<128x128xf32, #tpu.memory_space<vmem>>) target_semaphore(%arg10 : memref<!tpu.dma_semaphore, #tpu.memory_space<semaphore_mem>>)
      } else {
      }
    }
    %scan3A_38 = arith.constant 20 : i32
    %barrier3A_39 = arith.constant 0 : index
    tpu.barrier barrier_id(%barrier3A_39)
    "tpu.region"() ({
      %run_scoped3A = tpu.sem_alloc : memref<!tpu.dma_semaphore, #tpu.memory_space<semaphore_mem>>
      %dma_start3A_40 = arith.constant 0 : i32
      %dma_start3A_41 = tpu.memref_slice %arg4[%arg0, %mul3A_2, %dma_start3A_40] : memref<2x10112x128xf32, #tpu.memory_space<hbm>> -> memref<1x632x128xf32, #tpu.memory_space<hbm>>
      %dma_start3A_42 = tpu.memref_squeeze %dma_start3A_41 : memref<1x632x128xf32, #tpu.memory_space<hbm>> -> memref<632x128xf32, #tpu.memory_space<hbm>>
      %dma_start3A_43 = arith.constant 0 : i32
      %dma_start3A_44 = tpu.memref_slice %arg8[%mul3A_2, %dma_start3A_43] : memref<10112x128xf32, #tpu.memory_space<vmem_shared>> -> memref<632x128xf32, #tpu.memory_space<vmem_shared>>
      tpu.enqueue_dma source(%dma_start3A_44 : memref<632x128xf32, #tpu.memory_space<vmem_shared>>) target(%dma_start3A_42 : memref<632x128xf32, #tpu.memory_space<hbm>>) target_semaphore(%run_scoped3A : memref<!tpu.dma_semaphore, #tpu.memory_space<semaphore_mem>>)
      %dma_wait3A = arith.constant 0 : i32
      %dma_wait3A_45 = tpu.memref_slice %arg4[%arg0, %mul3A_2, %dma_wait3A] : memref<2x10112x128xf32, #tpu.memory_space<hbm>> -> memref<1x632x128xf32, #tpu.memory_space<hbm>>
      %dma_wait3A_46 = tpu.memref_squeeze %dma_wait3A_45 : memref<1x632x128xf32, #tpu.memory_space<hbm>> -> memref<632x128xf32, #tpu.memory_space<hbm>>
      %dma_wait3A_47 = arith.constant 0 : i32
      %dma_wait3A_48 = tpu.memref_slice %arg8[%mul3A_2, %dma_wait3A_47] : memref<10112x128xf32, #tpu.memory_space<vmem_shared>> -> memref<632x128xf32, #tpu.memory_space<vmem_shared>>
      tpu.wait_dma2 semaphore(%run_scoped3A : memref<!tpu.dma_semaphore, #tpu.memory_space<semaphore_mem>>) src(%dma_wait3A_48 : memref<632x128xf32, #tpu.memory_space<vmem_shared>>) dst(%dma_wait3A_46 : memref<632x128xf32, #tpu.memory_space<hbm>>)
      tpu.yield
    }) : () -> ()
    return
  }
}

#map = affine_map<(d0, d1) -> (0, 0, 0)>
module attributes {stable_mosaic.version = 14 : i64} {
  func.func @k(%arg0: i32, %arg1: i32, %arg2: memref<2x2560x128xi32, #tpu.memory_space<hbm>>, %arg3: memref<2x10000x128xf32, #tpu.memory_space<hbm>>, %arg4: memref<2x163840x128xf32, #tpu.memory_space<hbm>>, %arg5: memref<40x128xi32, #tpu.memory_space<vmem>>, %arg6: memref<128x128xf32, #tpu.memory_space<vmem>>, %arg7: memref<128x128xf32, #tpu.memory_space<vmem>>, %arg8: memref<10000x128xf32, #tpu.memory_space<vmem_shared>>, %arg9: memref<!tpu.dma_semaphore, #tpu.memory_space<semaphore_mem>>, %arg10: memref<!tpu.dma_semaphore, #tpu.memory_space<semaphore_mem>>, %arg11: memref<!tpu.dma_semaphore, #tpu.memory_space<semaphore_mem>>, %arg12: memref<!tpu.dma_semaphore, #tpu.memory_space<semaphore_mem>>) attributes {dimension_semantics = [#tpu.dimension_semantics<core_parallel>, #tpu.dimension_semantics<subcore_parallel>], iteration_bounds = array<i64: 2, 16>, scalar_prefetch = 0 : i64, scratch_operands = 8 : i64, tpu.core_type = #tpu.core_type<sc_vector_subcore>, window_params = [{transform_indices = #map}, {transform_indices = #map}, {transform_indices = #map}]} {
    %lt3A = arith.constant 15 : i32
    %lt3A_0 = arith.cmpi slt, %arg1, %lt3A : i32
    %convert_element_type3A = arith.extui %lt3A_0 : i1 to i32
    %cond3A = arith.constant 0 : i32
    %cond3A_1 = arith.cmpi ne, %convert_element_type3A, %cond3A : i32
    scf.if %cond3A_1 {
      %mul3A_58 = arith.constant 632 : i32
      %mul3A_59 = arith.muli %arg1, %mul3A_58 : i32
      %mul3A_60 = arith.constant 632 : i32
      %mul3A_61 = arith.muli %arg1, %mul3A_60 : i32
      "tpu.region"() ({
        %run_scoped3A = tpu.sem_alloc : memref<!tpu.dma_semaphore, #tpu.memory_space<semaphore_mem>>
        %dma_start3A = arith.constant 0 : i32
        %dma_start3A_62 = tpu.memref_slice %arg8[%mul3A_61, %dma_start3A] : memref<10000x128xf32, #tpu.memory_space<vmem_shared>> -> memref<632x128xf32, #tpu.memory_space<vmem_shared>>
        %dma_start3A_63 = arith.constant 0 : i32
        %dma_start3A_64 = tpu.memref_slice %arg3[%arg0, %mul3A_59, %dma_start3A_63] : memref<2x10000x128xf32, #tpu.memory_space<hbm>> -> memref<1x632x128xf32, #tpu.memory_space<hbm>>
        %dma_start3A_65 = tpu.memref_squeeze %dma_start3A_64 : memref<1x632x128xf32, #tpu.memory_space<hbm>> -> memref<632x128xf32, #tpu.memory_space<hbm>>
        tpu.enqueue_dma source(%dma_start3A_65 : memref<632x128xf32, #tpu.memory_space<hbm>>) target(%dma_start3A_62 : memref<632x128xf32, #tpu.memory_space<vmem_shared>>) target_semaphore(%run_scoped3A : memref<!tpu.dma_semaphore, #tpu.memory_space<semaphore_mem>>)
        %dma_wait3A_66 = arith.constant 0 : i32
        %dma_wait3A_67 = tpu.memref_slice %arg8[%mul3A_61, %dma_wait3A_66] : memref<10000x128xf32, #tpu.memory_space<vmem_shared>> -> memref<632x128xf32, #tpu.memory_space<vmem_shared>>
        %dma_wait3A_68 = arith.constant 0 : i32
        %dma_wait3A_69 = tpu.memref_slice %arg3[%arg0, %mul3A_59, %dma_wait3A_68] : memref<2x10000x128xf32, #tpu.memory_space<hbm>> -> memref<1x632x128xf32, #tpu.memory_space<hbm>>
        %dma_wait3A_70 = tpu.memref_squeeze %dma_wait3A_69 : memref<1x632x128xf32, #tpu.memory_space<hbm>> -> memref<632x128xf32, #tpu.memory_space<hbm>>
        tpu.wait_dma2 semaphore(%run_scoped3A : memref<!tpu.dma_semaphore, #tpu.memory_space<semaphore_mem>>) src(%dma_wait3A_70 : memref<632x128xf32, #tpu.memory_space<hbm>>) dst(%dma_wait3A_67 : memref<632x128xf32, #tpu.memory_space<vmem_shared>>)
        tpu.yield
      }) : () -> ()
    } else {
    }
    %eq3A = arith.constant 15 : i32
    %eq3A_2 = arith.cmpi eq, %arg1, %eq3A : i32
    %convert_element_type3A_3 = arith.extui %eq3A_2 : i1 to i32
    %cond3A_4 = arith.constant 0 : i32
    %cond3A_5 = arith.cmpi ne, %convert_element_type3A_3, %cond3A_4 : i32
    scf.if %cond3A_5 {
      "tpu.region"() ({
        %run_scoped3A = tpu.sem_alloc : memref<!tpu.dma_semaphore, #tpu.memory_space<semaphore_mem>>
        %dma_start3A = arith.constant 9480 : i32
        %dma_start3A_58 = arith.constant 0 : i32
        %dma_start3A_59 = tpu.memref_slice %arg8[%dma_start3A, %dma_start3A_58] : memref<10000x128xf32, #tpu.memory_space<vmem_shared>> -> memref<520x128xf32, #tpu.memory_space<vmem_shared>>
        %dma_start3A_60 = arith.constant 9480 : i32
        %dma_start3A_61 = arith.constant 0 : i32
        %dma_start3A_62 = tpu.memref_slice %arg3[%arg0, %dma_start3A_60, %dma_start3A_61] : memref<2x10000x128xf32, #tpu.memory_space<hbm>> -> memref<1x520x128xf32, #tpu.memory_space<hbm>>
        %dma_start3A_63 = tpu.memref_squeeze %dma_start3A_62 : memref<1x520x128xf32, #tpu.memory_space<hbm>> -> memref<520x128xf32, #tpu.memory_space<hbm>>
        tpu.enqueue_dma source(%dma_start3A_63 : memref<520x128xf32, #tpu.memory_space<hbm>>) target(%dma_start3A_59 : memref<520x128xf32, #tpu.memory_space<vmem_shared>>) target_semaphore(%run_scoped3A : memref<!tpu.dma_semaphore, #tpu.memory_space<semaphore_mem>>)
        %dma_wait3A_64 = arith.constant 9480 : i32
        %dma_wait3A_65 = arith.constant 0 : i32
        %dma_wait3A_66 = tpu.memref_slice %arg8[%dma_wait3A_64, %dma_wait3A_65] : memref<10000x128xf32, #tpu.memory_space<vmem_shared>> -> memref<520x128xf32, #tpu.memory_space<vmem_shared>>
        %dma_wait3A_67 = arith.constant 9480 : i32
        %dma_wait3A_68 = arith.constant 0 : i32
        %dma_wait3A_69 = tpu.memref_slice %arg3[%arg0, %dma_wait3A_67, %dma_wait3A_68] : memref<2x10000x128xf32, #tpu.memory_space<hbm>> -> memref<1x520x128xf32, #tpu.memory_space<hbm>>
        %dma_wait3A_70 = tpu.memref_squeeze %dma_wait3A_69 : memref<1x520x128xf32, #tpu.memory_space<hbm>> -> memref<520x128xf32, #tpu.memory_space<hbm>>
        tpu.wait_dma2 semaphore(%run_scoped3A : memref<!tpu.dma_semaphore, #tpu.memory_space<semaphore_mem>>) src(%dma_wait3A_70 : memref<520x128xf32, #tpu.memory_space<hbm>>) dst(%dma_wait3A_66 : memref<520x128xf32, #tpu.memory_space<vmem_shared>>)
        tpu.yield
      }) : () -> ()
    } else {
    }
    %barrier3A = arith.constant 0 : index
    tpu.barrier barrier_id(%barrier3A)
    %mul3A = arith.constant 80 : i32
    %mul3A_6 = arith.muli %arg1, %mul3A : i32
    %add3A = arith.constant 0 : i32
    %add3A_7 = arith.addi %mul3A_6, %add3A : i32
    %add3A_8 = arith.constant 1280 : i32
    %add3A_9 = arith.addi %add3A_8, %add3A_7 : i32
    "tpu.region"() ({
      %run_scoped3A = tpu.sem_alloc : memref<!tpu.dma_semaphore, #tpu.memory_space<semaphore_mem>>
      %dma_start3A = arith.constant 0 : i32
      %dma_start3A_58 = tpu.memref_slice %arg2[%arg0, %add3A_9, %dma_start3A] : memref<2x2560x128xi32, #tpu.memory_space<hbm>> -> memref<1x40x128xi32, #tpu.memory_space<hbm>>
      %dma_start3A_59 = tpu.memref_squeeze %dma_start3A_58 : memref<1x40x128xi32, #tpu.memory_space<hbm>> -> memref<40x128xi32, #tpu.memory_space<hbm>>
      %dma_start3A_60 = arith.constant 0 : i32
      %dma_start3A_61 = tpu.memref_slice %arg2[%arg0, %add3A_9, %dma_start3A_60] : memref<2x2560x128xi32, #tpu.memory_space<hbm>> -> memref<1x40x128xi32, #tpu.memory_space<hbm>>
      %dma_start3A_62 = tpu.memref_squeeze %dma_start3A_61 : memref<1x40x128xi32, #tpu.memory_space<hbm>> -> memref<40x128xi32, #tpu.memory_space<hbm>>
      tpu.enqueue_dma source(%dma_start3A_62 : memref<40x128xi32, #tpu.memory_space<hbm>>) target(%arg5 : memref<40x128xi32, #tpu.memory_space<vmem>>) target_semaphore(%run_scoped3A : memref<!tpu.dma_semaphore, #tpu.memory_space<semaphore_mem>>)
      %dma_wait3A_63 = arith.constant 0 : i32
      %dma_wait3A_64 = tpu.memref_slice %arg2[%arg0, %add3A_9, %dma_wait3A_63] : memref<2x2560x128xi32, #tpu.memory_space<hbm>> -> memref<1x40x128xi32, #tpu.memory_space<hbm>>
      %dma_wait3A_65 = tpu.memref_squeeze %dma_wait3A_64 : memref<1x40x128xi32, #tpu.memory_space<hbm>> -> memref<40x128xi32, #tpu.memory_space<hbm>>
      %dma_wait3A_66 = arith.constant 0 : i32
      %dma_wait3A_67 = tpu.memref_slice %arg2[%arg0, %add3A_9, %dma_wait3A_66] : memref<2x2560x128xi32, #tpu.memory_space<hbm>> -> memref<1x40x128xi32, #tpu.memory_space<hbm>>
      %dma_wait3A_68 = tpu.memref_squeeze %dma_wait3A_67 : memref<1x40x128xi32, #tpu.memory_space<hbm>> -> memref<40x128xi32, #tpu.memory_space<hbm>>
      tpu.wait_dma2 semaphore(%run_scoped3A : memref<!tpu.dma_semaphore, #tpu.memory_space<semaphore_mem>>) src(%dma_wait3A_68 : memref<40x128xi32, #tpu.memory_space<hbm>>) dst(%arg5 : memref<40x128xi32, #tpu.memory_space<vmem>>)
      tpu.yield
    }) : () -> ()
    %scan3A = arith.constant 0 : i32
    %scan3A_10 = arith.constant 0 : i32
    %scan3A_11 = arith.constant 20 : i32
    %scan3A_12 = arith.addi %scan3A_10, %scan3A_11 : i32
    %scan3A_13 = arith.constant 1 : i32
    scf.for %scan3A_58 = %scan3A_10 to %scan3A_12 step %scan3A_13  : i32 {
      %mul3A_59 = arith.constant 2 : i32
      %mul3A_60 = arith.muli %mul3A_59, %scan3A_58 : i32
      %ge3A = arith.constant 2 : i32
      %ge3A_61 = arith.cmpi sge, %mul3A_60, %ge3A : i32
      %convert_element_type3A_62 = arith.extui %ge3A_61 : i1 to i32
      %cond3A_63 = arith.constant 0 : i32
      %cond3A_64 = arith.cmpi ne, %convert_element_type3A_62, %cond3A_63 : i32
      scf.if %cond3A_64 {
        %mul3A_115 = arith.constant 128 : i32
        %mul3A_116 = arith.muli %add3A_7, %mul3A_115 : i32
        %dma_wait3A_117 = arith.constant 0 : i32
        %dma_wait3A_118 = tpu.memref_slice %arg4[%arg0, %mul3A_116, %dma_wait3A_117] : memref<2x163840x128xf32, #tpu.memory_space<hbm>> -> memref<1x128x128xf32, #tpu.memory_space<hbm>>
        %dma_wait3A_119 = tpu.memref_squeeze %dma_wait3A_118 : memref<1x128x128xf32, #tpu.memory_space<hbm>> -> memref<128x128xf32, #tpu.memory_space<hbm>>
        %dma_wait3A_120 = arith.constant 0 : i32
        %dma_wait3A_121 = tpu.memref_slice %arg4[%arg0, %mul3A_116, %dma_wait3A_120] : memref<2x163840x128xf32, #tpu.memory_space<hbm>> -> memref<1x128x128xf32, #tpu.memory_space<hbm>>
        %dma_wait3A_122 = tpu.memref_squeeze %dma_wait3A_121 : memref<1x128x128xf32, #tpu.memory_space<hbm>> -> memref<128x128xf32, #tpu.memory_space<hbm>>
        tpu.wait_dma2 semaphore(%arg11 : memref<!tpu.dma_semaphore, #tpu.memory_space<semaphore_mem>>) src(%arg6 : memref<128x128xf32, #tpu.memory_space<vmem>>) dst(%dma_wait3A_122 : memref<128x128xf32, #tpu.memory_space<hbm>>)
      } else {
      }
      %dma_start3A = arith.constant 0 : i32
      %dma_start3A_65 = tpu.memref_slice %arg5[%mul3A_60, %dma_start3A] : memref<40x128xi32, #tpu.memory_space<vmem>> -> memref<1x128xi32, #tpu.memory_space<vmem>>
      %dma_start3A_66 = tpu.memref_squeeze %dma_start3A_65 : memref<1x128xi32, #tpu.memory_space<vmem>> -> memref<128xi32, #tpu.memory_space<vmem>>
      %dma_start3A_67 = arith.constant 0 : i32
      %dma_start3A_68 = arith.constant 0 : i32
      %dma_start3A_69 = tpu.memref_slice %arg8[%dma_start3A_67, %dma_start3A_68] : memref<10000x128xf32, #tpu.memory_space<vmem_shared>> -> memref<10000x128xf32, #tpu.memory_space<vmem_shared>>
      tpu.enqueue_indirect_dma source(%dma_start3A_69 : memref<10000x128xf32, #tpu.memory_space<vmem_shared>>) target(%arg6 : memref<128x128xf32, #tpu.memory_space<vmem>>) offsets(%dma_start3A_66 : memref<128xi32, #tpu.memory_space<vmem>>) semaphore(%arg9 : memref<!tpu.dma_semaphore, #tpu.memory_space<semaphore_mem>>)
      %dma_wait3A_70 = arith.constant 0 : i32
      %dma_wait3A_71 = tpu.memref_slice %arg5[%mul3A_60, %dma_wait3A_70] : memref<40x128xi32, #tpu.memory_space<vmem>> -> memref<1x128xi32, #tpu.memory_space<vmem>>
      %dma_wait3A_72 = tpu.memref_squeeze %dma_wait3A_71 : memref<1x128xi32, #tpu.memory_space<vmem>> -> memref<128xi32, #tpu.memory_space<vmem>>
      %dma_wait3A_73 = arith.constant 0 : i32
      %dma_wait3A_74 = arith.constant 0 : i32
      %dma_wait3A_75 = tpu.memref_slice %arg8[%dma_wait3A_73, %dma_wait3A_74] : memref<10000x128xf32, #tpu.memory_space<vmem_shared>> -> memref<10000x128xf32, #tpu.memory_space<vmem_shared>>
      tpu.wait_indirect_dma semaphore(%arg9 : memref<!tpu.dma_semaphore, #tpu.memory_space<semaphore_mem>>) src(%dma_wait3A_75 : memref<10000x128xf32, #tpu.memory_space<vmem_shared>>) dst(%arg6 : memref<128x128xf32, #tpu.memory_space<vmem>>)
      %add3A_76 = arith.addi %add3A_7, %mul3A_60 : i32
      %mul3A_77 = arith.constant 128 : i32
      %mul3A_78 = arith.muli %add3A_76, %mul3A_77 : i32
      %dma_start3A_79 = arith.constant 0 : i32
      %dma_start3A_80 = tpu.memref_slice %arg4[%arg0, %mul3A_78, %dma_start3A_79] : memref<2x163840x128xf32, #tpu.memory_space<hbm>> -> memref<1x128x128xf32, #tpu.memory_space<hbm>>
      %dma_start3A_81 = tpu.memref_squeeze %dma_start3A_80 : memref<1x128x128xf32, #tpu.memory_space<hbm>> -> memref<128x128xf32, #tpu.memory_space<hbm>>
      %dma_start3A_82 = arith.constant 0 : i32
      %dma_start3A_83 = tpu.memref_slice %arg4[%arg0, %mul3A_78, %dma_start3A_82] : memref<2x163840x128xf32, #tpu.memory_space<hbm>> -> memref<1x128x128xf32, #tpu.memory_space<hbm>>
      %dma_start3A_84 = tpu.memref_squeeze %dma_start3A_83 : memref<1x128x128xf32, #tpu.memory_space<hbm>> -> memref<128x128xf32, #tpu.memory_space<hbm>>
      tpu.enqueue_dma source(%arg6 : memref<128x128xf32, #tpu.memory_space<vmem>>) target(%dma_start3A_84 : memref<128x128xf32, #tpu.memory_space<hbm>>) target_semaphore(%arg11 : memref<!tpu.dma_semaphore, #tpu.memory_space<semaphore_mem>>)
      %mul3A_85 = arith.constant 2 : i32
      %mul3A_86 = arith.muli %mul3A_85, %scan3A_58 : i32
      %add3A_87 = arith.constant 1 : i32
      %add3A_88 = arith.addi %mul3A_86, %add3A_87 : i32
      %ge3A_89 = arith.constant 2 : i32
      %ge3A_90 = arith.cmpi sge, %add3A_88, %ge3A_89 : i32
      %convert_element_type3A_91 = arith.extui %ge3A_90 : i1 to i32
      %cond3A_92 = arith.constant 0 : i32
      %cond3A_93 = arith.cmpi ne, %convert_element_type3A_91, %cond3A_92 : i32
      scf.if %cond3A_93 {
        %mul3A_115 = arith.constant 128 : i32
        %mul3A_116 = arith.muli %add3A_7, %mul3A_115 : i32
        %dma_wait3A_117 = arith.constant 0 : i32
        %dma_wait3A_118 = tpu.memref_slice %arg4[%arg0, %mul3A_116, %dma_wait3A_117] : memref<2x163840x128xf32, #tpu.memory_space<hbm>> -> memref<1x128x128xf32, #tpu.memory_space<hbm>>
        %dma_wait3A_119 = tpu.memref_squeeze %dma_wait3A_118 : memref<1x128x128xf32, #tpu.memory_space<hbm>> -> memref<128x128xf32, #tpu.memory_space<hbm>>
        %dma_wait3A_120 = arith.constant 0 : i32
        %dma_wait3A_121 = tpu.memref_slice %arg4[%arg0, %mul3A_116, %dma_wait3A_120] : memref<2x163840x128xf32, #tpu.memory_space<hbm>> -> memref<1x128x128xf32, #tpu.memory_space<hbm>>
        %dma_wait3A_122 = tpu.memref_squeeze %dma_wait3A_121 : memref<1x128x128xf32, #tpu.memory_space<hbm>> -> memref<128x128xf32, #tpu.memory_space<hbm>>
        tpu.wait_dma2 semaphore(%arg12 : memref<!tpu.dma_semaphore, #tpu.memory_space<semaphore_mem>>) src(%arg7 : memref<128x128xf32, #tpu.memory_space<vmem>>) dst(%dma_wait3A_122 : memref<128x128xf32, #tpu.memory_space<hbm>>)
      } else {
      }
      %dma_start3A_94 = arith.constant 0 : i32
      %dma_start3A_95 = tpu.memref_slice %arg5[%add3A_88, %dma_start3A_94] : memref<40x128xi32, #tpu.memory_space<vmem>> -> memref<1x128xi32, #tpu.memory_space<vmem>>
      %dma_start3A_96 = tpu.memref_squeeze %dma_start3A_95 : memref<1x128xi32, #tpu.memory_space<vmem>> -> memref<128xi32, #tpu.memory_space<vmem>>
      %dma_start3A_97 = arith.constant 0 : i32
      %dma_start3A_98 = arith.constant 0 : i32
      %dma_start3A_99 = tpu.memref_slice %arg8[%dma_start3A_97, %dma_start3A_98] : memref<10000x128xf32, #tpu.memory_space<vmem_shared>> -> memref<10000x128xf32, #tpu.memory_space<vmem_shared>>
      tpu.enqueue_indirect_dma source(%dma_start3A_99 : memref<10000x128xf32, #tpu.memory_space<vmem_shared>>) target(%arg7 : memref<128x128xf32, #tpu.memory_space<vmem>>) offsets(%dma_start3A_96 : memref<128xi32, #tpu.memory_space<vmem>>) semaphore(%arg10 : memref<!tpu.dma_semaphore, #tpu.memory_space<semaphore_mem>>)
      %dma_wait3A_100 = arith.constant 0 : i32
      %dma_wait3A_101 = tpu.memref_slice %arg5[%add3A_88, %dma_wait3A_100] : memref<40x128xi32, #tpu.memory_space<vmem>> -> memref<1x128xi32, #tpu.memory_space<vmem>>
      %dma_wait3A_102 = tpu.memref_squeeze %dma_wait3A_101 : memref<1x128xi32, #tpu.memory_space<vmem>> -> memref<128xi32, #tpu.memory_space<vmem>>
      %dma_wait3A_103 = arith.constant 0 : i32
      %dma_wait3A_104 = arith.constant 0 : i32
      %dma_wait3A_105 = tpu.memref_slice %arg8[%dma_wait3A_103, %dma_wait3A_104] : memref<10000x128xf32, #tpu.memory_space<vmem_shared>> -> memref<10000x128xf32, #tpu.memory_space<vmem_shared>>
      tpu.wait_indirect_dma semaphore(%arg10 : memref<!tpu.dma_semaphore, #tpu.memory_space<semaphore_mem>>) src(%dma_wait3A_105 : memref<10000x128xf32, #tpu.memory_space<vmem_shared>>) dst(%arg7 : memref<128x128xf32, #tpu.memory_space<vmem>>)
      %add3A_106 = arith.addi %add3A_7, %add3A_88 : i32
      %mul3A_107 = arith.constant 128 : i32
      %mul3A_108 = arith.muli %add3A_106, %mul3A_107 : i32
      %dma_start3A_109 = arith.constant 0 : i32
      %dma_start3A_110 = tpu.memref_slice %arg4[%arg0, %mul3A_108, %dma_start3A_109] : memref<2x163840x128xf32, #tpu.memory_space<hbm>> -> memref<1x128x128xf32, #tpu.memory_space<hbm>>
      %dma_start3A_111 = tpu.memref_squeeze %dma_start3A_110 : memref<1x128x128xf32, #tpu.memory_space<hbm>> -> memref<128x128xf32, #tpu.memory_space<hbm>>
      %dma_start3A_112 = arith.constant 0 : i32
      %dma_start3A_113 = tpu.memref_slice %arg4[%arg0, %mul3A_108, %dma_start3A_112] : memref<2x163840x128xf32, #tpu.memory_space<hbm>> -> memref<1x128x128xf32, #tpu.memory_space<hbm>>
      %dma_start3A_114 = tpu.memref_squeeze %dma_start3A_113 : memref<1x128x128xf32, #tpu.memory_space<hbm>> -> memref<128x128xf32, #tpu.memory_space<hbm>>
      tpu.enqueue_dma source(%arg7 : memref<128x128xf32, #tpu.memory_space<vmem>>) target(%dma_start3A_114 : memref<128x128xf32, #tpu.memory_space<hbm>>) target_semaphore(%arg12 : memref<!tpu.dma_semaphore, #tpu.memory_space<semaphore_mem>>)
    }
    %scan3A_14 = arith.constant 20 : i32
    %mul3A_15 = arith.constant 128 : i32
    %mul3A_16 = arith.muli %add3A_7, %mul3A_15 : i32
    %dma_wait3A = arith.constant 0 : i32
    %dma_wait3A_17 = tpu.memref_slice %arg4[%arg0, %mul3A_16, %dma_wait3A] : memref<2x163840x128xf32, #tpu.memory_space<hbm>> -> memref<1x128x128xf32, #tpu.memory_space<hbm>>
    %dma_wait3A_18 = tpu.memref_squeeze %dma_wait3A_17 : memref<1x128x128xf32, #tpu.memory_space<hbm>> -> memref<128x128xf32, #tpu.memory_space<hbm>>
    %dma_wait3A_19 = arith.constant 0 : i32
    %dma_wait3A_20 = tpu.memref_slice %arg4[%arg0, %mul3A_16, %dma_wait3A_19] : memref<2x163840x128xf32, #tpu.memory_space<hbm>> -> memref<1x128x128xf32, #tpu.memory_space<hbm>>
    %dma_wait3A_21 = tpu.memref_squeeze %dma_wait3A_20 : memref<1x128x128xf32, #tpu.memory_space<hbm>> -> memref<128x128xf32, #tpu.memory_space<hbm>>
    tpu.wait_dma2 semaphore(%arg11 : memref<!tpu.dma_semaphore, #tpu.memory_space<semaphore_mem>>) src(%arg6 : memref<128x128xf32, #tpu.memory_space<vmem>>) dst(%dma_wait3A_21 : memref<128x128xf32, #tpu.memory_space<hbm>>)
    %mul3A_22 = arith.constant 128 : i32
    %mul3A_23 = arith.muli %add3A_7, %mul3A_22 : i32
    %dma_wait3A_24 = arith.constant 0 : i32
    %dma_wait3A_25 = tpu.memref_slice %arg4[%arg0, %mul3A_23, %dma_wait3A_24] : memref<2x163840x128xf32, #tpu.memory_space<hbm>> -> memref<1x128x128xf32, #tpu.memory_space<hbm>>
    %dma_wait3A_26 = tpu.memref_squeeze %dma_wait3A_25 : memref<1x128x128xf32, #tpu.memory_space<hbm>> -> memref<128x128xf32, #tpu.memory_space<hbm>>
    %dma_wait3A_27 = arith.constant 0 : i32
    %dma_wait3A_28 = tpu.memref_slice %arg4[%arg0, %mul3A_23, %dma_wait3A_27] : memref<2x163840x128xf32, #tpu.memory_space<hbm>> -> memref<1x128x128xf32, #tpu.memory_space<hbm>>
    %dma_wait3A_29 = tpu.memref_squeeze %dma_wait3A_28 : memref<1x128x128xf32, #tpu.memory_space<hbm>> -> memref<128x128xf32, #tpu.memory_space<hbm>>
    tpu.wait_dma2 semaphore(%arg12 : memref<!tpu.dma_semaphore, #tpu.memory_space<semaphore_mem>>) src(%arg7 : memref<128x128xf32, #tpu.memory_space<vmem>>) dst(%dma_wait3A_29 : memref<128x128xf32, #tpu.memory_space<hbm>>)
    %mul3A_30 = arith.constant 80 : i32
    %mul3A_31 = arith.muli %arg1, %mul3A_30 : i32
    %add3A_32 = arith.constant 40 : i32
    %add3A_33 = arith.addi %mul3A_31, %add3A_32 : i32
    %add3A_34 = arith.constant 1280 : i32
    %add3A_35 = arith.addi %add3A_34, %add3A_33 : i32
    "tpu.region"() ({
      %run_scoped3A = tpu.sem_alloc : memref<!tpu.dma_semaphore, #tpu.memory_space<semaphore_mem>>
      %dma_start3A = arith.constant 0 : i32
      %dma_start3A_58 = tpu.memref_slice %arg2[%arg0, %add3A_35, %dma_start3A] : memref<2x2560x128xi32, #tpu.memory_space<hbm>> -> memref<1x40x128xi32, #tpu.memory_space<hbm>>
      %dma_start3A_59 = tpu.memref_squeeze %dma_start3A_58 : memref<1x40x128xi32, #tpu.memory_space<hbm>> -> memref<40x128xi32, #tpu.memory_space<hbm>>
      %dma_start3A_60 = arith.constant 0 : i32
      %dma_start3A_61 = tpu.memref_slice %arg2[%arg0, %add3A_35, %dma_start3A_60] : memref<2x2560x128xi32, #tpu.memory_space<hbm>> -> memref<1x40x128xi32, #tpu.memory_space<hbm>>
      %dma_start3A_62 = tpu.memref_squeeze %dma_start3A_61 : memref<1x40x128xi32, #tpu.memory_space<hbm>> -> memref<40x128xi32, #tpu.memory_space<hbm>>
      tpu.enqueue_dma source(%dma_start3A_62 : memref<40x128xi32, #tpu.memory_space<hbm>>) target(%arg5 : memref<40x128xi32, #tpu.memory_space<vmem>>) target_semaphore(%run_scoped3A : memref<!tpu.dma_semaphore, #tpu.memory_space<semaphore_mem>>)
      %dma_wait3A_63 = arith.constant 0 : i32
      %dma_wait3A_64 = tpu.memref_slice %arg2[%arg0, %add3A_35, %dma_wait3A_63] : memref<2x2560x128xi32, #tpu.memory_space<hbm>> -> memref<1x40x128xi32, #tpu.memory_space<hbm>>
      %dma_wait3A_65 = tpu.memref_squeeze %dma_wait3A_64 : memref<1x40x128xi32, #tpu.memory_space<hbm>> -> memref<40x128xi32, #tpu.memory_space<hbm>>
      %dma_wait3A_66 = arith.constant 0 : i32
      %dma_wait3A_67 = tpu.memref_slice %arg2[%arg0, %add3A_35, %dma_wait3A_66] : memref<2x2560x128xi32, #tpu.memory_space<hbm>> -> memref<1x40x128xi32, #tpu.memory_space<hbm>>
      %dma_wait3A_68 = tpu.memref_squeeze %dma_wait3A_67 : memref<1x40x128xi32, #tpu.memory_space<hbm>> -> memref<40x128xi32, #tpu.memory_space<hbm>>
      tpu.wait_dma2 semaphore(%run_scoped3A : memref<!tpu.dma_semaphore, #tpu.memory_space<semaphore_mem>>) src(%dma_wait3A_68 : memref<40x128xi32, #tpu.memory_space<hbm>>) dst(%arg5 : memref<40x128xi32, #tpu.memory_space<vmem>>)
      tpu.yield
    }) : () -> ()
    %scan3A_36 = arith.constant 0 : i32
    %scan3A_37 = arith.constant 0 : i32
    %scan3A_38 = arith.constant 20 : i32
    %scan3A_39 = arith.addi %scan3A_37, %scan3A_38 : i32
    %scan3A_40 = arith.constant 1 : i32
    scf.for %scan3A_58 = %scan3A_37 to %scan3A_39 step %scan3A_40  : i32 {
      %mul3A_59 = arith.constant 2 : i32
      %mul3A_60 = arith.muli %mul3A_59, %scan3A_58 : i32
      %ge3A = arith.constant 2 : i32
      %ge3A_61 = arith.cmpi sge, %mul3A_60, %ge3A : i32
      %convert_element_type3A_62 = arith.extui %ge3A_61 : i1 to i32
      %cond3A_63 = arith.constant 0 : i32
      %cond3A_64 = arith.cmpi ne, %convert_element_type3A_62, %cond3A_63 : i32
      scf.if %cond3A_64 {
        %mul3A_115 = arith.constant 128 : i32
        %mul3A_116 = arith.muli %add3A_33, %mul3A_115 : i32
        %dma_wait3A_117 = arith.constant 0 : i32
        %dma_wait3A_118 = tpu.memref_slice %arg4[%arg0, %mul3A_116, %dma_wait3A_117] : memref<2x163840x128xf32, #tpu.memory_space<hbm>> -> memref<1x128x128xf32, #tpu.memory_space<hbm>>
        %dma_wait3A_119 = tpu.memref_squeeze %dma_wait3A_118 : memref<1x128x128xf32, #tpu.memory_space<hbm>> -> memref<128x128xf32, #tpu.memory_space<hbm>>
        %dma_wait3A_120 = arith.constant 0 : i32
        %dma_wait3A_121 = tpu.memref_slice %arg4[%arg0, %mul3A_116, %dma_wait3A_120] : memref<2x163840x128xf32, #tpu.memory_space<hbm>> -> memref<1x128x128xf32, #tpu.memory_space<hbm>>
        %dma_wait3A_122 = tpu.memref_squeeze %dma_wait3A_121 : memref<1x128x128xf32, #tpu.memory_space<hbm>> -> memref<128x128xf32, #tpu.memory_space<hbm>>
        tpu.wait_dma2 semaphore(%arg11 : memref<!tpu.dma_semaphore, #tpu.memory_space<semaphore_mem>>) src(%arg6 : memref<128x128xf32, #tpu.memory_space<vmem>>) dst(%dma_wait3A_122 : memref<128x128xf32, #tpu.memory_space<hbm>>)
      } else {
      }
      %dma_start3A = arith.constant 0 : i32
      %dma_start3A_65 = tpu.memref_slice %arg5[%mul3A_60, %dma_start3A] : memref<40x128xi32, #tpu.memory_space<vmem>> -> memref<1x128xi32, #tpu.memory_space<vmem>>
      %dma_start3A_66 = tpu.memref_squeeze %dma_start3A_65 : memref<1x128xi32, #tpu.memory_space<vmem>> -> memref<128xi32, #tpu.memory_space<vmem>>
      %dma_start3A_67 = arith.constant 0 : i32
      %dma_start3A_68 = arith.constant 0 : i32
      %dma_start3A_69 = tpu.memref_slice %arg8[%dma_start3A_67, %dma_start3A_68] : memref<10000x128xf32, #tpu.memory_space<vmem_shared>> -> memref<10000x128xf32, #tpu.memory_space<vmem_shared>>
      tpu.enqueue_indirect_dma source(%dma_start3A_69 : memref<10000x128xf32, #tpu.memory_space<vmem_shared>>) target(%arg6 : memref<128x128xf32, #tpu.memory_space<vmem>>) offsets(%dma_start3A_66 : memref<128xi32, #tpu.memory_space<vmem>>) semaphore(%arg9 : memref<!tpu.dma_semaphore, #tpu.memory_space<semaphore_mem>>)
      %dma_wait3A_70 = arith.constant 0 : i32
      %dma_wait3A_71 = tpu.memref_slice %arg5[%mul3A_60, %dma_wait3A_70] : memref<40x128xi32, #tpu.memory_space<vmem>> -> memref<1x128xi32, #tpu.memory_space<vmem>>
      %dma_wait3A_72 = tpu.memref_squeeze %dma_wait3A_71 : memref<1x128xi32, #tpu.memory_space<vmem>> -> memref<128xi32, #tpu.memory_space<vmem>>
      %dma_wait3A_73 = arith.constant 0 : i32
      %dma_wait3A_74 = arith.constant 0 : i32
      %dma_wait3A_75 = tpu.memref_slice %arg8[%dma_wait3A_73, %dma_wait3A_74] : memref<10000x128xf32, #tpu.memory_space<vmem_shared>> -> memref<10000x128xf32, #tpu.memory_space<vmem_shared>>
      tpu.wait_indirect_dma semaphore(%arg9 : memref<!tpu.dma_semaphore, #tpu.memory_space<semaphore_mem>>) src(%dma_wait3A_75 : memref<10000x128xf32, #tpu.memory_space<vmem_shared>>) dst(%arg6 : memref<128x128xf32, #tpu.memory_space<vmem>>)
      %add3A_76 = arith.addi %add3A_33, %mul3A_60 : i32
      %mul3A_77 = arith.constant 128 : i32
      %mul3A_78 = arith.muli %add3A_76, %mul3A_77 : i32
      %dma_start3A_79 = arith.constant 0 : i32
      %dma_start3A_80 = tpu.memref_slice %arg4[%arg0, %mul3A_78, %dma_start3A_79] : memref<2x163840x128xf32, #tpu.memory_space<hbm>> -> memref<1x128x128xf32, #tpu.memory_space<hbm>>
      %dma_start3A_81 = tpu.memref_squeeze %dma_start3A_80 : memref<1x128x128xf32, #tpu.memory_space<hbm>> -> memref<128x128xf32, #tpu.memory_space<hbm>>
      %dma_start3A_82 = arith.constant 0 : i32
      %dma_start3A_83 = tpu.memref_slice %arg4[%arg0, %mul3A_78, %dma_start3A_82] : memref<2x163840x128xf32, #tpu.memory_space<hbm>> -> memref<1x128x128xf32, #tpu.memory_space<hbm>>
      %dma_start3A_84 = tpu.memref_squeeze %dma_start3A_83 : memref<1x128x128xf32, #tpu.memory_space<hbm>> -> memref<128x128xf32, #tpu.memory_space<hbm>>
      tpu.enqueue_dma source(%arg6 : memref<128x128xf32, #tpu.memory_space<vmem>>) target(%dma_start3A_84 : memref<128x128xf32, #tpu.memory_space<hbm>>) target_semaphore(%arg11 : memref<!tpu.dma_semaphore, #tpu.memory_space<semaphore_mem>>)
      %mul3A_85 = arith.constant 2 : i32
      %mul3A_86 = arith.muli %mul3A_85, %scan3A_58 : i32
      %add3A_87 = arith.constant 1 : i32
      %add3A_88 = arith.addi %mul3A_86, %add3A_87 : i32
      %ge3A_89 = arith.constant 2 : i32
      %ge3A_90 = arith.cmpi sge, %add3A_88, %ge3A_89 : i32
      %convert_element_type3A_91 = arith.extui %ge3A_90 : i1 to i32
      %cond3A_92 = arith.constant 0 : i32
      %cond3A_93 = arith.cmpi ne, %convert_element_type3A_91, %cond3A_92 : i32
      scf.if %cond3A_93 {
        %mul3A_115 = arith.constant 128 : i32
        %mul3A_116 = arith.muli %add3A_33, %mul3A_115 : i32
        %dma_wait3A_117 = arith.constant 0 : i32
        %dma_wait3A_118 = tpu.memref_slice %arg4[%arg0, %mul3A_116, %dma_wait3A_117] : memref<2x163840x128xf32, #tpu.memory_space<hbm>> -> memref<1x128x128xf32, #tpu.memory_space<hbm>>
        %dma_wait3A_119 = tpu.memref_squeeze %dma_wait3A_118 : memref<1x128x128xf32, #tpu.memory_space<hbm>> -> memref<128x128xf32, #tpu.memory_space<hbm>>
        %dma_wait3A_120 = arith.constant 0 : i32
        %dma_wait3A_121 = tpu.memref_slice %arg4[%arg0, %mul3A_116, %dma_wait3A_120] : memref<2x163840x128xf32, #tpu.memory_space<hbm>> -> memref<1x128x128xf32, #tpu.memory_space<hbm>>
        %dma_wait3A_122 = tpu.memref_squeeze %dma_wait3A_121 : memref<1x128x128xf32, #tpu.memory_space<hbm>> -> memref<128x128xf32, #tpu.memory_space<hbm>>
        tpu.wait_dma2 semaphore(%arg12 : memref<!tpu.dma_semaphore, #tpu.memory_space<semaphore_mem>>) src(%arg7 : memref<128x128xf32, #tpu.memory_space<vmem>>) dst(%dma_wait3A_122 : memref<128x128xf32, #tpu.memory_space<hbm>>)
      } else {
      }
      %dma_start3A_94 = arith.constant 0 : i32
      %dma_start3A_95 = tpu.memref_slice %arg5[%add3A_88, %dma_start3A_94] : memref<40x128xi32, #tpu.memory_space<vmem>> -> memref<1x128xi32, #tpu.memory_space<vmem>>
      %dma_start3A_96 = tpu.memref_squeeze %dma_start3A_95 : memref<1x128xi32, #tpu.memory_space<vmem>> -> memref<128xi32, #tpu.memory_space<vmem>>
      %dma_start3A_97 = arith.constant 0 : i32
      %dma_start3A_98 = arith.constant 0 : i32
      %dma_start3A_99 = tpu.memref_slice %arg8[%dma_start3A_97, %dma_start3A_98] : memref<10000x128xf32, #tpu.memory_space<vmem_shared>> -> memref<10000x128xf32, #tpu.memory_space<vmem_shared>>
      tpu.enqueue_indirect_dma source(%dma_start3A_99 : memref<10000x128xf32, #tpu.memory_space<vmem_shared>>) target(%arg7 : memref<128x128xf32, #tpu.memory_space<vmem>>) offsets(%dma_start3A_96 : memref<128xi32, #tpu.memory_space<vmem>>) semaphore(%arg10 : memref<!tpu.dma_semaphore, #tpu.memory_space<semaphore_mem>>)
      %dma_wait3A_100 = arith.constant 0 : i32
      %dma_wait3A_101 = tpu.memref_slice %arg5[%add3A_88, %dma_wait3A_100] : memref<40x128xi32, #tpu.memory_space<vmem>> -> memref<1x128xi32, #tpu.memory_space<vmem>>
      %dma_wait3A_102 = tpu.memref_squeeze %dma_wait3A_101 : memref<1x128xi32, #tpu.memory_space<vmem>> -> memref<128xi32, #tpu.memory_space<vmem>>
      %dma_wait3A_103 = arith.constant 0 : i32
      %dma_wait3A_104 = arith.constant 0 : i32
      %dma_wait3A_105 = tpu.memref_slice %arg8[%dma_wait3A_103, %dma_wait3A_104] : memref<10000x128xf32, #tpu.memory_space<vmem_shared>> -> memref<10000x128xf32, #tpu.memory_space<vmem_shared>>
      tpu.wait_indirect_dma semaphore(%arg10 : memref<!tpu.dma_semaphore, #tpu.memory_space<semaphore_mem>>) src(%dma_wait3A_105 : memref<10000x128xf32, #tpu.memory_space<vmem_shared>>) dst(%arg7 : memref<128x128xf32, #tpu.memory_space<vmem>>)
      %add3A_106 = arith.addi %add3A_33, %add3A_88 : i32
      %mul3A_107 = arith.constant 128 : i32
      %mul3A_108 = arith.muli %add3A_106, %mul3A_107 : i32
      %dma_start3A_109 = arith.constant 0 : i32
      %dma_start3A_110 = tpu.memref_slice %arg4[%arg0, %mul3A_108, %dma_start3A_109] : memref<2x163840x128xf32, #tpu.memory_space<hbm>> -> memref<1x128x128xf32, #tpu.memory_space<hbm>>
      %dma_start3A_111 = tpu.memref_squeeze %dma_start3A_110 : memref<1x128x128xf32, #tpu.memory_space<hbm>> -> memref<128x128xf32, #tpu.memory_space<hbm>>
      %dma_start3A_112 = arith.constant 0 : i32
      %dma_start3A_113 = tpu.memref_slice %arg4[%arg0, %mul3A_108, %dma_start3A_112] : memref<2x163840x128xf32, #tpu.memory_space<hbm>> -> memref<1x128x128xf32, #tpu.memory_space<hbm>>
      %dma_start3A_114 = tpu.memref_squeeze %dma_start3A_113 : memref<1x128x128xf32, #tpu.memory_space<hbm>> -> memref<128x128xf32, #tpu.memory_space<hbm>>
      tpu.enqueue_dma source(%arg7 : memref<128x128xf32, #tpu.memory_space<vmem>>) target(%dma_start3A_114 : memref<128x128xf32, #tpu.memory_space<hbm>>) target_semaphore(%arg12 : memref<!tpu.dma_semaphore, #tpu.memory_space<semaphore_mem>>)
    }
    %scan3A_41 = arith.constant 20 : i32
    %mul3A_42 = arith.constant 128 : i32
    %mul3A_43 = arith.muli %add3A_33, %mul3A_42 : i32
    %dma_wait3A_44 = arith.constant 0 : i32
    %dma_wait3A_45 = tpu.memref_slice %arg4[%arg0, %mul3A_43, %dma_wait3A_44] : memref<2x163840x128xf32, #tpu.memory_space<hbm>> -> memref<1x128x128xf32, #tpu.memory_space<hbm>>
    %dma_wait3A_46 = tpu.memref_squeeze %dma_wait3A_45 : memref<1x128x128xf32, #tpu.memory_space<hbm>> -> memref<128x128xf32, #tpu.memory_space<hbm>>
    %dma_wait3A_47 = arith.constant 0 : i32
    %dma_wait3A_48 = tpu.memref_slice %arg4[%arg0, %mul3A_43, %dma_wait3A_47] : memref<2x163840x128xf32, #tpu.memory_space<hbm>> -> memref<1x128x128xf32, #tpu.memory_space<hbm>>
    %dma_wait3A_49 = tpu.memref_squeeze %dma_wait3A_48 : memref<1x128x128xf32, #tpu.memory_space<hbm>> -> memref<128x128xf32, #tpu.memory_space<hbm>>
    tpu.wait_dma2 semaphore(%arg11 : memref<!tpu.dma_semaphore, #tpu.memory_space<semaphore_mem>>) src(%arg6 : memref<128x128xf32, #tpu.memory_space<vmem>>) dst(%dma_wait3A_49 : memref<128x128xf32, #tpu.memory_space<hbm>>)
    %mul3A_50 = arith.constant 128 : i32
    %mul3A_51 = arith.muli %add3A_33, %mul3A_50 : i32
    %dma_wait3A_52 = arith.constant 0 : i32
    %dma_wait3A_53 = tpu.memref_slice %arg4[%arg0, %mul3A_51, %dma_wait3A_52] : memref<2x163840x128xf32, #tpu.memory_space<hbm>> -> memref<1x128x128xf32, #tpu.memory_space<hbm>>
    %dma_wait3A_54 = tpu.memref_squeeze %dma_wait3A_53 : memref<1x128x128xf32, #tpu.memory_space<hbm>> -> memref<128x128xf32, #tpu.memory_space<hbm>>
    %dma_wait3A_55 = arith.constant 0 : i32
    %dma_wait3A_56 = tpu.memref_slice %arg4[%arg0, %mul3A_51, %dma_wait3A_55] : memref<2x163840x128xf32, #tpu.memory_space<hbm>> -> memref<1x128x128xf32, #tpu.memory_space<hbm>>
    %dma_wait3A_57 = tpu.memref_squeeze %dma_wait3A_56 : memref<1x128x128xf32, #tpu.memory_space<hbm>> -> memref<128x128xf32, #tpu.memory_space<hbm>>
    tpu.wait_dma2 semaphore(%arg12 : memref<!tpu.dma_semaphore, #tpu.memory_space<semaphore_mem>>) src(%arg7 : memref<128x128xf32, #tpu.memory_space<vmem>>) dst(%dma_wait3A_57 : memref<128x128xf32, #tpu.memory_space<hbm>>)
    return
  }
}

#map = affine_map<(d0, d1) -> (0, 0, 0)>
module attributes {stable_mosaic.version = 14 : i64} {
  func.func @k(%arg0: i32, %arg1: i32, %arg2: memref<2x2560x128xi32, #tpu.memory_space<hbm>>, %arg3: memref<2x10000x128xf32, #tpu.memory_space<hbm>>, %arg4: memref<2x163840x128xf32, #tpu.memory_space<hbm>>, %arg5: memref<40x128xi32, #tpu.memory_space<vmem>>, %arg6: memref<128x128xf32, #tpu.memory_space<vmem>>, %arg7: memref<128x128xf32, #tpu.memory_space<vmem>>, %arg8: memref<10000x128xf32, #tpu.memory_space<vmem_shared>>, %arg9: memref<!tpu.dma_semaphore, #tpu.memory_space<semaphore_mem>>, %arg10: memref<!tpu.dma_semaphore, #tpu.memory_space<semaphore_mem>>, %arg11: memref<!tpu.dma_semaphore, #tpu.memory_space<semaphore_mem>>, %arg12: memref<!tpu.dma_semaphore, #tpu.memory_space<semaphore_mem>>) attributes {dimension_semantics = [#tpu.dimension_semantics<core_parallel>, #tpu.dimension_semantics<subcore_parallel>], iteration_bounds = array<i64: 2, 16>, scalar_prefetch = 0 : i64, scratch_operands = 8 : i64, tpu.core_type = #tpu.core_type<sc_vector_subcore>, window_params = [{transform_indices = #map}, {transform_indices = #map}, {transform_indices = #map}]} {
    %lt3A = arith.constant 15 : i32
    %lt3A_0 = arith.cmpi slt, %arg1, %lt3A : i32
    %convert_element_type3A = arith.extui %lt3A_0 : i1 to i32
    %cond3A = arith.constant 0 : i32
    %cond3A_1 = arith.cmpi ne, %convert_element_type3A, %cond3A : i32
    scf.if %cond3A_1 {
      %mul3A_58 = arith.constant 632 : i32
      %mul3A_59 = arith.muli %arg1, %mul3A_58 : i32
      %mul3A_60 = arith.constant 632 : i32
      %mul3A_61 = arith.muli %arg1, %mul3A_60 : i32
      "tpu.region"() ({
        %run_scoped3A = tpu.sem_alloc : memref<!tpu.dma_semaphore, #tpu.memory_space<semaphore_mem>>
        %dma_start3A = arith.constant 0 : i32
        %dma_start3A_62 = tpu.memref_slice %arg8[%mul3A_61, %dma_start3A] : memref<10000x128xf32, #tpu.memory_space<vmem_shared>> -> memref<632x128xf32, #tpu.memory_space<vmem_shared>>
        %dma_start3A_63 = arith.constant 0 : i32
        %dma_start3A_64 = tpu.memref_slice %arg3[%arg0, %mul3A_59, %dma_start3A_63] : memref<2x10000x128xf32, #tpu.memory_space<hbm>> -> memref<1x632x128xf32, #tpu.memory_space<hbm>>
        %dma_start3A_65 = tpu.memref_squeeze %dma_start3A_64 : memref<1x632x128xf32, #tpu.memory_space<hbm>> -> memref<632x128xf32, #tpu.memory_space<hbm>>
        tpu.enqueue_dma source(%dma_start3A_65 : memref<632x128xf32, #tpu.memory_space<hbm>>) target(%dma_start3A_62 : memref<632x128xf32, #tpu.memory_space<vmem_shared>>) target_semaphore(%run_scoped3A : memref<!tpu.dma_semaphore, #tpu.memory_space<semaphore_mem>>)
        %dma_wait3A_66 = arith.constant 0 : i32
        %dma_wait3A_67 = tpu.memref_slice %arg8[%mul3A_61, %dma_wait3A_66] : memref<10000x128xf32, #tpu.memory_space<vmem_shared>> -> memref<632x128xf32, #tpu.memory_space<vmem_shared>>
        %dma_wait3A_68 = arith.constant 0 : i32
        %dma_wait3A_69 = tpu.memref_slice %arg3[%arg0, %mul3A_59, %dma_wait3A_68] : memref<2x10000x128xf32, #tpu.memory_space<hbm>> -> memref<1x632x128xf32, #tpu.memory_space<hbm>>
        %dma_wait3A_70 = tpu.memref_squeeze %dma_wait3A_69 : memref<1x632x128xf32, #tpu.memory_space<hbm>> -> memref<632x128xf32, #tpu.memory_space<hbm>>
        tpu.wait_dma2 semaphore(%run_scoped3A : memref<!tpu.dma_semaphore, #tpu.memory_space<semaphore_mem>>) src(%dma_wait3A_70 : memref<632x128xf32, #tpu.memory_space<hbm>>) dst(%dma_wait3A_67 : memref<632x128xf32, #tpu.memory_space<vmem_shared>>)
        tpu.yield
      }) : () -> ()
    } else {
    }
    %eq3A = arith.constant 15 : i32
    %eq3A_2 = arith.cmpi eq, %arg1, %eq3A : i32
    %convert_element_type3A_3 = arith.extui %eq3A_2 : i1 to i32
    %cond3A_4 = arith.constant 0 : i32
    %cond3A_5 = arith.cmpi ne, %convert_element_type3A_3, %cond3A_4 : i32
    scf.if %cond3A_5 {
      "tpu.region"() ({
        %run_scoped3A = tpu.sem_alloc : memref<!tpu.dma_semaphore, #tpu.memory_space<semaphore_mem>>
        %dma_start3A = arith.constant 9480 : i32
        %dma_start3A_58 = arith.constant 0 : i32
        %dma_start3A_59 = tpu.memref_slice %arg8[%dma_start3A, %dma_start3A_58] : memref<10000x128xf32, #tpu.memory_space<vmem_shared>> -> memref<520x128xf32, #tpu.memory_space<vmem_shared>>
        %dma_start3A_60 = arith.constant 9480 : i32
        %dma_start3A_61 = arith.constant 0 : i32
        %dma_start3A_62 = tpu.memref_slice %arg3[%arg0, %dma_start3A_60, %dma_start3A_61] : memref<2x10000x128xf32, #tpu.memory_space<hbm>> -> memref<1x520x128xf32, #tpu.memory_space<hbm>>
        %dma_start3A_63 = tpu.memref_squeeze %dma_start3A_62 : memref<1x520x128xf32, #tpu.memory_space<hbm>> -> memref<520x128xf32, #tpu.memory_space<hbm>>
        tpu.enqueue_dma source(%dma_start3A_63 : memref<520x128xf32, #tpu.memory_space<hbm>>) target(%dma_start3A_59 : memref<520x128xf32, #tpu.memory_space<vmem_shared>>) target_semaphore(%run_scoped3A : memref<!tpu.dma_semaphore, #tpu.memory_space<semaphore_mem>>)
        %dma_wait3A_64 = arith.constant 9480 : i32
        %dma_wait3A_65 = arith.constant 0 : i32
        %dma_wait3A_66 = tpu.memref_slice %arg8[%dma_wait3A_64, %dma_wait3A_65] : memref<10000x128xf32, #tpu.memory_space<vmem_shared>> -> memref<520x128xf32, #tpu.memory_space<vmem_shared>>
        %dma_wait3A_67 = arith.constant 9480 : i32
        %dma_wait3A_68 = arith.constant 0 : i32
        %dma_wait3A_69 = tpu.memref_slice %arg3[%arg0, %dma_wait3A_67, %dma_wait3A_68] : memref<2x10000x128xf32, #tpu.memory_space<hbm>> -> memref<1x520x128xf32, #tpu.memory_space<hbm>>
        %dma_wait3A_70 = tpu.memref_squeeze %dma_wait3A_69 : memref<1x520x128xf32, #tpu.memory_space<hbm>> -> memref<520x128xf32, #tpu.memory_space<hbm>>
        tpu.wait_dma2 semaphore(%run_scoped3A : memref<!tpu.dma_semaphore, #tpu.memory_space<semaphore_mem>>) src(%dma_wait3A_70 : memref<520x128xf32, #tpu.memory_space<hbm>>) dst(%dma_wait3A_66 : memref<520x128xf32, #tpu.memory_space<vmem_shared>>)
        tpu.yield
      }) : () -> ()
    } else {
    }
    %barrier3A = arith.constant 0 : index
    tpu.barrier barrier_id(%barrier3A)
    %mul3A = arith.constant 80 : i32
    %mul3A_6 = arith.muli %arg1, %mul3A : i32
    %add3A = arith.constant 0 : i32
    %add3A_7 = arith.addi %mul3A_6, %add3A : i32
    %add3A_8 = arith.constant 0 : i32
    %add3A_9 = arith.addi %add3A_8, %add3A_7 : i32
    "tpu.region"() ({
      %run_scoped3A = tpu.sem_alloc : memref<!tpu.dma_semaphore, #tpu.memory_space<semaphore_mem>>
      %dma_start3A = arith.constant 0 : i32
      %dma_start3A_58 = tpu.memref_slice %arg2[%arg0, %add3A_9, %dma_start3A] : memref<2x2560x128xi32, #tpu.memory_space<hbm>> -> memref<1x40x128xi32, #tpu.memory_space<hbm>>
      %dma_start3A_59 = tpu.memref_squeeze %dma_start3A_58 : memref<1x40x128xi32, #tpu.memory_space<hbm>> -> memref<40x128xi32, #tpu.memory_space<hbm>>
      %dma_start3A_60 = arith.constant 0 : i32
      %dma_start3A_61 = tpu.memref_slice %arg2[%arg0, %add3A_9, %dma_start3A_60] : memref<2x2560x128xi32, #tpu.memory_space<hbm>> -> memref<1x40x128xi32, #tpu.memory_space<hbm>>
      %dma_start3A_62 = tpu.memref_squeeze %dma_start3A_61 : memref<1x40x128xi32, #tpu.memory_space<hbm>> -> memref<40x128xi32, #tpu.memory_space<hbm>>
      tpu.enqueue_dma source(%dma_start3A_62 : memref<40x128xi32, #tpu.memory_space<hbm>>) target(%arg5 : memref<40x128xi32, #tpu.memory_space<vmem>>) target_semaphore(%run_scoped3A : memref<!tpu.dma_semaphore, #tpu.memory_space<semaphore_mem>>)
      %dma_wait3A_63 = arith.constant 0 : i32
      %dma_wait3A_64 = tpu.memref_slice %arg2[%arg0, %add3A_9, %dma_wait3A_63] : memref<2x2560x128xi32, #tpu.memory_space<hbm>> -> memref<1x40x128xi32, #tpu.memory_space<hbm>>
      %dma_wait3A_65 = tpu.memref_squeeze %dma_wait3A_64 : memref<1x40x128xi32, #tpu.memory_space<hbm>> -> memref<40x128xi32, #tpu.memory_space<hbm>>
      %dma_wait3A_66 = arith.constant 0 : i32
      %dma_wait3A_67 = tpu.memref_slice %arg2[%arg0, %add3A_9, %dma_wait3A_66] : memref<2x2560x128xi32, #tpu.memory_space<hbm>> -> memref<1x40x128xi32, #tpu.memory_space<hbm>>
      %dma_wait3A_68 = tpu.memref_squeeze %dma_wait3A_67 : memref<1x40x128xi32, #tpu.memory_space<hbm>> -> memref<40x128xi32, #tpu.memory_space<hbm>>
      tpu.wait_dma2 semaphore(%run_scoped3A : memref<!tpu.dma_semaphore, #tpu.memory_space<semaphore_mem>>) src(%dma_wait3A_68 : memref<40x128xi32, #tpu.memory_space<hbm>>) dst(%arg5 : memref<40x128xi32, #tpu.memory_space<vmem>>)
      tpu.yield
    }) : () -> ()
    %scan3A = arith.constant 0 : i32
    %scan3A_10 = arith.constant 0 : i32
    %scan3A_11 = arith.constant 20 : i32
    %scan3A_12 = arith.addi %scan3A_10, %scan3A_11 : i32
    %scan3A_13 = arith.constant 1 : i32
    scf.for %scan3A_58 = %scan3A_10 to %scan3A_12 step %scan3A_13  : i32 {
      %mul3A_59 = arith.constant 2 : i32
      %mul3A_60 = arith.muli %mul3A_59, %scan3A_58 : i32
      %ge3A = arith.constant 2 : i32
      %ge3A_61 = arith.cmpi sge, %mul3A_60, %ge3A : i32
      %convert_element_type3A_62 = arith.extui %ge3A_61 : i1 to i32
      %cond3A_63 = arith.constant 0 : i32
      %cond3A_64 = arith.cmpi ne, %convert_element_type3A_62, %cond3A_63 : i32
      scf.if %cond3A_64 {
        %mul3A_115 = arith.constant 128 : i32
        %mul3A_116 = arith.muli %add3A_7, %mul3A_115 : i32
        %dma_wait3A_117 = arith.constant 0 : i32
        %dma_wait3A_118 = tpu.memref_slice %arg4[%arg0, %mul3A_116, %dma_wait3A_117] : memref<2x163840x128xf32, #tpu.memory_space<hbm>> -> memref<1x128x128xf32, #tpu.memory_space<hbm>>
        %dma_wait3A_119 = tpu.memref_squeeze %dma_wait3A_118 : memref<1x128x128xf32, #tpu.memory_space<hbm>> -> memref<128x128xf32, #tpu.memory_space<hbm>>
        %dma_wait3A_120 = arith.constant 0 : i32
        %dma_wait3A_121 = tpu.memref_slice %arg4[%arg0, %mul3A_116, %dma_wait3A_120] : memref<2x163840x128xf32, #tpu.memory_space<hbm>> -> memref<1x128x128xf32, #tpu.memory_space<hbm>>
        %dma_wait3A_122 = tpu.memref_squeeze %dma_wait3A_121 : memref<1x128x128xf32, #tpu.memory_space<hbm>> -> memref<128x128xf32, #tpu.memory_space<hbm>>
        tpu.wait_dma2 semaphore(%arg11 : memref<!tpu.dma_semaphore, #tpu.memory_space<semaphore_mem>>) src(%arg6 : memref<128x128xf32, #tpu.memory_space<vmem>>) dst(%dma_wait3A_122 : memref<128x128xf32, #tpu.memory_space<hbm>>)
      } else {
      }
      %dma_start3A = arith.constant 0 : i32
      %dma_start3A_65 = tpu.memref_slice %arg5[%mul3A_60, %dma_start3A] : memref<40x128xi32, #tpu.memory_space<vmem>> -> memref<1x128xi32, #tpu.memory_space<vmem>>
      %dma_start3A_66 = tpu.memref_squeeze %dma_start3A_65 : memref<1x128xi32, #tpu.memory_space<vmem>> -> memref<128xi32, #tpu.memory_space<vmem>>
      %dma_start3A_67 = arith.constant 0 : i32
      %dma_start3A_68 = arith.constant 0 : i32
      %dma_start3A_69 = tpu.memref_slice %arg8[%dma_start3A_67, %dma_start3A_68] : memref<10000x128xf32, #tpu.memory_space<vmem_shared>> -> memref<10000x128xf32, #tpu.memory_space<vmem_shared>>
      tpu.enqueue_indirect_dma source(%dma_start3A_69 : memref<10000x128xf32, #tpu.memory_space<vmem_shared>>) target(%arg6 : memref<128x128xf32, #tpu.memory_space<vmem>>) offsets(%dma_start3A_66 : memref<128xi32, #tpu.memory_space<vmem>>) semaphore(%arg9 : memref<!tpu.dma_semaphore, #tpu.memory_space<semaphore_mem>>)
      %dma_wait3A_70 = arith.constant 0 : i32
      %dma_wait3A_71 = tpu.memref_slice %arg5[%mul3A_60, %dma_wait3A_70] : memref<40x128xi32, #tpu.memory_space<vmem>> -> memref<1x128xi32, #tpu.memory_space<vmem>>
      %dma_wait3A_72 = tpu.memref_squeeze %dma_wait3A_71 : memref<1x128xi32, #tpu.memory_space<vmem>> -> memref<128xi32, #tpu.memory_space<vmem>>
      %dma_wait3A_73 = arith.constant 0 : i32
      %dma_wait3A_74 = arith.constant 0 : i32
      %dma_wait3A_75 = tpu.memref_slice %arg8[%dma_wait3A_73, %dma_wait3A_74] : memref<10000x128xf32, #tpu.memory_space<vmem_shared>> -> memref<10000x128xf32, #tpu.memory_space<vmem_shared>>
      tpu.wait_indirect_dma semaphore(%arg9 : memref<!tpu.dma_semaphore, #tpu.memory_space<semaphore_mem>>) src(%dma_wait3A_75 : memref<10000x128xf32, #tpu.memory_space<vmem_shared>>) dst(%arg6 : memref<128x128xf32, #tpu.memory_space<vmem>>)
      %add3A_76 = arith.addi %add3A_7, %mul3A_60 : i32
      %mul3A_77 = arith.constant 128 : i32
      %mul3A_78 = arith.muli %add3A_76, %mul3A_77 : i32
      %dma_start3A_79 = arith.constant 0 : i32
      %dma_start3A_80 = tpu.memref_slice %arg4[%arg0, %mul3A_78, %dma_start3A_79] : memref<2x163840x128xf32, #tpu.memory_space<hbm>> -> memref<1x128x128xf32, #tpu.memory_space<hbm>>
      %dma_start3A_81 = tpu.memref_squeeze %dma_start3A_80 : memref<1x128x128xf32, #tpu.memory_space<hbm>> -> memref<128x128xf32, #tpu.memory_space<hbm>>
      %dma_start3A_82 = arith.constant 0 : i32
      %dma_start3A_83 = tpu.memref_slice %arg4[%arg0, %mul3A_78, %dma_start3A_82] : memref<2x163840x128xf32, #tpu.memory_space<hbm>> -> memref<1x128x128xf32, #tpu.memory_space<hbm>>
      %dma_start3A_84 = tpu.memref_squeeze %dma_start3A_83 : memref<1x128x128xf32, #tpu.memory_space<hbm>> -> memref<128x128xf32, #tpu.memory_space<hbm>>
      tpu.enqueue_dma source(%arg6 : memref<128x128xf32, #tpu.memory_space<vmem>>) target(%dma_start3A_84 : memref<128x128xf32, #tpu.memory_space<hbm>>) target_semaphore(%arg11 : memref<!tpu.dma_semaphore, #tpu.memory_space<semaphore_mem>>)
      %mul3A_85 = arith.constant 2 : i32
      %mul3A_86 = arith.muli %mul3A_85, %scan3A_58 : i32
      %add3A_87 = arith.constant 1 : i32
      %add3A_88 = arith.addi %mul3A_86, %add3A_87 : i32
      %ge3A_89 = arith.constant 2 : i32
      %ge3A_90 = arith.cmpi sge, %add3A_88, %ge3A_89 : i32
      %convert_element_type3A_91 = arith.extui %ge3A_90 : i1 to i32
      %cond3A_92 = arith.constant 0 : i32
      %cond3A_93 = arith.cmpi ne, %convert_element_type3A_91, %cond3A_92 : i32
      scf.if %cond3A_93 {
        %mul3A_115 = arith.constant 128 : i32
        %mul3A_116 = arith.muli %add3A_7, %mul3A_115 : i32
        %dma_wait3A_117 = arith.constant 0 : i32
        %dma_wait3A_118 = tpu.memref_slice %arg4[%arg0, %mul3A_116, %dma_wait3A_117] : memref<2x163840x128xf32, #tpu.memory_space<hbm>> -> memref<1x128x128xf32, #tpu.memory_space<hbm>>
        %dma_wait3A_119 = tpu.memref_squeeze %dma_wait3A_118 : memref<1x128x128xf32, #tpu.memory_space<hbm>> -> memref<128x128xf32, #tpu.memory_space<hbm>>
        %dma_wait3A_120 = arith.constant 0 : i32
        %dma_wait3A_121 = tpu.memref_slice %arg4[%arg0, %mul3A_116, %dma_wait3A_120] : memref<2x163840x128xf32, #tpu.memory_space<hbm>> -> memref<1x128x128xf32, #tpu.memory_space<hbm>>
        %dma_wait3A_122 = tpu.memref_squeeze %dma_wait3A_121 : memref<1x128x128xf32, #tpu.memory_space<hbm>> -> memref<128x128xf32, #tpu.memory_space<hbm>>
        tpu.wait_dma2 semaphore(%arg12 : memref<!tpu.dma_semaphore, #tpu.memory_space<semaphore_mem>>) src(%arg7 : memref<128x128xf32, #tpu.memory_space<vmem>>) dst(%dma_wait3A_122 : memref<128x128xf32, #tpu.memory_space<hbm>>)
      } else {
      }
      %dma_start3A_94 = arith.constant 0 : i32
      %dma_start3A_95 = tpu.memref_slice %arg5[%add3A_88, %dma_start3A_94] : memref<40x128xi32, #tpu.memory_space<vmem>> -> memref<1x128xi32, #tpu.memory_space<vmem>>
      %dma_start3A_96 = tpu.memref_squeeze %dma_start3A_95 : memref<1x128xi32, #tpu.memory_space<vmem>> -> memref<128xi32, #tpu.memory_space<vmem>>
      %dma_start3A_97 = arith.constant 0 : i32
      %dma_start3A_98 = arith.constant 0 : i32
      %dma_start3A_99 = tpu.memref_slice %arg8[%dma_start3A_97, %dma_start3A_98] : memref<10000x128xf32, #tpu.memory_space<vmem_shared>> -> memref<10000x128xf32, #tpu.memory_space<vmem_shared>>
      tpu.enqueue_indirect_dma source(%dma_start3A_99 : memref<10000x128xf32, #tpu.memory_space<vmem_shared>>) target(%arg7 : memref<128x128xf32, #tpu.memory_space<vmem>>) offsets(%dma_start3A_96 : memref<128xi32, #tpu.memory_space<vmem>>) semaphore(%arg10 : memref<!tpu.dma_semaphore, #tpu.memory_space<semaphore_mem>>)
      %dma_wait3A_100 = arith.constant 0 : i32
      %dma_wait3A_101 = tpu.memref_slice %arg5[%add3A_88, %dma_wait3A_100] : memref<40x128xi32, #tpu.memory_space<vmem>> -> memref<1x128xi32, #tpu.memory_space<vmem>>
      %dma_wait3A_102 = tpu.memref_squeeze %dma_wait3A_101 : memref<1x128xi32, #tpu.memory_space<vmem>> -> memref<128xi32, #tpu.memory_space<vmem>>
      %dma_wait3A_103 = arith.constant 0 : i32
      %dma_wait3A_104 = arith.constant 0 : i32
      %dma_wait3A_105 = tpu.memref_slice %arg8[%dma_wait3A_103, %dma_wait3A_104] : memref<10000x128xf32, #tpu.memory_space<vmem_shared>> -> memref<10000x128xf32, #tpu.memory_space<vmem_shared>>
      tpu.wait_indirect_dma semaphore(%arg10 : memref<!tpu.dma_semaphore, #tpu.memory_space<semaphore_mem>>) src(%dma_wait3A_105 : memref<10000x128xf32, #tpu.memory_space<vmem_shared>>) dst(%arg7 : memref<128x128xf32, #tpu.memory_space<vmem>>)
      %add3A_106 = arith.addi %add3A_7, %add3A_88 : i32
      %mul3A_107 = arith.constant 128 : i32
      %mul3A_108 = arith.muli %add3A_106, %mul3A_107 : i32
      %dma_start3A_109 = arith.constant 0 : i32
      %dma_start3A_110 = tpu.memref_slice %arg4[%arg0, %mul3A_108, %dma_start3A_109] : memref<2x163840x128xf32, #tpu.memory_space<hbm>> -> memref<1x128x128xf32, #tpu.memory_space<hbm>>
      %dma_start3A_111 = tpu.memref_squeeze %dma_start3A_110 : memref<1x128x128xf32, #tpu.memory_space<hbm>> -> memref<128x128xf32, #tpu.memory_space<hbm>>
      %dma_start3A_112 = arith.constant 0 : i32
      %dma_start3A_113 = tpu.memref_slice %arg4[%arg0, %mul3A_108, %dma_start3A_112] : memref<2x163840x128xf32, #tpu.memory_space<hbm>> -> memref<1x128x128xf32, #tpu.memory_space<hbm>>
      %dma_start3A_114 = tpu.memref_squeeze %dma_start3A_113 : memref<1x128x128xf32, #tpu.memory_space<hbm>> -> memref<128x128xf32, #tpu.memory_space<hbm>>
      tpu.enqueue_dma source(%arg7 : memref<128x128xf32, #tpu.memory_space<vmem>>) target(%dma_start3A_114 : memref<128x128xf32, #tpu.memory_space<hbm>>) target_semaphore(%arg12 : memref<!tpu.dma_semaphore, #tpu.memory_space<semaphore_mem>>)
    }
    %scan3A_14 = arith.constant 20 : i32
    %mul3A_15 = arith.constant 128 : i32
    %mul3A_16 = arith.muli %add3A_7, %mul3A_15 : i32
    %dma_wait3A = arith.constant 0 : i32
    %dma_wait3A_17 = tpu.memref_slice %arg4[%arg0, %mul3A_16, %dma_wait3A] : memref<2x163840x128xf32, #tpu.memory_space<hbm>> -> memref<1x128x128xf32, #tpu.memory_space<hbm>>
    %dma_wait3A_18 = tpu.memref_squeeze %dma_wait3A_17 : memref<1x128x128xf32, #tpu.memory_space<hbm>> -> memref<128x128xf32, #tpu.memory_space<hbm>>
    %dma_wait3A_19 = arith.constant 0 : i32
    %dma_wait3A_20 = tpu.memref_slice %arg4[%arg0, %mul3A_16, %dma_wait3A_19] : memref<2x163840x128xf32, #tpu.memory_space<hbm>> -> memref<1x128x128xf32, #tpu.memory_space<hbm>>
    %dma_wait3A_21 = tpu.memref_squeeze %dma_wait3A_20 : memref<1x128x128xf32, #tpu.memory_space<hbm>> -> memref<128x128xf32, #tpu.memory_space<hbm>>
    tpu.wait_dma2 semaphore(%arg11 : memref<!tpu.dma_semaphore, #tpu.memory_space<semaphore_mem>>) src(%arg6 : memref<128x128xf32, #tpu.memory_space<vmem>>) dst(%dma_wait3A_21 : memref<128x128xf32, #tpu.memory_space<hbm>>)
    %mul3A_22 = arith.constant 128 : i32
    %mul3A_23 = arith.muli %add3A_7, %mul3A_22 : i32
    %dma_wait3A_24 = arith.constant 0 : i32
    %dma_wait3A_25 = tpu.memref_slice %arg4[%arg0, %mul3A_23, %dma_wait3A_24] : memref<2x163840x128xf32, #tpu.memory_space<hbm>> -> memref<1x128x128xf32, #tpu.memory_space<hbm>>
    %dma_wait3A_26 = tpu.memref_squeeze %dma_wait3A_25 : memref<1x128x128xf32, #tpu.memory_space<hbm>> -> memref<128x128xf32, #tpu.memory_space<hbm>>
    %dma_wait3A_27 = arith.constant 0 : i32
    %dma_wait3A_28 = tpu.memref_slice %arg4[%arg0, %mul3A_23, %dma_wait3A_27] : memref<2x163840x128xf32, #tpu.memory_space<hbm>> -> memref<1x128x128xf32, #tpu.memory_space<hbm>>
    %dma_wait3A_29 = tpu.memref_squeeze %dma_wait3A_28 : memref<1x128x128xf32, #tpu.memory_space<hbm>> -> memref<128x128xf32, #tpu.memory_space<hbm>>
    tpu.wait_dma2 semaphore(%arg12 : memref<!tpu.dma_semaphore, #tpu.memory_space<semaphore_mem>>) src(%arg7 : memref<128x128xf32, #tpu.memory_space<vmem>>) dst(%dma_wait3A_29 : memref<128x128xf32, #tpu.memory_space<hbm>>)
    %mul3A_30 = arith.constant 80 : i32
    %mul3A_31 = arith.muli %arg1, %mul3A_30 : i32
    %add3A_32 = arith.constant 40 : i32
    %add3A_33 = arith.addi %mul3A_31, %add3A_32 : i32
    %add3A_34 = arith.constant 0 : i32
    %add3A_35 = arith.addi %add3A_34, %add3A_33 : i32
    "tpu.region"() ({
      %run_scoped3A = tpu.sem_alloc : memref<!tpu.dma_semaphore, #tpu.memory_space<semaphore_mem>>
      %dma_start3A = arith.constant 0 : i32
      %dma_start3A_58 = tpu.memref_slice %arg2[%arg0, %add3A_35, %dma_start3A] : memref<2x2560x128xi32, #tpu.memory_space<hbm>> -> memref<1x40x128xi32, #tpu.memory_space<hbm>>
      %dma_start3A_59 = tpu.memref_squeeze %dma_start3A_58 : memref<1x40x128xi32, #tpu.memory_space<hbm>> -> memref<40x128xi32, #tpu.memory_space<hbm>>
      %dma_start3A_60 = arith.constant 0 : i32
      %dma_start3A_61 = tpu.memref_slice %arg2[%arg0, %add3A_35, %dma_start3A_60] : memref<2x2560x128xi32, #tpu.memory_space<hbm>> -> memref<1x40x128xi32, #tpu.memory_space<hbm>>
      %dma_start3A_62 = tpu.memref_squeeze %dma_start3A_61 : memref<1x40x128xi32, #tpu.memory_space<hbm>> -> memref<40x128xi32, #tpu.memory_space<hbm>>
      tpu.enqueue_dma source(%dma_start3A_62 : memref<40x128xi32, #tpu.memory_space<hbm>>) target(%arg5 : memref<40x128xi32, #tpu.memory_space<vmem>>) target_semaphore(%run_scoped3A : memref<!tpu.dma_semaphore, #tpu.memory_space<semaphore_mem>>)
      %dma_wait3A_63 = arith.constant 0 : i32
      %dma_wait3A_64 = tpu.memref_slice %arg2[%arg0, %add3A_35, %dma_wait3A_63] : memref<2x2560x128xi32, #tpu.memory_space<hbm>> -> memref<1x40x128xi32, #tpu.memory_space<hbm>>
      %dma_wait3A_65 = tpu.memref_squeeze %dma_wait3A_64 : memref<1x40x128xi32, #tpu.memory_space<hbm>> -> memref<40x128xi32, #tpu.memory_space<hbm>>
      %dma_wait3A_66 = arith.constant 0 : i32
      %dma_wait3A_67 = tpu.memref_slice %arg2[%arg0, %add3A_35, %dma_wait3A_66] : memref<2x2560x128xi32, #tpu.memory_space<hbm>> -> memref<1x40x128xi32, #tpu.memory_space<hbm>>
      %dma_wait3A_68 = tpu.memref_squeeze %dma_wait3A_67 : memref<1x40x128xi32, #tpu.memory_space<hbm>> -> memref<40x128xi32, #tpu.memory_space<hbm>>
      tpu.wait_dma2 semaphore(%run_scoped3A : memref<!tpu.dma_semaphore, #tpu.memory_space<semaphore_mem>>) src(%dma_wait3A_68 : memref<40x128xi32, #tpu.memory_space<hbm>>) dst(%arg5 : memref<40x128xi32, #tpu.memory_space<vmem>>)
      tpu.yield
    }) : () -> ()
    %scan3A_36 = arith.constant 0 : i32
    %scan3A_37 = arith.constant 0 : i32
    %scan3A_38 = arith.constant 20 : i32
    %scan3A_39 = arith.addi %scan3A_37, %scan3A_38 : i32
    %scan3A_40 = arith.constant 1 : i32
    scf.for %scan3A_58 = %scan3A_37 to %scan3A_39 step %scan3A_40  : i32 {
      %mul3A_59 = arith.constant 2 : i32
      %mul3A_60 = arith.muli %mul3A_59, %scan3A_58 : i32
      %ge3A = arith.constant 2 : i32
      %ge3A_61 = arith.cmpi sge, %mul3A_60, %ge3A : i32
      %convert_element_type3A_62 = arith.extui %ge3A_61 : i1 to i32
      %cond3A_63 = arith.constant 0 : i32
      %cond3A_64 = arith.cmpi ne, %convert_element_type3A_62, %cond3A_63 : i32
      scf.if %cond3A_64 {
        %mul3A_115 = arith.constant 128 : i32
        %mul3A_116 = arith.muli %add3A_33, %mul3A_115 : i32
        %dma_wait3A_117 = arith.constant 0 : i32
        %dma_wait3A_118 = tpu.memref_slice %arg4[%arg0, %mul3A_116, %dma_wait3A_117] : memref<2x163840x128xf32, #tpu.memory_space<hbm>> -> memref<1x128x128xf32, #tpu.memory_space<hbm>>
        %dma_wait3A_119 = tpu.memref_squeeze %dma_wait3A_118 : memref<1x128x128xf32, #tpu.memory_space<hbm>> -> memref<128x128xf32, #tpu.memory_space<hbm>>
        %dma_wait3A_120 = arith.constant 0 : i32
        %dma_wait3A_121 = tpu.memref_slice %arg4[%arg0, %mul3A_116, %dma_wait3A_120] : memref<2x163840x128xf32, #tpu.memory_space<hbm>> -> memref<1x128x128xf32, #tpu.memory_space<hbm>>
        %dma_wait3A_122 = tpu.memref_squeeze %dma_wait3A_121 : memref<1x128x128xf32, #tpu.memory_space<hbm>> -> memref<128x128xf32, #tpu.memory_space<hbm>>
        tpu.wait_dma2 semaphore(%arg11 : memref<!tpu.dma_semaphore, #tpu.memory_space<semaphore_mem>>) src(%arg6 : memref<128x128xf32, #tpu.memory_space<vmem>>) dst(%dma_wait3A_122 : memref<128x128xf32, #tpu.memory_space<hbm>>)
      } else {
      }
      %dma_start3A = arith.constant 0 : i32
      %dma_start3A_65 = tpu.memref_slice %arg5[%mul3A_60, %dma_start3A] : memref<40x128xi32, #tpu.memory_space<vmem>> -> memref<1x128xi32, #tpu.memory_space<vmem>>
      %dma_start3A_66 = tpu.memref_squeeze %dma_start3A_65 : memref<1x128xi32, #tpu.memory_space<vmem>> -> memref<128xi32, #tpu.memory_space<vmem>>
      %dma_start3A_67 = arith.constant 0 : i32
      %dma_start3A_68 = arith.constant 0 : i32
      %dma_start3A_69 = tpu.memref_slice %arg8[%dma_start3A_67, %dma_start3A_68] : memref<10000x128xf32, #tpu.memory_space<vmem_shared>> -> memref<10000x128xf32, #tpu.memory_space<vmem_shared>>
      tpu.enqueue_indirect_dma source(%dma_start3A_69 : memref<10000x128xf32, #tpu.memory_space<vmem_shared>>) target(%arg6 : memref<128x128xf32, #tpu.memory_space<vmem>>) offsets(%dma_start3A_66 : memref<128xi32, #tpu.memory_space<vmem>>) semaphore(%arg9 : memref<!tpu.dma_semaphore, #tpu.memory_space<semaphore_mem>>)
      %dma_wait3A_70 = arith.constant 0 : i32
      %dma_wait3A_71 = tpu.memref_slice %arg5[%mul3A_60, %dma_wait3A_70] : memref<40x128xi32, #tpu.memory_space<vmem>> -> memref<1x128xi32, #tpu.memory_space<vmem>>
      %dma_wait3A_72 = tpu.memref_squeeze %dma_wait3A_71 : memref<1x128xi32, #tpu.memory_space<vmem>> -> memref<128xi32, #tpu.memory_space<vmem>>
      %dma_wait3A_73 = arith.constant 0 : i32
      %dma_wait3A_74 = arith.constant 0 : i32
      %dma_wait3A_75 = tpu.memref_slice %arg8[%dma_wait3A_73, %dma_wait3A_74] : memref<10000x128xf32, #tpu.memory_space<vmem_shared>> -> memref<10000x128xf32, #tpu.memory_space<vmem_shared>>
      tpu.wait_indirect_dma semaphore(%arg9 : memref<!tpu.dma_semaphore, #tpu.memory_space<semaphore_mem>>) src(%dma_wait3A_75 : memref<10000x128xf32, #tpu.memory_space<vmem_shared>>) dst(%arg6 : memref<128x128xf32, #tpu.memory_space<vmem>>)
      %add3A_76 = arith.addi %add3A_33, %mul3A_60 : i32
      %mul3A_77 = arith.constant 128 : i32
      %mul3A_78 = arith.muli %add3A_76, %mul3A_77 : i32
      %dma_start3A_79 = arith.constant 0 : i32
      %dma_start3A_80 = tpu.memref_slice %arg4[%arg0, %mul3A_78, %dma_start3A_79] : memref<2x163840x128xf32, #tpu.memory_space<hbm>> -> memref<1x128x128xf32, #tpu.memory_space<hbm>>
      %dma_start3A_81 = tpu.memref_squeeze %dma_start3A_80 : memref<1x128x128xf32, #tpu.memory_space<hbm>> -> memref<128x128xf32, #tpu.memory_space<hbm>>
      %dma_start3A_82 = arith.constant 0 : i32
      %dma_start3A_83 = tpu.memref_slice %arg4[%arg0, %mul3A_78, %dma_start3A_82] : memref<2x163840x128xf32, #tpu.memory_space<hbm>> -> memref<1x128x128xf32, #tpu.memory_space<hbm>>
      %dma_start3A_84 = tpu.memref_squeeze %dma_start3A_83 : memref<1x128x128xf32, #tpu.memory_space<hbm>> -> memref<128x128xf32, #tpu.memory_space<hbm>>
      tpu.enqueue_dma source(%arg6 : memref<128x128xf32, #tpu.memory_space<vmem>>) target(%dma_start3A_84 : memref<128x128xf32, #tpu.memory_space<hbm>>) target_semaphore(%arg11 : memref<!tpu.dma_semaphore, #tpu.memory_space<semaphore_mem>>)
      %mul3A_85 = arith.constant 2 : i32
      %mul3A_86 = arith.muli %mul3A_85, %scan3A_58 : i32
      %add3A_87 = arith.constant 1 : i32
      %add3A_88 = arith.addi %mul3A_86, %add3A_87 : i32
      %ge3A_89 = arith.constant 2 : i32
      %ge3A_90 = arith.cmpi sge, %add3A_88, %ge3A_89 : i32
      %convert_element_type3A_91 = arith.extui %ge3A_90 : i1 to i32
      %cond3A_92 = arith.constant 0 : i32
      %cond3A_93 = arith.cmpi ne, %convert_element_type3A_91, %cond3A_92 : i32
      scf.if %cond3A_93 {
        %mul3A_115 = arith.constant 128 : i32
        %mul3A_116 = arith.muli %add3A_33, %mul3A_115 : i32
        %dma_wait3A_117 = arith.constant 0 : i32
        %dma_wait3A_118 = tpu.memref_slice %arg4[%arg0, %mul3A_116, %dma_wait3A_117] : memref<2x163840x128xf32, #tpu.memory_space<hbm>> -> memref<1x128x128xf32, #tpu.memory_space<hbm>>
        %dma_wait3A_119 = tpu.memref_squeeze %dma_wait3A_118 : memref<1x128x128xf32, #tpu.memory_space<hbm>> -> memref<128x128xf32, #tpu.memory_space<hbm>>
        %dma_wait3A_120 = arith.constant 0 : i32
        %dma_wait3A_121 = tpu.memref_slice %arg4[%arg0, %mul3A_116, %dma_wait3A_120] : memref<2x163840x128xf32, #tpu.memory_space<hbm>> -> memref<1x128x128xf32, #tpu.memory_space<hbm>>
        %dma_wait3A_122 = tpu.memref_squeeze %dma_wait3A_121 : memref<1x128x128xf32, #tpu.memory_space<hbm>> -> memref<128x128xf32, #tpu.memory_space<hbm>>
        tpu.wait_dma2 semaphore(%arg12 : memref<!tpu.dma_semaphore, #tpu.memory_space<semaphore_mem>>) src(%arg7 : memref<128x128xf32, #tpu.memory_space<vmem>>) dst(%dma_wait3A_122 : memref<128x128xf32, #tpu.memory_space<hbm>>)
      } else {
      }
      %dma_start3A_94 = arith.constant 0 : i32
      %dma_start3A_95 = tpu.memref_slice %arg5[%add3A_88, %dma_start3A_94] : memref<40x128xi32, #tpu.memory_space<vmem>> -> memref<1x128xi32, #tpu.memory_space<vmem>>
      %dma_start3A_96 = tpu.memref_squeeze %dma_start3A_95 : memref<1x128xi32, #tpu.memory_space<vmem>> -> memref<128xi32, #tpu.memory_space<vmem>>
      %dma_start3A_97 = arith.constant 0 : i32
      %dma_start3A_98 = arith.constant 0 : i32
      %dma_start3A_99 = tpu.memref_slice %arg8[%dma_start3A_97, %dma_start3A_98] : memref<10000x128xf32, #tpu.memory_space<vmem_shared>> -> memref<10000x128xf32, #tpu.memory_space<vmem_shared>>
      tpu.enqueue_indirect_dma source(%dma_start3A_99 : memref<10000x128xf32, #tpu.memory_space<vmem_shared>>) target(%arg7 : memref<128x128xf32, #tpu.memory_space<vmem>>) offsets(%dma_start3A_96 : memref<128xi32, #tpu.memory_space<vmem>>) semaphore(%arg10 : memref<!tpu.dma_semaphore, #tpu.memory_space<semaphore_mem>>)
      %dma_wait3A_100 = arith.constant 0 : i32
      %dma_wait3A_101 = tpu.memref_slice %arg5[%add3A_88, %dma_wait3A_100] : memref<40x128xi32, #tpu.memory_space<vmem>> -> memref<1x128xi32, #tpu.memory_space<vmem>>
      %dma_wait3A_102 = tpu.memref_squeeze %dma_wait3A_101 : memref<1x128xi32, #tpu.memory_space<vmem>> -> memref<128xi32, #tpu.memory_space<vmem>>
      %dma_wait3A_103 = arith.constant 0 : i32
      %dma_wait3A_104 = arith.constant 0 : i32
      %dma_wait3A_105 = tpu.memref_slice %arg8[%dma_wait3A_103, %dma_wait3A_104] : memref<10000x128xf32, #tpu.memory_space<vmem_shared>> -> memref<10000x128xf32, #tpu.memory_space<vmem_shared>>
      tpu.wait_indirect_dma semaphore(%arg10 : memref<!tpu.dma_semaphore, #tpu.memory_space<semaphore_mem>>) src(%dma_wait3A_105 : memref<10000x128xf32, #tpu.memory_space<vmem_shared>>) dst(%arg7 : memref<128x128xf32, #tpu.memory_space<vmem>>)
      %add3A_106 = arith.addi %add3A_33, %add3A_88 : i32
      %mul3A_107 = arith.constant 128 : i32
      %mul3A_108 = arith.muli %add3A_106, %mul3A_107 : i32
      %dma_start3A_109 = arith.constant 0 : i32
      %dma_start3A_110 = tpu.memref_slice %arg4[%arg0, %mul3A_108, %dma_start3A_109] : memref<2x163840x128xf32, #tpu.memory_space<hbm>> -> memref<1x128x128xf32, #tpu.memory_space<hbm>>
      %dma_start3A_111 = tpu.memref_squeeze %dma_start3A_110 : memref<1x128x128xf32, #tpu.memory_space<hbm>> -> memref<128x128xf32, #tpu.memory_space<hbm>>
      %dma_start3A_112 = arith.constant 0 : i32
      %dma_start3A_113 = tpu.memref_slice %arg4[%arg0, %mul3A_108, %dma_start3A_112] : memref<2x163840x128xf32, #tpu.memory_space<hbm>> -> memref<1x128x128xf32, #tpu.memory_space<hbm>>
      %dma_start3A_114 = tpu.memref_squeeze %dma_start3A_113 : memref<1x128x128xf32, #tpu.memory_space<hbm>> -> memref<128x128xf32, #tpu.memory_space<hbm>>
      tpu.enqueue_dma source(%arg7 : memref<128x128xf32, #tpu.memory_space<vmem>>) target(%dma_start3A_114 : memref<128x128xf32, #tpu.memory_space<hbm>>) target_semaphore(%arg12 : memref<!tpu.dma_semaphore, #tpu.memory_space<semaphore_mem>>)
    }
    %scan3A_41 = arith.constant 20 : i32
    %mul3A_42 = arith.constant 128 : i32
    %mul3A_43 = arith.muli %add3A_33, %mul3A_42 : i32
    %dma_wait3A_44 = arith.constant 0 : i32
    %dma_wait3A_45 = tpu.memref_slice %arg4[%arg0, %mul3A_43, %dma_wait3A_44] : memref<2x163840x128xf32, #tpu.memory_space<hbm>> -> memref<1x128x128xf32, #tpu.memory_space<hbm>>
    %dma_wait3A_46 = tpu.memref_squeeze %dma_wait3A_45 : memref<1x128x128xf32, #tpu.memory_space<hbm>> -> memref<128x128xf32, #tpu.memory_space<hbm>>
    %dma_wait3A_47 = arith.constant 0 : i32
    %dma_wait3A_48 = tpu.memref_slice %arg4[%arg0, %mul3A_43, %dma_wait3A_47] : memref<2x163840x128xf32, #tpu.memory_space<hbm>> -> memref<1x128x128xf32, #tpu.memory_space<hbm>>
    %dma_wait3A_49 = tpu.memref_squeeze %dma_wait3A_48 : memref<1x128x128xf32, #tpu.memory_space<hbm>> -> memref<128x128xf32, #tpu.memory_space<hbm>>
    tpu.wait_dma2 semaphore(%arg11 : memref<!tpu.dma_semaphore, #tpu.memory_space<semaphore_mem>>) src(%arg6 : memref<128x128xf32, #tpu.memory_space<vmem>>) dst(%dma_wait3A_49 : memref<128x128xf32, #tpu.memory_space<hbm>>)
    %mul3A_50 = arith.constant 128 : i32
    %mul3A_51 = arith.muli %add3A_33, %mul3A_50 : i32
    %dma_wait3A_52 = arith.constant 0 : i32
    %dma_wait3A_53 = tpu.memref_slice %arg4[%arg0, %mul3A_51, %dma_wait3A_52] : memref<2x163840x128xf32, #tpu.memory_space<hbm>> -> memref<1x128x128xf32, #tpu.memory_space<hbm>>
    %dma_wait3A_54 = tpu.memref_squeeze %dma_wait3A_53 : memref<1x128x128xf32, #tpu.memory_space<hbm>> -> memref<128x128xf32, #tpu.memory_space<hbm>>
    %dma_wait3A_55 = arith.constant 0 : i32
    %dma_wait3A_56 = tpu.memref_slice %arg4[%arg0, %mul3A_51, %dma_wait3A_55] : memref<2x163840x128xf32, #tpu.memory_space<hbm>> -> memref<1x128x128xf32, #tpu.memory_space<hbm>>
    %dma_wait3A_57 = tpu.memref_squeeze %dma_wait3A_56 : memref<1x128x128xf32, #tpu.memory_space<hbm>> -> memref<128x128xf32, #tpu.memory_space<hbm>>
    tpu.wait_dma2 semaphore(%arg12 : memref<!tpu.dma_semaphore, #tpu.memory_space<semaphore_mem>>) src(%arg7 : memref<128x128xf32, #tpu.memory_space<vmem>>) dst(%dma_wait3A_57 : memref<128x128xf32, #tpu.memory_space<hbm>>)
    return
  }
}

#map = affine_map<(d0, d1) -> (0, 0, 0)>
module attributes {stable_mosaic.version = 14 : i64} {
  func.func @k(%arg0: i32, %arg1: i32, %arg2: memref<2x2560x128xi32, #tpu.memory_space<hbm>>, %arg3: memref<2x10000x128xf32, #tpu.memory_space<hbm>>, %arg4: memref<2x163840x128xf32, #tpu.memory_space<hbm>>, %arg5: memref<40x128xi32, #tpu.memory_space<vmem>>, %arg6: memref<128x128xf32, #tpu.memory_space<vmem>>, %arg7: memref<128x128xf32, #tpu.memory_space<vmem>>, %arg8: memref<10000x128xf32, #tpu.memory_space<vmem_shared>>, %arg9: memref<!tpu.dma_semaphore, #tpu.memory_space<semaphore_mem>>, %arg10: memref<!tpu.dma_semaphore, #tpu.memory_space<semaphore_mem>>, %arg11: memref<!tpu.dma_semaphore, #tpu.memory_space<semaphore_mem>>, %arg12: memref<!tpu.dma_semaphore, #tpu.memory_space<semaphore_mem>>) attributes {dimension_semantics = [#tpu.dimension_semantics<core_parallel>, #tpu.dimension_semantics<subcore_parallel>], iteration_bounds = array<i64: 2, 16>, scalar_prefetch = 0 : i64, scratch_operands = 8 : i64, tpu.core_type = #tpu.core_type<sc_vector_subcore>, window_params = [{transform_indices = #map}, {transform_indices = #map}, {transform_indices = #map}]} {
    %lt3A = arith.constant 15 : i32
    %lt3A_0 = arith.cmpi slt, %arg1, %lt3A : i32
    %convert_element_type3A = arith.extui %lt3A_0 : i1 to i32
    %cond3A = arith.constant 0 : i32
    %cond3A_1 = arith.cmpi ne, %convert_element_type3A, %cond3A : i32
    scf.if %cond3A_1 {
      %mul3A_58 = arith.constant 632 : i32
      %mul3A_59 = arith.muli %arg1, %mul3A_58 : i32
      %mul3A_60 = arith.constant 632 : i32
      %mul3A_61 = arith.muli %arg1, %mul3A_60 : i32
      "tpu.region"() ({
        %run_scoped3A = tpu.sem_alloc : memref<!tpu.dma_semaphore, #tpu.memory_space<semaphore_mem>>
        %dma_start3A = arith.constant 0 : i32
        %dma_start3A_62 = tpu.memref_slice %arg8[%mul3A_61, %dma_start3A] : memref<10000x128xf32, #tpu.memory_space<vmem_shared>> -> memref<632x128xf32, #tpu.memory_space<vmem_shared>>
        %dma_start3A_63 = arith.constant 0 : i32
        %dma_start3A_64 = tpu.memref_slice %arg3[%arg0, %mul3A_59, %dma_start3A_63] : memref<2x10000x128xf32, #tpu.memory_space<hbm>> -> memref<1x632x128xf32, #tpu.memory_space<hbm>>
        %dma_start3A_65 = tpu.memref_squeeze %dma_start3A_64 : memref<1x632x128xf32, #tpu.memory_space<hbm>> -> memref<632x128xf32, #tpu.memory_space<hbm>>
        tpu.enqueue_dma source(%dma_start3A_65 : memref<632x128xf32, #tpu.memory_space<hbm>>) target(%dma_start3A_62 : memref<632x128xf32, #tpu.memory_space<vmem_shared>>) target_semaphore(%run_scoped3A : memref<!tpu.dma_semaphore, #tpu.memory_space<semaphore_mem>>)
        %dma_wait3A_66 = arith.constant 0 : i32
        %dma_wait3A_67 = tpu.memref_slice %arg8[%mul3A_61, %dma_wait3A_66] : memref<10000x128xf32, #tpu.memory_space<vmem_shared>> -> memref<632x128xf32, #tpu.memory_space<vmem_shared>>
        %dma_wait3A_68 = arith.constant 0 : i32
        %dma_wait3A_69 = tpu.memref_slice %arg3[%arg0, %mul3A_59, %dma_wait3A_68] : memref<2x10000x128xf32, #tpu.memory_space<hbm>> -> memref<1x632x128xf32, #tpu.memory_space<hbm>>
        %dma_wait3A_70 = tpu.memref_squeeze %dma_wait3A_69 : memref<1x632x128xf32, #tpu.memory_space<hbm>> -> memref<632x128xf32, #tpu.memory_space<hbm>>
        tpu.wait_dma2 semaphore(%run_scoped3A : memref<!tpu.dma_semaphore, #tpu.memory_space<semaphore_mem>>) src(%dma_wait3A_70 : memref<632x128xf32, #tpu.memory_space<hbm>>) dst(%dma_wait3A_67 : memref<632x128xf32, #tpu.memory_space<vmem_shared>>)
        tpu.yield
      }) : () -> ()
    } else {
    }
    %eq3A = arith.constant 15 : i32
    %eq3A_2 = arith.cmpi eq, %arg1, %eq3A : i32
    %convert_element_type3A_3 = arith.extui %eq3A_2 : i1 to i32
    %cond3A_4 = arith.constant 0 : i32
    %cond3A_5 = arith.cmpi ne, %convert_element_type3A_3, %cond3A_4 : i32
    scf.if %cond3A_5 {
      "tpu.region"() ({
        %run_scoped3A = tpu.sem_alloc : memref<!tpu.dma_semaphore, #tpu.memory_space<semaphore_mem>>
        %dma_start3A = arith.constant 9480 : i32
        %dma_start3A_58 = arith.constant 0 : i32
        %dma_start3A_59 = tpu.memref_slice %arg8[%dma_start3A, %dma_start3A_58] : memref<10000x128xf32, #tpu.memory_space<vmem_shared>> -> memref<520x128xf32, #tpu.memory_space<vmem_shared>>
        %dma_start3A_60 = arith.constant 9480 : i32
        %dma_start3A_61 = arith.constant 0 : i32
        %dma_start3A_62 = tpu.memref_slice %arg3[%arg0, %dma_start3A_60, %dma_start3A_61] : memref<2x10000x128xf32, #tpu.memory_space<hbm>> -> memref<1x520x128xf32, #tpu.memory_space<hbm>>
        %dma_start3A_63 = tpu.memref_squeeze %dma_start3A_62 : memref<1x520x128xf32, #tpu.memory_space<hbm>> -> memref<520x128xf32, #tpu.memory_space<hbm>>
        tpu.enqueue_dma source(%dma_start3A_63 : memref<520x128xf32, #tpu.memory_space<hbm>>) target(%dma_start3A_59 : memref<520x128xf32, #tpu.memory_space<vmem_shared>>) target_semaphore(%run_scoped3A : memref<!tpu.dma_semaphore, #tpu.memory_space<semaphore_mem>>)
        %dma_wait3A_64 = arith.constant 9480 : i32
        %dma_wait3A_65 = arith.constant 0 : i32
        %dma_wait3A_66 = tpu.memref_slice %arg8[%dma_wait3A_64, %dma_wait3A_65] : memref<10000x128xf32, #tpu.memory_space<vmem_shared>> -> memref<520x128xf32, #tpu.memory_space<vmem_shared>>
        %dma_wait3A_67 = arith.constant 9480 : i32
        %dma_wait3A_68 = arith.constant 0 : i32
        %dma_wait3A_69 = tpu.memref_slice %arg3[%arg0, %dma_wait3A_67, %dma_wait3A_68] : memref<2x10000x128xf32, #tpu.memory_space<hbm>> -> memref<1x520x128xf32, #tpu.memory_space<hbm>>
        %dma_wait3A_70 = tpu.memref_squeeze %dma_wait3A_69 : memref<1x520x128xf32, #tpu.memory_space<hbm>> -> memref<520x128xf32, #tpu.memory_space<hbm>>
        tpu.wait_dma2 semaphore(%run_scoped3A : memref<!tpu.dma_semaphore, #tpu.memory_space<semaphore_mem>>) src(%dma_wait3A_70 : memref<520x128xf32, #tpu.memory_space<hbm>>) dst(%dma_wait3A_66 : memref<520x128xf32, #tpu.memory_space<vmem_shared>>)
        tpu.yield
      }) : () -> ()
    } else {
    }
    %barrier3A = arith.constant 0 : index
    tpu.barrier barrier_id(%barrier3A)
    %mul3A = arith.constant 80 : i32
    %mul3A_6 = arith.muli %arg1, %mul3A : i32
    %add3A = arith.constant 0 : i32
    %add3A_7 = arith.addi %mul3A_6, %add3A : i32
    %add3A_8 = arith.constant 1280 : i32
    %add3A_9 = arith.addi %add3A_8, %add3A_7 : i32
    "tpu.region"() ({
      %run_scoped3A = tpu.sem_alloc : memref<!tpu.dma_semaphore, #tpu.memory_space<semaphore_mem>>
      %dma_start3A = arith.constant 0 : i32
      %dma_start3A_58 = tpu.memref_slice %arg2[%arg0, %add3A_9, %dma_start3A] : memref<2x2560x128xi32, #tpu.memory_space<hbm>> -> memref<1x40x128xi32, #tpu.memory_space<hbm>>
      %dma_start3A_59 = tpu.memref_squeeze %dma_start3A_58 : memref<1x40x128xi32, #tpu.memory_space<hbm>> -> memref<40x128xi32, #tpu.memory_space<hbm>>
      %dma_start3A_60 = arith.constant 0 : i32
      %dma_start3A_61 = tpu.memref_slice %arg2[%arg0, %add3A_9, %dma_start3A_60] : memref<2x2560x128xi32, #tpu.memory_space<hbm>> -> memref<1x40x128xi32, #tpu.memory_space<hbm>>
      %dma_start3A_62 = tpu.memref_squeeze %dma_start3A_61 : memref<1x40x128xi32, #tpu.memory_space<hbm>> -> memref<40x128xi32, #tpu.memory_space<hbm>>
      tpu.enqueue_dma source(%dma_start3A_62 : memref<40x128xi32, #tpu.memory_space<hbm>>) target(%arg5 : memref<40x128xi32, #tpu.memory_space<vmem>>) target_semaphore(%run_scoped3A : memref<!tpu.dma_semaphore, #tpu.memory_space<semaphore_mem>>)
      %dma_wait3A_63 = arith.constant 0 : i32
      %dma_wait3A_64 = tpu.memref_slice %arg2[%arg0, %add3A_9, %dma_wait3A_63] : memref<2x2560x128xi32, #tpu.memory_space<hbm>> -> memref<1x40x128xi32, #tpu.memory_space<hbm>>
      %dma_wait3A_65 = tpu.memref_squeeze %dma_wait3A_64 : memref<1x40x128xi32, #tpu.memory_space<hbm>> -> memref<40x128xi32, #tpu.memory_space<hbm>>
      %dma_wait3A_66 = arith.constant 0 : i32
      %dma_wait3A_67 = tpu.memref_slice %arg2[%arg0, %add3A_9, %dma_wait3A_66] : memref<2x2560x128xi32, #tpu.memory_space<hbm>> -> memref<1x40x128xi32, #tpu.memory_space<hbm>>
      %dma_wait3A_68 = tpu.memref_squeeze %dma_wait3A_67 : memref<1x40x128xi32, #tpu.memory_space<hbm>> -> memref<40x128xi32, #tpu.memory_space<hbm>>
      tpu.wait_dma2 semaphore(%run_scoped3A : memref<!tpu.dma_semaphore, #tpu.memory_space<semaphore_mem>>) src(%dma_wait3A_68 : memref<40x128xi32, #tpu.memory_space<hbm>>) dst(%arg5 : memref<40x128xi32, #tpu.memory_space<vmem>>)
      tpu.yield
    }) : () -> ()
    %scan3A = arith.constant 0 : i32
    %scan3A_10 = arith.constant 0 : i32
    %scan3A_11 = arith.constant 20 : i32
    %scan3A_12 = arith.addi %scan3A_10, %scan3A_11 : i32
    %scan3A_13 = arith.constant 1 : i32
    scf.for %scan3A_58 = %scan3A_10 to %scan3A_12 step %scan3A_13  : i32 {
      %mul3A_59 = arith.constant 2 : i32
      %mul3A_60 = arith.muli %mul3A_59, %scan3A_58 : i32
      %ge3A = arith.constant 2 : i32
      %ge3A_61 = arith.cmpi sge, %mul3A_60, %ge3A : i32
      %convert_element_type3A_62 = arith.extui %ge3A_61 : i1 to i32
      %cond3A_63 = arith.constant 0 : i32
      %cond3A_64 = arith.cmpi ne, %convert_element_type3A_62, %cond3A_63 : i32
      scf.if %cond3A_64 {
        %mul3A_115 = arith.constant 128 : i32
        %mul3A_116 = arith.muli %add3A_7, %mul3A_115 : i32
        %dma_wait3A_117 = arith.constant 0 : i32
        %dma_wait3A_118 = tpu.memref_slice %arg4[%arg0, %mul3A_116, %dma_wait3A_117] : memref<2x163840x128xf32, #tpu.memory_space<hbm>> -> memref<1x128x128xf32, #tpu.memory_space<hbm>>
        %dma_wait3A_119 = tpu.memref_squeeze %dma_wait3A_118 : memref<1x128x128xf32, #tpu.memory_space<hbm>> -> memref<128x128xf32, #tpu.memory_space<hbm>>
        %dma_wait3A_120 = arith.constant 0 : i32
        %dma_wait3A_121 = tpu.memref_slice %arg4[%arg0, %mul3A_116, %dma_wait3A_120] : memref<2x163840x128xf32, #tpu.memory_space<hbm>> -> memref<1x128x128xf32, #tpu.memory_space<hbm>>
        %dma_wait3A_122 = tpu.memref_squeeze %dma_wait3A_121 : memref<1x128x128xf32, #tpu.memory_space<hbm>> -> memref<128x128xf32, #tpu.memory_space<hbm>>
        tpu.wait_dma2 semaphore(%arg11 : memref<!tpu.dma_semaphore, #tpu.memory_space<semaphore_mem>>) src(%arg6 : memref<128x128xf32, #tpu.memory_space<vmem>>) dst(%dma_wait3A_122 : memref<128x128xf32, #tpu.memory_space<hbm>>)
      } else {
      }
      %dma_start3A = arith.constant 0 : i32
      %dma_start3A_65 = tpu.memref_slice %arg5[%mul3A_60, %dma_start3A] : memref<40x128xi32, #tpu.memory_space<vmem>> -> memref<1x128xi32, #tpu.memory_space<vmem>>
      %dma_start3A_66 = tpu.memref_squeeze %dma_start3A_65 : memref<1x128xi32, #tpu.memory_space<vmem>> -> memref<128xi32, #tpu.memory_space<vmem>>
      %dma_start3A_67 = arith.constant 0 : i32
      %dma_start3A_68 = arith.constant 0 : i32
      %dma_start3A_69 = tpu.memref_slice %arg8[%dma_start3A_67, %dma_start3A_68] : memref<10000x128xf32, #tpu.memory_space<vmem_shared>> -> memref<10000x128xf32, #tpu.memory_space<vmem_shared>>
      tpu.enqueue_indirect_dma source(%dma_start3A_69 : memref<10000x128xf32, #tpu.memory_space<vmem_shared>>) target(%arg6 : memref<128x128xf32, #tpu.memory_space<vmem>>) offsets(%dma_start3A_66 : memref<128xi32, #tpu.memory_space<vmem>>) semaphore(%arg9 : memref<!tpu.dma_semaphore, #tpu.memory_space<semaphore_mem>>)
      %dma_wait3A_70 = arith.constant 0 : i32
      %dma_wait3A_71 = tpu.memref_slice %arg5[%mul3A_60, %dma_wait3A_70] : memref<40x128xi32, #tpu.memory_space<vmem>> -> memref<1x128xi32, #tpu.memory_space<vmem>>
      %dma_wait3A_72 = tpu.memref_squeeze %dma_wait3A_71 : memref<1x128xi32, #tpu.memory_space<vmem>> -> memref<128xi32, #tpu.memory_space<vmem>>
      %dma_wait3A_73 = arith.constant 0 : i32
      %dma_wait3A_74 = arith.constant 0 : i32
      %dma_wait3A_75 = tpu.memref_slice %arg8[%dma_wait3A_73, %dma_wait3A_74] : memref<10000x128xf32, #tpu.memory_space<vmem_shared>> -> memref<10000x128xf32, #tpu.memory_space<vmem_shared>>
      tpu.wait_indirect_dma semaphore(%arg9 : memref<!tpu.dma_semaphore, #tpu.memory_space<semaphore_mem>>) src(%dma_wait3A_75 : memref<10000x128xf32, #tpu.memory_space<vmem_shared>>) dst(%arg6 : memref<128x128xf32, #tpu.memory_space<vmem>>)
      %add3A_76 = arith.addi %add3A_7, %mul3A_60 : i32
      %mul3A_77 = arith.constant 128 : i32
      %mul3A_78 = arith.muli %add3A_76, %mul3A_77 : i32
      %dma_start3A_79 = arith.constant 0 : i32
      %dma_start3A_80 = tpu.memref_slice %arg4[%arg0, %mul3A_78, %dma_start3A_79] : memref<2x163840x128xf32, #tpu.memory_space<hbm>> -> memref<1x128x128xf32, #tpu.memory_space<hbm>>
      %dma_start3A_81 = tpu.memref_squeeze %dma_start3A_80 : memref<1x128x128xf32, #tpu.memory_space<hbm>> -> memref<128x128xf32, #tpu.memory_space<hbm>>
      %dma_start3A_82 = arith.constant 0 : i32
      %dma_start3A_83 = tpu.memref_slice %arg4[%arg0, %mul3A_78, %dma_start3A_82] : memref<2x163840x128xf32, #tpu.memory_space<hbm>> -> memref<1x128x128xf32, #tpu.memory_space<hbm>>
      %dma_start3A_84 = tpu.memref_squeeze %dma_start3A_83 : memref<1x128x128xf32, #tpu.memory_space<hbm>> -> memref<128x128xf32, #tpu.memory_space<hbm>>
      tpu.enqueue_dma source(%arg6 : memref<128x128xf32, #tpu.memory_space<vmem>>) target(%dma_start3A_84 : memref<128x128xf32, #tpu.memory_space<hbm>>) target_semaphore(%arg11 : memref<!tpu.dma_semaphore, #tpu.memory_space<semaphore_mem>>)
      %mul3A_85 = arith.constant 2 : i32
      %mul3A_86 = arith.muli %mul3A_85, %scan3A_58 : i32
      %add3A_87 = arith.constant 1 : i32
      %add3A_88 = arith.addi %mul3A_86, %add3A_87 : i32
      %ge3A_89 = arith.constant 2 : i32
      %ge3A_90 = arith.cmpi sge, %add3A_88, %ge3A_89 : i32
      %convert_element_type3A_91 = arith.extui %ge3A_90 : i1 to i32
      %cond3A_92 = arith.constant 0 : i32
      %cond3A_93 = arith.cmpi ne, %convert_element_type3A_91, %cond3A_92 : i32
      scf.if %cond3A_93 {
        %mul3A_115 = arith.constant 128 : i32
        %mul3A_116 = arith.muli %add3A_7, %mul3A_115 : i32
        %dma_wait3A_117 = arith.constant 0 : i32
        %dma_wait3A_118 = tpu.memref_slice %arg4[%arg0, %mul3A_116, %dma_wait3A_117] : memref<2x163840x128xf32, #tpu.memory_space<hbm>> -> memref<1x128x128xf32, #tpu.memory_space<hbm>>
        %dma_wait3A_119 = tpu.memref_squeeze %dma_wait3A_118 : memref<1x128x128xf32, #tpu.memory_space<hbm>> -> memref<128x128xf32, #tpu.memory_space<hbm>>
        %dma_wait3A_120 = arith.constant 0 : i32
        %dma_wait3A_121 = tpu.memref_slice %arg4[%arg0, %mul3A_116, %dma_wait3A_120] : memref<2x163840x128xf32, #tpu.memory_space<hbm>> -> memref<1x128x128xf32, #tpu.memory_space<hbm>>
        %dma_wait3A_122 = tpu.memref_squeeze %dma_wait3A_121 : memref<1x128x128xf32, #tpu.memory_space<hbm>> -> memref<128x128xf32, #tpu.memory_space<hbm>>
        tpu.wait_dma2 semaphore(%arg12 : memref<!tpu.dma_semaphore, #tpu.memory_space<semaphore_mem>>) src(%arg7 : memref<128x128xf32, #tpu.memory_space<vmem>>) dst(%dma_wait3A_122 : memref<128x128xf32, #tpu.memory_space<hbm>>)
      } else {
      }
      %dma_start3A_94 = arith.constant 0 : i32
      %dma_start3A_95 = tpu.memref_slice %arg5[%add3A_88, %dma_start3A_94] : memref<40x128xi32, #tpu.memory_space<vmem>> -> memref<1x128xi32, #tpu.memory_space<vmem>>
      %dma_start3A_96 = tpu.memref_squeeze %dma_start3A_95 : memref<1x128xi32, #tpu.memory_space<vmem>> -> memref<128xi32, #tpu.memory_space<vmem>>
      %dma_start3A_97 = arith.constant 0 : i32
      %dma_start3A_98 = arith.constant 0 : i32
      %dma_start3A_99 = tpu.memref_slice %arg8[%dma_start3A_97, %dma_start3A_98] : memref<10000x128xf32, #tpu.memory_space<vmem_shared>> -> memref<10000x128xf32, #tpu.memory_space<vmem_shared>>
      tpu.enqueue_indirect_dma source(%dma_start3A_99 : memref<10000x128xf32, #tpu.memory_space<vmem_shared>>) target(%arg7 : memref<128x128xf32, #tpu.memory_space<vmem>>) offsets(%dma_start3A_96 : memref<128xi32, #tpu.memory_space<vmem>>) semaphore(%arg10 : memref<!tpu.dma_semaphore, #tpu.memory_space<semaphore_mem>>)
      %dma_wait3A_100 = arith.constant 0 : i32
      %dma_wait3A_101 = tpu.memref_slice %arg5[%add3A_88, %dma_wait3A_100] : memref<40x128xi32, #tpu.memory_space<vmem>> -> memref<1x128xi32, #tpu.memory_space<vmem>>
      %dma_wait3A_102 = tpu.memref_squeeze %dma_wait3A_101 : memref<1x128xi32, #tpu.memory_space<vmem>> -> memref<128xi32, #tpu.memory_space<vmem>>
      %dma_wait3A_103 = arith.constant 0 : i32
      %dma_wait3A_104 = arith.constant 0 : i32
      %dma_wait3A_105 = tpu.memref_slice %arg8[%dma_wait3A_103, %dma_wait3A_104] : memref<10000x128xf32, #tpu.memory_space<vmem_shared>> -> memref<10000x128xf32, #tpu.memory_space<vmem_shared>>
      tpu.wait_indirect_dma semaphore(%arg10 : memref<!tpu.dma_semaphore, #tpu.memory_space<semaphore_mem>>) src(%dma_wait3A_105 : memref<10000x128xf32, #tpu.memory_space<vmem_shared>>) dst(%arg7 : memref<128x128xf32, #tpu.memory_space<vmem>>)
      %add3A_106 = arith.addi %add3A_7, %add3A_88 : i32
      %mul3A_107 = arith.constant 128 : i32
      %mul3A_108 = arith.muli %add3A_106, %mul3A_107 : i32
      %dma_start3A_109 = arith.constant 0 : i32
      %dma_start3A_110 = tpu.memref_slice %arg4[%arg0, %mul3A_108, %dma_start3A_109] : memref<2x163840x128xf32, #tpu.memory_space<hbm>> -> memref<1x128x128xf32, #tpu.memory_space<hbm>>
      %dma_start3A_111 = tpu.memref_squeeze %dma_start3A_110 : memref<1x128x128xf32, #tpu.memory_space<hbm>> -> memref<128x128xf32, #tpu.memory_space<hbm>>
      %dma_start3A_112 = arith.constant 0 : i32
      %dma_start3A_113 = tpu.memref_slice %arg4[%arg0, %mul3A_108, %dma_start3A_112] : memref<2x163840x128xf32, #tpu.memory_space<hbm>> -> memref<1x128x128xf32, #tpu.memory_space<hbm>>
      %dma_start3A_114 = tpu.memref_squeeze %dma_start3A_113 : memref<1x128x128xf32, #tpu.memory_space<hbm>> -> memref<128x128xf32, #tpu.memory_space<hbm>>
      tpu.enqueue_dma source(%arg7 : memref<128x128xf32, #tpu.memory_space<vmem>>) target(%dma_start3A_114 : memref<128x128xf32, #tpu.memory_space<hbm>>) target_semaphore(%arg12 : memref<!tpu.dma_semaphore, #tpu.memory_space<semaphore_mem>>)
    }
    %scan3A_14 = arith.constant 20 : i32
    %mul3A_15 = arith.constant 128 : i32
    %mul3A_16 = arith.muli %add3A_7, %mul3A_15 : i32
    %dma_wait3A = arith.constant 0 : i32
    %dma_wait3A_17 = tpu.memref_slice %arg4[%arg0, %mul3A_16, %dma_wait3A] : memref<2x163840x128xf32, #tpu.memory_space<hbm>> -> memref<1x128x128xf32, #tpu.memory_space<hbm>>
    %dma_wait3A_18 = tpu.memref_squeeze %dma_wait3A_17 : memref<1x128x128xf32, #tpu.memory_space<hbm>> -> memref<128x128xf32, #tpu.memory_space<hbm>>
    %dma_wait3A_19 = arith.constant 0 : i32
    %dma_wait3A_20 = tpu.memref_slice %arg4[%arg0, %mul3A_16, %dma_wait3A_19] : memref<2x163840x128xf32, #tpu.memory_space<hbm>> -> memref<1x128x128xf32, #tpu.memory_space<hbm>>
    %dma_wait3A_21 = tpu.memref_squeeze %dma_wait3A_20 : memref<1x128x128xf32, #tpu.memory_space<hbm>> -> memref<128x128xf32, #tpu.memory_space<hbm>>
    tpu.wait_dma2 semaphore(%arg11 : memref<!tpu.dma_semaphore, #tpu.memory_space<semaphore_mem>>) src(%arg6 : memref<128x128xf32, #tpu.memory_space<vmem>>) dst(%dma_wait3A_21 : memref<128x128xf32, #tpu.memory_space<hbm>>)
    %mul3A_22 = arith.constant 128 : i32
    %mul3A_23 = arith.muli %add3A_7, %mul3A_22 : i32
    %dma_wait3A_24 = arith.constant 0 : i32
    %dma_wait3A_25 = tpu.memref_slice %arg4[%arg0, %mul3A_23, %dma_wait3A_24] : memref<2x163840x128xf32, #tpu.memory_space<hbm>> -> memref<1x128x128xf32, #tpu.memory_space<hbm>>
    %dma_wait3A_26 = tpu.memref_squeeze %dma_wait3A_25 : memref<1x128x128xf32, #tpu.memory_space<hbm>> -> memref<128x128xf32, #tpu.memory_space<hbm>>
    %dma_wait3A_27 = arith.constant 0 : i32
    %dma_wait3A_28 = tpu.memref_slice %arg4[%arg0, %mul3A_23, %dma_wait3A_27] : memref<2x163840x128xf32, #tpu.memory_space<hbm>> -> memref<1x128x128xf32, #tpu.memory_space<hbm>>
    %dma_wait3A_29 = tpu.memref_squeeze %dma_wait3A_28 : memref<1x128x128xf32, #tpu.memory_space<hbm>> -> memref<128x128xf32, #tpu.memory_space<hbm>>
    tpu.wait_dma2 semaphore(%arg12 : memref<!tpu.dma_semaphore, #tpu.memory_space<semaphore_mem>>) src(%arg7 : memref<128x128xf32, #tpu.memory_space<vmem>>) dst(%dma_wait3A_29 : memref<128x128xf32, #tpu.memory_space<hbm>>)
    %mul3A_30 = arith.constant 80 : i32
    %mul3A_31 = arith.muli %arg1, %mul3A_30 : i32
    %add3A_32 = arith.constant 40 : i32
    %add3A_33 = arith.addi %mul3A_31, %add3A_32 : i32
    %add3A_34 = arith.constant 1280 : i32
    %add3A_35 = arith.addi %add3A_34, %add3A_33 : i32
    "tpu.region"() ({
      %run_scoped3A = tpu.sem_alloc : memref<!tpu.dma_semaphore, #tpu.memory_space<semaphore_mem>>
      %dma_start3A = arith.constant 0 : i32
      %dma_start3A_58 = tpu.memref_slice %arg2[%arg0, %add3A_35, %dma_start3A] : memref<2x2560x128xi32, #tpu.memory_space<hbm>> -> memref<1x40x128xi32, #tpu.memory_space<hbm>>
      %dma_start3A_59 = tpu.memref_squeeze %dma_start3A_58 : memref<1x40x128xi32, #tpu.memory_space<hbm>> -> memref<40x128xi32, #tpu.memory_space<hbm>>
      %dma_start3A_60 = arith.constant 0 : i32
      %dma_start3A_61 = tpu.memref_slice %arg2[%arg0, %add3A_35, %dma_start3A_60] : memref<2x2560x128xi32, #tpu.memory_space<hbm>> -> memref<1x40x128xi32, #tpu.memory_space<hbm>>
      %dma_start3A_62 = tpu.memref_squeeze %dma_start3A_61 : memref<1x40x128xi32, #tpu.memory_space<hbm>> -> memref<40x128xi32, #tpu.memory_space<hbm>>
      tpu.enqueue_dma source(%dma_start3A_62 : memref<40x128xi32, #tpu.memory_space<hbm>>) target(%arg5 : memref<40x128xi32, #tpu.memory_space<vmem>>) target_semaphore(%run_scoped3A : memref<!tpu.dma_semaphore, #tpu.memory_space<semaphore_mem>>)
      %dma_wait3A_63 = arith.constant 0 : i32
      %dma_wait3A_64 = tpu.memref_slice %arg2[%arg0, %add3A_35, %dma_wait3A_63] : memref<2x2560x128xi32, #tpu.memory_space<hbm>> -> memref<1x40x128xi32, #tpu.memory_space<hbm>>
      %dma_wait3A_65 = tpu.memref_squeeze %dma_wait3A_64 : memref<1x40x128xi32, #tpu.memory_space<hbm>> -> memref<40x128xi32, #tpu.memory_space<hbm>>
      %dma_wait3A_66 = arith.constant 0 : i32
      %dma_wait3A_67 = tpu.memref_slice %arg2[%arg0, %add3A_35, %dma_wait3A_66] : memref<2x2560x128xi32, #tpu.memory_space<hbm>> -> memref<1x40x128xi32, #tpu.memory_space<hbm>>
      %dma_wait3A_68 = tpu.memref_squeeze %dma_wait3A_67 : memref<1x40x128xi32, #tpu.memory_space<hbm>> -> memref<40x128xi32, #tpu.memory_space<hbm>>
      tpu.wait_dma2 semaphore(%run_scoped3A : memref<!tpu.dma_semaphore, #tpu.memory_space<semaphore_mem>>) src(%dma_wait3A_68 : memref<40x128xi32, #tpu.memory_space<hbm>>) dst(%arg5 : memref<40x128xi32, #tpu.memory_space<vmem>>)
      tpu.yield
    }) : () -> ()
    %scan3A_36 = arith.constant 0 : i32
    %scan3A_37 = arith.constant 0 : i32
    %scan3A_38 = arith.constant 20 : i32
    %scan3A_39 = arith.addi %scan3A_37, %scan3A_38 : i32
    %scan3A_40 = arith.constant 1 : i32
    scf.for %scan3A_58 = %scan3A_37 to %scan3A_39 step %scan3A_40  : i32 {
      %mul3A_59 = arith.constant 2 : i32
      %mul3A_60 = arith.muli %mul3A_59, %scan3A_58 : i32
      %ge3A = arith.constant 2 : i32
      %ge3A_61 = arith.cmpi sge, %mul3A_60, %ge3A : i32
      %convert_element_type3A_62 = arith.extui %ge3A_61 : i1 to i32
      %cond3A_63 = arith.constant 0 : i32
      %cond3A_64 = arith.cmpi ne, %convert_element_type3A_62, %cond3A_63 : i32
      scf.if %cond3A_64 {
        %mul3A_115 = arith.constant 128 : i32
        %mul3A_116 = arith.muli %add3A_33, %mul3A_115 : i32
        %dma_wait3A_117 = arith.constant 0 : i32
        %dma_wait3A_118 = tpu.memref_slice %arg4[%arg0, %mul3A_116, %dma_wait3A_117] : memref<2x163840x128xf32, #tpu.memory_space<hbm>> -> memref<1x128x128xf32, #tpu.memory_space<hbm>>
        %dma_wait3A_119 = tpu.memref_squeeze %dma_wait3A_118 : memref<1x128x128xf32, #tpu.memory_space<hbm>> -> memref<128x128xf32, #tpu.memory_space<hbm>>
        %dma_wait3A_120 = arith.constant 0 : i32
        %dma_wait3A_121 = tpu.memref_slice %arg4[%arg0, %mul3A_116, %dma_wait3A_120] : memref<2x163840x128xf32, #tpu.memory_space<hbm>> -> memref<1x128x128xf32, #tpu.memory_space<hbm>>
        %dma_wait3A_122 = tpu.memref_squeeze %dma_wait3A_121 : memref<1x128x128xf32, #tpu.memory_space<hbm>> -> memref<128x128xf32, #tpu.memory_space<hbm>>
        tpu.wait_dma2 semaphore(%arg11 : memref<!tpu.dma_semaphore, #tpu.memory_space<semaphore_mem>>) src(%arg6 : memref<128x128xf32, #tpu.memory_space<vmem>>) dst(%dma_wait3A_122 : memref<128x128xf32, #tpu.memory_space<hbm>>)
      } else {
      }
      %dma_start3A = arith.constant 0 : i32
      %dma_start3A_65 = tpu.memref_slice %arg5[%mul3A_60, %dma_start3A] : memref<40x128xi32, #tpu.memory_space<vmem>> -> memref<1x128xi32, #tpu.memory_space<vmem>>
      %dma_start3A_66 = tpu.memref_squeeze %dma_start3A_65 : memref<1x128xi32, #tpu.memory_space<vmem>> -> memref<128xi32, #tpu.memory_space<vmem>>
      %dma_start3A_67 = arith.constant 0 : i32
      %dma_start3A_68 = arith.constant 0 : i32
      %dma_start3A_69 = tpu.memref_slice %arg8[%dma_start3A_67, %dma_start3A_68] : memref<10000x128xf32, #tpu.memory_space<vmem_shared>> -> memref<10000x128xf32, #tpu.memory_space<vmem_shared>>
      tpu.enqueue_indirect_dma source(%dma_start3A_69 : memref<10000x128xf32, #tpu.memory_space<vmem_shared>>) target(%arg6 : memref<128x128xf32, #tpu.memory_space<vmem>>) offsets(%dma_start3A_66 : memref<128xi32, #tpu.memory_space<vmem>>) semaphore(%arg9 : memref<!tpu.dma_semaphore, #tpu.memory_space<semaphore_mem>>)
      %dma_wait3A_70 = arith.constant 0 : i32
      %dma_wait3A_71 = tpu.memref_slice %arg5[%mul3A_60, %dma_wait3A_70] : memref<40x128xi32, #tpu.memory_space<vmem>> -> memref<1x128xi32, #tpu.memory_space<vmem>>
      %dma_wait3A_72 = tpu.memref_squeeze %dma_wait3A_71 : memref<1x128xi32, #tpu.memory_space<vmem>> -> memref<128xi32, #tpu.memory_space<vmem>>
      %dma_wait3A_73 = arith.constant 0 : i32
      %dma_wait3A_74 = arith.constant 0 : i32
      %dma_wait3A_75 = tpu.memref_slice %arg8[%dma_wait3A_73, %dma_wait3A_74] : memref<10000x128xf32, #tpu.memory_space<vmem_shared>> -> memref<10000x128xf32, #tpu.memory_space<vmem_shared>>
      tpu.wait_indirect_dma semaphore(%arg9 : memref<!tpu.dma_semaphore, #tpu.memory_space<semaphore_mem>>) src(%dma_wait3A_75 : memref<10000x128xf32, #tpu.memory_space<vmem_shared>>) dst(%arg6 : memref<128x128xf32, #tpu.memory_space<vmem>>)
      %add3A_76 = arith.addi %add3A_33, %mul3A_60 : i32
      %mul3A_77 = arith.constant 128 : i32
      %mul3A_78 = arith.muli %add3A_76, %mul3A_77 : i32
      %dma_start3A_79 = arith.constant 0 : i32
      %dma_start3A_80 = tpu.memref_slice %arg4[%arg0, %mul3A_78, %dma_start3A_79] : memref<2x163840x128xf32, #tpu.memory_space<hbm>> -> memref<1x128x128xf32, #tpu.memory_space<hbm>>
      %dma_start3A_81 = tpu.memref_squeeze %dma_start3A_80 : memref<1x128x128xf32, #tpu.memory_space<hbm>> -> memref<128x128xf32, #tpu.memory_space<hbm>>
      %dma_start3A_82 = arith.constant 0 : i32
      %dma_start3A_83 = tpu.memref_slice %arg4[%arg0, %mul3A_78, %dma_start3A_82] : memref<2x163840x128xf32, #tpu.memory_space<hbm>> -> memref<1x128x128xf32, #tpu.memory_space<hbm>>
      %dma_start3A_84 = tpu.memref_squeeze %dma_start3A_83 : memref<1x128x128xf32, #tpu.memory_space<hbm>> -> memref<128x128xf32, #tpu.memory_space<hbm>>
      tpu.enqueue_dma source(%arg6 : memref<128x128xf32, #tpu.memory_space<vmem>>) target(%dma_start3A_84 : memref<128x128xf32, #tpu.memory_space<hbm>>) target_semaphore(%arg11 : memref<!tpu.dma_semaphore, #tpu.memory_space<semaphore_mem>>)
      %mul3A_85 = arith.constant 2 : i32
      %mul3A_86 = arith.muli %mul3A_85, %scan3A_58 : i32
      %add3A_87 = arith.constant 1 : i32
      %add3A_88 = arith.addi %mul3A_86, %add3A_87 : i32
      %ge3A_89 = arith.constant 2 : i32
      %ge3A_90 = arith.cmpi sge, %add3A_88, %ge3A_89 : i32
      %convert_element_type3A_91 = arith.extui %ge3A_90 : i1 to i32
      %cond3A_92 = arith.constant 0 : i32
      %cond3A_93 = arith.cmpi ne, %convert_element_type3A_91, %cond3A_92 : i32
      scf.if %cond3A_93 {
        %mul3A_115 = arith.constant 128 : i32
        %mul3A_116 = arith.muli %add3A_33, %mul3A_115 : i32
        %dma_wait3A_117 = arith.constant 0 : i32
        %dma_wait3A_118 = tpu.memref_slice %arg4[%arg0, %mul3A_116, %dma_wait3A_117] : memref<2x163840x128xf32, #tpu.memory_space<hbm>> -> memref<1x128x128xf32, #tpu.memory_space<hbm>>
        %dma_wait3A_119 = tpu.memref_squeeze %dma_wait3A_118 : memref<1x128x128xf32, #tpu.memory_space<hbm>> -> memref<128x128xf32, #tpu.memory_space<hbm>>
        %dma_wait3A_120 = arith.constant 0 : i32
        %dma_wait3A_121 = tpu.memref_slice %arg4[%arg0, %mul3A_116, %dma_wait3A_120] : memref<2x163840x128xf32, #tpu.memory_space<hbm>> -> memref<1x128x128xf32, #tpu.memory_space<hbm>>
        %dma_wait3A_122 = tpu.memref_squeeze %dma_wait3A_121 : memref<1x128x128xf32, #tpu.memory_space<hbm>> -> memref<128x128xf32, #tpu.memory_space<hbm>>
        tpu.wait_dma2 semaphore(%arg12 : memref<!tpu.dma_semaphore, #tpu.memory_space<semaphore_mem>>) src(%arg7 : memref<128x128xf32, #tpu.memory_space<vmem>>) dst(%dma_wait3A_122 : memref<128x128xf32, #tpu.memory_space<hbm>>)
      } else {
      }
      %dma_start3A_94 = arith.constant 0 : i32
      %dma_start3A_95 = tpu.memref_slice %arg5[%add3A_88, %dma_start3A_94] : memref<40x128xi32, #tpu.memory_space<vmem>> -> memref<1x128xi32, #tpu.memory_space<vmem>>
      %dma_start3A_96 = tpu.memref_squeeze %dma_start3A_95 : memref<1x128xi32, #tpu.memory_space<vmem>> -> memref<128xi32, #tpu.memory_space<vmem>>
      %dma_start3A_97 = arith.constant 0 : i32
      %dma_start3A_98 = arith.constant 0 : i32
      %dma_start3A_99 = tpu.memref_slice %arg8[%dma_start3A_97, %dma_start3A_98] : memref<10000x128xf32, #tpu.memory_space<vmem_shared>> -> memref<10000x128xf32, #tpu.memory_space<vmem_shared>>
      tpu.enqueue_indirect_dma source(%dma_start3A_99 : memref<10000x128xf32, #tpu.memory_space<vmem_shared>>) target(%arg7 : memref<128x128xf32, #tpu.memory_space<vmem>>) offsets(%dma_start3A_96 : memref<128xi32, #tpu.memory_space<vmem>>) semaphore(%arg10 : memref<!tpu.dma_semaphore, #tpu.memory_space<semaphore_mem>>)
      %dma_wait3A_100 = arith.constant 0 : i32
      %dma_wait3A_101 = tpu.memref_slice %arg5[%add3A_88, %dma_wait3A_100] : memref<40x128xi32, #tpu.memory_space<vmem>> -> memref<1x128xi32, #tpu.memory_space<vmem>>
      %dma_wait3A_102 = tpu.memref_squeeze %dma_wait3A_101 : memref<1x128xi32, #tpu.memory_space<vmem>> -> memref<128xi32, #tpu.memory_space<vmem>>
      %dma_wait3A_103 = arith.constant 0 : i32
      %dma_wait3A_104 = arith.constant 0 : i32
      %dma_wait3A_105 = tpu.memref_slice %arg8[%dma_wait3A_103, %dma_wait3A_104] : memref<10000x128xf32, #tpu.memory_space<vmem_shared>> -> memref<10000x128xf32, #tpu.memory_space<vmem_shared>>
      tpu.wait_indirect_dma semaphore(%arg10 : memref<!tpu.dma_semaphore, #tpu.memory_space<semaphore_mem>>) src(%dma_wait3A_105 : memref<10000x128xf32, #tpu.memory_space<vmem_shared>>) dst(%arg7 : memref<128x128xf32, #tpu.memory_space<vmem>>)
      %add3A_106 = arith.addi %add3A_33, %add3A_88 : i32
      %mul3A_107 = arith.constant 128 : i32
      %mul3A_108 = arith.muli %add3A_106, %mul3A_107 : i32
      %dma_start3A_109 = arith.constant 0 : i32
      %dma_start3A_110 = tpu.memref_slice %arg4[%arg0, %mul3A_108, %dma_start3A_109] : memref<2x163840x128xf32, #tpu.memory_space<hbm>> -> memref<1x128x128xf32, #tpu.memory_space<hbm>>
      %dma_start3A_111 = tpu.memref_squeeze %dma_start3A_110 : memref<1x128x128xf32, #tpu.memory_space<hbm>> -> memref<128x128xf32, #tpu.memory_space<hbm>>
      %dma_start3A_112 = arith.constant 0 : i32
      %dma_start3A_113 = tpu.memref_slice %arg4[%arg0, %mul3A_108, %dma_start3A_112] : memref<2x163840x128xf32, #tpu.memory_space<hbm>> -> memref<1x128x128xf32, #tpu.memory_space<hbm>>
      %dma_start3A_114 = tpu.memref_squeeze %dma_start3A_113 : memref<1x128x128xf32, #tpu.memory_space<hbm>> -> memref<128x128xf32, #tpu.memory_space<hbm>>
      tpu.enqueue_dma source(%arg7 : memref<128x128xf32, #tpu.memory_space<vmem>>) target(%dma_start3A_114 : memref<128x128xf32, #tpu.memory_space<hbm>>) target_semaphore(%arg12 : memref<!tpu.dma_semaphore, #tpu.memory_space<semaphore_mem>>)
    }
    %scan3A_41 = arith.constant 20 : i32
    %mul3A_42 = arith.constant 128 : i32
    %mul3A_43 = arith.muli %add3A_33, %mul3A_42 : i32
    %dma_wait3A_44 = arith.constant 0 : i32
    %dma_wait3A_45 = tpu.memref_slice %arg4[%arg0, %mul3A_43, %dma_wait3A_44] : memref<2x163840x128xf32, #tpu.memory_space<hbm>> -> memref<1x128x128xf32, #tpu.memory_space<hbm>>
    %dma_wait3A_46 = tpu.memref_squeeze %dma_wait3A_45 : memref<1x128x128xf32, #tpu.memory_space<hbm>> -> memref<128x128xf32, #tpu.memory_space<hbm>>
    %dma_wait3A_47 = arith.constant 0 : i32
    %dma_wait3A_48 = tpu.memref_slice %arg4[%arg0, %mul3A_43, %dma_wait3A_47] : memref<2x163840x128xf32, #tpu.memory_space<hbm>> -> memref<1x128x128xf32, #tpu.memory_space<hbm>>
    %dma_wait3A_49 = tpu.memref_squeeze %dma_wait3A_48 : memref<1x128x128xf32, #tpu.memory_space<hbm>> -> memref<128x128xf32, #tpu.memory_space<hbm>>
    tpu.wait_dma2 semaphore(%arg11 : memref<!tpu.dma_semaphore, #tpu.memory_space<semaphore_mem>>) src(%arg6 : memref<128x128xf32, #tpu.memory_space<vmem>>) dst(%dma_wait3A_49 : memref<128x128xf32, #tpu.memory_space<hbm>>)
    %mul3A_50 = arith.constant 128 : i32
    %mul3A_51 = arith.muli %add3A_33, %mul3A_50 : i32
    %dma_wait3A_52 = arith.constant 0 : i32
    %dma_wait3A_53 = tpu.memref_slice %arg4[%arg0, %mul3A_51, %dma_wait3A_52] : memref<2x163840x128xf32, #tpu.memory_space<hbm>> -> memref<1x128x128xf32, #tpu.memory_space<hbm>>
    %dma_wait3A_54 = tpu.memref_squeeze %dma_wait3A_53 : memref<1x128x128xf32, #tpu.memory_space<hbm>> -> memref<128x128xf32, #tpu.memory_space<hbm>>
    %dma_wait3A_55 = arith.constant 0 : i32
    %dma_wait3A_56 = tpu.memref_slice %arg4[%arg0, %mul3A_51, %dma_wait3A_55] : memref<2x163840x128xf32, #tpu.memory_space<hbm>> -> memref<1x128x128xf32, #tpu.memory_space<hbm>>
    %dma_wait3A_57 = tpu.memref_squeeze %dma_wait3A_56 : memref<1x128x128xf32, #tpu.memory_space<hbm>> -> memref<128x128xf32, #tpu.memory_space<hbm>>
    tpu.wait_dma2 semaphore(%arg12 : memref<!tpu.dma_semaphore, #tpu.memory_space<semaphore_mem>>) src(%arg7 : memref<128x128xf32, #tpu.memory_space<vmem>>) dst(%dma_wait3A_57 : memref<128x128xf32, #tpu.memory_space<hbm>>)
    return
  }
}

#map = affine_map<(d0, d1) -> (0, 0)>
#map1 = affine_map<(d0, d1) -> (0, 0, 0)>
module attributes {stable_mosaic.version = 14 : i64} {
  func.func @k(%arg0: i32, %arg1: i32, %arg2: memref<2560x128xi32, #tpu.memory_space<hbm>>, %arg3: memref<163840x128xf32, #tpu.memory_space<hbm>>, %arg4: memref<2x10112x128xf32, #tpu.memory_space<hbm>>, %arg5: memref<40x128xi32, #tpu.memory_space<vmem>>, %arg6: memref<128x128xf32, #tpu.memory_space<vmem>>, %arg7: memref<128x128xf32, #tpu.memory_space<vmem>>, %arg8: memref<10112x128xf32, #tpu.memory_space<vmem_shared>>, %arg9: memref<!tpu.dma_semaphore, #tpu.memory_space<semaphore_mem>>, %arg10: memref<!tpu.dma_semaphore, #tpu.memory_space<semaphore_mem>>) attributes {dimension_semantics = [#tpu.dimension_semantics<core_parallel>, #tpu.dimension_semantics<subcore_parallel>], iteration_bounds = array<i64: 2, 16>, scalar_prefetch = 0 : i64, scratch_operands = 6 : i64, tpu.core_type = #tpu.core_type<sc_vector_subcore>, window_params = [{transform_indices = #map}, {transform_indices = #map}, {transform_indices = #map1}]} {
    %parallel_loop3A = arith.constant 0 : i32
    %parallel_loop3A_0 = arith.constant 128 : i32
    %parallel_loop3A_1 = arith.constant 1 : i32
    scf.for %parallel_loop3A_40 = %parallel_loop3A to %parallel_loop3A_0 step %parallel_loop3A_1  : i32 {
      %parallel_loop3A_41 = arith.constant 0.000000e+00 : f32
      %parallel_loop3A_42 = vector.broadcast %parallel_loop3A_41 : f32 to vector<16xf32>
      %parallel_loop3A_43 = arith.index_cast %parallel_loop3A_40 : i32 to index
      %parallel_loop3A_44 = arith.constant 0 : index
      %parallel_loop3A_45 = tpu.vector_load %arg6[%parallel_loop3A_43, %parallel_loop3A_44] {strides = array<i32>} : memref<128x128xf32, #tpu.memory_space<vmem>>, vector<1x16xf32>,
      %parallel_loop3A_46 = vector.shape_cast %parallel_loop3A_45 : vector<1x16xf32> to vector<16xf32>
      %parallel_loop3A_47 = vector.shape_cast %parallel_loop3A_42 : vector<16xf32> to vector<1x16xf32>
      tpu.vector_store %arg6[%parallel_loop3A_43, %parallel_loop3A_44], %parallel_loop3A_47 {strides = array<i32>} : memref<128x128xf32, #tpu.memory_space<vmem>>, vector<1x16xf32>,
      %parallel_loop3A_48 = arith.constant 0.000000e+00 : f32
      %parallel_loop3A_49 = vector.broadcast %parallel_loop3A_48 : f32 to vector<16xf32>
      %parallel_loop3A_50 = arith.index_cast %parallel_loop3A_40 : i32 to index
      %parallel_loop3A_51 = arith.constant 16 : index
      %parallel_loop3A_52 = tpu.vector_load %arg6[%parallel_loop3A_50, %parallel_loop3A_51] {strides = array<i32>} : memref<128x128xf32, #tpu.memory_space<vmem>>, vector<1x16xf32>,
      %parallel_loop3A_53 = vector.shape_cast %parallel_loop3A_52 : vector<1x16xf32> to vector<16xf32>
      %parallel_loop3A_54 = vector.shape_cast %parallel_loop3A_49 : vector<16xf32> to vector<1x16xf32>
      tpu.vector_store %arg6[%parallel_loop3A_50, %parallel_loop3A_51], %parallel_loop3A_54 {strides = array<i32>} : memref<128x128xf32, #tpu.memory_space<vmem>>, vector<1x16xf32>,
      %parallel_loop3A_55 = arith.constant 0.000000e+00 : f32
      %parallel_loop3A_56 = vector.broadcast %parallel_loop3A_55 : f32 to vector<16xf32>
      %parallel_loop3A_57 = arith.index_cast %parallel_loop3A_40 : i32 to index
      %parallel_loop3A_58 = arith.constant 32 : index
      %parallel_loop3A_59 = tpu.vector_load %arg6[%parallel_loop3A_57, %parallel_loop3A_58] {strides = array<i32>} : memref<128x128xf32, #tpu.memory_space<vmem>>, vector<1x16xf32>,
      %parallel_loop3A_60 = vector.shape_cast %parallel_loop3A_59 : vector<1x16xf32> to vector<16xf32>
      %parallel_loop3A_61 = vector.shape_cast %parallel_loop3A_56 : vector<16xf32> to vector<1x16xf32>
      tpu.vector_store %arg6[%parallel_loop3A_57, %parallel_loop3A_58], %parallel_loop3A_61 {strides = array<i32>} : memref<128x128xf32, #tpu.memory_space<vmem>>, vector<1x16xf32>,
      %parallel_loop3A_62 = arith.constant 0.000000e+00 : f32
      %parallel_loop3A_63 = vector.broadcast %parallel_loop3A_62 : f32 to vector<16xf32>
      %parallel_loop3A_64 = arith.index_cast %parallel_loop3A_40 : i32 to index
      %parallel_loop3A_65 = arith.constant 48 : index
      %parallel_loop3A_66 = tpu.vector_load %arg6[%parallel_loop3A_64, %parallel_loop3A_65] {strides = array<i32>} : memref<128x128xf32, #tpu.memory_space<vmem>>, vector<1x16xf32>,
      %parallel_loop3A_67 = vector.shape_cast %parallel_loop3A_66 : vector<1x16xf32> to vector<16xf32>
      %parallel_loop3A_68 = vector.shape_cast %parallel_loop3A_63 : vector<16xf32> to vector<1x16xf32>
      tpu.vector_store %arg6[%parallel_loop3A_64, %parallel_loop3A_65], %parallel_loop3A_68 {strides = array<i32>} : memref<128x128xf32, #tpu.memory_space<vmem>>, vector<1x16xf32>,
      %parallel_loop3A_69 = arith.constant 0.000000e+00 : f32
      %parallel_loop3A_70 = vector.broadcast %parallel_loop3A_69 : f32 to vector<16xf32>
      %parallel_loop3A_71 = arith.index_cast %parallel_loop3A_40 : i32 to index
      %parallel_loop3A_72 = arith.constant 64 : index
      %parallel_loop3A_73 = tpu.vector_load %arg6[%parallel_loop3A_71, %parallel_loop3A_72] {strides = array<i32>} : memref<128x128xf32, #tpu.memory_space<vmem>>, vector<1x16xf32>,
      %parallel_loop3A_74 = vector.shape_cast %parallel_loop3A_73 : vector<1x16xf32> to vector<16xf32>
      %parallel_loop3A_75 = vector.shape_cast %parallel_loop3A_70 : vector<16xf32> to vector<1x16xf32>
      tpu.vector_store %arg6[%parallel_loop3A_71, %parallel_loop3A_72], %parallel_loop3A_75 {strides = array<i32>} : memref<128x128xf32, #tpu.memory_space<vmem>>, vector<1x16xf32>,
      %parallel_loop3A_76 = arith.constant 0.000000e+00 : f32
      %parallel_loop3A_77 = vector.broadcast %parallel_loop3A_76 : f32 to vector<16xf32>
      %parallel_loop3A_78 = arith.index_cast %parallel_loop3A_40 : i32 to index
      %parallel_loop3A_79 = arith.constant 80 : index
      %parallel_loop3A_80 = tpu.vector_load %arg6[%parallel_loop3A_78, %parallel_loop3A_79] {strides = array<i32>} : memref<128x128xf32, #tpu.memory_space<vmem>>, vector<1x16xf32>,
      %parallel_loop3A_81 = vector.shape_cast %parallel_loop3A_80 : vector<1x16xf32> to vector<16xf32>
      %parallel_loop3A_82 = vector.shape_cast %parallel_loop3A_77 : vector<16xf32> to vector<1x16xf32>
      tpu.vector_store %arg6[%parallel_loop3A_78, %parallel_loop3A_79], %parallel_loop3A_82 {strides = array<i32>} : memref<128x128xf32, #tpu.memory_space<vmem>>, vector<1x16xf32>,
      %parallel_loop3A_83 = arith.constant 0.000000e+00 : f32
      %parallel_loop3A_84 = vector.broadcast %parallel_loop3A_83 : f32 to vector<16xf32>
      %parallel_loop3A_85 = arith.index_cast %parallel_loop3A_40 : i32 to index
      %parallel_loop3A_86 = arith.constant 96 : index
      %parallel_loop3A_87 = tpu.vector_load %arg6[%parallel_loop3A_85, %parallel_loop3A_86] {strides = array<i32>} : memref<128x128xf32, #tpu.memory_space<vmem>>, vector<1x16xf32>,
      %parallel_loop3A_88 = vector.shape_cast %parallel_loop3A_87 : vector<1x16xf32> to vector<16xf32>
      %parallel_loop3A_89 = vector.shape_cast %parallel_loop3A_84 : vector<16xf32> to vector<1x16xf32>
      tpu.vector_store %arg6[%parallel_loop3A_85, %parallel_loop3A_86], %parallel_loop3A_89 {strides = array<i32>} : memref<128x128xf32, #tpu.memory_space<vmem>>, vector<1x16xf32>,
      %parallel_loop3A_90 = arith.constant 0.000000e+00 : f32
      %parallel_loop3A_91 = vector.broadcast %parallel_loop3A_90 : f32 to vector<16xf32>
      %parallel_loop3A_92 = arith.index_cast %parallel_loop3A_40 : i32 to index
      %parallel_loop3A_93 = arith.constant 112 : index
      %parallel_loop3A_94 = tpu.vector_load %arg6[%parallel_loop3A_92, %parallel_loop3A_93] {strides = array<i32>} : memref<128x128xf32, #tpu.memory_space<vmem>>, vector<1x16xf32>,
      %parallel_loop3A_95 = vector.shape_cast %parallel_loop3A_94 : vector<1x16xf32> to vector<16xf32>
      %parallel_loop3A_96 = vector.shape_cast %parallel_loop3A_91 : vector<16xf32> to vector<1x16xf32>
      tpu.vector_store %arg6[%parallel_loop3A_92, %parallel_loop3A_93], %parallel_loop3A_96 {strides = array<i32>} : memref<128x128xf32, #tpu.memory_space<vmem>>, vector<1x16xf32>,
    } {sc.loop_unroll_factor = 1 : i64, sc.parallel_access}
    %mul3A = arith.constant 632 : i32
    %mul3A_2 = arith.muli %arg1, %mul3A : i32
    %add3A = arith.constant 0 : i32
    %add3A_3 = arith.addi %mul3A_2, %add3A : i32
    "tpu.region"() ({
      %run_scoped3A = tpu.sem_alloc : memref<!tpu.dma_semaphore, #tpu.memory_space<semaphore_mem>>
      %dma_start3A_40 = arith.constant 0 : i32
      %dma_start3A_41 = tpu.memref_slice %arg8[%add3A_3, %dma_start3A_40] : memref<10112x128xf32, #tpu.memory_space<vmem_shared>> -> memref<128x128xf32, #tpu.memory_space<vmem_shared>>
      %dma_start3A_42 = arith.constant 0 : i32
      %dma_start3A_43 = tpu.memref_slice %arg8[%add3A_3, %dma_start3A_42] : memref<10112x128xf32, #tpu.memory_space<vmem_shared>> -> memref<128x128xf32, #tpu.memory_space<vmem_shared>>
      tpu.enqueue_dma source(%arg6 : memref<128x128xf32, #tpu.memory_space<vmem>>) target(%dma_start3A_43 : memref<128x128xf32, #tpu.memory_space<vmem_shared>>) target_semaphore(%run_scoped3A : memref<!tpu.dma_semaphore, #tpu.memory_space<semaphore_mem>>)
      %dma_wait3A = arith.constant 0 : i32
      %dma_wait3A_44 = tpu.memref_slice %arg8[%add3A_3, %dma_wait3A] : memref<10112x128xf32, #tpu.memory_space<vmem_shared>> -> memref<128x128xf32, #tpu.memory_space<vmem_shared>>
      %dma_wait3A_45 = arith.constant 0 : i32
      %dma_wait3A_46 = tpu.memref_slice %arg8[%add3A_3, %dma_wait3A_45] : memref<10112x128xf32, #tpu.memory_space<vmem_shared>> -> memref<128x128xf32, #tpu.memory_space<vmem_shared>>
      tpu.wait_dma2 semaphore(%run_scoped3A : memref<!tpu.dma_semaphore, #tpu.memory_space<semaphore_mem>>) src(%arg6 : memref<128x128xf32, #tpu.memory_space<vmem>>) dst(%dma_wait3A_46 : memref<128x128xf32, #tpu.memory_space<vmem_shared>>)
      tpu.yield
    }) : () -> ()
    %add3A_4 = arith.constant 128 : i32
    %add3A_5 = arith.addi %mul3A_2, %add3A_4 : i32
    "tpu.region"() ({
      %run_scoped3A = tpu.sem_alloc : memref<!tpu.dma_semaphore, #tpu.memory_space<semaphore_mem>>
      %dma_start3A_40 = arith.constant 0 : i32
      %dma_start3A_41 = tpu.memref_slice %arg8[%add3A_5, %dma_start3A_40] : memref<10112x128xf32, #tpu.memory_space<vmem_shared>> -> memref<128x128xf32, #tpu.memory_space<vmem_shared>>
      %dma_start3A_42 = arith.constant 0 : i32
      %dma_start3A_43 = tpu.memref_slice %arg8[%add3A_5, %dma_start3A_42] : memref<10112x128xf32, #tpu.memory_space<vmem_shared>> -> memref<128x128xf32, #tpu.memory_space<vmem_shared>>
      tpu.enqueue_dma source(%arg6 : memref<128x128xf32, #tpu.memory_space<vmem>>) target(%dma_start3A_43 : memref<128x128xf32, #tpu.memory_space<vmem_shared>>) target_semaphore(%run_scoped3A : memref<!tpu.dma_semaphore, #tpu.memory_space<semaphore_mem>>)
      %dma_wait3A = arith.constant 0 : i32
      %dma_wait3A_44 = tpu.memref_slice %arg8[%add3A_5, %dma_wait3A] : memref<10112x128xf32, #tpu.memory_space<vmem_shared>> -> memref<128x128xf32, #tpu.memory_space<vmem_shared>>
      %dma_wait3A_45 = arith.constant 0 : i32
      %dma_wait3A_46 = tpu.memref_slice %arg8[%add3A_5, %dma_wait3A_45] : memref<10112x128xf32, #tpu.memory_space<vmem_shared>> -> memref<128x128xf32, #tpu.memory_space<vmem_shared>>
      tpu.wait_dma2 semaphore(%run_scoped3A : memref<!tpu.dma_semaphore, #tpu.memory_space<semaphore_mem>>) src(%arg6 : memref<128x128xf32, #tpu.memory_space<vmem>>) dst(%dma_wait3A_46 : memref<128x128xf32, #tpu.memory_space<vmem_shared>>)
      tpu.yield
    }) : () -> ()
    %add3A_6 = arith.constant 256 : i32
    %add3A_7 = arith.addi %mul3A_2, %add3A_6 : i32
    "tpu.region"() ({
      %run_scoped3A = tpu.sem_alloc : memref<!tpu.dma_semaphore, #tpu.memory_space<semaphore_mem>>
      %dma_start3A_40 = arith.constant 0 : i32
      %dma_start3A_41 = tpu.memref_slice %arg8[%add3A_7, %dma_start3A_40] : memref<10112x128xf32, #tpu.memory_space<vmem_shared>> -> memref<128x128xf32, #tpu.memory_space<vmem_shared>>
      %dma_start3A_42 = arith.constant 0 : i32
      %dma_start3A_43 = tpu.memref_slice %arg8[%add3A_7, %dma_start3A_42] : memref<10112x128xf32, #tpu.memory_space<vmem_shared>> -> memref<128x128xf32, #tpu.memory_space<vmem_shared>>
      tpu.enqueue_dma source(%arg6 : memref<128x128xf32, #tpu.memory_space<vmem>>) target(%dma_start3A_43 : memref<128x128xf32, #tpu.memory_space<vmem_shared>>) target_semaphore(%run_scoped3A : memref<!tpu.dma_semaphore, #tpu.memory_space<semaphore_mem>>)
      %dma_wait3A = arith.constant 0 : i32
      %dma_wait3A_44 = tpu.memref_slice %arg8[%add3A_7, %dma_wait3A] : memref<10112x128xf32, #tpu.memory_space<vmem_shared>> -> memref<128x128xf32, #tpu.memory_space<vmem_shared>>
      %dma_wait3A_45 = arith.constant 0 : i32
      %dma_wait3A_46 = tpu.memref_slice %arg8[%add3A_7, %dma_wait3A_45] : memref<10112x128xf32, #tpu.memory_space<vmem_shared>> -> memref<128x128xf32, #tpu.memory_space<vmem_shared>>
      tpu.wait_dma2 semaphore(%run_scoped3A : memref<!tpu.dma_semaphore, #tpu.memory_space<semaphore_mem>>) src(%arg6 : memref<128x128xf32, #tpu.memory_space<vmem>>) dst(%dma_wait3A_46 : memref<128x128xf32, #tpu.memory_space<vmem_shared>>)
      tpu.yield
    }) : () -> ()
    %add3A_8 = arith.constant 384 : i32
    %add3A_9 = arith.addi %mul3A_2, %add3A_8 : i32
    "tpu.region"() ({
      %run_scoped3A = tpu.sem_alloc : memref<!tpu.dma_semaphore, #tpu.memory_space<semaphore_mem>>
      %dma_start3A_40 = arith.constant 0 : i32
      %dma_start3A_41 = tpu.memref_slice %arg8[%add3A_9, %dma_start3A_40] : memref<10112x128xf32, #tpu.memory_space<vmem_shared>> -> memref<128x128xf32, #tpu.memory_space<vmem_shared>>
      %dma_start3A_42 = arith.constant 0 : i32
      %dma_start3A_43 = tpu.memref_slice %arg8[%add3A_9, %dma_start3A_42] : memref<10112x128xf32, #tpu.memory_space<vmem_shared>> -> memref<128x128xf32, #tpu.memory_space<vmem_shared>>
      tpu.enqueue_dma source(%arg6 : memref<128x128xf32, #tpu.memory_space<vmem>>) target(%dma_start3A_43 : memref<128x128xf32, #tpu.memory_space<vmem_shared>>) target_semaphore(%run_scoped3A : memref<!tpu.dma_semaphore, #tpu.memory_space<semaphore_mem>>)
      %dma_wait3A = arith.constant 0 : i32
      %dma_wait3A_44 = tpu.memref_slice %arg8[%add3A_9, %dma_wait3A] : memref<10112x128xf32, #tpu.memory_space<vmem_shared>> -> memref<128x128xf32, #tpu.memory_space<vmem_shared>>
      %dma_wait3A_45 = arith.constant 0 : i32
      %dma_wait3A_46 = tpu.memref_slice %arg8[%add3A_9, %dma_wait3A_45] : memref<10112x128xf32, #tpu.memory_space<vmem_shared>> -> memref<128x128xf32, #tpu.memory_space<vmem_shared>>
      tpu.wait_dma2 semaphore(%run_scoped3A : memref<!tpu.dma_semaphore, #tpu.memory_space<semaphore_mem>>) src(%arg6 : memref<128x128xf32, #tpu.memory_space<vmem>>) dst(%dma_wait3A_46 : memref<128x128xf32, #tpu.memory_space<vmem_shared>>)
      tpu.yield
    }) : () -> ()
    %add3A_10 = arith.constant 512 : i32
    %add3A_11 = arith.addi %mul3A_2, %add3A_10 : i32
    "tpu.region"() ({
      %run_scoped3A = tpu.sem_alloc : memref<!tpu.dma_semaphore, #tpu.memory_space<semaphore_mem>>
      %dma_start3A_40 = arith.constant 0 : i32
      %dma_start3A_41 = arith.constant 0 : i32
      %dma_start3A_42 = tpu.memref_slice %arg6[%dma_start3A_40, %dma_start3A_41] : memref<128x128xf32, #tpu.memory_space<vmem>> -> memref<120x128xf32, #tpu.memory_space<vmem>>
      %dma_start3A_43 = arith.constant 0 : i32
      %dma_start3A_44 = tpu.memref_slice %arg8[%add3A_11, %dma_start3A_43] : memref<10112x128xf32, #tpu.memory_space<vmem_shared>> -> memref<120x128xf32, #tpu.memory_space<vmem_shared>>
      %dma_start3A_45 = arith.constant 0 : i32
      %dma_start3A_46 = tpu.memref_slice %arg8[%add3A_11, %dma_start3A_45] : memref<10112x128xf32, #tpu.memory_space<vmem_shared>> -> memref<120x128xf32, #tpu.memory_space<vmem_shared>>
      %dma_start3A_47 = arith.constant 0 : i32
      %dma_start3A_48 = arith.constant 0 : i32
      %dma_start3A_49 = tpu.memref_slice %arg6[%dma_start3A_47, %dma_start3A_48] : memref<128x128xf32, #tpu.memory_space<vmem>> -> memref<120x128xf32, #tpu.memory_space<vmem>>
      tpu.enqueue_dma source(%dma_start3A_49 : memref<120x128xf32, #tpu.memory_space<vmem>>) target(%dma_start3A_46 : memref<120x128xf32, #tpu.memory_space<vmem_shared>>) target_semaphore(%run_scoped3A : memref<!tpu.dma_semaphore, #tpu.memory_space<semaphore_mem>>)
      %dma_wait3A = arith.constant 0 : i32
      %dma_wait3A_50 = arith.constant 0 : i32
      %dma_wait3A_51 = tpu.memref_slice %arg6[%dma_wait3A, %dma_wait3A_50] : memref<128x128xf32, #tpu.memory_space<vmem>> -> memref<120x128xf32, #tpu.memory_space<vmem>>
      %dma_wait3A_52 = arith.constant 0 : i32
      %dma_wait3A_53 = tpu.memref_slice %arg8[%add3A_11, %dma_wait3A_52] : memref<10112x128xf32, #tpu.memory_space<vmem_shared>> -> memref<120x128xf32, #tpu.memory_space<vmem_shared>>
      %dma_wait3A_54 = arith.constant 0 : i32
      %dma_wait3A_55 = tpu.memref_slice %arg8[%add3A_11, %dma_wait3A_54] : memref<10112x128xf32, #tpu.memory_space<vmem_shared>> -> memref<120x128xf32, #tpu.memory_space<vmem_shared>>
      %dma_wait3A_56 = arith.constant 0 : i32
      %dma_wait3A_57 = arith.constant 0 : i32
      %dma_wait3A_58 = tpu.memref_slice %arg6[%dma_wait3A_56, %dma_wait3A_57] : memref<128x128xf32, #tpu.memory_space<vmem>> -> memref<120x128xf32, #tpu.memory_space<vmem>>
      tpu.wait_dma2 semaphore(%run_scoped3A : memref<!tpu.dma_semaphore, #tpu.memory_space<semaphore_mem>>) src(%dma_wait3A_58 : memref<120x128xf32, #tpu.memory_space<vmem>>) dst(%dma_wait3A_55 : memref<120x128xf32, #tpu.memory_space<vmem_shared>>)
      tpu.yield
    }) : () -> ()
    %barrier3A = arith.constant 0 : index
    tpu.barrier barrier_id(%barrier3A)
    %mul3A_12 = arith.constant 640 : i32
    %mul3A_13 = arith.muli %arg0, %mul3A_12 : i32
    %mul3A_14 = arith.constant 40 : i32
    %mul3A_15 = arith.muli %arg1, %mul3A_14 : i32
    %add3A_16 = arith.addi %mul3A_13, %mul3A_15 : i32
    %add3A_17 = arith.constant 0 : i32
    %add3A_18 = arith.addi %add3A_17, %add3A_16 : i32
    "tpu.region"() ({
      %run_scoped3A = tpu.sem_alloc : memref<!tpu.dma_semaphore, #tpu.memory_space<semaphore_mem>>
      %dma_start3A_40 = arith.constant 0 : i32
      %dma_start3A_41 = tpu.memref_slice %arg2[%add3A_18, %dma_start3A_40] : memref<2560x128xi32, #tpu.memory_space<hbm>> -> memref<40x128xi32, #tpu.memory_space<hbm>>
      %dma_start3A_42 = arith.constant 0 : i32
      %dma_start3A_43 = tpu.memref_slice %arg2[%add3A_18, %dma_start3A_42] : memref<2560x128xi32, #tpu.memory_space<hbm>> -> memref<40x128xi32, #tpu.memory_space<hbm>>
      tpu.enqueue_dma source(%dma_start3A_43 : memref<40x128xi32, #tpu.memory_space<hbm>>) target(%arg5 : memref<40x128xi32, #tpu.memory_space<vmem>>) target_semaphore(%run_scoped3A : memref<!tpu.dma_semaphore, #tpu.memory_space<semaphore_mem>>)
      %dma_wait3A = arith.constant 0 : i32
      %dma_wait3A_44 = tpu.memref_slice %arg2[%add3A_18, %dma_wait3A] : memref<2560x128xi32, #tpu.memory_space<hbm>> -> memref<40x128xi32, #tpu.memory_space<hbm>>
      %dma_wait3A_45 = arith.constant 0 : i32
      %dma_wait3A_46 = tpu.memref_slice %arg2[%add3A_18, %dma_wait3A_45] : memref<2560x128xi32, #tpu.memory_space<hbm>> -> memref<40x128xi32, #tpu.memory_space<hbm>>
      tpu.wait_dma2 semaphore(%run_scoped3A : memref<!tpu.dma_semaphore, #tpu.memory_space<semaphore_mem>>) src(%dma_wait3A_46 : memref<40x128xi32, #tpu.memory_space<hbm>>) dst(%arg5 : memref<40x128xi32, #tpu.memory_space<vmem>>)
      tpu.yield
    }) : () -> ()
    %add3A_19 = arith.constant 0 : i32
    %add3A_20 = arith.addi %add3A_16, %add3A_19 : i32
    %mul3A_21 = arith.constant 128 : i32
    %mul3A_22 = arith.muli %add3A_20, %mul3A_21 : i32
    %dma_start3A = arith.constant 0 : i32
    %dma_start3A_23 = tpu.memref_slice %arg3[%mul3A_22, %dma_start3A] : memref<163840x128xf32, #tpu.memory_space<hbm>> -> memref<128x128xf32, #tpu.memory_space<hbm>>
    %dma_start3A_24 = arith.constant 0 : i32
    %dma_start3A_25 = tpu.memref_slice %arg3[%mul3A_22, %dma_start3A_24] : memref<163840x128xf32, #tpu.memory_space<hbm>> -> memref<128x128xf32, #tpu.memory_space<hbm>>
    tpu.enqueue_dma source(%dma_start3A_25 : memref<128x128xf32, #tpu.memory_space<hbm>>) target(%arg6 : memref<128x128xf32, #tpu.memory_space<vmem>>) target_semaphore(%arg9 : memref<!tpu.dma_semaphore, #tpu.memory_space<semaphore_mem>>)
    %add3A_26 = arith.constant 1 : i32
    %add3A_27 = arith.addi %add3A_16, %add3A_26 : i32
    %mul3A_28 = arith.constant 128 : i32
    %mul3A_29 = arith.muli %add3A_27, %mul3A_28 : i32
    %dma_start3A_30 = arith.constant 0 : i32
    %dma_start3A_31 = tpu.memref_slice %arg3[%mul3A_29, %dma_start3A_30] : memref<163840x128xf32, #tpu.memory_space<hbm>> -> memref<128x128xf32, #tpu.memory_space<hbm>>
    %dma_start3A_32 = arith.constant 0 : i32
    %dma_start3A_33 = tpu.memref_slice %arg3[%mul3A_29, %dma_start3A_32] : memref<163840x128xf32, #tpu.memory_space<hbm>> -> memref<128x128xf32, #tpu.memory_space<hbm>>
    tpu.enqueue_dma source(%dma_start3A_33 : memref<128x128xf32, #tpu.memory_space<hbm>>) target(%arg7 : memref<128x128xf32, #tpu.memory_space<vmem>>) target_semaphore(%arg10 : memref<!tpu.dma_semaphore, #tpu.memory_space<semaphore_mem>>)
    %scan3A = arith.constant 0 : i32
    %scan3A_34 = arith.constant 0 : i32
    %scan3A_35 = arith.constant 20 : i32
    %scan3A_36 = arith.addi %scan3A_34, %scan3A_35 : i32
    %scan3A_37 = arith.constant 1 : i32
    scf.for %scan3A_40 = %scan3A_34 to %scan3A_36 step %scan3A_37  : i32 {
      %mul3A_41 = arith.constant 2 : i32
      %mul3A_42 = arith.muli %mul3A_41, %scan3A_40 : i32
      %add3A_43 = arith.addi %add3A_16, %mul3A_42 : i32
      %mul3A_44 = arith.constant 128 : i32
      %mul3A_45 = arith.muli %add3A_43, %mul3A_44 : i32
      %dma_wait3A = arith.constant 0 : i32
      %dma_wait3A_46 = tpu.memref_slice %arg3[%mul3A_45, %dma_wait3A] : memref<163840x128xf32, #tpu.memory_space<hbm>> -> memref<128x128xf32, #tpu.memory_space<hbm>>
      %dma_wait3A_47 = arith.constant 0 : i32
      %dma_wait3A_48 = tpu.memref_slice %arg3[%mul3A_45, %dma_wait3A_47] : memref<163840x128xf32, #tpu.memory_space<hbm>> -> memref<128x128xf32, #tpu.memory_space<hbm>>
      tpu.wait_dma2 semaphore(%arg9 : memref<!tpu.dma_semaphore, #tpu.memory_space<semaphore_mem>>) src(%dma_wait3A_48 : memref<128x128xf32, #tpu.memory_space<hbm>>) dst(%arg6 : memref<128x128xf32, #tpu.memory_space<vmem>>)
      "tpu.region"() ({
        %run_scoped3A = tpu.sem_alloc : memref<!tpu.dma_semaphore, #tpu.memory_space<semaphore_mem>>
        %dma_start3A_71 = arith.constant 0 : i32
        %dma_start3A_72 = tpu.memref_slice %arg5[%mul3A_42, %dma_start3A_71] : memref<40x128xi32, #tpu.memory_space<vmem>> -> memref<1x128xi32, #tpu.memory_space<vmem>>
        %dma_start3A_73 = tpu.memref_squeeze %dma_start3A_72 : memref<1x128xi32, #tpu.memory_space<vmem>> -> memref<128xi32, #tpu.memory_space<vmem>>
        %dma_start3A_74 = arith.constant 0 : i32
        %dma_start3A_75 = arith.constant 0 : i32
        %dma_start3A_76 = tpu.memref_slice %arg8[%dma_start3A_74, %dma_start3A_75] : memref<10112x128xf32, #tpu.memory_space<vmem_shared>> -> memref<10112x128xf32, #tpu.memory_space<vmem_shared>>
        tpu.enqueue_indirect_dma source(%arg6 : memref<128x128xf32, #tpu.memory_space<vmem>>) target(%dma_start3A_76 : memref<10112x128xf32, #tpu.memory_space<vmem_shared>>) offsets(%dma_start3A_73 : memref<128xi32, #tpu.memory_space<vmem>>) semaphore(%run_scoped3A : memref<!tpu.dma_semaphore, #tpu.memory_space<semaphore_mem>>) {add = true}
        %dma_wait3A_77 = arith.constant 0 : i32
        %dma_wait3A_78 = tpu.memref_slice %arg5[%mul3A_42, %dma_wait3A_77] : memref<40x128xi32, #tpu.memory_space<vmem>> -> memref<1x128xi32, #tpu.memory_space<vmem>>
        %dma_wait3A_79 = tpu.memref_squeeze %dma_wait3A_78 : memref<1x128xi32, #tpu.memory_space<vmem>> -> memref<128xi32, #tpu.memory_space<vmem>>
        %dma_wait3A_80 = arith.constant 0 : i32
        %dma_wait3A_81 = arith.constant 0 : i32
        %dma_wait3A_82 = tpu.memref_slice %arg8[%dma_wait3A_80, %dma_wait3A_81] : memref<10112x128xf32, #tpu.memory_space<vmem_shared>> -> memref<10112x128xf32, #tpu.memory_space<vmem_shared>>
        tpu.wait_indirect_dma semaphore(%run_scoped3A : memref<!tpu.dma_semaphore, #tpu.memory_space<semaphore_mem>>) src(%arg6 : memref<128x128xf32, #tpu.memory_space<vmem>>) dst(%dma_wait3A_82 : memref<10112x128xf32, #tpu.memory_space<vmem_shared>>)
        tpu.yield
      }) : () -> ()
      %add3A_49 = arith.constant 2 : i32
      %add3A_50 = arith.addi %mul3A_42, %add3A_49 : i32
      %lt3A = arith.constant 40 : i32
      %lt3A_51 = arith.cmpi slt, %add3A_50, %lt3A : i32
      %convert_element_type3A = arith.extui %lt3A_51 : i1 to i32
      %cond3A = arith.constant 0 : i32
      %cond3A_52 = arith.cmpi ne, %convert_element_type3A, %cond3A : i32
      scf.if %cond3A_52 {
        %add3A_71 = arith.constant 2 : i32
        %add3A_72 = arith.addi %mul3A_42, %add3A_71 : i32
        %add3A_73 = arith.addi %add3A_16, %add3A_72 : i32
        %mul3A_74 = arith.constant 128 : i32
        %mul3A_75 = arith.muli %add3A_73, %mul3A_74 : i32
        %dma_start3A_76 = arith.constant 0 : i32
        %dma_start3A_77 = tpu.memref_slice %arg3[%mul3A_75, %dma_start3A_76] : memref<163840x128xf32, #tpu.memory_space<hbm>> -> memref<128x128xf32, #tpu.memory_space<hbm>>
        %dma_start3A_78 = arith.constant 0 : i32
        %dma_start3A_79 = tpu.memref_slice %arg3[%mul3A_75, %dma_start3A_78] : memref<163840x128xf32, #tpu.memory_space<hbm>> -> memref<128x128xf32, #tpu.memory_space<hbm>>
        tpu.enqueue_dma source(%dma_start3A_79 : memref<128x128xf32, #tpu.memory_space<hbm>>) target(%arg6 : memref<128x128xf32, #tpu.memory_space<vmem>>) target_semaphore(%arg9 : memref<!tpu.dma_semaphore, #tpu.memory_space<semaphore_mem>>)
      } else {
      }
      %mul3A_53 = arith.constant 2 : i32
      %mul3A_54 = arith.muli %mul3A_53, %scan3A_40 : i32
      %add3A_55 = arith.constant 1 : i32
      %add3A_56 = arith.addi %mul3A_54, %add3A_55 : i32
      %add3A_57 = arith.addi %add3A_16, %add3A_56 : i32
      %mul3A_58 = arith.constant 128 : i32
      %mul3A_59 = arith.muli %add3A_57, %mul3A_58 : i32
      %dma_wait3A_60 = arith.constant 0 : i32
      %dma_wait3A_61 = tpu.memref_slice %arg3[%mul3A_59, %dma_wait3A_60] : memref<163840x128xf32, #tpu.memory_space<hbm>> -> memref<128x128xf32, #tpu.memory_space<hbm>>
      %dma_wait3A_62 = arith.constant 0 : i32
      %dma_wait3A_63 = tpu.memref_slice %arg3[%mul3A_59, %dma_wait3A_62] : memref<163840x128xf32, #tpu.memory_space<hbm>> -> memref<128x128xf32, #tpu.memory_space<hbm>>
      tpu.wait_dma2 semaphore(%arg10 : memref<!tpu.dma_semaphore, #tpu.memory_space<semaphore_mem>>) src(%dma_wait3A_63 : memref<128x128xf32, #tpu.memory_space<hbm>>) dst(%arg7 : memref<128x128xf32, #tpu.memory_space<vmem>>)
      "tpu.region"() ({
        %run_scoped3A = tpu.sem_alloc : memref<!tpu.dma_semaphore, #tpu.memory_space<semaphore_mem>>
        %dma_start3A_71 = arith.constant 0 : i32
        %dma_start3A_72 = tpu.memref_slice %arg5[%add3A_56, %dma_start3A_71] : memref<40x128xi32, #tpu.memory_space<vmem>> -> memref<1x128xi32, #tpu.memory_space<vmem>>
        %dma_start3A_73 = tpu.memref_squeeze %dma_start3A_72 : memref<1x128xi32, #tpu.memory_space<vmem>> -> memref<128xi32, #tpu.memory_space<vmem>>
        %dma_start3A_74 = arith.constant 0 : i32
        %dma_start3A_75 = arith.constant 0 : i32
        %dma_start3A_76 = tpu.memref_slice %arg8[%dma_start3A_74, %dma_start3A_75] : memref<10112x128xf32, #tpu.memory_space<vmem_shared>> -> memref<10112x128xf32, #tpu.memory_space<vmem_shared>>
        tpu.enqueue_indirect_dma source(%arg7 : memref<128x128xf32, #tpu.memory_space<vmem>>) target(%dma_start3A_76 : memref<10112x128xf32, #tpu.memory_space<vmem_shared>>) offsets(%dma_start3A_73 : memref<128xi32, #tpu.memory_space<vmem>>) semaphore(%run_scoped3A : memref<!tpu.dma_semaphore, #tpu.memory_space<semaphore_mem>>) {add = true}
        %dma_wait3A_77 = arith.constant 0 : i32
        %dma_wait3A_78 = tpu.memref_slice %arg5[%add3A_56, %dma_wait3A_77] : memref<40x128xi32, #tpu.memory_space<vmem>> -> memref<1x128xi32, #tpu.memory_space<vmem>>
        %dma_wait3A_79 = tpu.memref_squeeze %dma_wait3A_78 : memref<1x128xi32, #tpu.memory_space<vmem>> -> memref<128xi32, #tpu.memory_space<vmem>>
        %dma_wait3A_80 = arith.constant 0 : i32
        %dma_wait3A_81 = arith.constant 0 : i32
        %dma_wait3A_82 = tpu.memref_slice %arg8[%dma_wait3A_80, %dma_wait3A_81] : memref<10112x128xf32, #tpu.memory_space<vmem_shared>> -> memref<10112x128xf32, #tpu.memory_space<vmem_shared>>
        tpu.wait_indirect_dma semaphore(%run_scoped3A : memref<!tpu.dma_semaphore, #tpu.memory_space<semaphore_mem>>) src(%arg7 : memref<128x128xf32, #tpu.memory_space<vmem>>) dst(%dma_wait3A_82 : memref<10112x128xf32, #tpu.memory_space<vmem_shared>>)
        tpu.yield
      }) : () -> ()
      %add3A_64 = arith.constant 2 : i32
      %add3A_65 = arith.addi %add3A_56, %add3A_64 : i32
      %lt3A_66 = arith.constant 40 : i32
      %lt3A_67 = arith.cmpi slt, %add3A_65, %lt3A_66 : i32
      %convert_element_type3A_68 = arith.extui %lt3A_67 : i1 to i32
      %cond3A_69 = arith.constant 0 : i32
      %cond3A_70 = arith.cmpi ne, %convert_element_type3A_68, %cond3A_69 : i32
      scf.if %cond3A_70 {
        %add3A_71 = arith.constant 2 : i32
        %add3A_72 = arith.addi %add3A_56, %add3A_71 : i32
        %add3A_73 = arith.addi %add3A_16, %add3A_72 : i32
        %mul3A_74 = arith.constant 128 : i32
        %mul3A_75 = arith.muli %add3A_73, %mul3A_74 : i32
        %dma_start3A_76 = arith.constant 0 : i32
        %dma_start3A_77 = tpu.memref_slice %arg3[%mul3A_75, %dma_start3A_76] : memref<163840x128xf32, #tpu.memory_space<hbm>> -> memref<128x128xf32, #tpu.memory_space<hbm>>
        %dma_start3A_78 = arith.constant 0 : i32
        %dma_start3A_79 = tpu.memref_slice %arg3[%mul3A_75, %dma_start3A_78] : memref<163840x128xf32, #tpu.memory_space<hbm>> -> memref<128x128xf32, #tpu.memory_space<hbm>>
        tpu.enqueue_dma source(%dma_start3A_79 : memref<128x128xf32, #tpu.memory_space<hbm>>) target(%arg7 : memref<128x128xf32, #tpu.memory_space<vmem>>) target_semaphore(%arg10 : memref<!tpu.dma_semaphore, #tpu.memory_space<semaphore_mem>>)
      } else {
      }
    }
    %scan3A_38 = arith.constant 20 : i32
    %barrier3A_39 = arith.constant 0 : index
    tpu.barrier barrier_id(%barrier3A_39)
    "tpu.region"() ({
      %run_scoped3A = tpu.sem_alloc : memref<!tpu.dma_semaphore, #tpu.memory_space<semaphore_mem>>
      %dma_start3A_40 = arith.constant 0 : i32
      %dma_start3A_41 = tpu.memref_slice %arg4[%arg0, %mul3A_2, %dma_start3A_40] : memref<2x10112x128xf32, #tpu.memory_space<hbm>> -> memref<1x632x128xf32, #tpu.memory_space<hbm>>
      %dma_start3A_42 = tpu.memref_squeeze %dma_start3A_41 : memref<1x632x128xf32, #tpu.memory_space<hbm>> -> memref<632x128xf32, #tpu.memory_space<hbm>>
      %dma_start3A_43 = arith.constant 0 : i32
      %dma_start3A_44 = tpu.memref_slice %arg8[%mul3A_2, %dma_start3A_43] : memref<10112x128xf32, #tpu.memory_space<vmem_shared>> -> memref<632x128xf32, #tpu.memory_space<vmem_shared>>
      tpu.enqueue_dma source(%dma_start3A_44 : memref<632x128xf32, #tpu.memory_space<vmem_shared>>) target(%dma_start3A_42 : memref<632x128xf32, #tpu.memory_space<hbm>>) target_semaphore(%run_scoped3A : memref<!tpu.dma_semaphore, #tpu.memory_space<semaphore_mem>>)
      %dma_wait3A = arith.constant 0 : i32
      %dma_wait3A_45 = tpu.memref_slice %arg4[%arg0, %mul3A_2, %dma_wait3A] : memref<2x10112x128xf32, #tpu.memory_space<hbm>> -> memref<1x632x128xf32, #tpu.memory_space<hbm>>
      %dma_wait3A_46 = tpu.memref_squeeze %dma_wait3A_45 : memref<1x632x128xf32, #tpu.memory_space<hbm>> -> memref<632x128xf32, #tpu.memory_space<hbm>>
      %dma_wait3A_47 = arith.constant 0 : i32
      %dma_wait3A_48 = tpu.memref_slice %arg8[%mul3A_2, %dma_wait3A_47] : memref<10112x128xf32, #tpu.memory_space<vmem_shared>> -> memref<632x128xf32, #tpu.memory_space<vmem_shared>>
      tpu.wait_dma2 semaphore(%run_scoped3A : memref<!tpu.dma_semaphore, #tpu.memory_space<semaphore_mem>>) src(%dma_wait3A_48 : memref<632x128xf32, #tpu.memory_space<vmem_shared>>) dst(%dma_wait3A_46 : memref<632x128xf32, #tpu.memory_space<hbm>>)
      tpu.yield
    }) : () -> ()
    return
  }
}

#map = affine_map<(d0, d1) -> (0, 0)>
#map1 = affine_map<(d0, d1) -> (0, 0, 0)>
module attributes {stable_mosaic.version = 14 : i64} {
  func.func @k(%arg0: i32, %arg1: i32, %arg2: memref<2560x128xi32, #tpu.memory_space<hbm>>, %arg3: memref<163840x128xf32, #tpu.memory_space<hbm>>, %arg4: memref<2x10112x128xf32, #tpu.memory_space<hbm>>, %arg5: memref<40x128xi32, #tpu.memory_space<vmem>>, %arg6: memref<128x128xf32, #tpu.memory_space<vmem>>, %arg7: memref<128x128xf32, #tpu.memory_space<vmem>>, %arg8: memref<10112x128xf32, #tpu.memory_space<vmem_shared>>, %arg9: memref<!tpu.dma_semaphore, #tpu.memory_space<semaphore_mem>>, %arg10: memref<!tpu.dma_semaphore, #tpu.memory_space<semaphore_mem>>) attributes {dimension_semantics = [#tpu.dimension_semantics<core_parallel>, #tpu.dimension_semantics<subcore_parallel>], iteration_bounds = array<i64: 2, 16>, scalar_prefetch = 0 : i64, scratch_operands = 6 : i64, tpu.core_type = #tpu.core_type<sc_vector_subcore>, window_params = [{transform_indices = #map}, {transform_indices = #map}, {transform_indices = #map1}]} {
    %parallel_loop3A = arith.constant 0 : i32
    %parallel_loop3A_0 = arith.constant 128 : i32
    %parallel_loop3A_1 = arith.constant 1 : i32
    scf.for %parallel_loop3A_40 = %parallel_loop3A to %parallel_loop3A_0 step %parallel_loop3A_1  : i32 {
      %parallel_loop3A_41 = arith.constant 0.000000e+00 : f32
      %parallel_loop3A_42 = vector.broadcast %parallel_loop3A_41 : f32 to vector<16xf32>
      %parallel_loop3A_43 = arith.index_cast %parallel_loop3A_40 : i32 to index
      %parallel_loop3A_44 = arith.constant 0 : index
      %parallel_loop3A_45 = tpu.vector_load %arg6[%parallel_loop3A_43, %parallel_loop3A_44] {strides = array<i32>} : memref<128x128xf32, #tpu.memory_space<vmem>>, vector<1x16xf32>,
      %parallel_loop3A_46 = vector.shape_cast %parallel_loop3A_45 : vector<1x16xf32> to vector<16xf32>
      %parallel_loop3A_47 = vector.shape_cast %parallel_loop3A_42 : vector<16xf32> to vector<1x16xf32>
      tpu.vector_store %arg6[%parallel_loop3A_43, %parallel_loop3A_44], %parallel_loop3A_47 {strides = array<i32>} : memref<128x128xf32, #tpu.memory_space<vmem>>, vector<1x16xf32>,
      %parallel_loop3A_48 = arith.constant 0.000000e+00 : f32
      %parallel_loop3A_49 = vector.broadcast %parallel_loop3A_48 : f32 to vector<16xf32>
      %parallel_loop3A_50 = arith.index_cast %parallel_loop3A_40 : i32 to index
      %parallel_loop3A_51 = arith.constant 16 : index
      %parallel_loop3A_52 = tpu.vector_load %arg6[%parallel_loop3A_50, %parallel_loop3A_51] {strides = array<i32>} : memref<128x128xf32, #tpu.memory_space<vmem>>, vector<1x16xf32>,
      %parallel_loop3A_53 = vector.shape_cast %parallel_loop3A_52 : vector<1x16xf32> to vector<16xf32>
      %parallel_loop3A_54 = vector.shape_cast %parallel_loop3A_49 : vector<16xf32> to vector<1x16xf32>
      tpu.vector_store %arg6[%parallel_loop3A_50, %parallel_loop3A_51], %parallel_loop3A_54 {strides = array<i32>} : memref<128x128xf32, #tpu.memory_space<vmem>>, vector<1x16xf32>,
      %parallel_loop3A_55 = arith.constant 0.000000e+00 : f32
      %parallel_loop3A_56 = vector.broadcast %parallel_loop3A_55 : f32 to vector<16xf32>
      %parallel_loop3A_57 = arith.index_cast %parallel_loop3A_40 : i32 to index
      %parallel_loop3A_58 = arith.constant 32 : index
      %parallel_loop3A_59 = tpu.vector_load %arg6[%parallel_loop3A_57, %parallel_loop3A_58] {strides = array<i32>} : memref<128x128xf32, #tpu.memory_space<vmem>>, vector<1x16xf32>,
      %parallel_loop3A_60 = vector.shape_cast %parallel_loop3A_59 : vector<1x16xf32> to vector<16xf32>
      %parallel_loop3A_61 = vector.shape_cast %parallel_loop3A_56 : vector<16xf32> to vector<1x16xf32>
      tpu.vector_store %arg6[%parallel_loop3A_57, %parallel_loop3A_58], %parallel_loop3A_61 {strides = array<i32>} : memref<128x128xf32, #tpu.memory_space<vmem>>, vector<1x16xf32>,
      %parallel_loop3A_62 = arith.constant 0.000000e+00 : f32
      %parallel_loop3A_63 = vector.broadcast %parallel_loop3A_62 : f32 to vector<16xf32>
      %parallel_loop3A_64 = arith.index_cast %parallel_loop3A_40 : i32 to index
      %parallel_loop3A_65 = arith.constant 48 : index
      %parallel_loop3A_66 = tpu.vector_load %arg6[%parallel_loop3A_64, %parallel_loop3A_65] {strides = array<i32>} : memref<128x128xf32, #tpu.memory_space<vmem>>, vector<1x16xf32>,
      %parallel_loop3A_67 = vector.shape_cast %parallel_loop3A_66 : vector<1x16xf32> to vector<16xf32>
      %parallel_loop3A_68 = vector.shape_cast %parallel_loop3A_63 : vector<16xf32> to vector<1x16xf32>
      tpu.vector_store %arg6[%parallel_loop3A_64, %parallel_loop3A_65], %parallel_loop3A_68 {strides = array<i32>} : memref<128x128xf32, #tpu.memory_space<vmem>>, vector<1x16xf32>,
      %parallel_loop3A_69 = arith.constant 0.000000e+00 : f32
      %parallel_loop3A_70 = vector.broadcast %parallel_loop3A_69 : f32 to vector<16xf32>
      %parallel_loop3A_71 = arith.index_cast %parallel_loop3A_40 : i32 to index
      %parallel_loop3A_72 = arith.constant 64 : index
      %parallel_loop3A_73 = tpu.vector_load %arg6[%parallel_loop3A_71, %parallel_loop3A_72] {strides = array<i32>} : memref<128x128xf32, #tpu.memory_space<vmem>>, vector<1x16xf32>,
      %parallel_loop3A_74 = vector.shape_cast %parallel_loop3A_73 : vector<1x16xf32> to vector<16xf32>
      %parallel_loop3A_75 = vector.shape_cast %parallel_loop3A_70 : vector<16xf32> to vector<1x16xf32>
      tpu.vector_store %arg6[%parallel_loop3A_71, %parallel_loop3A_72], %parallel_loop3A_75 {strides = array<i32>} : memref<128x128xf32, #tpu.memory_space<vmem>>, vector<1x16xf32>,
      %parallel_loop3A_76 = arith.constant 0.000000e+00 : f32
      %parallel_loop3A_77 = vector.broadcast %parallel_loop3A_76 : f32 to vector<16xf32>
      %parallel_loop3A_78 = arith.index_cast %parallel_loop3A_40 : i32 to index
      %parallel_loop3A_79 = arith.constant 80 : index
      %parallel_loop3A_80 = tpu.vector_load %arg6[%parallel_loop3A_78, %parallel_loop3A_79] {strides = array<i32>} : memref<128x128xf32, #tpu.memory_space<vmem>>, vector<1x16xf32>,
      %parallel_loop3A_81 = vector.shape_cast %parallel_loop3A_80 : vector<1x16xf32> to vector<16xf32>
      %parallel_loop3A_82 = vector.shape_cast %parallel_loop3A_77 : vector<16xf32> to vector<1x16xf32>
      tpu.vector_store %arg6[%parallel_loop3A_78, %parallel_loop3A_79], %parallel_loop3A_82 {strides = array<i32>} : memref<128x128xf32, #tpu.memory_space<vmem>>, vector<1x16xf32>,
      %parallel_loop3A_83 = arith.constant 0.000000e+00 : f32
      %parallel_loop3A_84 = vector.broadcast %parallel_loop3A_83 : f32 to vector<16xf32>
      %parallel_loop3A_85 = arith.index_cast %parallel_loop3A_40 : i32 to index
      %parallel_loop3A_86 = arith.constant 96 : index
      %parallel_loop3A_87 = tpu.vector_load %arg6[%parallel_loop3A_85, %parallel_loop3A_86] {strides = array<i32>} : memref<128x128xf32, #tpu.memory_space<vmem>>, vector<1x16xf32>,
      %parallel_loop3A_88 = vector.shape_cast %parallel_loop3A_87 : vector<1x16xf32> to vector<16xf32>
      %parallel_loop3A_89 = vector.shape_cast %parallel_loop3A_84 : vector<16xf32> to vector<1x16xf32>
      tpu.vector_store %arg6[%parallel_loop3A_85, %parallel_loop3A_86], %parallel_loop3A_89 {strides = array<i32>} : memref<128x128xf32, #tpu.memory_space<vmem>>, vector<1x16xf32>,
      %parallel_loop3A_90 = arith.constant 0.000000e+00 : f32
      %parallel_loop3A_91 = vector.broadcast %parallel_loop3A_90 : f32 to vector<16xf32>
      %parallel_loop3A_92 = arith.index_cast %parallel_loop3A_40 : i32 to index
      %parallel_loop3A_93 = arith.constant 112 : index
      %parallel_loop3A_94 = tpu.vector_load %arg6[%parallel_loop3A_92, %parallel_loop3A_93] {strides = array<i32>} : memref<128x128xf32, #tpu.memory_space<vmem>>, vector<1x16xf32>,
      %parallel_loop3A_95 = vector.shape_cast %parallel_loop3A_94 : vector<1x16xf32> to vector<16xf32>
      %parallel_loop3A_96 = vector.shape_cast %parallel_loop3A_91 : vector<16xf32> to vector<1x16xf32>
      tpu.vector_store %arg6[%parallel_loop3A_92, %parallel_loop3A_93], %parallel_loop3A_96 {strides = array<i32>} : memref<128x128xf32, #tpu.memory_space<vmem>>, vector<1x16xf32>,
    } {sc.loop_unroll_factor = 1 : i64, sc.parallel_access}
    %mul3A = arith.constant 632 : i32
    %mul3A_2 = arith.muli %arg1, %mul3A : i32
    %add3A = arith.constant 0 : i32
    %add3A_3 = arith.addi %mul3A_2, %add3A : i32
    "tpu.region"() ({
      %run_scoped3A = tpu.sem_alloc : memref<!tpu.dma_semaphore, #tpu.memory_space<semaphore_mem>>
      %dma_start3A_40 = arith.constant 0 : i32
      %dma_start3A_41 = tpu.memref_slice %arg8[%add3A_3, %dma_start3A_40] : memref<10112x128xf32, #tpu.memory_space<vmem_shared>> -> memref<128x128xf32, #tpu.memory_space<vmem_shared>>
      %dma_start3A_42 = arith.constant 0 : i32
      %dma_start3A_43 = tpu.memref_slice %arg8[%add3A_3, %dma_start3A_42] : memref<10112x128xf32, #tpu.memory_space<vmem_shared>> -> memref<128x128xf32, #tpu.memory_space<vmem_shared>>
      tpu.enqueue_dma source(%arg6 : memref<128x128xf32, #tpu.memory_space<vmem>>) target(%dma_start3A_43 : memref<128x128xf32, #tpu.memory_space<vmem_shared>>) target_semaphore(%run_scoped3A : memref<!tpu.dma_semaphore, #tpu.memory_space<semaphore_mem>>)
      %dma_wait3A = arith.constant 0 : i32
      %dma_wait3A_44 = tpu.memref_slice %arg8[%add3A_3, %dma_wait3A] : memref<10112x128xf32, #tpu.memory_space<vmem_shared>> -> memref<128x128xf32, #tpu.memory_space<vmem_shared>>
      %dma_wait3A_45 = arith.constant 0 : i32
      %dma_wait3A_46 = tpu.memref_slice %arg8[%add3A_3, %dma_wait3A_45] : memref<10112x128xf32, #tpu.memory_space<vmem_shared>> -> memref<128x128xf32, #tpu.memory_space<vmem_shared>>
      tpu.wait_dma2 semaphore(%run_scoped3A : memref<!tpu.dma_semaphore, #tpu.memory_space<semaphore_mem>>) src(%arg6 : memref<128x128xf32, #tpu.memory_space<vmem>>) dst(%dma_wait3A_46 : memref<128x128xf32, #tpu.memory_space<vmem_shared>>)
      tpu.yield
    }) : () -> ()
    %add3A_4 = arith.constant 128 : i32
    %add3A_5 = arith.addi %mul3A_2, %add3A_4 : i32
    "tpu.region"() ({
      %run_scoped3A = tpu.sem_alloc : memref<!tpu.dma_semaphore, #tpu.memory_space<semaphore_mem>>
      %dma_start3A_40 = arith.constant 0 : i32
      %dma_start3A_41 = tpu.memref_slice %arg8[%add3A_5, %dma_start3A_40] : memref<10112x128xf32, #tpu.memory_space<vmem_shared>> -> memref<128x128xf32, #tpu.memory_space<vmem_shared>>
      %dma_start3A_42 = arith.constant 0 : i32
      %dma_start3A_43 = tpu.memref_slice %arg8[%add3A_5, %dma_start3A_42] : memref<10112x128xf32, #tpu.memory_space<vmem_shared>> -> memref<128x128xf32, #tpu.memory_space<vmem_shared>>
      tpu.enqueue_dma source(%arg6 : memref<128x128xf32, #tpu.memory_space<vmem>>) target(%dma_start3A_43 : memref<128x128xf32, #tpu.memory_space<vmem_shared>>) target_semaphore(%run_scoped3A : memref<!tpu.dma_semaphore, #tpu.memory_space<semaphore_mem>>)
      %dma_wait3A = arith.constant 0 : i32
      %dma_wait3A_44 = tpu.memref_slice %arg8[%add3A_5, %dma_wait3A] : memref<10112x128xf32, #tpu.memory_space<vmem_shared>> -> memref<128x128xf32, #tpu.memory_space<vmem_shared>>
      %dma_wait3A_45 = arith.constant 0 : i32
      %dma_wait3A_46 = tpu.memref_slice %arg8[%add3A_5, %dma_wait3A_45] : memref<10112x128xf32, #tpu.memory_space<vmem_shared>> -> memref<128x128xf32, #tpu.memory_space<vmem_shared>>
      tpu.wait_dma2 semaphore(%run_scoped3A : memref<!tpu.dma_semaphore, #tpu.memory_space<semaphore_mem>>) src(%arg6 : memref<128x128xf32, #tpu.memory_space<vmem>>) dst(%dma_wait3A_46 : memref<128x128xf32, #tpu.memory_space<vmem_shared>>)
      tpu.yield
    }) : () -> ()
    %add3A_6 = arith.constant 256 : i32
    %add3A_7 = arith.addi %mul3A_2, %add3A_6 : i32
    "tpu.region"() ({
      %run_scoped3A = tpu.sem_alloc : memref<!tpu.dma_semaphore, #tpu.memory_space<semaphore_mem>>
      %dma_start3A_40 = arith.constant 0 : i32
      %dma_start3A_41 = tpu.memref_slice %arg8[%add3A_7, %dma_start3A_40] : memref<10112x128xf32, #tpu.memory_space<vmem_shared>> -> memref<128x128xf32, #tpu.memory_space<vmem_shared>>
      %dma_start3A_42 = arith.constant 0 : i32
      %dma_start3A_43 = tpu.memref_slice %arg8[%add3A_7, %dma_start3A_42] : memref<10112x128xf32, #tpu.memory_space<vmem_shared>> -> memref<128x128xf32, #tpu.memory_space<vmem_shared>>
      tpu.enqueue_dma source(%arg6 : memref<128x128xf32, #tpu.memory_space<vmem>>) target(%dma_start3A_43 : memref<128x128xf32, #tpu.memory_space<vmem_shared>>) target_semaphore(%run_scoped3A : memref<!tpu.dma_semaphore, #tpu.memory_space<semaphore_mem>>)
      %dma_wait3A = arith.constant 0 : i32
      %dma_wait3A_44 = tpu.memref_slice %arg8[%add3A_7, %dma_wait3A] : memref<10112x128xf32, #tpu.memory_space<vmem_shared>> -> memref<128x128xf32, #tpu.memory_space<vmem_shared>>
      %dma_wait3A_45 = arith.constant 0 : i32
      %dma_wait3A_46 = tpu.memref_slice %arg8[%add3A_7, %dma_wait3A_45] : memref<10112x128xf32, #tpu.memory_space<vmem_shared>> -> memref<128x128xf32, #tpu.memory_space<vmem_shared>>
      tpu.wait_dma2 semaphore(%run_scoped3A : memref<!tpu.dma_semaphore, #tpu.memory_space<semaphore_mem>>) src(%arg6 : memref<128x128xf32, #tpu.memory_space<vmem>>) dst(%dma_wait3A_46 : memref<128x128xf32, #tpu.memory_space<vmem_shared>>)
      tpu.yield
    }) : () -> ()
    %add3A_8 = arith.constant 384 : i32
    %add3A_9 = arith.addi %mul3A_2, %add3A_8 : i32
    "tpu.region"() ({
      %run_scoped3A = tpu.sem_alloc : memref<!tpu.dma_semaphore, #tpu.memory_space<semaphore_mem>>
      %dma_start3A_40 = arith.constant 0 : i32
      %dma_start3A_41 = tpu.memref_slice %arg8[%add3A_9, %dma_start3A_40] : memref<10112x128xf32, #tpu.memory_space<vmem_shared>> -> memref<128x128xf32, #tpu.memory_space<vmem_shared>>
      %dma_start3A_42 = arith.constant 0 : i32
      %dma_start3A_43 = tpu.memref_slice %arg8[%add3A_9, %dma_start3A_42] : memref<10112x128xf32, #tpu.memory_space<vmem_shared>> -> memref<128x128xf32, #tpu.memory_space<vmem_shared>>
      tpu.enqueue_dma source(%arg6 : memref<128x128xf32, #tpu.memory_space<vmem>>) target(%dma_start3A_43 : memref<128x128xf32, #tpu.memory_space<vmem_shared>>) target_semaphore(%run_scoped3A : memref<!tpu.dma_semaphore, #tpu.memory_space<semaphore_mem>>)
      %dma_wait3A = arith.constant 0 : i32
      %dma_wait3A_44 = tpu.memref_slice %arg8[%add3A_9, %dma_wait3A] : memref<10112x128xf32, #tpu.memory_space<vmem_shared>> -> memref<128x128xf32, #tpu.memory_space<vmem_shared>>
      %dma_wait3A_45 = arith.constant 0 : i32
      %dma_wait3A_46 = tpu.memref_slice %arg8[%add3A_9, %dma_wait3A_45] : memref<10112x128xf32, #tpu.memory_space<vmem_shared>> -> memref<128x128xf32, #tpu.memory_space<vmem_shared>>
      tpu.wait_dma2 semaphore(%run_scoped3A : memref<!tpu.dma_semaphore, #tpu.memory_space<semaphore_mem>>) src(%arg6 : memref<128x128xf32, #tpu.memory_space<vmem>>) dst(%dma_wait3A_46 : memref<128x128xf32, #tpu.memory_space<vmem_shared>>)
      tpu.yield
    }) : () -> ()
    %add3A_10 = arith.constant 512 : i32
    %add3A_11 = arith.addi %mul3A_2, %add3A_10 : i32
    "tpu.region"() ({
      %run_scoped3A = tpu.sem_alloc : memref<!tpu.dma_semaphore, #tpu.memory_space<semaphore_mem>>
      %dma_start3A_40 = arith.constant 0 : i32
      %dma_start3A_41 = arith.constant 0 : i32
      %dma_start3A_42 = tpu.memref_slice %arg6[%dma_start3A_40, %dma_start3A_41] : memref<128x128xf32, #tpu.memory_space<vmem>> -> memref<120x128xf32, #tpu.memory_space<vmem>>
      %dma_start3A_43 = arith.constant 0 : i32
      %dma_start3A_44 = tpu.memref_slice %arg8[%add3A_11, %dma_start3A_43] : memref<10112x128xf32, #tpu.memory_space<vmem_shared>> -> memref<120x128xf32, #tpu.memory_space<vmem_shared>>
      %dma_start3A_45 = arith.constant 0 : i32
      %dma_start3A_46 = tpu.memref_slice %arg8[%add3A_11, %dma_start3A_45] : memref<10112x128xf32, #tpu.memory_space<vmem_shared>> -> memref<120x128xf32, #tpu.memory_space<vmem_shared>>
      %dma_start3A_47 = arith.constant 0 : i32
      %dma_start3A_48 = arith.constant 0 : i32
      %dma_start3A_49 = tpu.memref_slice %arg6[%dma_start3A_47, %dma_start3A_48] : memref<128x128xf32, #tpu.memory_space<vmem>> -> memref<120x128xf32, #tpu.memory_space<vmem>>
      tpu.enqueue_dma source(%dma_start3A_49 : memref<120x128xf32, #tpu.memory_space<vmem>>) target(%dma_start3A_46 : memref<120x128xf32, #tpu.memory_space<vmem_shared>>) target_semaphore(%run_scoped3A : memref<!tpu.dma_semaphore, #tpu.memory_space<semaphore_mem>>)
      %dma_wait3A = arith.constant 0 : i32
      %dma_wait3A_50 = arith.constant 0 : i32
      %dma_wait3A_51 = tpu.memref_slice %arg6[%dma_wait3A, %dma_wait3A_50] : memref<128x128xf32, #tpu.memory_space<vmem>> -> memref<120x128xf32, #tpu.memory_space<vmem>>
      %dma_wait3A_52 = arith.constant 0 : i32
      %dma_wait3A_53 = tpu.memref_slice %arg8[%add3A_11, %dma_wait3A_52] : memref<10112x128xf32, #tpu.memory_space<vmem_shared>> -> memref<120x128xf32, #tpu.memory_space<vmem_shared>>
      %dma_wait3A_54 = arith.constant 0 : i32
      %dma_wait3A_55 = tpu.memref_slice %arg8[%add3A_11, %dma_wait3A_54] : memref<10112x128xf32, #tpu.memory_space<vmem_shared>> -> memref<120x128xf32, #tpu.memory_space<vmem_shared>>
      %dma_wait3A_56 = arith.constant 0 : i32
      %dma_wait3A_57 = arith.constant 0 : i32
      %dma_wait3A_58 = tpu.memref_slice %arg6[%dma_wait3A_56, %dma_wait3A_57] : memref<128x128xf32, #tpu.memory_space<vmem>> -> memref<120x128xf32, #tpu.memory_space<vmem>>
      tpu.wait_dma2 semaphore(%run_scoped3A : memref<!tpu.dma_semaphore, #tpu.memory_space<semaphore_mem>>) src(%dma_wait3A_58 : memref<120x128xf32, #tpu.memory_space<vmem>>) dst(%dma_wait3A_55 : memref<120x128xf32, #tpu.memory_space<vmem_shared>>)
      tpu.yield
    }) : () -> ()
    %barrier3A = arith.constant 0 : index
    tpu.barrier barrier_id(%barrier3A)
    %mul3A_12 = arith.constant 640 : i32
    %mul3A_13 = arith.muli %arg0, %mul3A_12 : i32
    %mul3A_14 = arith.constant 40 : i32
    %mul3A_15 = arith.muli %arg1, %mul3A_14 : i32
    %add3A_16 = arith.addi %mul3A_13, %mul3A_15 : i32
    %add3A_17 = arith.constant 1280 : i32
    %add3A_18 = arith.addi %add3A_17, %add3A_16 : i32
    "tpu.region"() ({
      %run_scoped3A = tpu.sem_alloc : memref<!tpu.dma_semaphore, #tpu.memory_space<semaphore_mem>>
      %dma_start3A_40 = arith.constant 0 : i32
      %dma_start3A_41 = tpu.memref_slice %arg2[%add3A_18, %dma_start3A_40] : memref<2560x128xi32, #tpu.memory_space<hbm>> -> memref<40x128xi32, #tpu.memory_space<hbm>>
      %dma_start3A_42 = arith.constant 0 : i32
      %dma_start3A_43 = tpu.memref_slice %arg2[%add3A_18, %dma_start3A_42] : memref<2560x128xi32, #tpu.memory_space<hbm>> -> memref<40x128xi32, #tpu.memory_space<hbm>>
      tpu.enqueue_dma source(%dma_start3A_43 : memref<40x128xi32, #tpu.memory_space<hbm>>) target(%arg5 : memref<40x128xi32, #tpu.memory_space<vmem>>) target_semaphore(%run_scoped3A : memref<!tpu.dma_semaphore, #tpu.memory_space<semaphore_mem>>)
      %dma_wait3A = arith.constant 0 : i32
      %dma_wait3A_44 = tpu.memref_slice %arg2[%add3A_18, %dma_wait3A] : memref<2560x128xi32, #tpu.memory_space<hbm>> -> memref<40x128xi32, #tpu.memory_space<hbm>>
      %dma_wait3A_45 = arith.constant 0 : i32
      %dma_wait3A_46 = tpu.memref_slice %arg2[%add3A_18, %dma_wait3A_45] : memref<2560x128xi32, #tpu.memory_space<hbm>> -> memref<40x128xi32, #tpu.memory_space<hbm>>
      tpu.wait_dma2 semaphore(%run_scoped3A : memref<!tpu.dma_semaphore, #tpu.memory_space<semaphore_mem>>) src(%dma_wait3A_46 : memref<40x128xi32, #tpu.memory_space<hbm>>) dst(%arg5 : memref<40x128xi32, #tpu.memory_space<vmem>>)
      tpu.yield
    }) : () -> ()
    %add3A_19 = arith.constant 0 : i32
    %add3A_20 = arith.addi %add3A_16, %add3A_19 : i32
    %mul3A_21 = arith.constant 128 : i32
    %mul3A_22 = arith.muli %add3A_20, %mul3A_21 : i32
    %dma_start3A = arith.constant 0 : i32
    %dma_start3A_23 = tpu.memref_slice %arg3[%mul3A_22, %dma_start3A] : memref<163840x128xf32, #tpu.memory_space<hbm>> -> memref<128x128xf32, #tpu.memory_space<hbm>>
    %dma_start3A_24 = arith.constant 0 : i32
    %dma_start3A_25 = tpu.memref_slice %arg3[%mul3A_22, %dma_start3A_24] : memref<163840x128xf32, #tpu.memory_space<hbm>> -> memref<128x128xf32, #tpu.memory_space<hbm>>
    tpu.enqueue_dma source(%dma_start3A_25 : memref<128x128xf32, #tpu.memory_space<hbm>>) target(%arg6 : memref<128x128xf32, #tpu.memory_space<vmem>>) target_semaphore(%arg9 : memref<!tpu.dma_semaphore, #tpu.memory_space<semaphore_mem>>)
    %add3A_26 = arith.constant 1 : i32
    %add3A_27 = arith.addi %add3A_16, %add3A_26 : i32
    %mul3A_28 = arith.constant 128 : i32
    %mul3A_29 = arith.muli %add3A_27, %mul3A_28 : i32
    %dma_start3A_30 = arith.constant 0 : i32
    %dma_start3A_31 = tpu.memref_slice %arg3[%mul3A_29, %dma_start3A_30] : memref<163840x128xf32, #tpu.memory_space<hbm>> -> memref<128x128xf32, #tpu.memory_space<hbm>>
    %dma_start3A_32 = arith.constant 0 : i32
    %dma_start3A_33 = tpu.memref_slice %arg3[%mul3A_29, %dma_start3A_32] : memref<163840x128xf32, #tpu.memory_space<hbm>> -> memref<128x128xf32, #tpu.memory_space<hbm>>
    tpu.enqueue_dma source(%dma_start3A_33 : memref<128x128xf32, #tpu.memory_space<hbm>>) target(%arg7 : memref<128x128xf32, #tpu.memory_space<vmem>>) target_semaphore(%arg10 : memref<!tpu.dma_semaphore, #tpu.memory_space<semaphore_mem>>)
    %scan3A = arith.constant 0 : i32
    %scan3A_34 = arith.constant 0 : i32
    %scan3A_35 = arith.constant 20 : i32
    %scan3A_36 = arith.addi %scan3A_34, %scan3A_35 : i32
    %scan3A_37 = arith.constant 1 : i32
    scf.for %scan3A_40 = %scan3A_34 to %scan3A_36 step %scan3A_37  : i32 {
      %mul3A_41 = arith.constant 2 : i32
      %mul3A_42 = arith.muli %mul3A_41, %scan3A_40 : i32
      %add3A_43 = arith.addi %add3A_16, %mul3A_42 : i32
      %mul3A_44 = arith.constant 128 : i32
      %mul3A_45 = arith.muli %add3A_43, %mul3A_44 : i32
      %dma_wait3A = arith.constant 0 : i32
      %dma_wait3A_46 = tpu.memref_slice %arg3[%mul3A_45, %dma_wait3A] : memref<163840x128xf32, #tpu.memory_space<hbm>> -> memref<128x128xf32, #tpu.memory_space<hbm>>
      %dma_wait3A_47 = arith.constant 0 : i32
      %dma_wait3A_48 = tpu.memref_slice %arg3[%mul3A_45, %dma_wait3A_47] : memref<163840x128xf32, #tpu.memory_space<hbm>> -> memref<128x128xf32, #tpu.memory_space<hbm>>
      tpu.wait_dma2 semaphore(%arg9 : memref<!tpu.dma_semaphore, #tpu.memory_space<semaphore_mem>>) src(%dma_wait3A_48 : memref<128x128xf32, #tpu.memory_space<hbm>>) dst(%arg6 : memref<128x128xf32, #tpu.memory_space<vmem>>)
      "tpu.region"() ({
        %run_scoped3A = tpu.sem_alloc : memref<!tpu.dma_semaphore, #tpu.memory_space<semaphore_mem>>
        %dma_start3A_71 = arith.constant 0 : i32
        %dma_start3A_72 = tpu.memref_slice %arg5[%mul3A_42, %dma_start3A_71] : memref<40x128xi32, #tpu.memory_space<vmem>> -> memref<1x128xi32, #tpu.memory_space<vmem>>
        %dma_start3A_73 = tpu.memref_squeeze %dma_start3A_72 : memref<1x128xi32, #tpu.memory_space<vmem>> -> memref<128xi32, #tpu.memory_space<vmem>>
        %dma_start3A_74 = arith.constant 0 : i32
        %dma_start3A_75 = arith.constant 0 : i32
        %dma_start3A_76 = tpu.memref_slice %arg8[%dma_start3A_74, %dma_start3A_75] : memref<10112x128xf32, #tpu.memory_space<vmem_shared>> -> memref<10112x128xf32, #tpu.memory_space<vmem_shared>>
        tpu.enqueue_indirect_dma source(%arg6 : memref<128x128xf32, #tpu.memory_space<vmem>>) target(%dma_start3A_76 : memref<10112x128xf32, #tpu.memory_space<vmem_shared>>) offsets(%dma_start3A_73 : memref<128xi32, #tpu.memory_space<vmem>>) semaphore(%run_scoped3A : memref<!tpu.dma_semaphore, #tpu.memory_space<semaphore_mem>>) {add = true}
        %dma_wait3A_77 = arith.constant 0 : i32
        %dma_wait3A_78 = tpu.memref_slice %arg5[%mul3A_42, %dma_wait3A_77] : memref<40x128xi32, #tpu.memory_space<vmem>> -> memref<1x128xi32, #tpu.memory_space<vmem>>
        %dma_wait3A_79 = tpu.memref_squeeze %dma_wait3A_78 : memref<1x128xi32, #tpu.memory_space<vmem>> -> memref<128xi32, #tpu.memory_space<vmem>>
        %dma_wait3A_80 = arith.constant 0 : i32
        %dma_wait3A_81 = arith.constant 0 : i32
        %dma_wait3A_82 = tpu.memref_slice %arg8[%dma_wait3A_80, %dma_wait3A_81] : memref<10112x128xf32, #tpu.memory_space<vmem_shared>> -> memref<10112x128xf32, #tpu.memory_space<vmem_shared>>
        tpu.wait_indirect_dma semaphore(%run_scoped3A : memref<!tpu.dma_semaphore, #tpu.memory_space<semaphore_mem>>) src(%arg6 : memref<128x128xf32, #tpu.memory_space<vmem>>) dst(%dma_wait3A_82 : memref<10112x128xf32, #tpu.memory_space<vmem_shared>>)
        tpu.yield
      }) : () -> ()
      %add3A_49 = arith.constant 2 : i32
      %add3A_50 = arith.addi %mul3A_42, %add3A_49 : i32
      %lt3A = arith.constant 40 : i32
      %lt3A_51 = arith.cmpi slt, %add3A_50, %lt3A : i32
      %convert_element_type3A = arith.extui %lt3A_51 : i1 to i32
      %cond3A = arith.constant 0 : i32
      %cond3A_52 = arith.cmpi ne, %convert_element_type3A, %cond3A : i32
      scf.if %cond3A_52 {
        %add3A_71 = arith.constant 2 : i32
        %add3A_72 = arith.addi %mul3A_42, %add3A_71 : i32
        %add3A_73 = arith.addi %add3A_16, %add3A_72 : i32
        %mul3A_74 = arith.constant 128 : i32
        %mul3A_75 = arith.muli %add3A_73, %mul3A_74 : i32
        %dma_start3A_76 = arith.constant 0 : i32
        %dma_start3A_77 = tpu.memref_slice %arg3[%mul3A_75, %dma_start3A_76] : memref<163840x128xf32, #tpu.memory_space<hbm>> -> memref<128x128xf32, #tpu.memory_space<hbm>>
        %dma_start3A_78 = arith.constant 0 : i32
        %dma_start3A_79 = tpu.memref_slice %arg3[%mul3A_75, %dma_start3A_78] : memref<163840x128xf32, #tpu.memory_space<hbm>> -> memref<128x128xf32, #tpu.memory_space<hbm>>
        tpu.enqueue_dma source(%dma_start3A_79 : memref<128x128xf32, #tpu.memory_space<hbm>>) target(%arg6 : memref<128x128xf32, #tpu.memory_space<vmem>>) target_semaphore(%arg9 : memref<!tpu.dma_semaphore, #tpu.memory_space<semaphore_mem>>)
      } else {
      }
      %mul3A_53 = arith.constant 2 : i32
      %mul3A_54 = arith.muli %mul3A_53, %scan3A_40 : i32
      %add3A_55 = arith.constant 1 : i32
      %add3A_56 = arith.addi %mul3A_54, %add3A_55 : i32
      %add3A_57 = arith.addi %add3A_16, %add3A_56 : i32
      %mul3A_58 = arith.constant 128 : i32
      %mul3A_59 = arith.muli %add3A_57, %mul3A_58 : i32
      %dma_wait3A_60 = arith.constant 0 : i32
      %dma_wait3A_61 = tpu.memref_slice %arg3[%mul3A_59, %dma_wait3A_60] : memref<163840x128xf32, #tpu.memory_space<hbm>> -> memref<128x128xf32, #tpu.memory_space<hbm>>
      %dma_wait3A_62 = arith.constant 0 : i32
      %dma_wait3A_63 = tpu.memref_slice %arg3[%mul3A_59, %dma_wait3A_62] : memref<163840x128xf32, #tpu.memory_space<hbm>> -> memref<128x128xf32, #tpu.memory_space<hbm>>
      tpu.wait_dma2 semaphore(%arg10 : memref<!tpu.dma_semaphore, #tpu.memory_space<semaphore_mem>>) src(%dma_wait3A_63 : memref<128x128xf32, #tpu.memory_space<hbm>>) dst(%arg7 : memref<128x128xf32, #tpu.memory_space<vmem>>)
      "tpu.region"() ({
        %run_scoped3A = tpu.sem_alloc : memref<!tpu.dma_semaphore, #tpu.memory_space<semaphore_mem>>
        %dma_start3A_71 = arith.constant 0 : i32
        %dma_start3A_72 = tpu.memref_slice %arg5[%add3A_56, %dma_start3A_71] : memref<40x128xi32, #tpu.memory_space<vmem>> -> memref<1x128xi32, #tpu.memory_space<vmem>>
        %dma_start3A_73 = tpu.memref_squeeze %dma_start3A_72 : memref<1x128xi32, #tpu.memory_space<vmem>> -> memref<128xi32, #tpu.memory_space<vmem>>
        %dma_start3A_74 = arith.constant 0 : i32
        %dma_start3A_75 = arith.constant 0 : i32
        %dma_start3A_76 = tpu.memref_slice %arg8[%dma_start3A_74, %dma_start3A_75] : memref<10112x128xf32, #tpu.memory_space<vmem_shared>> -> memref<10112x128xf32, #tpu.memory_space<vmem_shared>>
        tpu.enqueue_indirect_dma source(%arg7 : memref<128x128xf32, #tpu.memory_space<vmem>>) target(%dma_start3A_76 : memref<10112x128xf32, #tpu.memory_space<vmem_shared>>) offsets(%dma_start3A_73 : memref<128xi32, #tpu.memory_space<vmem>>) semaphore(%run_scoped3A : memref<!tpu.dma_semaphore, #tpu.memory_space<semaphore_mem>>) {add = true}
        %dma_wait3A_77 = arith.constant 0 : i32
        %dma_wait3A_78 = tpu.memref_slice %arg5[%add3A_56, %dma_wait3A_77] : memref<40x128xi32, #tpu.memory_space<vmem>> -> memref<1x128xi32, #tpu.memory_space<vmem>>
        %dma_wait3A_79 = tpu.memref_squeeze %dma_wait3A_78 : memref<1x128xi32, #tpu.memory_space<vmem>> -> memref<128xi32, #tpu.memory_space<vmem>>
        %dma_wait3A_80 = arith.constant 0 : i32
        %dma_wait3A_81 = arith.constant 0 : i32
        %dma_wait3A_82 = tpu.memref_slice %arg8[%dma_wait3A_80, %dma_wait3A_81] : memref<10112x128xf32, #tpu.memory_space<vmem_shared>> -> memref<10112x128xf32, #tpu.memory_space<vmem_shared>>
        tpu.wait_indirect_dma semaphore(%run_scoped3A : memref<!tpu.dma_semaphore, #tpu.memory_space<semaphore_mem>>) src(%arg7 : memref<128x128xf32, #tpu.memory_space<vmem>>) dst(%dma_wait3A_82 : memref<10112x128xf32, #tpu.memory_space<vmem_shared>>)
        tpu.yield
      }) : () -> ()
      %add3A_64 = arith.constant 2 : i32
      %add3A_65 = arith.addi %add3A_56, %add3A_64 : i32
      %lt3A_66 = arith.constant 40 : i32
      %lt3A_67 = arith.cmpi slt, %add3A_65, %lt3A_66 : i32
      %convert_element_type3A_68 = arith.extui %lt3A_67 : i1 to i32
      %cond3A_69 = arith.constant 0 : i32
      %cond3A_70 = arith.cmpi ne, %convert_element_type3A_68, %cond3A_69 : i32
      scf.if %cond3A_70 {
        %add3A_71 = arith.constant 2 : i32
        %add3A_72 = arith.addi %add3A_56, %add3A_71 : i32
        %add3A_73 = arith.addi %add3A_16, %add3A_72 : i32
        %mul3A_74 = arith.constant 128 : i32
        %mul3A_75 = arith.muli %add3A_73, %mul3A_74 : i32
        %dma_start3A_76 = arith.constant 0 : i32
        %dma_start3A_77 = tpu.memref_slice %arg3[%mul3A_75, %dma_start3A_76] : memref<163840x128xf32, #tpu.memory_space<hbm>> -> memref<128x128xf32, #tpu.memory_space<hbm>>
        %dma_start3A_78 = arith.constant 0 : i32
        %dma_start3A_79 = tpu.memref_slice %arg3[%mul3A_75, %dma_start3A_78] : memref<163840x128xf32, #tpu.memory_space<hbm>> -> memref<128x128xf32, #tpu.memory_space<hbm>>
        tpu.enqueue_dma source(%dma_start3A_79 : memref<128x128xf32, #tpu.memory_space<hbm>>) target(%arg7 : memref<128x128xf32, #tpu.memory_space<vmem>>) target_semaphore(%arg10 : memref<!tpu.dma_semaphore, #tpu.memory_space<semaphore_mem>>)
      } else {
      }
    }
    %scan3A_38 = arith.constant 20 : i32
    %barrier3A_39 = arith.constant 0 : index
    tpu.barrier barrier_id(%barrier3A_39)
    "tpu.region"() ({
      %run_scoped3A = tpu.sem_alloc : memref<!tpu.dma_semaphore, #tpu.memory_space<semaphore_mem>>
      %dma_start3A_40 = arith.constant 0 : i32
      %dma_start3A_41 = tpu.memref_slice %arg4[%arg0, %mul3A_2, %dma_start3A_40] : memref<2x10112x128xf32, #tpu.memory_space<hbm>> -> memref<1x632x128xf32, #tpu.memory_space<hbm>>
      %dma_start3A_42 = tpu.memref_squeeze %dma_start3A_41 : memref<1x632x128xf32, #tpu.memory_space<hbm>> -> memref<632x128xf32, #tpu.memory_space<hbm>>
      %dma_start3A_43 = arith.constant 0 : i32
      %dma_start3A_44 = tpu.memref_slice %arg8[%mul3A_2, %dma_start3A_43] : memref<10112x128xf32, #tpu.memory_space<vmem_shared>> -> memref<632x128xf32, #tpu.memory_space<vmem_shared>>
      tpu.enqueue_dma source(%dma_start3A_44 : memref<632x128xf32, #tpu.memory_space<vmem_shared>>) target(%dma_start3A_42 : memref<632x128xf32, #tpu.memory_space<hbm>>) target_semaphore(%run_scoped3A : memref<!tpu.dma_semaphore, #tpu.memory_space<semaphore_mem>>)
      %dma_wait3A = arith.constant 0 : i32
      %dma_wait3A_45 = tpu.memref_slice %arg4[%arg0, %mul3A_2, %dma_wait3A] : memref<2x10112x128xf32, #tpu.memory_space<hbm>> -> memref<1x632x128xf32, #tpu.memory_space<hbm>>
      %dma_wait3A_46 = tpu.memref_squeeze %dma_wait3A_45 : memref<1x632x128xf32, #tpu.memory_space<hbm>> -> memref<632x128xf32, #tpu.memory_space<hbm>>
      %dma_wait3A_47 = arith.constant 0 : i32
      %dma_wait3A_48 = tpu.memref_slice %arg8[%mul3A_2, %dma_wait3A_47] : memref<10112x128xf32, #tpu.memory_space<vmem_shared>> -> memref<632x128xf32, #tpu.memory_space<vmem_shared>>
      tpu.wait_dma2 semaphore(%run_scoped3A : memref<!tpu.dma_semaphore, #tpu.memory_space<semaphore_mem>>) src(%dma_wait3A_48 : memref<632x128xf32, #tpu.memory_space<vmem_shared>>) dst(%dma_wait3A_46 : memref<632x128xf32, #tpu.memory_space<hbm>>)
      tpu.yield
    }) : () -> ()
    return
  }
}

module attributes {stable_mosaic.version = 14 : i64} {
  func.func @body(%arg0: memref<10000x128xf32, #tpu.memory_space<vmem>>, %arg1: memref<128x128xf32, #tpu.memory_space<vmem>>, %arg2: memref<1x128xf32, #tpu.memory_space<vmem>>, %arg3: memref<128x128xf32, #tpu.memory_space<vmem>>, %arg4: memref<128x128xf32, #tpu.memory_space<vmem>>, %arg5: memref<1x128xf32, #tpu.memory_space<vmem>>, %arg6: memref<2x10000x128xf32, #tpu.memory_space<vmem>>) attributes {dimension_semantics = [], scalar_prefetch = 0 : i64, scratch_operands = 0 : i64, tpu.core_type = #tpu.core_type<tc>} {
    %get3A = arith.constant 0 : index
    %get3A_0 = arith.constant 0 : index
    %get3A_1 = vector.load %arg0[%get3A, %get3A_0] : memref<10000x128xf32, #tpu.memory_space<vmem>>, vector<10000x128xf32>
    %get3A_2 = arith.constant 0 : index
    %get3A_3 = arith.constant 0 : index
    %get3A_4 = vector.load %arg1[%get3A_2, %get3A_3] : memref<128x128xf32, #tpu.memory_space<vmem>>, vector<128x128xf32>
    %dot_general3A = arith.constant dense<0.000000e+00> : vector<10000x128xf32>
    %dot_general3A_5 = tpu.matmul %get3A_1, %get3A_4, %dot_general3A {dimension_numbers = #tpu.dot_dimension_numbers<[1], [0], [0], [1], [0, 0, 1, 1], [], []>, transpose_lhs_hint = false} : vector<10000x128xf32>, vector<128x128xf32>, vector<10000x128xf32> -> vector<10000x128xf32>
    %get3A_6 = arith.constant 0 : index
    %get3A_7 = arith.constant 0 : index
    %get3A_8 = vector.load %arg2[%get3A_6, %get3A_7] : memref<1x128xf32, #tpu.memory_space<vmem>>, vector<1x128xf32>
    %add3A = vector.broadcast %get3A_8 : vector<1x128xf32> to vector<10000x128xf32>
    %add3A_9 = arith.addf %dot_general3A_5, %add3A : vector<10000x128xf32>
    %get3A_10 = arith.constant 0 : index
    %get3A_11 = arith.constant 0 : index
    %get3A_12 = vector.load %arg3[%get3A_10, %get3A_11] : memref<128x128xf32, #tpu.memory_space<vmem>>, vector<128x128xf32>
    %dot_general3A_13 = arith.constant dense<0.000000e+00> : vector<10000x128xf32>
    %dot_general3A_14 = tpu.matmul %add3A_9, %get3A_12, %dot_general3A_13 {dimension_numbers = #tpu.dot_dimension_numbers<[1], [0], [0], [1], [0, 0, 1, 1], [], []>, transpose_lhs_hint = false} : vector<10000x128xf32>, vector<128x128xf32>, vector<10000x128xf32> -> vector<10000x128xf32>
    %get3A_15 = arith.constant 0 : index
    %get3A_16 = arith.constant 0 : index
    %get3A_17 = vector.load %arg5[%get3A_15, %get3A_16] : memref<1x128xf32, #tpu.memory_space<vmem>>, vector<1x128xf32>
    %add3A_18 = vector.broadcast %get3A_17 : vector<1x128xf32> to vector<10000x128xf32>
    %add3A_19 = arith.addf %dot_general3A_14, %add3A_18 : vector<10000x128xf32>
    %swap3A = arith.constant 0 : index
    %swap3A_20 = arith.constant 0 : index
    %swap3A_21 = arith.constant 0 : index
    %swap3A_22 = vector.load %arg6[%swap3A, %swap3A_20, %swap3A_21] : memref<2x10000x128xf32, #tpu.memory_space<vmem>>, vector<1x10000x128xf32>
    %swap3A_23 = vector.shape_cast %swap3A_22 : vector<1x10000x128xf32> to vector<10000x128xf32>
    %swap3A_24 = vector.shape_cast %add3A_19 : vector<10000x128xf32> to vector<1x10000x128xf32>
    tpu.vector_store %arg6[%swap3A, %swap3A_20, %swap3A_21], %swap3A_24 {strides = array<i32>} : memref<2x10000x128xf32, #tpu.memory_space<vmem>>, vector<1x10000x128xf32>,
    %get3A_25 = arith.constant 0 : index
    %get3A_26 = arith.constant 0 : index
    %get3A_27 = vector.load %arg4[%get3A_25, %get3A_26] : memref<128x128xf32, #tpu.memory_space<vmem>>, vector<128x128xf32>
    %dot_general3A_28 = arith.constant dense<0.000000e+00> : vector<10000x128xf32>
    %dot_general3A_29 = tpu.matmul %add3A_9, %get3A_27, %dot_general3A_28 {dimension_numbers = #tpu.dot_dimension_numbers<[1], [0], [0], [1], [0, 0, 1, 1], [], []>, transpose_lhs_hint = false} : vector<10000x128xf32>, vector<128x128xf32>, vector<10000x128xf32> -> vector<10000x128xf32>
    %swap3A_30 = arith.constant 1 : index
    %swap3A_31 = arith.constant 0 : index
    %swap3A_32 = arith.constant 0 : index
    %swap3A_33 = vector.load %arg6[%swap3A_30, %swap3A_31, %swap3A_32] : memref<2x10000x128xf32, #tpu.memory_space<vmem>>, vector<1x10000x128xf32>
    %swap3A_34 = vector.shape_cast %swap3A_33 : vector<1x10000x128xf32> to vector<10000x128xf32>
    %swap3A_35 = vector.shape_cast %dot_general3A_29 : vector<10000x128xf32> to vector<1x10000x128xf32>
    tpu.vector_store %arg6[%swap3A_30, %swap3A_31, %swap3A_32], %swap3A_35 {strides = array<i32>} : memref<2x10000x128xf32, #tpu.memory_space<vmem>>, vector<1x10000x128xf32>,
    return
  }
}

module attributes {stable_mosaic.version = 14 : i64} {
  func.func @body(%arg0: i32, %arg1: memref<1x2048x128xf32, #tpu.memory_space<vmem>>, %arg2: memref<1x2048x128xf32, #tpu.memory_space<vmem>>, %arg3: memref<128x128xf32, #tpu.memory_space<vmem>>, %arg4: memref<1x128xf32, #tpu.memory_space<vmem>>, %arg5: memref<128x128xf32, #tpu.memory_space<vmem>>, %arg6: memref<1x128xf32, #tpu.memory_space<vmem>>, %arg7: memref<2048x128xf32, #tpu.memory_space<vmem>>) attributes {dimension_semantics = [#tpu.dimension_semantics<arbitrary>], iteration_bounds = array<i64: 80>, scalar_prefetch = 0 : i64, scratch_operands = 0 : i64, tpu.core_type = #tpu.core_type<tc>, window_params = [{transform_indices = @transform_0, window_bounds = array<i64: 1, 2048, 128>}, {transform_indices = @transform_1, window_bounds = array<i64: 1, 2048, 128>}, {pipeline_mode = #tpu.pipeline_mode<synchronous>, transform_indices = @transform_2, window_bounds = array<i64: 128, 128>}, {pipeline_mode = #tpu.pipeline_mode<synchronous>, transform_indices = @transform_3, window_bounds = array<i64: 1, 128>}, {pipeline_mode = #tpu.pipeline_mode<synchronous>, transform_indices = @transform_4, window_bounds = array<i64: 128, 128>}, {pipeline_mode = #tpu.pipeline_mode<synchronous>, transform_indices = @transform_5, window_bounds = array<i64: 1, 128>}, {transform_indices = @transform_6, window_bounds = array<i64: 2048, 128>}]} {
    %get3A = arith.constant 0 : index
    %get3A_0 = arith.constant 0 : index
    %get3A_1 = arith.constant 0 : index
    %get3A_2 = vector.load %arg1[%get3A, %get3A_0, %get3A_1] : memref<1x2048x128xf32, #tpu.memory_space<vmem>>, vector<1x2048x128xf32>
    %get3A_3 = vector.shape_cast %get3A_2 : vector<1x2048x128xf32> to vector<2048x128xf32>
    %get3A_4 = arith.constant 0 : index
    %get3A_5 = arith.constant 0 : index
    %get3A_6 = arith.constant 0 : index
    %get3A_7 = vector.load %arg2[%get3A_4, %get3A_5, %get3A_6] : memref<1x2048x128xf32, #tpu.memory_space<vmem>>, vector<1x2048x128xf32>
    %get3A_8 = vector.shape_cast %get3A_7 : vector<1x2048x128xf32> to vector<2048x128xf32>
    %add3A = arith.addf %get3A_3, %get3A_8 : vector<2048x128xf32>
    %max3A = arith.constant 0.000000e+00 : f32
    %max3A_9 = vector.broadcast %max3A : f32 to vector<2048x128xf32>
    %max3A_10 = arith.maximumf %add3A, %max3A_9 : vector<2048x128xf32>
    %get3A_11 = arith.constant 0 : index
    %get3A_12 = arith.constant 0 : index
    %get3A_13 = vector.load %arg3[%get3A_11, %get3A_12] : memref<128x128xf32, #tpu.memory_space<vmem>>, vector<128x128xf32>
    %dot_general3A = arith.constant dense<0.000000e+00> : vector<2048x128xf32>
    %dot_general3A_14 = tpu.matmul %max3A_10, %get3A_13, %dot_general3A {dimension_numbers = #tpu.dot_dimension_numbers<[1], [0], [0], [1], [0, 0, 1, 1], [], []>, transpose_lhs_hint = false} : vector<2048x128xf32>, vector<128x128xf32>, vector<2048x128xf32> -> vector<2048x128xf32>
    %get3A_15 = arith.constant 0 : index
    %get3A_16 = arith.constant 0 : index
    %get3A_17 = vector.load %arg4[%get3A_15, %get3A_16] : memref<1x128xf32, #tpu.memory_space<vmem>>, vector<1x128xf32>
    %add3A_18 = vector.broadcast %get3A_17 : vector<1x128xf32> to vector<2048x128xf32>
    %add3A_19 = arith.addf %dot_general3A_14, %add3A_18 : vector<2048x128xf32>
    %max3A_20 = arith.constant 0.000000e+00 : f32
    %max3A_21 = vector.broadcast %max3A_20 : f32 to vector<2048x128xf32>
    %max3A_22 = arith.maximumf %add3A_19, %max3A_21 : vector<2048x128xf32>
    %get3A_23 = arith.constant 0 : index
    %get3A_24 = arith.constant 0 : index
    %get3A_25 = vector.load %arg5[%get3A_23, %get3A_24] : memref<128x128xf32, #tpu.memory_space<vmem>>, vector<128x128xf32>
    %dot_general3A_26 = arith.constant dense<0.000000e+00> : vector<2048x128xf32>
    %dot_general3A_27 = tpu.matmul %max3A_22, %get3A_25, %dot_general3A_26 {dimension_numbers = #tpu.dot_dimension_numbers<[1], [0], [0], [1], [0, 0, 1, 1], [], []>, transpose_lhs_hint = false} : vector<2048x128xf32>, vector<128x128xf32>, vector<2048x128xf32> -> vector<2048x128xf32>
    %get3A_28 = arith.constant 0 : index
    %get3A_29 = arith.constant 0 : index
    %get3A_30 = vector.load %arg6[%get3A_28, %get3A_29] : memref<1x128xf32, #tpu.memory_space<vmem>>, vector<1x128xf32>
    %add3A_31 = vector.broadcast %get3A_30 : vector<1x128xf32> to vector<2048x128xf32>
    %add3A_32 = arith.addf %dot_general3A_27, %add3A_31 : vector<2048x128xf32>
    %swap3A = arith.constant 0 : index
    %swap3A_33 = arith.constant 0 : index
    %swap3A_34 = vector.load %arg7[%swap3A, %swap3A_33] : memref<2048x128xf32, #tpu.memory_space<vmem>>, vector<2048x128xf32>
    tpu.vector_store %arg7[%swap3A, %swap3A_33], %add3A_32 {strides = array<i32>} : memref<2048x128xf32, #tpu.memory_space<vmem>>, vector<2048x128xf32>,
    return
  }
  func.func @transform_0(%arg0: i32) -> (i32, i32, i32) {
    %c0_i32 = arith.constant 0 : i32
    %c0_i32_0 = arith.constant 0 : i32
    %c0_i32_1 = arith.constant 0 : i32
    return %c0_i32, %arg0, %c0_i32_0 : i32, i32, i32
  }
  func.func @transform_1(%arg0: i32) -> (i32, i32, i32) {
    %c1_i32 = arith.constant 1 : i32
    %c0_i32 = arith.constant 0 : i32
    %c0_i32_0 = arith.constant 0 : i32
    return %c1_i32, %arg0, %c0_i32 : i32, i32, i32
  }
  func.func @transform_2(%arg0: i32) -> (i32, i32) {
    %c0_i32 = arith.constant 0 : i32
    %c0_i32_0 = arith.constant 0 : i32
    %c0_i32_1 = arith.constant 0 : i32
    return %c0_i32, %c0_i32_0 : i32, i32
  }
  func.func @transform_3(%arg0: i32) -> (i32, i32) {
    %c0_i32 = arith.constant 0 : i32
    %c0_i32_0 = arith.constant 0 : i32
    %c0_i32_1 = arith.constant 0 : i32
    return %c0_i32, %c0_i32_0 : i32, i32
  }
  func.func @transform_4(%arg0: i32) -> (i32, i32) {
    %c0_i32 = arith.constant 0 : i32
    %c0_i32_0 = arith.constant 0 : i32
    %c0_i32_1 = arith.constant 0 : i32
    return %c0_i32, %c0_i32_0 : i32, i32
  }
  func.func @transform_5(%arg0: i32) -> (i32, i32) {
    %c0_i32 = arith.constant 0 : i32
    %c0_i32_0 = arith.constant 0 : i32
    %c0_i32_1 = arith.constant 0 : i32
    return %c0_i32, %c0_i32_0 : i32, i32
  }
  func.func @transform_6(%arg0: i32) -> (i32, i32) {
    %c0_i32 = arith.constant 0 : i32
    %c0_i32_0 = arith.constant 0 : i32
    return %arg0, %c0_i32 : i32, i32
  }
}

module attributes {stable_mosaic.version = 14 : i64} {
  func.func @body(%arg0: i32, %arg1: memref<2x2000x128xf32, #tpu.memory_space<vmem>>, %arg2: memref<2x2000x128xf32, #tpu.memory_space<vmem>>, %arg3: memref<128x128xf32, #tpu.memory_space<vmem>>, %arg4: memref<128x128xf32, #tpu.memory_space<vmem>>, %arg5: memref<1x128xf32, #tpu.memory_space<vmem>>, %arg6: memref<2x2000x128xf32, #tpu.memory_space<vmem>>) attributes {dimension_semantics = [#tpu.dimension_semantics<arbitrary>], iteration_bounds = array<i64: 5>, scalar_prefetch = 0 : i64, scratch_operands = 0 : i64, tpu.core_type = #tpu.core_type<tc>, window_params = [{transform_indices = @transform_0, window_bounds = array<i64: 2, 2000, 128>}, {transform_indices = @transform_1, window_bounds = array<i64: 2, 2000, 128>}, {pipeline_mode = #tpu.pipeline_mode<synchronous>, transform_indices = @transform_2, window_bounds = array<i64: 128, 128>}, {pipeline_mode = #tpu.pipeline_mode<synchronous>, transform_indices = @transform_3, window_bounds = array<i64: 128, 128>}, {pipeline_mode = #tpu.pipeline_mode<synchronous>, transform_indices = @transform_4, window_bounds = array<i64: 1, 128>}, {transform_indices = @transform_5, window_bounds = array<i64: 2, 2000, 128>}]} {
    %get3A = arith.constant 0 : index
    %get3A_0 = arith.constant 0 : index
    %get3A_1 = arith.constant 0 : index
    %get3A_2 = vector.load %arg1[%get3A, %get3A_0, %get3A_1] : memref<2x2000x128xf32, #tpu.memory_space<vmem>>, vector<1x2000x128xf32>
    %get3A_3 = vector.shape_cast %get3A_2 : vector<1x2000x128xf32> to vector<2000x128xf32>
    %get3A_4 = arith.constant 1 : index
    %get3A_5 = arith.constant 0 : index
    %get3A_6 = arith.constant 0 : index
    %get3A_7 = vector.load %arg1[%get3A_4, %get3A_5, %get3A_6] : memref<2x2000x128xf32, #tpu.memory_space<vmem>>, vector<1x2000x128xf32>
    %get3A_8 = vector.shape_cast %get3A_7 : vector<1x2000x128xf32> to vector<2000x128xf32>
    %add3A = arith.addf %get3A_3, %get3A_8 : vector<2000x128xf32>
    %get3A_9 = arith.constant 0 : index
    %get3A_10 = arith.constant 0 : index
    %get3A_11 = arith.constant 0 : index
    %get3A_12 = vector.load %arg2[%get3A_9, %get3A_10, %get3A_11] : memref<2x2000x128xf32, #tpu.memory_space<vmem>>, vector<1x2000x128xf32>
    %get3A_13 = vector.shape_cast %get3A_12 : vector<1x2000x128xf32> to vector<2000x128xf32>
    %add3A_14 = arith.addf %add3A, %get3A_13 : vector<2000x128xf32>
    %get3A_15 = arith.constant 1 : index
    %get3A_16 = arith.constant 0 : index
    %get3A_17 = arith.constant 0 : index
    %get3A_18 = vector.load %arg2[%get3A_15, %get3A_16, %get3A_17] : memref<2x2000x128xf32, #tpu.memory_space<vmem>>, vector<1x2000x128xf32>
    %get3A_19 = vector.shape_cast %get3A_18 : vector<1x2000x128xf32> to vector<2000x128xf32>
    %add3A_20 = arith.addf %add3A_14, %get3A_19 : vector<2000x128xf32>
    %get3A_21 = arith.constant 0 : index
    %get3A_22 = arith.constant 0 : index
    %get3A_23 = vector.load %arg3[%get3A_21, %get3A_22] : memref<128x128xf32, #tpu.memory_space<vmem>>, vector<128x128xf32>
    %dot_general3A = arith.constant dense<0.000000e+00> : vector<2000x128xf32>
    %dot_general3A_24 = tpu.matmul %add3A_20, %get3A_23, %dot_general3A {dimension_numbers = #tpu.dot_dimension_numbers<[1], [0], [0], [1], [0, 0, 1, 1], [], []>, transpose_lhs_hint = false} : vector<2000x128xf32>, vector<128x128xf32>, vector<2000x128xf32> -> vector<2000x128xf32>
    %get3A_25 = arith.constant 0 : index
    %get3A_26 = arith.constant 0 : index
    %get3A_27 = vector.load %arg5[%get3A_25, %get3A_26] : memref<1x128xf32, #tpu.memory_space<vmem>>, vector<1x128xf32>
    %add3A_28 = vector.broadcast %get3A_27 : vector<1x128xf32> to vector<2000x128xf32>
    %add3A_29 = arith.addf %dot_general3A_24, %add3A_28 : vector<2000x128xf32>
    %swap3A = arith.constant 0 : index
    %swap3A_30 = arith.constant 0 : index
    %swap3A_31 = arith.constant 0 : index
    %swap3A_32 = vector.load %arg6[%swap3A, %swap3A_30, %swap3A_31] : memref<2x2000x128xf32, #tpu.memory_space<vmem>>, vector<1x2000x128xf32>
    %swap3A_33 = vector.shape_cast %swap3A_32 : vector<1x2000x128xf32> to vector<2000x128xf32>
    %swap3A_34 = vector.shape_cast %add3A_29 : vector<2000x128xf32> to vector<1x2000x128xf32>
    tpu.vector_store %arg6[%swap3A, %swap3A_30, %swap3A_31], %swap3A_34 {strides = array<i32>} : memref<2x2000x128xf32, #tpu.memory_space<vmem>>, vector<1x2000x128xf32>,
    %get3A_35 = arith.constant 0 : index
    %get3A_36 = arith.constant 0 : index
    %get3A_37 = vector.load %arg4[%get3A_35, %get3A_36] : memref<128x128xf32, #tpu.memory_space<vmem>>, vector<128x128xf32>
    %dot_general3A_38 = arith.constant dense<0.000000e+00> : vector<2000x128xf32>
    %dot_general3A_39 = tpu.matmul %add3A_20, %get3A_37, %dot_general3A_38 {dimension_numbers = #tpu.dot_dimension_numbers<[1], [0], [0], [1], [0, 0, 1, 1], [], []>, transpose_lhs_hint = false} : vector<2000x128xf32>, vector<128x128xf32>, vector<2000x128xf32> -> vector<2000x128xf32>
    %swap3A_40 = arith.constant 1 : index
    %swap3A_41 = arith.constant 0 : index
    %swap3A_42 = arith.constant 0 : index
    %swap3A_43 = vector.load %arg6[%swap3A_40, %swap3A_41, %swap3A_42] : memref<2x2000x128xf32, #tpu.memory_space<vmem>>, vector<1x2000x128xf32>
    %swap3A_44 = vector.shape_cast %swap3A_43 : vector<1x2000x128xf32> to vector<2000x128xf32>
    %swap3A_45 = vector.shape_cast %dot_general3A_39 : vector<2000x128xf32> to vector<1x2000x128xf32>
    tpu.vector_store %arg6[%swap3A_40, %swap3A_41, %swap3A_42], %swap3A_45 {strides = array<i32>} : memref<2x2000x128xf32, #tpu.memory_space<vmem>>, vector<1x2000x128xf32>,
    return
  }
  func.func @transform_0(%arg0: i32) -> (i32, i32, i32) {
    %c0_i32 = arith.constant 0 : i32
    %c0_i32_0 = arith.constant 0 : i32
    %c0_i32_1 = arith.constant 0 : i32
    return %c0_i32, %arg0, %c0_i32_0 : i32, i32, i32
  }
  func.func @transform_1(%arg0: i32) -> (i32, i32, i32) {
    %c0_i32 = arith.constant 0 : i32
    %c0_i32_0 = arith.constant 0 : i32
    %c0_i32_1 = arith.constant 0 : i32
    return %c0_i32, %arg0, %c0_i32_0 : i32, i32, i32
  }
  func.func @transform_2(%arg0: i32) -> (i32, i32) {
    %c0_i32 = arith.constant 0 : i32
    %c0_i32_0 = arith.constant 0 : i32
    %c0_i32_1 = arith.constant 0 : i32
    return %c0_i32, %c0_i32_0 : i32, i32
  }
  func.func @transform_3(%arg0: i32) -> (i32, i32) {
    %c0_i32 = arith.constant 0 : i32
    %c0_i32_0 = arith.constant 0 : i32
    %c0_i32_1 = arith.constant 0 : i32
    return %c0_i32, %c0_i32_0 : i32, i32
  }
  func.func @transform_4(%arg0: i32) -> (i32, i32) {
    %c0_i32 = arith.constant 0 : i32
    %c0_i32_0 = arith.constant 0 : i32
    %c0_i32_1 = arith.constant 0 : i32
    return %c0_i32, %c0_i32_0 : i32, i32
  }
  func.func @transform_5(%arg0: i32) -> (i32, i32, i32) {
    %c0_i32 = arith.constant 0 : i32
    %c0_i32_0 = arith.constant 0 : i32
    %c0_i32_1 = arith.constant 0 : i32
    return %c0_i32, %arg0, %c0_i32_0 : i32, i32, i32
  }
}

module attributes {stable_mosaic.version = 14 : i64} {
  func.func @body(%arg0: i32, %arg1: memref<2x2000x128xf32, #tpu.memory_space<vmem>>, %arg2: memref<2x2000x128xf32, #tpu.memory_space<vmem>>, %arg3: memref<128x128xf32, #tpu.memory_space<vmem>>, %arg4: memref<1x128xf32, #tpu.memory_space<vmem>>, %arg5: memref<2000x128xf32, #tpu.memory_space<vmem>>) attributes {dimension_semantics = [#tpu.dimension_semantics<arbitrary>], iteration_bounds = array<i64: 5>, scalar_prefetch = 0 : i64, scratch_operands = 0 : i64, tpu.core_type = #tpu.core_type<tc>, window_params = [{transform_indices = @transform_0, window_bounds = array<i64: 2, 2000, 128>}, {transform_indices = @transform_1, window_bounds = array<i64: 2, 2000, 128>}, {pipeline_mode = #tpu.pipeline_mode<synchronous>, transform_indices = @transform_2, window_bounds = array<i64: 128, 128>}, {pipeline_mode = #tpu.pipeline_mode<synchronous>, transform_indices = @transform_3, window_bounds = array<i64: 1, 128>}, {transform_indices = @transform_4, window_bounds = array<i64: 2000, 128>}]} {
    %get3A = arith.constant 0 : index
    %get3A_0 = arith.constant 0 : index
    %get3A_1 = arith.constant 0 : index
    %get3A_2 = vector.load %arg1[%get3A, %get3A_0, %get3A_1] : memref<2x2000x128xf32, #tpu.memory_space<vmem>>, vector<1x2000x128xf32>
    %get3A_3 = vector.shape_cast %get3A_2 : vector<1x2000x128xf32> to vector<2000x128xf32>
    %get3A_4 = arith.constant 1 : index
    %get3A_5 = arith.constant 0 : index
    %get3A_6 = arith.constant 0 : index
    %get3A_7 = vector.load %arg1[%get3A_4, %get3A_5, %get3A_6] : memref<2x2000x128xf32, #tpu.memory_space<vmem>>, vector<1x2000x128xf32>
    %get3A_8 = vector.shape_cast %get3A_7 : vector<1x2000x128xf32> to vector<2000x128xf32>
    %add3A = arith.addf %get3A_3, %get3A_8 : vector<2000x128xf32>
    %get3A_9 = arith.constant 0 : index
    %get3A_10 = arith.constant 0 : index
    %get3A_11 = arith.constant 0 : index
    %get3A_12 = vector.load %arg2[%get3A_9, %get3A_10, %get3A_11] : memref<2x2000x128xf32, #tpu.memory_space<vmem>>, vector<1x2000x128xf32>
    %get3A_13 = vector.shape_cast %get3A_12 : vector<1x2000x128xf32> to vector<2000x128xf32>
    %add3A_14 = arith.addf %add3A, %get3A_13 : vector<2000x128xf32>
    %get3A_15 = arith.constant 1 : index
    %get3A_16 = arith.constant 0 : index
    %get3A_17 = arith.constant 0 : index
    %get3A_18 = vector.load %arg2[%get3A_15, %get3A_16, %get3A_17] : memref<2x2000x128xf32, #tpu.memory_space<vmem>>, vector<1x2000x128xf32>
    %get3A_19 = vector.shape_cast %get3A_18 : vector<1x2000x128xf32> to vector<2000x128xf32>
    %add3A_20 = arith.addf %add3A_14, %get3A_19 : vector<2000x128xf32>
    %get3A_21 = arith.constant 0 : index
    %get3A_22 = arith.constant 0 : index
    %get3A_23 = vector.load %arg3[%get3A_21, %get3A_22] : memref<128x128xf32, #tpu.memory_space<vmem>>, vector<128x128xf32>
    %dot_general3A = arith.constant dense<0.000000e+00> : vector<2000x128xf32>
    %dot_general3A_24 = tpu.matmul %add3A_20, %get3A_23, %dot_general3A {dimension_numbers = #tpu.dot_dimension_numbers<[1], [0], [0], [1], [0, 0, 1, 1], [], []>, transpose_lhs_hint = false} : vector<2000x128xf32>, vector<128x128xf32>, vector<2000x128xf32> -> vector<2000x128xf32>
    %get3A_25 = arith.constant 0 : index
    %get3A_26 = arith.constant 0 : index
    %get3A_27 = vector.load %arg4[%get3A_25, %get3A_26] : memref<1x128xf32, #tpu.memory_space<vmem>>, vector<1x128xf32>
    %add3A_28 = vector.broadcast %get3A_27 : vector<1x128xf32> to vector<2000x128xf32>
    %add3A_29 = arith.addf %dot_general3A_24, %add3A_28 : vector<2000x128xf32>
    %swap3A = arith.constant 0 : index
    %swap3A_30 = arith.constant 0 : index
    %swap3A_31 = vector.load %arg5[%swap3A, %swap3A_30] : memref<2000x128xf32, #tpu.memory_space<vmem>>, vector<2000x128xf32>
    tpu.vector_store %arg5[%swap3A, %swap3A_30], %add3A_29 {strides = array<i32>} : memref<2000x128xf32, #tpu.memory_space<vmem>>, vector<2000x128xf32>,
    return
  }
  func.func @transform_0(%arg0: i32) -> (i32, i32, i32) {
    %c0_i32 = arith.constant 0 : i32
    %c0_i32_0 = arith.constant 0 : i32
    %c0_i32_1 = arith.constant 0 : i32
    return %c0_i32, %arg0, %c0_i32_0 : i32, i32, i32
  }
  func.func @transform_1(%arg0: i32) -> (i32, i32, i32) {
    %c0_i32 = arith.constant 0 : i32
    %c0_i32_0 = arith.constant 0 : i32
    %c0_i32_1 = arith.constant 0 : i32
    return %c0_i32, %arg0, %c0_i32_0 : i32, i32, i32
  }
  func.func @transform_2(%arg0: i32) -> (i32, i32) {
    %c0_i32 = arith.constant 0 : i32
    %c0_i32_0 = arith.constant 0 : i32
    %c0_i32_1 = arith.constant 0 : i32
    return %c0_i32, %c0_i32_0 : i32, i32
  }
  func.func @transform_3(%arg0: i32) -> (i32, i32) {
    %c0_i32 = arith.constant 0 : i32
    %c0_i32_0 = arith.constant 0 : i32
    %c0_i32_1 = arith.constant 0 : i32
    return %c0_i32, %c0_i32_0 : i32, i32
  }
  func.func @transform_4(%arg0: i32) -> (i32, i32) {
    %c0_i32 = arith.constant 0 : i32
    %c0_i32_0 = arith.constant 0 : i32
    return %arg0, %c0_i32 : i32, i32
  }
}

</mosaic_0001>

<sc_bundles>
// kernel: kernel.17.cloned.1.call-start
scs
__scs_entry_jumppad:
0x0: {  	(pc) =	sbr.rel $0x88, $3  }
0x1: {  	(tag) =	ssettag $0x0;
	lr =	simm.s32 $0x1  }
0x2: {  	[smem:$0x3F8F] =	sst lr;
	_ =	strace $0xD0000000  }
0x3: {  	_ = 	snop  }
0x4: {  	_ = 	snop  }
0x5: {  	_ = 	snop  }
0x6: {  	_ = 	snop  }
0x7: {  	_ = 	snop  }
__scs_overlays_trampoline_lowered:
0x8: {  	[smem:$0x3F9E] =	sst s0  }
0x9: {  	[smem:$0x3F9F] =	sst s1  }
0xa: {  	[smem:$0x3FA0] =	sst s2  }
0xb: {  	[smem:$0x3FA1] =	sst s3  }
0xc: {  	[smem:$0x3FA2] =	sst s4  }
0xd: {  	[smem:$0x3FA3] =	sst s5  }
0xe: {  	[smem:$0x3FA4] =	sst s6  }
0xf: {  	[smem:$0x3FA5] =	sst s7  }
0x10: {  	[smem:$0x3FA6] =	sst s8  }
0x11: {  	[smem:$0x3FA7] =	sst s9;
	s0 =	simm.s32 @!p0 $0x0  }
0x12: {  	s1 =	sld [smem:$0x3F8D];
	s0 =	simm.s32 @p0 $0x1  }
0x13: {  	[smem:$0x3FA8] =	sst s0;
	s0 =	simm.s32 @!p1 $0x0  }
0x14: {  	s2 =	sld [smem:$0x3F8C];
	s0 =	simm.s32 @p1 $0x1  }
0x15: {  	[smem:$0x3FA9] =	sst s0;
	s0 =	simm.s32 @!p2 $0x0  }
0x16: {  	s3 =	sld [smem:$0x3FDB];
	s0 =	simm.s32 @p2 $0x1  }
0x17: {  	s4 =	simm.s32 $0x1BF5;
	[smem:$0x3FAB] =	sst s0  }
0x18: {  	s0 =	sld [smem:$0x3F8E];
	_ =	swait.ge [sflag:s4], $0x0  }
0x19: {  	s7 =	sld [smem:$0x3F8F]  }
0x1a: {  	s8 =	sadd.s32 $0xFFFFE003, lr  }
0x1b: {  	s9 =	sadd.s32 $0xFFFFFEF7, lr;
	s5 =	simm.s32 $0xFFFFFFFF;
	p2 =	slt.u32 s8, $0xFFFFF086  }
0x1c: {  	p1 =	slt.u32 s9, $0xF7A;
	s5 =	simm.s32 @!p2 $0x0  }
0x1d: {  	s5 =	simm.s32 @p1 $0x1;
	p0 =	seq.s32 s7, s2  }
0x1e: {  	s7 =	smul.u32 @!p0 $0xF7A, s2;
	p2 =	seq.s32 @!p0 s5, $0x0  }
0x1f: {  	s9 =	smul.u32 $0xF7A, s1;
	s8 =	simm.s32 @!p0 $0x1BF5;
	p2 =	por !p2, p0  }
0x20: {  	[sflag:s8] =	ssyncset.s32 @!p0 $0xFFFFF086;
	s6 =	sadd.s32 @!p0 s3, s7;
	s7 =	simm.s32 @!p0 $0x108  }
0x21: {  	s3 =	sadd.s32 s3, s9;
	s6 =	sadd.s32 @!p0 $0x88, s6;
	s7 =	simm.s32 @p2 $0x1082  }
0x22: {  	[simem:s7], [sflag:s8] =	dma.local @!p0 [hbm:s6], $0xF7A  }
0x23: {  	s9 =	sor.u32 $0xD0000000, s2;
	s6 =	simm.s32 $0x108;
	_ =	swait.ge @!p0 [sflag:s8], $0x0  }
0x24: {  	s3 =	sadd.s32 $0x88, s3;
	s6 =	simm.s32 @!p1 $0x1082;
	[sflag:s4] =	ssyncset.s32 $0xFFFFF086  }
0x25: {  	[simem:s6], [sflag:s4] =	dma.local [hbm:s3], $0xF7A  }
0x26: {  	[smem:$0x3F8F] =	sst s1;
	(tag) =	ssettag s2;
	_ =	strace s9  }
0x27: {  	s1 =	sld [smem:$0x3F9F]  }
0x28: {  	s2 =	sld [smem:$0x3FA0]  }
0x29: {  	s4 =	sld [smem:$0x3FA2]  }
0x2a: {  	p0 =	seq.s32 s5, $0x0;
	s5 =	sld [smem:$0x3FA3]  }
0x2b: {  	s6 =	sld [smem:$0x3FA4]  }
0x2c: {  	s7 =	sld [smem:$0x3FA5]  }
0x2d: {  	s3 =	simm.s32 $0x108;
	s8 =	sld [smem:$0x3FA6]  }
0x2e: {  	s3 =	simm.s32 @!p0 $0x1082;
	s9 =	sld [smem:$0x3FA7]  }
0x2f: {  	lr =	sadd.s32 s0, s3;
	s0 =	sld [smem:$0x3F9E]  }
0x30: {  	s3 =	sld [smem:$0x3FA1]  }
0x31: {  	[smem:$0x3FAA] =	sst s10  }
0x32: {  	s10 =	sld [smem:$0x3FA8];
	_ =	sdelay $0x3  }
0x33: {  	p0 =	seq.s32 s10, $0x1;
	s10 =	sld [smem:$0x3FAA];
	_ =	sdelay $0x3  }
0x34: {  	[smem:$0x3FAA] =	sst s10  }
0x35: {  	s10 =	sld [smem:$0x3FA9];
	_ =	sdelay $0x3  }
0x36: {  	p1 =	seq.s32 s10, $0x1;
	s10 =	sld [smem:$0x3FAA];
	_ =	sdelay $0x3  }
0x37: {  	[smem:$0x3FAA] =	sst s10  }
0x38: {  	s10 =	sld [smem:$0x3FAB]  }
0x39: {  	_ = 	snop;
	(pc) =	sbr.ind lr, $3  }
0x3a: {  	_ = 	snop  }
0x3b: {  	_ = 	snop  }
0x3c: {  	p2 =	seq.s32 s10, $0x1;
	s10 =	sld [smem:$0x3FAA]  }
0x3d: {  	_ =	shalt  }
0x3e: {  	_ =	shalt  }
0x3f: {  	_ =	shalt  }
0x40: {  	_ =	shalt  }
0x41: {  	_ =	shalt  }
0x42: {  	_ =	shalt  }
0x43: {  	_ =	shalt  }
0x44: {  	_ =	shalt  }
0x45: {  	_ =	shalt  }
0x46: {  	_ =	shalt  }
0x47: {  	_ =	shalt  }
0x48: {  	_ =	shalt  }
0x49: {  	_ =	shalt  }
0x4a: {  	_ =	shalt  }
0x4b: {  	_ =	shalt  }
0x4c: {  	_ =	shalt  }
0x4d: {  	_ =	shalt  }
0x4e: {  	_ =	shalt  }
0x4f: {  	_ =	shalt  }
0x50: {  	_ =	shalt  }
0x51: {  	_ =	shalt  }
0x52: {  	_ =	shalt  }
0x53: {  	_ =	shalt  }
0x54: {  	_ =	shalt  }
0x55: {  	_ =	shalt  }
0x56: {  	_ =	shalt  }
0x57: {  	_ =	shalt  }
0x58: {  	_ =	shalt  }
0x59: {  	_ =	shalt  }
0x5a: {  	_ =	shalt  }
0x5b: {  	_ =	shalt  }
0x5c: {  	_ =	shalt  }
0x5d: {  	_ =	shalt  }
0x5e: {  	_ =	shalt  }
0x5f: {  	_ =	shalt  }
0x60: {  	_ =	shalt  }
0x61: {  	_ =	shalt  }
0x62: {  	_ =	shalt  }
0x63: {  	_ =	shalt  }
0x64: {  	_ =	shalt  }
0x65: {  	_ =	shalt  }
0x66: {  	_ =	shalt  }
0x67: {  	_ =	shalt  }
0x68: {  	_ =	shalt  }
0x69: {  	_ =	shalt  }
0x6a: {  	_ =	shalt  }
0x6b: {  	_ =	shalt  }
0x6c: {  	_ =	shalt  }
0x6d: {  	_ =	shalt  }
0x6e: {  	_ =	shalt  }
0x6f: {  	_ =	shalt  }
0x70: {  	_ =	shalt  }
0x71: {  	_ =	shalt  }
0x72: {  	_ =	shalt  }
0x73: {  	_ =	shalt  }
0x74: {  	_ =	shalt  }
0x75: {  	_ =	shalt  }
0x76: {  	_ =	shalt  }
0x77: {  	_ =	shalt  }
0x78: {  	_ =	shalt  }
0x79: {  	_ =	shalt  }
0x7a: {  	_ =	shalt  }
0x7b: {  	_ =	shalt  }
0x7c: {  	_ =	shalt  }
0x7d: {  	_ =	shalt  }
0x7e: {  	_ =	shalt  }
0x7f: {  	_ =	shalt  }
0x80: {  	_ =	shalt  }
0x81: {  	_ =	shalt  }
0x82: {  	_ =	shalt  }
0x83: {  	_ =	shalt  }
0x84: {  	_ =	shalt  }
0x85: {  	_ =	shalt  }
0x86: {  	_ =	shalt  }
0x87: {  	_ =	shalt  }
.Lfunc_end0:
.L_simem_size_0:
called_computation_lowered:
.L_overlay_start_0:
0x88: {  	s2 =	sld [smem:$0x3FD9]  }
0x89: {  	s3 =	sld [smem:$0x3FFE];
	_ =	sdelay $0x1  }
0x8a: {  	s1 =	srdreg.scid  }
0x8b: {  	s0 =	sand.u32 $0x1, s1  }
0x8c: {  	s17 =	sshll.u32 s0, $0xA;
	s2 =	sadd.s32 s3, s2  }
0x8d: {  	s2 =	sadd.s32 s2, s17  }
0x8e: {  	[smem:$0x3FB6] =	sst s2  }
0x8f: {  	_ = 	snop  }
0x90: {  	s2 =	sld [smem:$0x3FD0];
	(tm) =	ssettm $0x1  }
0x91: {  	s18 =	sld [smem:$0x3FFB];
	_ =	sdelay $0x3  }
0x92: {  	_ =	strace s18  }
0x93: {  	s3 =	sld [smem:$0x3FFC];
	_ =	sdelay $0x3  }
0x94: {  	_ =	strace s3  }
0x95: {  	s3 =	sld [smem:$0x3FFD];
	_ =	sdelay $0x3  }
0x96: {  	_ =	strace s3  }
0x97: {  	_ =	strace $0x8FFFFFFF  }
0x98: {  	s19 =	sld [smem:$0x3FDB];
	_ =	sdelay $0x1  }
0x99: {  	s4 =	simm.s32 $_scs_section_size  }
0x9a: {  	s5 =	simm.s32 $_size__tile_overlayer_lowered;
	s6 =	simm.s32 $_tile_overlayer_lowered  }
0x9b: {  	s22 =	simm.s32 $0x1BFF;
	s21 =	sshll.u32 s6, $0x1;
	s3 =	sadd.s32 s4, s19  }
0x9c: {  	s7 =	simm.s32 $0x0;
	s20 =	sshll.u32 s5, $0x1;
	s5 =	sadd.s32 s21, s3  }
0x9d: {  	[timem:s7], [sflag:s22] =	dma.local [hbm:s5], s20  }
0x9e: {  	_ =	swait.ge [sflag:s22], s20  }
0x9f: {  	s4 =	ssub.s32 $0x0, s20;
	[sflag:s22] =	ssyncset.done $0x0  }
0xa0: {  	[sflag:s22] =	ssyncadd.s32 s4;
	_ =	sdelay $0x1  }
0xa1: {  	s23 =	simm.s32 $0x1B8B  }
0xa2: {  	_ =	swait.ge [sflag:s23], $0x1  }
0xa3: {  	[sflag:s23] =	ssyncset.done $0x0  }
0xa4: {  	s25 =	simm.s32 $0x1B8E;
	s24 =	sld [smem:$0x3FFE];
	[sflag:s23] =	ssyncadd.s32 $0xFFFFFFFF  }
0xa5: {  	s26 =	simm.s32 $execute0_lowered;
	[smem:$0x3FD2] =	sst s25  }
0xa6: {  	s5 =	sshll.u32 s26, $0x1;
	_ =	strace $0x80000046;
	[dreg:$0x1] =	wrdreg $0xFFFFFFFF  }
0xa7: {  	s28 =	simm.s32 $_size_execute0_lowered;
	s3 =	sadd.s32 s3, s5;
	[dreg:$0x0] =	wrdreg $0x0  }
0xa8: {  	s5 =	sshll.u32 s28, $0x1;
	[dreg:$0x2] =	wrdreg s3  }
0xa9: {  	[dreg:$0x3] =	wrdreg s5  }
0xaa: {  	[dreg:$0x4] =	wrdreg $0xC0  }
0xab: {  	_ =	task [dreg:s7], $0x5FFFF  }
0xac: {  	[dreg:$0x1] =	wrdreg $0xFFFFFFFF  }
0xad: {  	[dreg:$0x0] =	wrdreg $0x60  }
0xae: {  	[dreg:$0x2] =	wrdreg s2  }
0xaf: {  	[dreg:$0x3] =	wrdreg s24  }
0xb0: {  	[dreg:$0x4] =	wrdreg $0x94000  }
0xb1: {  	[dreg:$0x5] =	wrdreg $0x9  }
0xb2: {  	_ =	task.clear_ibuf [dreg:s7], $0x6FFFF;
	_ =	strace $0x90000046  }
0xb3: {  	s29 =	simm.s32 $0x9;
	_ =	strace $0x80000048  }
0xb4: {  	_ =	swait.ge [sflag:s29], $0x1  }
0xb5: {  	[sflag:s29] =	ssyncadd.s32 $0xFFFFFFFF  }
0xb6: {  	_ =	strace $0x90000048  }
0xb7: {  	_ =	sfence  }
0xb8: {  	s30 =	sld [smem:$0x0];
	_ =	sdelay $0x2  }
0xb9: {  	s31 =	sshll.u32 s1, $0xD;
	s1 =	sshrl.u32 s1, $0x2  }
0xba: {  	s3 =	sand.u32 $0x4000, s31;
	s1 =	sadd.s32 s1, s30  }
0xbb: {  	s0 =	sor.u32 s3, s0;
	s1 =	sshll.u32 s1, $0x11  }
0xbc: {  	s0 =	sor.u32 s1, s0  }
0xbd: {  	s0 =	sadd.s32 $0x8F2B, s0  }
0xbe: {  	[sflag:s0] =	ssyncadd.remote.s32 $0x1  }
0xbf: {  	_ =	sfence.sel $0xFFFF  }
0xc0: {  	[dreg:$0x0] =	wrdreg $0xFFFFFFFF;
	(pc) =	sbr.abs _section_cstart, $3  }
0xc1: {  	[dreg:$0x1] =	wrdreg $0xFFFFFFFF  }
0xc2: {  	_ =	task.clear_ibuf [dreg:s7], $0x2FFFF;
	_ =	strace $0x9FFFFFFF  }
0xc3: {  	(tm) =	ssettm $0x7FFFFFFF  }
tec
execute0_lowered:
.L_overlay_start_1:
0x0: {  	(tag) =	ssettag $0x1  }
0x1: {  	s2 =	srdreg.scid  }
0x2: {  	s5 =	sand.u32 $0x1, s2  }
0x3: {  	s2 =	stileid.u32;
	s6 =	smul.u32 $0x138800, s5  }
0x4: {  	s0 =	rddreg [dreg:$0x0];
	s8 =	smul.u32 $0x13C00, s2  }
0x5: {  	s4 =	rddreg [dreg:$0x1];
	s10 =	smul.u32 $0x4F000, s2  }
0x6: {  	s1 =	rddreg [dreg:$0x2];
	s3 =	simm.s32 $0x0;
	s18 =	smul.u32 $0x50, s2  }
0x7: {  	s28 =	simm.s32 $0x4;
	s29 =	simm.s32 $0x0;
	s20 =	smul.u32 $0x50000, s5  }
0x8: {  	[smem:$0x7FF] =	sst s3;
	s11 =	sadd.s32 $0xEA00, s4;
	s21 =	smul.u32 $0x2800, s2  }
0x9: {  	s16 =	sadd.s32 $0x5CC00, s4;
	s7 =	ssub.s32 $0x2, s5;
	s24 =	smul.u32 $0x1400000, s5  }
0xa: {  	_ =	strace $0x80000047;
	s12 =	smul.u32 $0x140000, s2;
	s9 =	sshrl.u32 s7, $0x1  }
0xb: {  	p0 =	seq.s32 s2, $0xF;
	s9 =	ssub.s32 s7, s9;
	s15 =	sadd.s32 s8, s6  }
0xc: {  	s17 =	sshrl.u32 s10, $0x2;
	s6 =	sshrl.u32 s6, $0x3;
	s22 =	sadd.s32 $0x28, s18  }
0xd: {  	s23 =	sadd.s32 s21, s20;
	s26 =	sadd.s32 s24, s12;
	s21 =	simm.s32 $0x80  }
0xe: {  	s19 =	sadd.s32 s17, s1;
	s4 =	sshrl.u32 s15, $0x3;
	s17 =	sadd.s32 $0x128400, s1  }
0xf: {  	s6 =	sadd.s32 s11, s6;
	s25 =	sshll.u32 s22, $0x7;
	s8 =	sshrl.u32 s23, $0x3  }
0x10: {  	s30 =	sshrl.u32 s26, $0x3;
	s12 =	sor.u32 $0x4000, s26;
	s31 =	sor.u32 $0xC000, s26  }
0x11: {  	s14 =	sor.u32 $0x8000, s26;
	s15 =	sadd.s32 $0xAC000, s26;
	s23 =	simm.s32 $0x1  }
0x12: {  	s4 =	sadd.s32 s11, s4;
	s7 =	sadd.s32 s20, s25;
	s5 =	sadd.s32 $0x25080, s6  }
0x13: {  	s6 =	sadd.s32 s0, s8;
	s8 =	smax.u32 s9, $0x1;
	s11 =	sshll.u32 s22, $0xE  }
0x14: {  	s9 =	sadd.s32 s16, s30;
	s12 =	sshrl.u32 s12, $0x3;
	s13 =	sshrl.u32 s31, $0x3  }
0x15: {  	s14 =	sshrl.u32 s14, $0x3;
	s15 =	sshrl.u32 s15, $0x3;
	s17 =	sshrl.u32 @p0 s17, $0x3  }
0x16: {  	s19 =	sshrl.u32 @!p0 s19, $0x3;
	s20 =	simm.s32 $0x5;
	s22 =	simm.s32 $0x1400  }
0x17: {  	s25 =	simm.s32 $0x2;
	s7 =	sshrl.u32 s7, $0x3;
	s11 =	sadd.s32 s24, s11  }
0x18: {  	s10 =	sadd.s32 s16, s12;
	s12 =	sadd.s32 $0x14800, s9;
	s13 =	sadd.s32 s13, s16  }
0x19: {  	s14 =	sadd.s32 s14, s16;
	s7 =	sadd.s32 s0, s7;
	s0 =	sadd.s32 $0xA8000, s26  }
0x1a: {  	s15 =	sadd.s32 s15, s16;
	s11 =	sshrl.u32 s11, $0x3;
	s0 =	sshrl.u32 s0, $0x3  }
0x1b: {  	s11 =	sadd.s32 s16, s11;
	s16 =	sadd.s32 s0, s16;
	s0 =	sshll.u32 @!p0 s2, $0x6  }
0x1c: {  	s24 =	simm.s32 $0x5400;
	s26 =	simm.s32 $0x3;
	s18 =	sor.u32 @!p0 $0x1C05, s0  }
.LBB2_1:
0x1d: {  	s0 =	simm.s32 @p0 $0x1FC5  }
0x1e: {  	[spmem:s17], [sflag:s0] =	dma.local @p0 [hbm:s5], $0x2080  }
0x1f: {  	s0 =	simm.s32 @p0 $0x5  }
0x20: {  	_ =	swait.ge @p0 [sflag:s0], $0x2080  }
0x21: {  	[sflag:s0] =	ssyncset.done @p0 $0x0  }
0x22: {  	[sflag:s0] =	ssyncadd.s32 @p0 $0xFFFFDF80;
	s0 =	simm.s32 @!p0 $0x5  }
0x23: {  	[spmem:s19], [sflag:s18] =	dma.local @!p0 [hbm:s4], $0x2780  }
0x24: {  	_ =	swait.ge @!p0 [sflag:s0], $0x2780  }
0x25: {  	[sflag:s0] =	ssyncset.done @!p0 $0x0  }
0x26: {  	[sflag:s0] =	ssyncadd.s32 @!p0 $0xFFFFD880  }
0x27: {  	[bflag:$0x0] =	sbarrier.arrive $0xFFFF  }
0x28: {  	[tilespmem:s3], [sflag:$0x5] =	stream.linear.gather [hbm4b:s6+s3], $0x1400, $0x38;
	[tilespmem:$0x1CC80] =	vst v63  }
0x29: {  	_ =	swait.ge [sflag:s20], $0x1400  }
0x2a: {  	[sflag:s20] =	ssyncset.done $0x0  }
0x2b: {  	[sflag:s20] =	ssyncadd.s32 $0xFFFFEC00  }
0x2c: {  	[tilespmem:s22], [sflag:$0x1] =	stream.indirect.gather [spmem:s1], $0x80, s3, s21, $0xb8;
	[tilespmem:$0x1CC80] =	vst v63  }
0x2d: {  	_ =	swait.ge [sflag:s23], $0x4000  }
0x2e: {  	[sflag:s23] =	ssyncset.done $0x0  }
0x2f: {  	[sflag:s23] =	ssyncadd.s32 $0xFFFFC000  }
0x30: {  	[hbm4b:s9+s3] =	stream.linear.scatter [tilespmem:s22], [sflag:$0x3], $0x4000, $0x38;
	[tilespmem:$0x1CC80] =	vst v63  }
0x31: {  	_ = 	snop  }
0x32: {  	[tilespmem:s24], [sflag:$0x2] =	stream.indirect.gather [spmem:s1], $0x80, s21, s21, $0xb8;
	[tilespmem:$0x1CC80] =	vst v63  }
0x33: {  	_ =	swait.ge [sflag:s25], $0x4000  }
0x34: {  	[sflag:s25] =	ssyncset.done $0x0  }
0x35: {  	[sflag:s25] =	ssyncadd.s32 $0xFFFFC000  }
0x36: {  	[hbm4b:s10+s3] =	stream.linear.scatter [tilespmem:s24], [sflag:$0x4], $0x4000, $0x38;
	[tilespmem:$0x1CC80] =	vst v63  }
0x37: {  	_ =	swait.ge [sflag:s26], $0x4000  }
0x38: {  	[sflag:s26] =	ssyncset.done $0x0  }
0x39: {  	s2 =	simm.s32 $0x100;
	[sflag:s26] =	ssyncadd.s32 $0xFFFFC000  }
0x3a: {  	[tilespmem:s22], [sflag:$0x1] =	stream.indirect.gather [spmem:s1], $0x80, s2, s21, $0xb8;
	[tilespmem:$0x1CC80] =	vst v63  }
0x3b: {  	_ =	swait.ge [sflag:s23], $0x4000  }
0x3c: {  	[sflag:s23] =	ssyncset.done $0x0  }
0x3d: {  	s2 =	sadd.s32 $0x0, s14;
	[sflag:s23] =	ssyncadd.s32 $0xFFFFC000  }
0x3e: {  	[hbm4b:s2+s3] =	stream.linear.scatter [tilespmem:s22], [sflag:$0x3], $0x4000, $0x38;
	[tilespmem:$0x1CC80] =	vst v63  }
0x3f: {  	_ =	swait.ge [sflag:s28], $0x4000  }
0x40: {  	[sflag:s28] =	ssyncset.done $0x0  }
0x41: {  	s2 =	simm.s32 $0x180;
	[sflag:s28] =	ssyncadd.s32 $0xFFFFC000  }
0x42: {  	[tilespmem:s24], [sflag:$0x2] =	stream.indirect.gather [spmem:s1], $0x80, s2, s21, $0xb8;
	[tilespmem:$0x1CC80] =	vst v63  }
0x43: {  	_ =	swait.ge [sflag:s25], $0x4000  }
0x44: {  	s30 =	simm.s32 $0x1000;
	[sflag:s25] =	ssyncset.done $0x0  }
0x45: {  	s31 =	simm.s32 $0x200;
	s0 =	sadd.s32 $0x0, s13;
	[sflag:s25] =	ssyncadd.s32 $0xFFFFC000  }
.LBB2_2:
0x46: {  	[hbm4b:s0+s3] =	stream.linear.scatter [tilespmem:s24], [sflag:$0x4], $0x4000, $0x38;
	[tilespmem:$0x1CC80] =	vst v63  }
0x47: {  	s0 =	smov.u32 s30  }
0x48: {  	p1 =	sne.s32 s30, $0x12000;
	s30 =	sadd.s32 $0x1000, s30;
	_ =	swait.ge [sflag:s26], $0x4000  }
0x49: {  	[sflag:s26] =	ssyncset.done $0x0  }
0x4a: {  	[sflag:s26] =	ssyncadd.s32 $0xFFFFC000  }
0x4b: {  	[tilespmem:s22], [sflag:$0x1] =	stream.indirect.gather [spmem:s1], $0x80, s31, s21, $0xb8;
	[tilespmem:$0x1CC80] =	vst v63  }
0x4c: {  	_ =	swait.ge [sflag:s23], $0x4000  }
0x4d: {  	[sflag:s23] =	ssyncset.done $0x0  }
0x4e: {  	s2 =	sadd.s32 s0, s14;
	[sflag:s23] =	ssyncadd.s32 $0xFFFFC000  }
0x4f: {  	[hbm4b:s2+s3] =	stream.linear.scatter [tilespmem:s22], [sflag:$0x3], $0x4000, $0x38;
	[tilespmem:$0x1CC80] =	vst v63  }
0x50: {  	_ =	swait.ge [sflag:s28], $0x4000  }
0x51: {  	[sflag:s28] =	ssyncset.done $0x0  }
.Ltmp0:
0x52: {  	s2 =	sadd.s32 $0x80, s31;
	[sflag:s28] =	ssyncadd.s32 $0xFFFFC000;
	(pc) =	sbr.rel @p1 .LBB2_2-.Ltmp0, $4  }
0x53: {  	[tilespmem:s24], [sflag:$0x2] =	stream.indirect.gather [spmem:s1], $0x80, s2, s21, $0xb8;
	[tilespmem:$0x1CC80] =	vst v63  }
0x54: {  	_ =	swait.ge [sflag:s25], $0x4000  }
0x55: {  	[sflag:s25] =	ssyncset.done $0x0  }
0x56: {  	s0 =	sadd.s32 s0, s13;
	s31 =	sadd.s32 $0x100, s31;
	[sflag:s25] =	ssyncadd.s32 $0xFFFFC000  }
0x57: {  	[hbm4b:s0+s3] =	stream.linear.scatter [tilespmem:s24], [sflag:$0x4], $0x4000, $0x38;
	[tilespmem:$0x1CC80] =	vst v63  }
0x58: {  	_ =	swait.ge [sflag:s26], $0x4000  }
0x59: {  	[sflag:s26] =	ssyncset.done $0x0  }
0x5a: {  	[sflag:s26] =	ssyncadd.s32 $0xFFFFC000  }
0x5b: {  	_ =	swait.ge [sflag:s28], $0x4000  }
0x5c: {  	[sflag:s28] =	ssyncset.done $0x0  }
0x5d: {  	s2 =	simm.s32 $0x0;
	[sflag:s28] =	ssyncadd.s32 $0xFFFFC000  }
0x5e: {  	[tilespmem:s2], [sflag:$0x5] =	stream.linear.gather [hbm4b:s7+s2], $0x1400, $0x38;
	[tilespmem:$0x1CC80] =	vst v63  }
0x5f: {  	_ =	swait.ge [sflag:s20], $0x1400  }
0x60: {  	[sflag:s20] =	ssyncset.done $0x0  }
0x61: {  	[sflag:s20] =	ssyncadd.s32 $0xFFFFEC00  }
0x62: {  	[tilespmem:s22], [sflag:$0x1] =	stream.indirect.gather [spmem:s1], $0x80, s2, s21, $0xb8;
	[tilespmem:$0x1CC80] =	vst v63  }
0x63: {  	_ =	swait.ge [sflag:s23], $0x4000  }
0x64: {  	[sflag:s23] =	ssyncset.done $0x0  }
0x65: {  	[sflag:s23] =	ssyncadd.s32 $0xFFFFC000  }
0x66: {  	[hbm4b:s11+s2] =	stream.linear.scatter [tilespmem:s22], [sflag:$0x3], $0x4000, $0x38;
	[tilespmem:$0x1CC80] =	vst v63  }
0x67: {  	_ = 	snop  }
0x68: {  	[tilespmem:s24], [sflag:$0x2] =	stream.indirect.gather [spmem:s1], $0x80, s21, s21, $0xb8;
	[tilespmem:$0x1CC80] =	vst v63  }
0x69: {  	_ =	swait.ge [sflag:s25], $0x4000  }
0x6a: {  	[sflag:s25] =	ssyncset.done $0x0  }
0x6b: {  	[sflag:s25] =	ssyncadd.s32 $0xFFFFC000  }
0x6c: {  	[hbm4b:s12+s2] =	stream.linear.scatter [tilespmem:s24], [sflag:$0x4], $0x4000, $0x38;
	[tilespmem:$0x1CC80] =	vst v63  }
0x6d: {  	_ =	swait.ge [sflag:s26], $0x4000  }
0x6e: {  	[sflag:s26] =	ssyncset.done $0x0  }
0x6f: {  	s2 =	simm.s32 $0x100;
	[sflag:s26] =	ssyncadd.s32 $0xFFFFC000  }
0x70: {  	[tilespmem:s22], [sflag:$0x1] =	stream.indirect.gather [spmem:s1], $0x80, s2, s21, $0xb8;
	[tilespmem:$0x1CC80] =	vst v63  }
0x71: {  	_ =	swait.ge [sflag:s23], $0x4000  }
0x72: {  	[sflag:s23] =	ssyncset.done $0x0  }
0x73: {  	s2 =	sadd.s32 $0x0, s16;
	[sflag:s23] =	ssyncadd.s32 $0xFFFFC000  }
0x74: {  	[hbm4b:s2+s3] =	stream.linear.scatter [tilespmem:s22], [sflag:$0x3], $0x4000, $0x38;
	[tilespmem:$0x1CC80] =	vst v63  }
0x75: {  	_ =	swait.ge [sflag:s28], $0x4000  }
0x76: {  	[sflag:s28] =	ssyncset.done $0x0  }
0x77: {  	s2 =	simm.s32 $0x180;
	[sflag:s28] =	ssyncadd.s32 $0xFFFFC000  }
0x78: {  	[tilespmem:s24], [sflag:$0x2] =	stream.indirect.gather [spmem:s1], $0x80, s2, s21, $0xb8;
	[tilespmem:$0x1CC80] =	vst v63  }
0x79: {  	_ =	swait.ge [sflag:s25], $0x4000  }
0x7a: {  	s30 =	simm.s32 $0x1000;
	[sflag:s25] =	ssyncset.done $0x0  }
0x7b: {  	s0 =	sadd.s32 $0x0, s15;
	s31 =	simm.s32 $0x200;
	[sflag:s25] =	ssyncadd.s32 $0xFFFFC000  }
.LBB2_4:
0x7c: {  	[hbm4b:s0+s3] =	stream.linear.scatter [tilespmem:s24], [sflag:$0x4], $0x4000, $0x38;
	[tilespmem:$0x1CC80] =	vst v63  }
0x7d: {  	s0 =	smov.u32 s30  }
0x7e: {  	p1 =	sne.s32 s30, $0x12000;
	s30 =	sadd.s32 $0x1000, s30;
	_ =	swait.ge [sflag:s26], $0x4000  }
0x7f: {  	[sflag:s26] =	ssyncset.done $0x0  }
0x80: {  	[sflag:s26] =	ssyncadd.s32 $0xFFFFC000  }
0x81: {  	[tilespmem:s22], [sflag:$0x1] =	stream.indirect.gather [spmem:s1], $0x80, s31, s21, $0xb8;
	[tilespmem:$0x1CC80] =	vst v63  }
0x82: {  	_ =	swait.ge [sflag:s23], $0x4000  }
0x83: {  	[sflag:s23] =	ssyncset.done $0x0  }
0x84: {  	s2 =	sadd.s32 s0, s16;
	[sflag:s23] =	ssyncadd.s32 $0xFFFFC000  }
0x85: {  	[hbm4b:s2+s3] =	stream.linear.scatter [tilespmem:s22], [sflag:$0x3], $0x4000, $0x38;
	[tilespmem:$0x1CC80] =	vst v63  }
0x86: {  	_ =	swait.ge [sflag:s28], $0x4000  }
0x87: {  	[sflag:s28] =	ssyncset.done $0x0  }
.Ltmp1:
0x88: {  	s2 =	sadd.s32 $0x80, s31;
	[sflag:s28] =	ssyncadd.s32 $0xFFFFC000;
	(pc) =	sbr.rel @p1 .LBB2_4-.Ltmp1, $4  }
0x89: {  	[tilespmem:s24], [sflag:$0x2] =	stream.indirect.gather [spmem:s1], $0x80, s2, s21, $0xb8;
	[tilespmem:$0x1CC80] =	vst v63  }
0x8a: {  	_ =	swait.ge [sflag:s25], $0x4000  }
0x8b: {  	[sflag:s25] =	ssyncset.done $0x0  }
0x8c: {  	s0 =	sadd.s32 s0, s15;
	s31 =	sadd.s32 $0x100, s31;
	[sflag:s25] =	ssyncadd.s32 $0xFFFFC000  }
0x8d: {  	[hbm4b:s0+s3] =	stream.linear.scatter [tilespmem:s24], [sflag:$0x4], $0x4000, $0x38;
	[tilespmem:$0x1CC80] =	vst v63  }
0x8e: {  	s29 =	sadd.s32 $0x1, s29  }
0x8f: {  	_ =	swait.ge [sflag:s26], $0x4000;
	p1 =	sne.s32 s29, s8  }
.Ltmp2:
0x90: {  	[sflag:s26] =	ssyncset.done $0x0;
	(pc) =	sbr.rel @p1 .LBB2_1-.Ltmp2, $4  }
0x91: {  	[sflag:s26] =	ssyncadd.s32 $0xFFFFC000  }
0x92: {  	_ =	swait.ge [sflag:s28], $0x4000  }
0x93: {  	[sflag:s28] =	ssyncset.done $0x0  }
0x94: {  	[sflag:s28] =	ssyncadd.s32 $0xFFFFC000  }
0x95: {  	_ =	sfence.sel $0x180000  }
0x96: {  	[bflag:$0x0] =	sbarrier.arrive $0xFFFF  }
0x97: {  	_ =	strace $0x90000047  }
0x98: {  	s0 =	stileid.u32;
	[bflag:$0x2] =	sbarrier.arrive $0xFFFF  }
0x99: {  	p0 =	sne.s32 s0, $0x0;
	s0 =	rddreg [dreg:$0x3]  }
0x9a: {  	s0 =	sadd.s32 @!p0 $0x100000, s0  }
0x9b: {  	[sflag:s0] =	ssyncadd.tile.s32 @!p0 $0x1;
	_ =	shalt  }
.Lfunc_end2:
_tile_overlayer_lowered:
.L_overlay_start_2:
0x9c: {  	(tag) =	ssettag $0x2  }
0x9d: {  	s0 =	rddreg [dreg:$0x0];
	s2 =	stileid.u32  }
0x9e: {  	s1 =	rddreg [dreg:$0x1];
	p0 =	sne.s32 s2, $0x0  }
0x9f: {  	s3 =	rddreg [dreg:$0x2];
	[bflag:$0x3] =	sbarrier.arrive $0xFFFF;
	s2 =	simm.s32 @!p0 $0x1C05  }
0xa0: {  	[timem:s3], [sflag:s2] =	dma.local @!p0 [hbm:s0], s1  }
0xa1: {  	s0 =	simm.s32 @!p0 $0x5  }
0xa2: {  	_ =	swait.ge @!p0 [sflag:s0], s1  }
0xa3: {  	s1 =	ssub.s32 @!p0 $0x0, s1;
	[sflag:s0] =	ssyncset.done @!p0 $0x0  }
0xa4: {  	[sflag:s0] =	ssyncadd.s32 @!p0 s1  }
0xa5: {  	[bflag:$0x3] =	sbarrier.arrive $0xFFFF  }
0xa6: {  	_ =	shalt  }

// kernel: kernel.20.cloned.1.call-start
scs
__scs_entry_jumppad:
0x0: {  	(pc) =	sbr.rel $0x88, $3  }
0x1: {  	(tag) =	ssettag $0x0;
	lr =	simm.s32 $0x1  }
0x2: {  	[smem:$0x3F8F] =	sst lr;
	_ =	strace $0xD0000000  }
0x3: {  	_ = 	snop  }
0x4: {  	_ = 	snop  }
0x5: {  	_ = 	snop  }
0x6: {  	_ = 	snop  }
0x7: {  	_ = 	snop  }
__scs_overlays_trampoline_lowered:
0x8: {  	[smem:$0x3F9E] =	sst s0  }
0x9: {  	[smem:$0x3F9F] =	sst s1  }
0xa: {  	[smem:$0x3FA0] =	sst s2  }
0xb: {  	[smem:$0x3FA1] =	sst s3  }
0xc: {  	[smem:$0x3FA2] =	sst s4  }
0xd: {  	[smem:$0x3FA3] =	sst s5  }
0xe: {  	[smem:$0x3FA4] =	sst s6  }
0xf: {  	[smem:$0x3FA5] =	sst s7  }
0x10: {  	[smem:$0x3FA6] =	sst s8  }
0x11: {  	[smem:$0x3FA7] =	sst s9;
	s0 =	simm.s32 @!p0 $0x0  }
0x12: {  	s1 =	sld [smem:$0x3F8D];
	s0 =	simm.s32 @p0 $0x1  }
0x13: {  	[smem:$0x3FA8] =	sst s0;
	s0 =	simm.s32 @!p1 $0x0  }
0x14: {  	s2 =	sld [smem:$0x3F8C];
	s0 =	simm.s32 @p1 $0x1  }
0x15: {  	[smem:$0x3FA9] =	sst s0;
	s0 =	simm.s32 @!p2 $0x0  }
0x16: {  	s3 =	sld [smem:$0x3FDB];
	s0 =	simm.s32 @p2 $0x1  }
0x17: {  	s4 =	simm.s32 $0x1BF5;
	[smem:$0x3FAB] =	sst s0  }
0x18: {  	s0 =	sld [smem:$0x3F8E];
	_ =	swait.ge [sflag:s4], $0x0  }
0x19: {  	s7 =	sld [smem:$0x3F8F]  }
0x1a: {  	s8 =	sadd.s32 $0xFFFFE003, lr  }
0x1b: {  	s9 =	sadd.s32 $0xFFFFFEF7, lr;
	s5 =	simm.s32 $0xFFFFFFFF;
	p2 =	slt.u32 s8, $0xFFFFF086  }
0x1c: {  	p1 =	slt.u32 s9, $0xF7A;
	s5 =	simm.s32 @!p2 $0x0  }
0x1d: {  	s5 =	simm.s32 @p1 $0x1;
	p0 =	seq.s32 s7, s2  }
0x1e: {  	s7 =	smul.u32 @!p0 $0xF7A, s2;
	p2 =	seq.s32 @!p0 s5, $0x0  }
0x1f: {  	s9 =	smul.u32 $0xF7A, s1;
	s8 =	simm.s32 @!p0 $0x1BF5;
	p2 =	por !p2, p0  }
0x20: {  	[sflag:s8] =	ssyncset.s32 @!p0 $0xFFFFF086;
	s6 =	sadd.s32 @!p0 s3, s7;
	s7 =	simm.s32 @!p0 $0x108  }
0x21: {  	s3 =	sadd.s32 s3, s9;
	s6 =	sadd.s32 @!p0 $0x88, s6;
	s7 =	simm.s32 @p2 $0x1082  }
0x22: {  	[simem:s7], [sflag:s8] =	dma.local @!p0 [hbm:s6], $0xF7A  }
0x23: {  	s9 =	sor.u32 $0xD0000000, s2;
	s6 =	simm.s32 $0x108;
	_ =	swait.ge @!p0 [sflag:s8], $0x0  }
0x24: {  	s3 =	sadd.s32 $0x88, s3;
	s6 =	simm.s32 @!p1 $0x1082;
	[sflag:s4] =	ssyncset.s32 $0xFFFFF086  }
0x25: {  	[simem:s6], [sflag:s4] =	dma.local [hbm:s3], $0xF7A  }
0x26: {  	[smem:$0x3F8F] =	sst s1;
	(tag) =	ssettag s2;
	_ =	strace s9  }
0x27: {  	s1 =	sld [smem:$0x3F9F]  }
0x28: {  	s2 =	sld [smem:$0x3FA0]  }
0x29: {  	s4 =	sld [smem:$0x3FA2]  }
0x2a: {  	p0 =	seq.s32 s5, $0x0;
	s5 =	sld [smem:$0x3FA3]  }
0x2b: {  	s6 =	sld [smem:$0x3FA4]  }
0x2c: {  	s7 =	sld [smem:$0x3FA5]  }
0x2d: {  	s3 =	simm.s32 $0x108;
	s8 =	sld [smem:$0x3FA6]  }
0x2e: {  	s3 =	simm.s32 @!p0 $0x1082;
	s9 =	sld [smem:$0x3FA7]  }
0x2f: {  	lr =	sadd.s32 s0, s3;
	s0 =	sld [smem:$0x3F9E]  }
0x30: {  	s3 =	sld [smem:$0x3FA1]  }
0x31: {  	[smem:$0x3FAA] =	sst s10  }
0x32: {  	s10 =	sld [smem:$0x3FA8];
	_ =	sdelay $0x3  }
0x33: {  	p0 =	seq.s32 s10, $0x1;
	s10 =	sld [smem:$0x3FAA];
	_ =	sdelay $0x3  }
0x34: {  	[smem:$0x3FAA] =	sst s10  }
0x35: {  	s10 =	sld [smem:$0x3FA9];
	_ =	sdelay $0x3  }
0x36: {  	p1 =	seq.s32 s10, $0x1;
	s10 =	sld [smem:$0x3FAA];
	_ =	sdelay $0x3  }
0x37: {  	[smem:$0x3FAA] =	sst s10  }
0x38: {  	s10 =	sld [smem:$0x3FAB]  }
0x39: {  	_ = 	snop;
	(pc) =	sbr.ind lr, $3  }
0x3a: {  	_ = 	snop  }
0x3b: {  	_ = 	snop  }
0x3c: {  	p2 =	seq.s32 s10, $0x1;
	s10 =	sld [smem:$0x3FAA]  }
0x3d: {  	_ =	shalt  }
0x3e: {  	_ =	shalt  }
0x3f: {  	_ =	shalt  }
0x40: {  	_ =	shalt  }
0x41: {  	_ =	shalt  }
0x42: {  	_ =	shalt  }
0x43: {  	_ =	shalt  }
0x44: {  	_ =	shalt  }
0x45: {  	_ =	shalt  }
0x46: {  	_ =	shalt  }
0x47: {  	_ =	shalt  }
0x48: {  	_ =	shalt  }
0x49: {  	_ =	shalt  }
0x4a: {  	_ =	shalt  }
0x4b: {  	_ =	shalt  }
0x4c: {  	_ =	shalt  }
0x4d: {  	_ =	shalt  }
0x4e: {  	_ =	shalt  }
0x4f: {  	_ =	shalt  }
0x50: {  	_ =	shalt  }
0x51: {  	_ =	shalt  }
0x52: {  	_ =	shalt  }
0x53: {  	_ =	shalt  }
0x54: {  	_ =	shalt  }
0x55: {  	_ =	shalt  }
0x56: {  	_ =	shalt  }
0x57: {  	_ =	shalt  }
0x58: {  	_ =	shalt  }
0x59: {  	_ =	shalt  }
0x5a: {  	_ =	shalt  }
0x5b: {  	_ =	shalt  }
0x5c: {  	_ =	shalt  }
0x5d: {  	_ =	shalt  }
0x5e: {  	_ =	shalt  }
0x5f: {  	_ =	shalt  }
0x60: {  	_ =	shalt  }
0x61: {  	_ =	shalt  }
0x62: {  	_ =	shalt  }
0x63: {  	_ =	shalt  }
0x64: {  	_ =	shalt  }
0x65: {  	_ =	shalt  }
0x66: {  	_ =	shalt  }
0x67: {  	_ =	shalt  }
0x68: {  	_ =	shalt  }
0x69: {  	_ =	shalt  }
0x6a: {  	_ =	shalt  }
0x6b: {  	_ =	shalt  }
0x6c: {  	_ =	shalt  }
0x6d: {  	_ =	shalt  }
0x6e: {  	_ =	shalt  }
0x6f: {  	_ =	shalt  }
0x70: {  	_ =	shalt  }
0x71: {  	_ =	shalt  }
0x72: {  	_ =	shalt  }
0x73: {  	_ =	shalt  }
0x74: {  	_ =	shalt  }
0x75: {  	_ =	shalt  }
0x76: {  	_ =	shalt  }
0x77: {  	_ =	shalt  }
0x78: {  	_ =	shalt  }
0x79: {  	_ =	shalt  }
0x7a: {  	_ =	shalt  }
0x7b: {  	_ =	shalt  }
0x7c: {  	_ =	shalt  }
0x7d: {  	_ =	shalt  }
0x7e: {  	_ =	shalt  }
0x7f: {  	_ =	shalt  }
0x80: {  	_ =	shalt  }
0x81: {  	_ =	shalt  }
0x82: {  	_ =	shalt  }
0x83: {  	_ =	shalt  }
0x84: {  	_ =	shalt  }
0x85: {  	_ =	shalt  }
0x86: {  	_ =	shalt  }
0x87: {  	_ =	shalt  }
.Lfunc_end0:
.L_simem_size_0:
called_computation.1_lowered:
.L_overlay_start_0:
0x88: {  	s2 =	sld [smem:$0x3FD9]  }
0x89: {  	s3 =	sld [smem:$0x3FFE];
	_ =	sdelay $0x1  }
0x8a: {  	s1 =	srdreg.scid  }
0x8b: {  	s0 =	sand.u32 $0x1, s1  }
0x8c: {  	s17 =	sshll.u32 s0, $0xA;
	s2 =	sadd.s32 s3, s2  }
0x8d: {  	s2 =	sadd.s32 s2, s17  }
0x8e: {  	[smem:$0x3FB6] =	sst s2  }
0x8f: {  	_ = 	snop  }
0x90: {  	(tm) =	ssettm $0x1  }
0x91: {  	s18 =	sld [smem:$0x3FFB];
	_ =	sdelay $0x3  }
0x92: {  	_ =	strace s18  }
0x93: {  	s2 =	sld [smem:$0x3FFC];
	_ =	sdelay $0x3  }
0x94: {  	_ =	strace s2  }
0x95: {  	s2 =	sld [smem:$0x3FFD];
	_ =	sdelay $0x3  }
0x96: {  	_ =	strace s2  }
0x97: {  	_ =	strace $0x8FFFFFFF  }
0x98: {  	s19 =	sld [smem:$0x3FDB];
	_ =	sdelay $0x1  }
0x99: {  	s20 =	simm.s32 $_scs_section_size  }
0x9a: {  	s4 =	simm.s32 $_size__tile_overlayer_lowered;
	s5 =	simm.s32 $_tile_overlayer_lowered  }
0x9b: {  	s6 =	simm.s32 $0x1BFF;
	s21 =	sshll.u32 s5, $0x1;
	s3 =	sadd.s32 s20, s19  }
0x9c: {  	s22 =	simm.s32 $0x0;
	s4 =	sshll.u32 s4, $0x1;
	s5 =	sadd.s32 s21, s3  }
0x9d: {  	[timem:s22], [sflag:s6] =	dma.local [hbm:s5], s4  }
0x9e: {  	_ =	swait.ge [sflag:s6], s4  }
0x9f: {  	s4 =	ssub.s32 $0x0, s4;
	[sflag:s6] =	ssyncset.done $0x0  }
0xa0: {  	[sflag:s6] =	ssyncadd.s32 s4;
	_ =	sdelay $0x1  }
0xa1: {  	s23 =	simm.s32 $0x1B8B  }
0xa2: {  	_ =	swait.ge [sflag:s23], $0x1  }
0xa3: {  	[sflag:s23] =	ssyncset.done $0x0  }
0xa4: {  	[sflag:s23] =	ssyncadd.s32 $0xFFFFFFFF  }
0xa5: {  	s4 =	sld [smem:$0x0]  }
0xa6: {  	s5 =	sand.u32 $0xFFFFFFFE, s1  }
0xa7: {  	p0 =	sne.s32 s1, s5  }
0xa8: {  	s5 =	sshll.u32 @p0 s5, $0xE  }
0xa9: {  	s5 =	sadd.s32 @p0 $0x11B8D, s5;
	s6 =	sshll.u32 @p0 s4, $0x11  }
0xaa: {  	s5 =	sor.u32 @p0 s6, s5  }
0xab: {  	[sflag:s5] =	ssyncadd.remote.s32 @p0 $0x1;
	_ =	sdelay $0x1  }
0xac: {  	s5 =	simm.s32 @p0 $0x1B8D  }
0xad: {  	_ =	swait.eq @p0 [sflag:s5], $0x1  }
0xae: {  	[sflag:s5] =	ssyncadd.s32 @p0 $0xFFFFFFFF  }
0xaf: {  	s6 =	sshll.u32 @!p0 s1, $0xE  }
0xb0: {  	s6 =	sor.u32 @!p0 $0x4000, s6;
	s5 =	simm.s32 @!p0 $0x1B8D  }
0xb1: {  	s4 =	sshll.u32 @!p0 s4, $0x11;
	s6 =	sadd.s32 @!p0 $0x11B8D, s6;
	_ =	swait.eq @!p0 [sflag:s5], $0x1  }
0xb2: {  	s4 =	sor.u32 @!p0 s4, s6;
	[sflag:s5] =	ssyncadd.s32 @!p0 $0xFFFFFFFF  }
0xb3: {  	s25 =	simm.s32 $0x1B8E;
	s24 =	sld [smem:$0x3FFE];
	[sflag:s4] =	ssyncadd.remote.s32 @!p0 $0x1  }
0xb4: {  	s26 =	simm.s32 $execute0_lowered;
	[smem:$0x3FD2] =	sst s25  }
0xb5: {  	s5 =	sshll.u32 s26, $0x1;
	_ =	strace $0x8000004C;
	[dreg:$0x1] =	wrdreg $0xFFFFFFFF  }
0xb6: {  	s28 =	simm.s32 $_size_execute0_lowered;
	s3 =	sadd.s32 s3, s5;
	[dreg:$0x0] =	wrdreg $0x0  }
0xb7: {  	s5 =	sshll.u32 s28, $0x1;
	[dreg:$0x2] =	wrdreg s3  }
0xb8: {  	[dreg:$0x3] =	wrdreg s5  }
0xb9: {  	[dreg:$0x4] =	wrdreg $0xC0  }
0xba: {  	_ =	task [dreg:s22], $0x5FFFF  }
0xbb: {  	[dreg:$0x1] =	wrdreg $0xFFFFFFFF  }
0xbc: {  	[dreg:$0x0] =	wrdreg $0x60  }
0xbd: {  	[dreg:$0x2] =	wrdreg s24  }
0xbe: {  	[dreg:$0x3] =	wrdreg $0x94000  }
0xbf: {  	[dreg:$0x4] =	wrdreg $0x9  }
0xc0: {  	_ =	task.clear_ibuf [dreg:s22], $0x5FFFF;
	_ =	strace $0x9000004C  }
0xc1: {  	s29 =	simm.s32 $0x9;
	_ =	strace $0x8000004E  }
0xc2: {  	_ =	swait.ge [sflag:s29], $0x1  }
0xc3: {  	[sflag:s29] =	ssyncadd.s32 $0xFFFFFFFF  }
0xc4: {  	_ =	strace $0x9000004E  }
0xc5: {  	_ =	sfence  }
0xc6: {  	s30 =	sld [smem:$0x0];
	_ =	sdelay $0x2  }
0xc7: {  	s31 =	sshll.u32 s1, $0xD;
	s1 =	sshrl.u32 s1, $0x2  }
0xc8: {  	s4 =	sand.u32 $0x4000, s31;
	s1 =	sadd.s32 s1, s30  }
0xc9: {  	s0 =	sor.u32 s4, s0;
	s1 =	sshll.u32 s1, $0x11  }
0xca: {  	s0 =	sor.u32 s1, s0  }
0xcb: {  	s0 =	sadd.s32 $0x8F2B, s0  }
0xcc: {  	[sflag:s0] =	ssyncadd.remote.s32 $0x1  }
0xcd: {  	_ =	sfence.sel $0xFFFF  }
0xce: {  	[dreg:$0x0] =	wrdreg $0xFFFFFFFF;
	(pc) =	sbr.abs _section_cstart, $3  }
0xcf: {  	[dreg:$0x1] =	wrdreg $0xFFFFFFFF  }
0xd0: {  	_ =	task.clear_ibuf [dreg:s22], $0x2FFFF;
	_ =	strace $0x9FFFFFFF  }
0xd1: {  	(tm) =	ssettm $0x7FFFFFFF  }
tec
execute0_lowered:
.L_overlay_start_1:
0x0: {  	(tag) =	ssettag $0x1  }
0x1: {  	s4 =	rddreg [dreg:$0x0]  }
0x2: {  	s0 =	srdreg.scid;
	s2 =	rddreg [dreg:$0x1]  }
0x3: {  	s1 =	rddreg [dreg:$0x2];
	s7 =	sand.u32 $0x1, s0  }
0x4: {  	s3 =	simm.s32 $0x0;
	s0 =	stileid.u32;
	s5 =	smul.u32 $0x280, s7  }
0x5: {  	s16 =	simm.s32 $0x3;
	s17 =	simm.s32 $0x5400;
	s6 =	smul.u32 $0x28, s0  }
0x6: {  	s18 =	simm.s32 $0x1;
	s19 =	simm.s32 $0x80;
	s26 =	smul.u32 $0x13C000, s7  }
0x7: {  	s20 =	simm.s32 $0x2;
	s21 =	simm.s32 $0x1300;
	s9 =	smul.u32 $0x13C00, s0  }
0x8: {  	s22 =	simm.s32 $0x1380;
	s23 =	simm.s32 $0x0;
	s28 =	smul.u32 $0x4F000, s0  }
0x9: {  	[smem:$0x7FF] =	sst s3;
	s11 =	sadd.s32 $0xA5CC00, s4;
	s30 =	smul.u32 $0x140000, s7  }
0xa: {  	_ =	strace $0x8000004D;
	s29 =	ssub.s32 $0x2, s7;
	s15 =	smul.u32 $0x14000, s0  }
0xb: {  	s12 =	sshrl.u32 s29, $0x1;
	s8 =	sadd.s32 s6, s5;
	s5 =	sadd.s32 s9, s26  }
0xc: {  	s14 =	ssub.s32 s29, s12;
	s12 =	sadd.s32 s30, s11;
	s6 =	sshll.u32 s8, $0x4  }
0xd: {  	s5 =	sshrl.u32 s5, $0x3;
	s31 =	sshll.u32 s8, $0xB;
	s15 =	sadd.s32 s15, s12  }
0xe: {  	s10 =	sadd.s32 s6, s4;
	s6 =	sshrl.u32 s28, $0x2;
	s13 =	sadd.s32 s5, s4  }
0xf: {  	s9 =	sadd.s32 s11, s31;
	s4 =	sadd.s32 s6, s2;
	s10 =	sadd.s32 $0x4A00, s10  }
0x10: {  	s11 =	sadd.s32 $0x800, s9;
	s12 =	sadd.s32 $0x5CC00, s13;
	s13 =	smax.u32 s14, $0x1  }
0x11: {  	s14 =	sadd.s32 $0x1800, s15;
	s15 =	simm.s32 $0x1400;
	s5 =	sadd.s32 $0x4000, s4  }
0x12: {  	v0 =	vimm.f32 $0.0e+00;
	s6 =	sadd.s32 $0x8000, s4;
	s7 =	sadd.s32 $0xC000, s4;
	s8 =	sadd.s32 $0x10000, s4  }
.LBB2_1:
0x13: {  	s24 =	simm.s32 $0x0;
	s25 =	simm.s32 $0x200  }
.LBB2_2:
0x14: {  	p0 =	sne.s32 s25, $0xFE00;
	[tilespmem:s24+$0x1470] =	vst v0  }
0x15: {  	[tilespmem:s24+$0x1400] =	vst v0  }
0x16: {  	[tilespmem:s24+$0x1410] =	vst v0  }
.Ltmp0:
0x17: {  	[tilespmem:s24+$0x1420] =	vst v0;
	(pc) =	sbr.rel @p0 .LBB2_2-.Ltmp0, $4  }
0x18: {  	[tilespmem:s24+$0x1430] =	vst v0  }
0x19: {  	[tilespmem:s24+$0x1440] =	vst v0  }
0x1a: {  	[tilespmem:s24+$0x1450] =	vst v0  }
0x1b: {  	[tilespmem:s24+$0x1460] =	vst v0;
	s24 =	sshra.s32 s25, $0x2;
	s25 =	sadd.s32 $0x200, s25  }
0x1c: {  	[tilespmem:s24+$0x1470] =	vst v0  }
0x1d: {  	[tilespmem:s24+$0x1400] =	vst v0  }
0x1e: {  	[tilespmem:s24+$0x1410] =	vst v0  }
0x1f: {  	[tilespmem:s24+$0x1420] =	vst v0  }
0x20: {  	[tilespmem:s24+$0x1430] =	vst v0  }
0x21: {  	[tilespmem:s24+$0x1440] =	vst v0  }
0x22: {  	[tilespmem:s24+$0x1450] =	vst v0  }
0x23: {  	[tilespmem:s24+$0x1460] =	vst v0  }
0x24: {  	[spmem:s4] =	stream.linear.scatter [tilespmem:s15], [sflag:$0x3], $0x4000, $0x38;
	[tilespmem:$0x1D000] =	vst v63  }
0x25: {  	_ =	swait.ge [sflag:s16], $0x4000  }
0x26: {  	[sflag:s16] =	ssyncset.done $0x0  }
0x27: {  	[sflag:s16] =	ssyncadd.s32 $0xFFFFC000  }
0x28: {  	[spmem:s5] =	stream.linear.scatter [tilespmem:s15], [sflag:$0x3], $0x4000, $0x38;
	[tilespmem:$0x1D000] =	vst v63  }
0x29: {  	_ =	swait.ge [sflag:s16], $0x4000  }
0x2a: {  	[sflag:s16] =	ssyncset.done $0x0  }
0x2b: {  	[sflag:s16] =	ssyncadd.s32 $0xFFFFC000  }
0x2c: {  	[spmem:s6] =	stream.linear.scatter [tilespmem:s15], [sflag:$0x3], $0x4000, $0x38;
	[tilespmem:$0x1D000] =	vst v63  }
0x2d: {  	_ =	swait.ge [sflag:s16], $0x4000  }
0x2e: {  	[sflag:s16] =	ssyncset.done $0x0  }
0x2f: {  	[sflag:s16] =	ssyncadd.s32 $0xFFFFC000  }
0x30: {  	[spmem:s7] =	stream.linear.scatter [tilespmem:s15], [sflag:$0x3], $0x4000, $0x38;
	[tilespmem:$0x1D000] =	vst v63  }
0x31: {  	_ =	swait.ge [sflag:s16], $0x4000  }
0x32: {  	[sflag:s16] =	ssyncset.done $0x0  }
0x33: {  	[sflag:s16] =	ssyncadd.s32 $0xFFFFC000  }
0x34: {  	[spmem:s8] =	stream.linear.scatter [tilespmem:s15], [sflag:$0x3], $0x3C00, $0x38;
	[tilespmem:$0x1D000] =	vst v63  }
0x35: {  	_ =	swait.ge [sflag:s16], $0x3C00  }
0x36: {  	[sflag:s16] =	ssyncset.done $0x0  }
0x37: {  	[sflag:s16] =	ssyncadd.s32 $0xFFFFC400  }
0x38: {  	s28 =	simm.s32 $0x0;
	[bflag:$0x0] =	sbarrier.arrive $0xFFFF  }
0x39: {  	[tilespmem:s28], [sflag:$0x3] =	stream.linear.gather [hbm4b:s10+s28], $0x1400, $0x38;
	[tilespmem:$0x1D000] =	vst v63  }
0x3a: {  	_ =	swait.ge [sflag:s16], $0x1400  }
0x3b: {  	[sflag:s16] =	ssyncset.done $0x0  }
0x3c: {  	[sflag:s16] =	ssyncadd.s32 $0xFFFFEC00  }
0x3d: {  	[tilespmem:s15], [sflag:$0x1] =	stream.linear.gather [hbm4b:s9+s28], $0x4000, $0x38;
	[tilespmem:$0x1D000] =	vst v63  }
0x3e: {  	_ = 	snop  }
0x3f: {  	[tilespmem:s17], [sflag:$0x2] =	stream.linear.gather [hbm4b:s11+s28], $0x4000, $0x38;
	[tilespmem:$0x1D000] =	vst v63  }
0x40: {  	_ =	swait.ge [sflag:s18], $0x4000  }
0x41: {  	[sflag:s18] =	ssyncset.done $0x0  }
0x42: {  	s29 =	simm.s32 $0x0;
	[sflag:s18] =	ssyncadd.s32 $0xFFFFC000  }
0x43: {  	[spmem:s2] =	stream.indirect.scatter.add.f32 [tilespmem:s15], [sflag:$0x3], $0x80, s29, s19, $0xb8;
	[tilespmem:$0x1D000] =	vst v63  }
0x44: {  	_ =	swait.ge [sflag:s16], $0x4000  }
0x45: {  	[sflag:s16] =	ssyncset.done $0x0  }
0x46: {  	s30 =	sadd.s32 $0xFFFFF800, s14;
	[sflag:s16] =	ssyncadd.s32 $0xFFFFC000  }
0x47: {  	[tilespmem:s15], [sflag:$0x1] =	stream.linear.gather [hbm4b:s30+s3], $0x4000, $0x38;
	[tilespmem:$0x1D000] =	vst v63  }
0x48: {  	_ =	swait.ge [sflag:s20], $0x4000  }
0x49: {  	[sflag:s20] =	ssyncset.done $0x0  }
0x4a: {  	s31 =	simm.s32 $0x80;
	[sflag:s20] =	ssyncadd.s32 $0xFFFFC000  }
0x4b: {  	[spmem:s2] =	stream.indirect.scatter.add.f32 [tilespmem:s17], [sflag:$0x3], $0x80, s31, s19, $0xb8;
	[tilespmem:$0x1D000] =	vst v63  }
0x4c: {  	_ =	swait.ge [sflag:s16], $0x4000  }
0x4d: {  	s24 =	simm.s32 $0x400;
	[sflag:s16] =	ssyncset.done $0x0  }
0x4e: {  	s25 =	sadd.s32 $0x1000, s14;
	s26 =	smov.u32 s14;
	[sflag:s16] =	ssyncadd.s32 $0xFFFFC000  }
.LBB2_4:
0x4f: {  	[tilespmem:s17], [sflag:$0x2] =	stream.linear.gather [hbm4b:s26+s3], $0x4000, $0x38;
	[tilespmem:$0x1D000] =	vst v63  }
0x50: {  	s28 =	smov.u32 s24;
	s26 =	smov.u32 s25  }
0x51: {  	p0 =	sne.s32 s24, $0x4800;
	s24 =	sadd.s32 $0x400, s24;
	_ =	swait.ge [sflag:s18], $0x4000  }
0x52: {  	[sflag:s18] =	ssyncset.done $0x0  }
0x53: {  	s28 =	sshra.s32 s28, $0x2;
	[sflag:s18] =	ssyncadd.s32 $0xFFFFC000  }
0x54: {  	[spmem:s2] =	stream.indirect.scatter.add.f32 [tilespmem:s15], [sflag:$0x3], $0x80, s28, s19, $0xb8;
	[tilespmem:$0x1D000] =	vst v63  }
0x55: {  	_ =	swait.ge [sflag:s16], $0x4000  }
0x56: {  	[sflag:s16] =	ssyncset.done $0x0  }
0x57: {  	s29 =	sadd.s32 $0xFFFFF800, s25;
	[sflag:s16] =	ssyncadd.s32 $0xFFFFC000  }
0x58: {  	[tilespmem:s15], [sflag:$0x1] =	stream.linear.gather [hbm4b:s29+s3], $0x4000, $0x38;
	[tilespmem:$0x1D000] =	vst v63  }
0x59: {  	_ =	swait.ge [sflag:s20], $0x4000  }
0x5a: {  	[sflag:s20] =	ssyncset.done $0x0  }
.Ltmp1:
0x5b: {  	s28 =	sadd.s32 $0x80, s28;
	[sflag:s20] =	ssyncadd.s32 $0xFFFFC000;
	(pc) =	sbr.rel @p0 .LBB2_4-.Ltmp1, $4  }
0x5c: {  	[spmem:s2] =	stream.indirect.scatter.add.f32 [tilespmem:s17], [sflag:$0x3], $0x80, s28, s19, $0xb8;
	[tilespmem:$0x1D000] =	vst v63  }
0x5d: {  	_ =	swait.ge [sflag:s16], $0x4000  }
0x5e: {  	[sflag:s16] =	ssyncset.done $0x0  }
0x5f: {  	s25 =	sadd.s32 $0x1000, s25;
	[sflag:s16] =	ssyncadd.s32 $0xFFFFC000  }
0x60: {  	[tilespmem:s17], [sflag:$0x2] =	stream.linear.gather [hbm4b:s26+s3], $0x4000, $0x38;
	[tilespmem:$0x1D000] =	vst v63  }
0x61: {  	_ =	swait.ge [sflag:s18], $0x4000  }
0x62: {  	[sflag:s18] =	ssyncset.done $0x0  }
0x63: {  	[sflag:s18] =	ssyncadd.s32 $0xFFFFC000  }
0x64: {  	[spmem:s2] =	stream.indirect.scatter.add.f32 [tilespmem:s15], [sflag:$0x3], $0x80, s21, s19, $0xb8;
	[tilespmem:$0x1D000] =	vst v63  }
0x65: {  	_ =	swait.ge [sflag:s16], $0x4000  }
0x66: {  	[sflag:s16] =	ssyncset.done $0x0  }
0x67: {  	[sflag:s16] =	ssyncadd.s32 $0xFFFFC000  }
0x68: {  	_ =	swait.ge [sflag:s20], $0x4000  }
0x69: {  	[sflag:s20] =	ssyncset.done $0x0  }
0x6a: {  	[sflag:s20] =	ssyncadd.s32 $0xFFFFC000  }
0x6b: {  	[spmem:s2] =	stream.indirect.scatter.add.f32 [tilespmem:s17], [sflag:$0x3], $0x80, s22, s19, $0xb8;
	[tilespmem:$0x1D000] =	vst v63  }
0x6c: {  	_ =	swait.ge [sflag:s16], $0x4000  }
0x6d: {  	s24 =	sshll.u32 s0, $0x6;
	s23 =	sadd.s32 $0x1, s23;
	[sflag:s16] =	ssyncset.done $0x0  }
0x6e: {  	s25 =	sshrl.u32 s4, $0x3;
	p0 =	sne.s32 s23, s13;
	[sflag:s16] =	ssyncadd.s32 $0xFFFFC000  }
.Ltmp2:
0x6f: {  	s24 =	sor.u32 $0x1C03, s24;
	[bflag:$0x0] =	sbarrier.arrive $0xFFFF;
	(pc) =	sbr.rel @p0 .LBB2_1-.Ltmp2, $4  }
0x70: {  	[hbm:s12], [sflag:s24] =	dma.local [spmem:s25], $0x2780  }
0x71: {  	_ =	swait.ge [sflag:s16], $0x2780  }
0x72: {  	[sflag:s16] =	ssyncset.done $0x0  }
0x73: {  	[sflag:s16] =	ssyncadd.s32 $0xFFFFD880  }
0x74: {  	_ =	sfence.sel $0x180000  }
0x75: {  	[bflag:$0x0] =	sbarrier.arrive $0xFFFF  }
0x76: {  	p0 =	sne.s32 s0, $0x0;
	_ =	strace $0x9000004D  }
0x77: {  	s0 =	sadd.s32 @!p0 $0x100000, s1;
	[bflag:$0x2] =	sbarrier.arrive $0xFFFF  }
0x78: {  	[sflag:s0] =	ssyncadd.tile.s32 @!p0 $0x1;
	_ =	shalt  }
.Lfunc_end2:
_tile_overlayer_lowered:
.L_overlay_start_2:
0x79: {  	(tag) =	ssettag $0x2  }
0x7a: {  	s0 =	rddreg [dreg:$0x0];
	s2 =	stileid.u32  }
0x7b: {  	s1 =	rddreg [dreg:$0x1];
	p0 =	sne.s32 s2, $0x0  }
0x7c: {  	s3 =	rddreg [dreg:$0x2];
	[bflag:$0x3] =	sbarrier.arrive $0xFFFF;
	s2 =	simm.s32 @!p0 $0x1C03  }
0x7d: {  	[timem:s3], [sflag:s2] =	dma.local @!p0 [hbm:s0], s1  }
0x7e: {  	s0 =	simm.s32 @!p0 $0x3  }
0x7f: {  	_ =	swait.ge @!p0 [sflag:s0], s1  }
0x80: {  	s1 =	ssub.s32 @!p0 $0x0, s1;
	[sflag:s0] =	ssyncset.done @!p0 $0x0  }
0x81: {  	[sflag:s0] =	ssyncadd.s32 @!p0 s1  }
0x82: {  	[bflag:$0x3] =	sbarrier.arrive $0xFFFF  }
0x83: {  	_ =	shalt  }

// kernel: kernel.23.cloned.1.call-start
scs
__scs_entry_jumppad:
0x0: {  	(pc) =	sbr.rel $0x88, $3  }
0x1: {  	(tag) =	ssettag $0x0;
	lr =	simm.s32 $0x1  }
0x2: {  	[smem:$0x3F8F] =	sst lr;
	_ =	strace $0xD0000000  }
0x3: {  	_ = 	snop  }
0x4: {  	_ = 	snop  }
0x5: {  	_ = 	snop  }
0x6: {  	_ = 	snop  }
0x7: {  	_ = 	snop  }
__scs_overlays_trampoline_lowered:
0x8: {  	[smem:$0x3F9E] =	sst s0  }
0x9: {  	[smem:$0x3F9F] =	sst s1  }
0xa: {  	[smem:$0x3FA0] =	sst s2  }
0xb: {  	[smem:$0x3FA1] =	sst s3  }
0xc: {  	[smem:$0x3FA2] =	sst s4  }
0xd: {  	[smem:$0x3FA3] =	sst s5  }
0xe: {  	[smem:$0x3FA4] =	sst s6  }
0xf: {  	[smem:$0x3FA5] =	sst s7  }
0x10: {  	[smem:$0x3FA6] =	sst s8  }
0x11: {  	[smem:$0x3FA7] =	sst s9;
	s0 =	simm.s32 @!p0 $0x0  }
0x12: {  	s1 =	sld [smem:$0x3F8D];
	s0 =	simm.s32 @p0 $0x1  }
0x13: {  	[smem:$0x3FA8] =	sst s0;
	s0 =	simm.s32 @!p1 $0x0  }
0x14: {  	s2 =	sld [smem:$0x3F8C];
	s0 =	simm.s32 @p1 $0x1  }
0x15: {  	[smem:$0x3FA9] =	sst s0;
	s0 =	simm.s32 @!p2 $0x0  }
0x16: {  	s3 =	sld [smem:$0x3FDB];
	s0 =	simm.s32 @p2 $0x1  }
0x17: {  	s4 =	simm.s32 $0x1BF5;
	[smem:$0x3FAB] =	sst s0  }
0x18: {  	s0 =	sld [smem:$0x3F8E];
	_ =	swait.ge [sflag:s4], $0x0  }
0x19: {  	s7 =	sld [smem:$0x3F8F]  }
0x1a: {  	s8 =	sadd.s32 $0xFFFFE003, lr  }
0x1b: {  	s9 =	sadd.s32 $0xFFFFFEF7, lr;
	s5 =	simm.s32 $0xFFFFFFFF;
	p2 =	slt.u32 s8, $0xFFFFF086  }
0x1c: {  	p1 =	slt.u32 s9, $0xF7A;
	s5 =	simm.s32 @!p2 $0x0  }
0x1d: {  	s5 =	simm.s32 @p1 $0x1;
	p0 =	seq.s32 s7, s2  }
0x1e: {  	s7 =	smul.u32 @!p0 $0xF7A, s2;
	p2 =	seq.s32 @!p0 s5, $0x0  }
0x1f: {  	s9 =	smul.u32 $0xF7A, s1;
	s8 =	simm.s32 @!p0 $0x1BF5;
	p2 =	por !p2, p0  }
0x20: {  	[sflag:s8] =	ssyncset.s32 @!p0 $0xFFFFF086;
	s6 =	sadd.s32 @!p0 s3, s7;
	s7 =	simm.s32 @!p0 $0x108  }
0x21: {  	s3 =	sadd.s32 s3, s9;
	s6 =	sadd.s32 @!p0 $0x88, s6;
	s7 =	simm.s32 @p2 $0x1082  }
0x22: {  	[simem:s7], [sflag:s8] =	dma.local @!p0 [hbm:s6], $0xF7A  }
0x23: {  	s9 =	sor.u32 $0xD0000000, s2;
	s6 =	simm.s32 $0x108;
	_ =	swait.ge @!p0 [sflag:s8], $0x0  }
0x24: {  	s3 =	sadd.s32 $0x88, s3;
	s6 =	simm.s32 @!p1 $0x1082;
	[sflag:s4] =	ssyncset.s32 $0xFFFFF086  }
0x25: {  	[simem:s6], [sflag:s4] =	dma.local [hbm:s3], $0xF7A  }
0x26: {  	[smem:$0x3F8F] =	sst s1;
	(tag) =	ssettag s2;
	_ =	strace s9  }
0x27: {  	s1 =	sld [smem:$0x3F9F]  }
0x28: {  	s2 =	sld [smem:$0x3FA0]  }
0x29: {  	s4 =	sld [smem:$0x3FA2]  }
0x2a: {  	p0 =	seq.s32 s5, $0x0;
	s5 =	sld [smem:$0x3FA3]  }
0x2b: {  	s6 =	sld [smem:$0x3FA4]  }
0x2c: {  	s7 =	sld [smem:$0x3FA5]  }
0x2d: {  	s3 =	simm.s32 $0x108;
	s8 =	sld [smem:$0x3FA6]  }
0x2e: {  	s3 =	simm.s32 @!p0 $0x1082;
	s9 =	sld [smem:$0x3FA7]  }
0x2f: {  	lr =	sadd.s32 s0, s3;
	s0 =	sld [smem:$0x3F9E]  }
0x30: {  	s3 =	sld [smem:$0x3FA1]  }
0x31: {  	[smem:$0x3FAA] =	sst s10  }
0x32: {  	s10 =	sld [smem:$0x3FA8];
	_ =	sdelay $0x3  }
0x33: {  	p0 =	seq.s32 s10, $0x1;
	s10 =	sld [smem:$0x3FAA];
	_ =	sdelay $0x3  }
0x34: {  	[smem:$0x3FAA] =	sst s10  }
0x35: {  	s10 =	sld [smem:$0x3FA9];
	_ =	sdelay $0x3  }
0x36: {  	p1 =	seq.s32 s10, $0x1;
	s10 =	sld [smem:$0x3FAA];
	_ =	sdelay $0x3  }
0x37: {  	[smem:$0x3FAA] =	sst s10  }
0x38: {  	s10 =	sld [smem:$0x3FAB]  }
0x39: {  	_ = 	snop;
	(pc) =	sbr.ind lr, $3  }
0x3a: {  	_ = 	snop  }
0x3b: {  	_ = 	snop  }
0x3c: {  	p2 =	seq.s32 s10, $0x1;
	s10 =	sld [smem:$0x3FAA]  }
0x3d: {  	_ =	shalt  }
0x3e: {  	_ =	shalt  }
0x3f: {  	_ =	shalt  }
0x40: {  	_ =	shalt  }
0x41: {  	_ =	shalt  }
0x42: {  	_ =	shalt  }
0x43: {  	_ =	shalt  }
0x44: {  	_ =	shalt  }
0x45: {  	_ =	shalt  }
0x46: {  	_ =	shalt  }
0x47: {  	_ =	shalt  }
0x48: {  	_ =	shalt  }
0x49: {  	_ =	shalt  }
0x4a: {  	_ =	shalt  }
0x4b: {  	_ =	shalt  }
0x4c: {  	_ =	shalt  }
0x4d: {  	_ =	shalt  }
0x4e: {  	_ =	shalt  }
0x4f: {  	_ =	shalt  }
0x50: {  	_ =	shalt  }
0x51: {  	_ =	shalt  }
0x52: {  	_ =	shalt  }
0x53: {  	_ =	shalt  }
0x54: {  	_ =	shalt  }
0x55: {  	_ =	shalt  }
0x56: {  	_ =	shalt  }
0x57: {  	_ =	shalt  }
0x58: {  	_ =	shalt  }
0x59: {  	_ =	shalt  }
0x5a: {  	_ =	shalt  }
0x5b: {  	_ =	shalt  }
0x5c: {  	_ =	shalt  }
0x5d: {  	_ =	shalt  }
0x5e: {  	_ =	shalt  }
0x5f: {  	_ =	shalt  }
0x60: {  	_ =	shalt  }
0x61: {  	_ =	shalt  }
0x62: {  	_ =	shalt  }
0x63: {  	_ =	shalt  }
0x64: {  	_ =	shalt  }
0x65: {  	_ =	shalt  }
0x66: {  	_ =	shalt  }
0x67: {  	_ =	shalt  }
0x68: {  	_ =	shalt  }
0x69: {  	_ =	shalt  }
0x6a: {  	_ =	shalt  }
0x6b: {  	_ =	shalt  }
0x6c: {  	_ =	shalt  }
0x6d: {  	_ =	shalt  }
0x6e: {  	_ =	shalt  }
0x6f: {  	_ =	shalt  }
0x70: {  	_ =	shalt  }
0x71: {  	_ =	shalt  }
0x72: {  	_ =	shalt  }
0x73: {  	_ =	shalt  }
0x74: {  	_ =	shalt  }
0x75: {  	_ =	shalt  }
0x76: {  	_ =	shalt  }
0x77: {  	_ =	shalt  }
0x78: {  	_ =	shalt  }
0x79: {  	_ =	shalt  }
0x7a: {  	_ =	shalt  }
0x7b: {  	_ =	shalt  }
0x7c: {  	_ =	shalt  }
0x7d: {  	_ =	shalt  }
0x7e: {  	_ =	shalt  }
0x7f: {  	_ =	shalt  }
0x80: {  	_ =	shalt  }
0x81: {  	_ =	shalt  }
0x82: {  	_ =	shalt  }
0x83: {  	_ =	shalt  }
0x84: {  	_ =	shalt  }
0x85: {  	_ =	shalt  }
0x86: {  	_ =	shalt  }
0x87: {  	_ =	shalt  }
.Lfunc_end0:
.L_simem_size_0:
called_computation.2_lowered:
.L_overlay_start_0:
0x88: {  	s2 =	sld [smem:$0x3FD9]  }
0x89: {  	s3 =	sld [smem:$0x3FFE];
	_ =	sdelay $0x1  }
0x8a: {  	s1 =	srdreg.scid  }
0x8b: {  	s0 =	sand.u32 $0x1, s1  }
0x8c: {  	s17 =	sshll.u32 s0, $0xA;
	s2 =	sadd.s32 s3, s2  }
0x8d: {  	s2 =	sadd.s32 s2, s17  }
0x8e: {  	[smem:$0x3FB6] =	sst s2  }
0x8f: {  	_ = 	snop  }
0x90: {  	s18 =	sld [smem:$0x3FD0];
	(tm) =	ssettm $0x1  }
0x91: {  	s19 =	sld [smem:$0x3FFB];
	_ =	sdelay $0x3  }
0x92: {  	_ =	strace s19  }
0x93: {  	s2 =	sld [smem:$0x3FFC];
	_ =	sdelay $0x3  }
0x94: {  	_ =	strace s2  }
0x95: {  	s2 =	sld [smem:$0x3FFD];
	_ =	sdelay $0x3  }
0x96: {  	_ =	strace s2  }
0x97: {  	_ =	strace $0x8FFFFFFF  }
0x98: {  	s20 =	sld [smem:$0x3FDB];
	_ =	sdelay $0x1  }
0x99: {  	s4 =	simm.s32 $_scs_section_size  }
0x9a: {  	s5 =	simm.s32 $_size__tile_overlayer_lowered;
	s6 =	simm.s32 $_tile_overlayer_lowered  }
0x9b: {  	s7 =	simm.s32 $0x1BFF;
	s21 =	sshll.u32 s6, $0x1;
	s4 =	sadd.s32 s4, s20  }
0x9c: {  	s22 =	simm.s32 $0x0;
	s5 =	sshll.u32 s5, $0x1;
	s6 =	sadd.s32 s21, s4  }
0x9d: {  	[timem:s22], [sflag:s7] =	dma.local [hbm:s6], s5  }
0x9e: {  	_ =	swait.ge [sflag:s7], s5  }
0x9f: {  	s5 =	ssub.s32 $0x0, s5;
	[sflag:s7] =	ssyncset.done $0x0  }
0xa0: {  	[sflag:s7] =	ssyncadd.s32 s5;
	_ =	sdelay $0x1  }
0xa1: {  	s23 =	simm.s32 $0x1B8B  }
0xa2: {  	_ =	swait.ge [sflag:s23], $0x1  }
0xa3: {  	[sflag:s23] =	ssyncset.done $0x0  }
0xa4: {  	[sflag:s23] =	ssyncadd.s32 $0xFFFFFFFF  }
0xa5: {  	s5 =	sld [smem:$0x0]  }
0xa6: {  	s6 =	sand.u32 $0xFFFFFFFE, s1  }
0xa7: {  	p0 =	sne.s32 s1, s6  }
0xa8: {  	s6 =	sshll.u32 @p0 s6, $0xE  }
0xa9: {  	s6 =	sadd.s32 @p0 $0x11B8D, s6;
	s7 =	sshll.u32 @p0 s5, $0x11  }
0xaa: {  	s6 =	sor.u32 @p0 s7, s6  }
0xab: {  	[sflag:s6] =	ssyncadd.remote.s32 @p0 $0x1;
	_ =	sdelay $0x1  }
0xac: {  	s6 =	simm.s32 @p0 $0x1B8D  }
0xad: {  	_ =	swait.eq @p0 [sflag:s6], $0x1  }
0xae: {  	[sflag:s6] =	ssyncadd.s32 @p0 $0xFFFFFFFF  }
0xaf: {  	s7 =	sshll.u32 @!p0 s1, $0xE  }
0xb0: {  	s7 =	sor.u32 @!p0 $0x4000, s7;
	s6 =	simm.s32 @!p0 $0x1B8D  }
0xb1: {  	s5 =	sshll.u32 @!p0 s5, $0x11;
	s7 =	sadd.s32 @!p0 $0x11B8D, s7;
	_ =	swait.eq @!p0 [sflag:s6], $0x1  }
0xb2: {  	s5 =	sor.u32 @!p0 s5, s7;
	[sflag:s6] =	ssyncadd.s32 @!p0 $0xFFFFFFFF  }
0xb3: {  	s25 =	simm.s32 $0x1B8E;
	s24 =	sld [smem:$0x3FFE];
	[sflag:s5] =	ssyncadd.remote.s32 @!p0 $0x1  }
0xb4: {  	s26 =	simm.s32 $execute0_lowered;
	[smem:$0x3FD2] =	sst s25  }
0xb5: {  	s6 =	sshll.u32 s26, $0x1;
	_ =	strace $0x80000049;
	[dreg:$0x1] =	wrdreg $0xFFFFFFFF  }
0xb6: {  	s28 =	simm.s32 $_size_execute0_lowered;
	s4 =	sadd.s32 s4, s6;
	[dreg:$0x0] =	wrdreg $0x0  }
0xb7: {  	s6 =	sshll.u32 s28, $0x1;
	[dreg:$0x2] =	wrdreg s4  }
0xb8: {  	[dreg:$0x3] =	wrdreg s6  }
0xb9: {  	[dreg:$0x4] =	wrdreg $0xC0  }
0xba: {  	_ =	task [dreg:s22], $0x5FFFF  }
0xbb: {  	[dreg:$0x1] =	wrdreg $0xFFFFFFFF  }
0xbc: {  	[dreg:$0x0] =	wrdreg $0x60  }
0xbd: {  	[dreg:$0x2] =	wrdreg s18  }
0xbe: {  	[dreg:$0x3] =	wrdreg s24  }
0xbf: {  	[dreg:$0x4] =	wrdreg $0x94000  }
0xc0: {  	[dreg:$0x5] =	wrdreg $0xA  }
0xc1: {  	_ =	task.clear_ibuf [dreg:s22], $0x6FFFF;
	_ =	strace $0x90000049  }
0xc2: {  	s29 =	simm.s32 $0xA;
	_ =	strace $0x8000004B  }
0xc3: {  	_ =	swait.ge [sflag:s29], $0x1  }
0xc4: {  	[sflag:s29] =	ssyncadd.s32 $0xFFFFFFFF  }
0xc5: {  	_ =	strace $0x9000004B  }
0xc6: {  	_ =	sfence  }
0xc7: {  	s30 =	sld [smem:$0x0];
	_ =	sdelay $0x2  }
0xc8: {  	s31 =	sshll.u32 s1, $0xD;
	s1 =	sshrl.u32 s1, $0x2  }
0xc9: {  	s4 =	sand.u32 $0x4000, s31;
	s1 =	sadd.s32 s1, s30  }
0xca: {  	s0 =	sor.u32 s4, s0;
	s1 =	sshll.u32 s1, $0x11  }
0xcb: {  	s0 =	sor.u32 s1, s0  }
0xcc: {  	s0 =	sadd.s32 $0x8F2B, s0  }
0xcd: {  	[sflag:s0] =	ssyncadd.remote.s32 $0x1  }
0xce: {  	_ =	sfence.sel $0xFFFF  }
0xcf: {  	[dreg:$0x0] =	wrdreg $0xFFFFFFFF;
	(pc) =	sbr.abs _section_cstart, $3  }
0xd0: {  	[dreg:$0x1] =	wrdreg $0xFFFFFFFF  }
0xd1: {  	_ =	task.clear_ibuf [dreg:s22], $0x2FFFF;
	_ =	strace $0x9FFFFFFF  }
0xd2: {  	(tm) =	ssettm $0x7FFFFFFF  }
0xd3: {  	_ =	shalt  }
tec
execute0_lowered:
.L_overlay_start_1:
0x0: {  	(tag) =	ssettag $0x1  }
0x1: {  	s0 =	rddreg [dreg:$0x0];
	s2 =	srdreg.scid  }
0x2: {  	s4 =	rddreg [dreg:$0x1];
	s5 =	sand.u32 $0x1, s2  }
0x3: {  	s2 =	stileid.u32;
	s6 =	smul.u32 $0x138800, s5  }
0x4: {  	s1 =	rddreg [dreg:$0x2];
	s3 =	simm.s32 $0x0;
	s8 =	smul.u32 $0x13C00, s2  }
0x5: {  	s28 =	simm.s32 $0x4;
	s29 =	simm.s32 $0x0;
	s9 =	smul.u32 $0x4F000, s2  }
0x6: {  	[smem:$0x7FF] =	sst s3;
	s16 =	sadd.s32 $0x55CC00, s4;
	s11 =	smul.u32 $0x50000, s5  }
0x7: {  	s7 =	sadd.s32 $0xEA00, s4;
	s17 =	sadd.s32 $0x128400, s1;
	s12 =	smul.u32 $0x2800, s2  }
0x8: {  	_ =	strace $0x8000004A;
	s19 =	ssub.s32 $0x2, s5;
	s21 =	smul.u32 $0x1400000, s5  }
0x9: {  	s24 =	smul.u32 $0x140000, s2;
	p0 =	seq.s32 s2, $0xF;
	s10 =	sshrl.u32 s19, $0x1  }
0xa: {  	s17 =	sshrl.u32 @p0 s17, $0x3;
	s8 =	sadd.s32 s8, s6;
	s9 =	sshrl.u32 s9, $0x2  }
0xb: {  	s10 =	ssub.s32 s19, s10;
	s6 =	sshrl.u32 s6, $0x3;
	s20 =	sadd.s32 s12, s11  }
0xc: {  	s25 =	sadd.s32 s21, s24;
	s21 =	simm.s32 $0x80;
	s24 =	simm.s32 $0x5400  }
0xd: {  	s8 =	sshrl.u32 s8, $0x3;
	s19 =	sadd.s32 s9, s1;
	s22 =	sadd.s32 s7, s6  }
0xe: {  	s23 =	sshrl.u32 s20, $0x3;
	s9 =	sshrl.u32 s25, $0x3;
	s26 =	sor.u32 $0x4000, s25  }
0xf: {  	s30 =	sadd.s32 $0xA0000, s25;
	s31 =	sor.u32 $0xC000, s25;
	s14 =	sor.u32 $0x8000, s25  }
0x10: {  	s15 =	sadd.s32 $0xAC000, s25;
	s20 =	simm.s32 $0x5;
	s4 =	sadd.s32 s7, s8  }
0x11: {  	s5 =	sadd.s32 $0x25080, s22;
	s0 =	sadd.s32 s0, s23;
	s8 =	smax.u32 s10, $0x1  }
0x12: {  	s9 =	sadd.s32 s16, s9;
	s10 =	sshrl.u32 s26, $0x3;
	s11 =	sshrl.u32 s30, $0x3  }
0x13: {  	s13 =	sshrl.u32 s31, $0x3;
	s14 =	sshrl.u32 s14, $0x3;
	s15 =	sshrl.u32 s15, $0x3  }
0x14: {  	s19 =	sshrl.u32 @!p0 s19, $0x3;
	s22 =	simm.s32 $0x1400;
	s23 =	simm.s32 $0x1  }
0x15: {  	s26 =	simm.s32 $0x3;
	s6 =	sadd.s32 $0x5000, s0;
	s7 =	sadd.s32 $0x5280, s0  }
0x16: {  	s10 =	sadd.s32 s16, s10;
	s11 =	sadd.s32 s16, s11;
	s0 =	sadd.s32 $0xA8000, s25  }
0x17: {  	s13 =	sadd.s32 s13, s16;
	s14 =	sadd.s32 s14, s16;
	s0 =	sshrl.u32 s0, $0x3  }
0x18: {  	s15 =	sadd.s32 s15, s16;
	s16 =	sadd.s32 s0, s16;
	s0 =	sshll.u32 @!p0 s2, $0x6  }
0x19: {  	s12 =	sadd.s32 $0x14800, s9;
	s25 =	simm.s32 $0x2;
	s18 =	sor.u32 @!p0 $0x1C05, s0  }
.LBB2_1:
0x1a: {  	s0 =	simm.s32 @p0 $0x1FC5  }
0x1b: {  	[spmem:s17], [sflag:s0] =	dma.local @p0 [hbm:s5], $0x2080  }
0x1c: {  	s0 =	simm.s32 @p0 $0x5  }
0x1d: {  	_ =	swait.ge @p0 [sflag:s0], $0x2080  }
0x1e: {  	[sflag:s0] =	ssyncset.done @p0 $0x0  }
0x1f: {  	[sflag:s0] =	ssyncadd.s32 @p0 $0xFFFFDF80;
	s0 =	simm.s32 @!p0 $0x5  }
0x20: {  	[spmem:s19], [sflag:s18] =	dma.local @!p0 [hbm:s4], $0x2780  }
0x21: {  	_ =	swait.ge @!p0 [sflag:s0], $0x2780  }
0x22: {  	[sflag:s0] =	ssyncset.done @!p0 $0x0  }
0x23: {  	[sflag:s0] =	ssyncadd.s32 @!p0 $0xFFFFD880  }
0x24: {  	[bflag:$0x0] =	sbarrier.arrive $0xFFFF  }
0x25: {  	[tilespmem:s3], [sflag:$0x5] =	stream.linear.gather [hbm4b:s6+s3], $0x1400, $0x38;
	[tilespmem:$0x1CC80] =	vst v63  }
0x26: {  	_ =	swait.ge [sflag:s20], $0x1400  }
0x27: {  	[sflag:s20] =	ssyncset.done $0x0  }
0x28: {  	[sflag:s20] =	ssyncadd.s32 $0xFFFFEC00  }
0x29: {  	[tilespmem:s22], [sflag:$0x1] =	stream.indirect.gather [spmem:s1], $0x80, s3, s21, $0xb8;
	[tilespmem:$0x1CC80] =	vst v63  }
0x2a: {  	_ =	swait.ge [sflag:s23], $0x4000  }
0x2b: {  	[sflag:s23] =	ssyncset.done $0x0  }
0x2c: {  	[sflag:s23] =	ssyncadd.s32 $0xFFFFC000  }
0x2d: {  	[hbm4b:s9+s3] =	stream.linear.scatter [tilespmem:s22], [sflag:$0x3], $0x4000, $0x38;
	[tilespmem:$0x1CC80] =	vst v63  }
0x2e: {  	_ = 	snop  }
0x2f: {  	[tilespmem:s24], [sflag:$0x2] =	stream.indirect.gather [spmem:s1], $0x80, s21, s21, $0xb8;
	[tilespmem:$0x1CC80] =	vst v63  }
0x30: {  	_ =	swait.ge [sflag:s25], $0x4000  }
0x31: {  	[sflag:s25] =	ssyncset.done $0x0  }
0x32: {  	[sflag:s25] =	ssyncadd.s32 $0xFFFFC000  }
0x33: {  	[hbm4b:s10+s3] =	stream.linear.scatter [tilespmem:s24], [sflag:$0x4], $0x4000, $0x38;
	[tilespmem:$0x1CC80] =	vst v63  }
0x34: {  	_ =	swait.ge [sflag:s26], $0x4000  }
0x35: {  	[sflag:s26] =	ssyncset.done $0x0  }
0x36: {  	s2 =	simm.s32 $0x100;
	[sflag:s26] =	ssyncadd.s32 $0xFFFFC000  }
0x37: {  	[tilespmem:s22], [sflag:$0x1] =	stream.indirect.gather [spmem:s1], $0x80, s2, s21, $0xb8;
	[tilespmem:$0x1CC80] =	vst v63  }
0x38: {  	_ =	swait.ge [sflag:s23], $0x4000  }
0x39: {  	[sflag:s23] =	ssyncset.done $0x0  }
0x3a: {  	s2 =	sadd.s32 $0x0, s14;
	[sflag:s23] =	ssyncadd.s32 $0xFFFFC000  }
0x3b: {  	[hbm4b:s2+s3] =	stream.linear.scatter [tilespmem:s22], [sflag:$0x3], $0x4000, $0x38;
	[tilespmem:$0x1CC80] =	vst v63  }
0x3c: {  	_ =	swait.ge [sflag:s28], $0x4000  }
0x3d: {  	[sflag:s28] =	ssyncset.done $0x0  }
0x3e: {  	s2 =	simm.s32 $0x180;
	[sflag:s28] =	ssyncadd.s32 $0xFFFFC000  }
0x3f: {  	[tilespmem:s24], [sflag:$0x2] =	stream.indirect.gather [spmem:s1], $0x80, s2, s21, $0xb8;
	[tilespmem:$0x1CC80] =	vst v63  }
0x40: {  	_ =	swait.ge [sflag:s25], $0x4000  }
0x41: {  	s30 =	simm.s32 $0x1000;
	[sflag:s25] =	ssyncset.done $0x0  }
0x42: {  	s31 =	simm.s32 $0x200;
	s0 =	sadd.s32 $0x0, s13;
	[sflag:s25] =	ssyncadd.s32 $0xFFFFC000  }
.LBB2_2:
0x43: {  	[hbm4b:s0+s3] =	stream.linear.scatter [tilespmem:s24], [sflag:$0x4], $0x4000, $0x38;
	[tilespmem:$0x1CC80] =	vst v63  }
0x44: {  	s0 =	smov.u32 s30  }
0x45: {  	p1 =	sne.s32 s30, $0x12000;
	s30 =	sadd.s32 $0x1000, s30;
	_ =	swait.ge [sflag:s26], $0x4000  }
0x46: {  	[sflag:s26] =	ssyncset.done $0x0  }
0x47: {  	[sflag:s26] =	ssyncadd.s32 $0xFFFFC000  }
0x48: {  	[tilespmem:s22], [sflag:$0x1] =	stream.indirect.gather [spmem:s1], $0x80, s31, s21, $0xb8;
	[tilespmem:$0x1CC80] =	vst v63  }
0x49: {  	_ =	swait.ge [sflag:s23], $0x4000  }
0x4a: {  	[sflag:s23] =	ssyncset.done $0x0  }
0x4b: {  	s2 =	sadd.s32 s0, s14;
	[sflag:s23] =	ssyncadd.s32 $0xFFFFC000  }
0x4c: {  	[hbm4b:s2+s3] =	stream.linear.scatter [tilespmem:s22], [sflag:$0x3], $0x4000, $0x38;
	[tilespmem:$0x1CC80] =	vst v63  }
0x4d: {  	_ =	swait.ge [sflag:s28], $0x4000  }
0x4e: {  	[sflag:s28] =	ssyncset.done $0x0  }
.Ltmp0:
0x4f: {  	s2 =	sadd.s32 $0x80, s31;
	[sflag:s28] =	ssyncadd.s32 $0xFFFFC000;
	(pc) =	sbr.rel @p1 .LBB2_2-.Ltmp0, $4  }
0x50: {  	[tilespmem:s24], [sflag:$0x2] =	stream.indirect.gather [spmem:s1], $0x80, s2, s21, $0xb8;
	[tilespmem:$0x1CC80] =	vst v63  }
0x51: {  	_ =	swait.ge [sflag:s25], $0x4000  }
0x52: {  	[sflag:s25] =	ssyncset.done $0x0  }
0x53: {  	s0 =	sadd.s32 s0, s13;
	s31 =	sadd.s32 $0x100, s31;
	[sflag:s25] =	ssyncadd.s32 $0xFFFFC000  }
0x54: {  	[hbm4b:s0+s3] =	stream.linear.scatter [tilespmem:s24], [sflag:$0x4], $0x4000, $0x38;
	[tilespmem:$0x1CC80] =	vst v63  }
0x55: {  	_ =	swait.ge [sflag:s26], $0x4000  }
0x56: {  	[sflag:s26] =	ssyncset.done $0x0  }
0x57: {  	[sflag:s26] =	ssyncadd.s32 $0xFFFFC000  }
0x58: {  	_ =	swait.ge [sflag:s28], $0x4000  }
0x59: {  	[sflag:s28] =	ssyncset.done $0x0  }
0x5a: {  	s2 =	simm.s32 $0x0;
	[sflag:s28] =	ssyncadd.s32 $0xFFFFC000  }
0x5b: {  	[tilespmem:s2], [sflag:$0x5] =	stream.linear.gather [hbm4b:s7+s2], $0x1400, $0x38;
	[tilespmem:$0x1CC80] =	vst v63  }
0x5c: {  	_ =	swait.ge [sflag:s20], $0x1400  }
0x5d: {  	[sflag:s20] =	ssyncset.done $0x0  }
0x5e: {  	[sflag:s20] =	ssyncadd.s32 $0xFFFFEC00  }
0x5f: {  	[tilespmem:s22], [sflag:$0x1] =	stream.indirect.gather [spmem:s1], $0x80, s2, s21, $0xb8;
	[tilespmem:$0x1CC80] =	vst v63  }
0x60: {  	_ =	swait.ge [sflag:s23], $0x4000  }
0x61: {  	[sflag:s23] =	ssyncset.done $0x0  }
0x62: {  	[sflag:s23] =	ssyncadd.s32 $0xFFFFC000  }
0x63: {  	[hbm4b:s11+s2] =	stream.linear.scatter [tilespmem:s22], [sflag:$0x3], $0x4000, $0x38;
	[tilespmem:$0x1CC80] =	vst v63  }
0x64: {  	_ = 	snop  }
0x65: {  	[tilespmem:s24], [sflag:$0x2] =	stream.indirect.gather [spmem:s1], $0x80, s21, s21, $0xb8;
	[tilespmem:$0x1CC80] =	vst v63  }
0x66: {  	_ =	swait.ge [sflag:s25], $0x4000  }
0x67: {  	[sflag:s25] =	ssyncset.done $0x0  }
0x68: {  	[sflag:s25] =	ssyncadd.s32 $0xFFFFC000  }
0x69: {  	[hbm4b:s12+s2] =	stream.linear.scatter [tilespmem:s24], [sflag:$0x4], $0x4000, $0x38;
	[tilespmem:$0x1CC80] =	vst v63  }
0x6a: {  	_ =	swait.ge [sflag:s26], $0x4000  }
0x6b: {  	[sflag:s26] =	ssyncset.done $0x0  }
0x6c: {  	s2 =	simm.s32 $0x100;
	[sflag:s26] =	ssyncadd.s32 $0xFFFFC000  }
0x6d: {  	[tilespmem:s22], [sflag:$0x1] =	stream.indirect.gather [spmem:s1], $0x80, s2, s21, $0xb8;
	[tilespmem:$0x1CC80] =	vst v63  }
0x6e: {  	_ =	swait.ge [sflag:s23], $0x4000  }
0x6f: {  	[sflag:s23] =	ssyncset.done $0x0  }
0x70: {  	s2 =	sadd.s32 $0x0, s16;
	[sflag:s23] =	ssyncadd.s32 $0xFFFFC000  }
0x71: {  	[hbm4b:s2+s3] =	stream.linear.scatter [tilespmem:s22], [sflag:$0x3], $0x4000, $0x38;
	[tilespmem:$0x1CC80] =	vst v63  }
0x72: {  	_ =	swait.ge [sflag:s28], $0x4000  }
0x73: {  	[sflag:s28] =	ssyncset.done $0x0  }
0x74: {  	s2 =	simm.s32 $0x180;
	[sflag:s28] =	ssyncadd.s32 $0xFFFFC000  }
0x75: {  	[tilespmem:s24], [sflag:$0x2] =	stream.indirect.gather [spmem:s1], $0x80, s2, s21, $0xb8;
	[tilespmem:$0x1CC80] =	vst v63  }
0x76: {  	_ =	swait.ge [sflag:s25], $0x4000  }
0x77: {  	s30 =	simm.s32 $0x1000;
	[sflag:s25] =	ssyncset.done $0x0  }
0x78: {  	s0 =	sadd.s32 $0x0, s15;
	s31 =	simm.s32 $0x200;
	[sflag:s25] =	ssyncadd.s32 $0xFFFFC000  }
.LBB2_4:
0x79: {  	[hbm4b:s0+s3] =	stream.linear.scatter [tilespmem:s24], [sflag:$0x4], $0x4000, $0x38;
	[tilespmem:$0x1CC80] =	vst v63  }
0x7a: {  	s0 =	smov.u32 s30  }
0x7b: {  	p1 =	sne.s32 s30, $0x12000;
	s30 =	sadd.s32 $0x1000, s30;
	_ =	swait.ge [sflag:s26], $0x4000  }
0x7c: {  	[sflag:s26] =	ssyncset.done $0x0  }
0x7d: {  	[sflag:s26] =	ssyncadd.s32 $0xFFFFC000  }
0x7e: {  	[tilespmem:s22], [sflag:$0x1] =	stream.indirect.gather [spmem:s1], $0x80, s31, s21, $0xb8;
	[tilespmem:$0x1CC80] =	vst v63  }
0x7f: {  	_ =	swait.ge [sflag:s23], $0x4000  }
0x80: {  	[sflag:s23] =	ssyncset.done $0x0  }
0x81: {  	s2 =	sadd.s32 s0, s16;
	[sflag:s23] =	ssyncadd.s32 $0xFFFFC000  }
0x82: {  	[hbm4b:s2+s3] =	stream.linear.scatter [tilespmem:s22], [sflag:$0x3], $0x4000, $0x38;
	[tilespmem:$0x1CC80] =	vst v63  }
0x83: {  	_ =	swait.ge [sflag:s28], $0x4000  }
0x84: {  	[sflag:s28] =	ssyncset.done $0x0  }
.Ltmp1:
0x85: {  	s2 =	sadd.s32 $0x80, s31;
	[sflag:s28] =	ssyncadd.s32 $0xFFFFC000;
	(pc) =	sbr.rel @p1 .LBB2_4-.Ltmp1, $4  }
0x86: {  	[tilespmem:s24], [sflag:$0x2] =	stream.indirect.gather [spmem:s1], $0x80, s2, s21, $0xb8;
	[tilespmem:$0x1CC80] =	vst v63  }
0x87: {  	_ =	swait.ge [sflag:s25], $0x4000  }
0x88: {  	[sflag:s25] =	ssyncset.done $0x0  }
0x89: {  	s0 =	sadd.s32 s0, s15;
	s31 =	sadd.s32 $0x100, s31;
	[sflag:s25] =	ssyncadd.s32 $0xFFFFC000  }
0x8a: {  	[hbm4b:s0+s3] =	stream.linear.scatter [tilespmem:s24], [sflag:$0x4], $0x4000, $0x38;
	[tilespmem:$0x1CC80] =	vst v63  }
0x8b: {  	s29 =	sadd.s32 $0x1, s29  }
0x8c: {  	_ =	swait.ge [sflag:s26], $0x4000;
	p1 =	sne.s32 s29, s8  }
.Ltmp2:
0x8d: {  	[sflag:s26] =	ssyncset.done $0x0;
	(pc) =	sbr.rel @p1 .LBB2_1-.Ltmp2, $4  }
0x8e: {  	[sflag:s26] =	ssyncadd.s32 $0xFFFFC000  }
0x8f: {  	_ =	swait.ge [sflag:s28], $0x4000  }
0x90: {  	[sflag:s28] =	ssyncset.done $0x0  }
0x91: {  	[sflag:s28] =	ssyncadd.s32 $0xFFFFC000  }
0x92: {  	_ =	sfence.sel $0x180000  }
0x93: {  	[bflag:$0x0] =	sbarrier.arrive $0xFFFF  }
0x94: {  	_ =	strace $0x9000004A  }
0x95: {  	s0 =	stileid.u32;
	[bflag:$0x2] =	sbarrier.arrive $0xFFFF  }
0x96: {  	p0 =	sne.s32 s0, $0x0;
	s0 =	rddreg [dreg:$0x3]  }
0x97: {  	s0 =	sadd.s32 @!p0 $0x100000, s0  }
0x98: {  	[sflag:s0] =	ssyncadd.tile.s32 @!p0 $0x1;
	_ =	shalt  }
.Lfunc_end2:
_tile_overlayer_lowered:
.L_overlay_start_2:
0x99: {  	(tag) =	ssettag $0x2  }
0x9a: {  	s0 =	rddreg [dreg:$0x0];
	s2 =	stileid.u32  }
0x9b: {  	s1 =	rddreg [dreg:$0x1];
	p0 =	sne.s32 s2, $0x0  }
0x9c: {  	s3 =	rddreg [dreg:$0x2];
	[bflag:$0x3] =	sbarrier.arrive $0xFFFF;
	s2 =	simm.s32 @!p0 $0x1C05  }
0x9d: {  	[timem:s3], [sflag:s2] =	dma.local @!p0 [hbm:s0], s1  }
0x9e: {  	s0 =	simm.s32 @!p0 $0x5  }
0x9f: {  	_ =	swait.ge @!p0 [sflag:s0], s1  }
0xa0: {  	s1 =	ssub.s32 @!p0 $0x0, s1;
	[sflag:s0] =	ssyncset.done @!p0 $0x0  }
0xa1: {  	[sflag:s0] =	ssyncadd.s32 @!p0 s1  }
0xa2: {  	[bflag:$0x3] =	sbarrier.arrive $0xFFFF  }
0xa3: {  	_ =	shalt  }

// kernel: kernel.26.cloned.1.call-start
scs
__scs_entry_jumppad:
0x0: {  	(pc) =	sbr.rel $0x88, $3  }
0x1: {  	(tag) =	ssettag $0x0;
	lr =	simm.s32 $0x1  }
0x2: {  	[smem:$0x3F8F] =	sst lr;
	_ =	strace $0xD0000000  }
0x3: {  	_ = 	snop  }
0x4: {  	_ = 	snop  }
0x5: {  	_ = 	snop  }
0x6: {  	_ = 	snop  }
0x7: {  	_ = 	snop  }
__scs_overlays_trampoline_lowered:
0x8: {  	[smem:$0x3F9E] =	sst s0  }
0x9: {  	[smem:$0x3F9F] =	sst s1  }
0xa: {  	[smem:$0x3FA0] =	sst s2  }
0xb: {  	[smem:$0x3FA1] =	sst s3  }
0xc: {  	[smem:$0x3FA2] =	sst s4  }
0xd: {  	[smem:$0x3FA3] =	sst s5  }
0xe: {  	[smem:$0x3FA4] =	sst s6  }
0xf: {  	[smem:$0x3FA5] =	sst s7  }
0x10: {  	[smem:$0x3FA6] =	sst s8  }
0x11: {  	[smem:$0x3FA7] =	sst s9;
	s0 =	simm.s32 @!p0 $0x0  }
0x12: {  	s1 =	sld [smem:$0x3F8D];
	s0 =	simm.s32 @p0 $0x1  }
0x13: {  	[smem:$0x3FA8] =	sst s0;
	s0 =	simm.s32 @!p1 $0x0  }
0x14: {  	s2 =	sld [smem:$0x3F8C];
	s0 =	simm.s32 @p1 $0x1  }
0x15: {  	[smem:$0x3FA9] =	sst s0;
	s0 =	simm.s32 @!p2 $0x0  }
0x16: {  	s3 =	sld [smem:$0x3FDB];
	s0 =	simm.s32 @p2 $0x1  }
0x17: {  	s4 =	simm.s32 $0x1BF5;
	[smem:$0x3FAB] =	sst s0  }
0x18: {  	s0 =	sld [smem:$0x3F8E];
	_ =	swait.ge [sflag:s4], $0x0  }
0x19: {  	s7 =	sld [smem:$0x3F8F]  }
0x1a: {  	s8 =	sadd.s32 $0xFFFFE003, lr  }
0x1b: {  	s9 =	sadd.s32 $0xFFFFFEF7, lr;
	s5 =	simm.s32 $0xFFFFFFFF;
	p2 =	slt.u32 s8, $0xFFFFF086  }
0x1c: {  	p1 =	slt.u32 s9, $0xF7A;
	s5 =	simm.s32 @!p2 $0x0  }
0x1d: {  	s5 =	simm.s32 @p1 $0x1;
	p0 =	seq.s32 s7, s2  }
0x1e: {  	s7 =	smul.u32 @!p0 $0xF7A, s2;
	p2 =	seq.s32 @!p0 s5, $0x0  }
0x1f: {  	s9 =	smul.u32 $0xF7A, s1;
	s8 =	simm.s32 @!p0 $0x1BF5;
	p2 =	por !p2, p0  }
0x20: {  	[sflag:s8] =	ssyncset.s32 @!p0 $0xFFFFF086;
	s6 =	sadd.s32 @!p0 s3, s7;
	s7 =	simm.s32 @!p0 $0x108  }
0x21: {  	s3 =	sadd.s32 s3, s9;
	s6 =	sadd.s32 @!p0 $0x88, s6;
	s7 =	simm.s32 @p2 $0x1082  }
0x22: {  	[simem:s7], [sflag:s8] =	dma.local @!p0 [hbm:s6], $0xF7A  }
0x23: {  	s9 =	sor.u32 $0xD0000000, s2;
	s6 =	simm.s32 $0x108;
	_ =	swait.ge @!p0 [sflag:s8], $0x0  }
0x24: {  	s3 =	sadd.s32 $0x88, s3;
	s6 =	simm.s32 @!p1 $0x1082;
	[sflag:s4] =	ssyncset.s32 $0xFFFFF086  }
0x25: {  	[simem:s6], [sflag:s4] =	dma.local [hbm:s3], $0xF7A  }
0x26: {  	[smem:$0x3F8F] =	sst s1;
	(tag) =	ssettag s2;
	_ =	strace s9  }
0x27: {  	s1 =	sld [smem:$0x3F9F]  }
0x28: {  	s2 =	sld [smem:$0x3FA0]  }
0x29: {  	s4 =	sld [smem:$0x3FA2]  }
0x2a: {  	p0 =	seq.s32 s5, $0x0;
	s5 =	sld [smem:$0x3FA3]  }
0x2b: {  	s6 =	sld [smem:$0x3FA4]  }
0x2c: {  	s7 =	sld [smem:$0x3FA5]  }
0x2d: {  	s3 =	simm.s32 $0x108;
	s8 =	sld [smem:$0x3FA6]  }
0x2e: {  	s3 =	simm.s32 @!p0 $0x1082;
	s9 =	sld [smem:$0x3FA7]  }
0x2f: {  	lr =	sadd.s32 s0, s3;
	s0 =	sld [smem:$0x3F9E]  }
0x30: {  	s3 =	sld [smem:$0x3FA1]  }
0x31: {  	[smem:$0x3FAA] =	sst s10  }
0x32: {  	s10 =	sld [smem:$0x3FA8];
	_ =	sdelay $0x3  }
0x33: {  	p0 =	seq.s32 s10, $0x1;
	s10 =	sld [smem:$0x3FAA];
	_ =	sdelay $0x3  }
0x34: {  	[smem:$0x3FAA] =	sst s10  }
0x35: {  	s10 =	sld [smem:$0x3FA9];
	_ =	sdelay $0x3  }
0x36: {  	p1 =	seq.s32 s10, $0x1;
	s10 =	sld [smem:$0x3FAA];
	_ =	sdelay $0x3  }
0x37: {  	[smem:$0x3FAA] =	sst s10  }
0x38: {  	s10 =	sld [smem:$0x3FAB]  }
0x39: {  	_ = 	snop;
	(pc) =	sbr.ind lr, $3  }
0x3a: {  	_ = 	snop  }
0x3b: {  	_ = 	snop  }
0x3c: {  	p2 =	seq.s32 s10, $0x1;
	s10 =	sld [smem:$0x3FAA]  }
0x3d: {  	_ =	shalt  }
0x3e: {  	_ =	shalt  }
0x3f: {  	_ =	shalt  }
0x40: {  	_ =	shalt  }
0x41: {  	_ =	shalt  }
0x42: {  	_ =	shalt  }
0x43: {  	_ =	shalt  }
0x44: {  	_ =	shalt  }
0x45: {  	_ =	shalt  }
0x46: {  	_ =	shalt  }
0x47: {  	_ =	shalt  }
0x48: {  	_ =	shalt  }
0x49: {  	_ =	shalt  }
0x4a: {  	_ =	shalt  }
0x4b: {  	_ =	shalt  }
0x4c: {  	_ =	shalt  }
0x4d: {  	_ =	shalt  }
0x4e: {  	_ =	shalt  }
0x4f: {  	_ =	shalt  }
0x50: {  	_ =	shalt  }
0x51: {  	_ =	shalt  }
0x52: {  	_ =	shalt  }
0x53: {  	_ =	shalt  }
0x54: {  	_ =	shalt  }
0x55: {  	_ =	shalt  }
0x56: {  	_ =	shalt  }
0x57: {  	_ =	shalt  }
0x58: {  	_ =	shalt  }
0x59: {  	_ =	shalt  }
0x5a: {  	_ =	shalt  }
0x5b: {  	_ =	shalt  }
0x5c: {  	_ =	shalt  }
0x5d: {  	_ =	shalt  }
0x5e: {  	_ =	shalt  }
0x5f: {  	_ =	shalt  }
0x60: {  	_ =	shalt  }
0x61: {  	_ =	shalt  }
0x62: {  	_ =	shalt  }
0x63: {  	_ =	shalt  }
0x64: {  	_ =	shalt  }
0x65: {  	_ =	shalt  }
0x66: {  	_ =	shalt  }
0x67: {  	_ =	shalt  }
0x68: {  	_ =	shalt  }
0x69: {  	_ =	shalt  }
0x6a: {  	_ =	shalt  }
0x6b: {  	_ =	shalt  }
0x6c: {  	_ =	shalt  }
0x6d: {  	_ =	shalt  }
0x6e: {  	_ =	shalt  }
0x6f: {  	_ =	shalt  }
0x70: {  	_ =	shalt  }
0x71: {  	_ =	shalt  }
0x72: {  	_ =	shalt  }
0x73: {  	_ =	shalt  }
0x74: {  	_ =	shalt  }
0x75: {  	_ =	shalt  }
0x76: {  	_ =	shalt  }
0x77: {  	_ =	shalt  }
0x78: {  	_ =	shalt  }
0x79: {  	_ =	shalt  }
0x7a: {  	_ =	shalt  }
0x7b: {  	_ =	shalt  }
0x7c: {  	_ =	shalt  }
0x7d: {  	_ =	shalt  }
0x7e: {  	_ =	shalt  }
0x7f: {  	_ =	shalt  }
0x80: {  	_ =	shalt  }
0x81: {  	_ =	shalt  }
0x82: {  	_ =	shalt  }
0x83: {  	_ =	shalt  }
0x84: {  	_ =	shalt  }
0x85: {  	_ =	shalt  }
0x86: {  	_ =	shalt  }
0x87: {  	_ =	shalt  }
.Lfunc_end0:
.L_simem_size_0:
called_computation.3_lowered:
.L_overlay_start_0:
0x88: {  	s2 =	sld [smem:$0x3FD9]  }
0x89: {  	s3 =	sld [smem:$0x3FFE];
	_ =	sdelay $0x1  }
0x8a: {  	s1 =	srdreg.scid  }
0x8b: {  	s0 =	sand.u32 $0x1, s1  }
0x8c: {  	s17 =	sshll.u32 s0, $0xA;
	s2 =	sadd.s32 s3, s2  }
0x8d: {  	s2 =	sadd.s32 s2, s17  }
0x8e: {  	[smem:$0x3FB6] =	sst s2  }
0x8f: {  	_ = 	snop  }
0x90: {  	(tm) =	ssettm $0x1  }
0x91: {  	s18 =	sld [smem:$0x3FFB];
	_ =	sdelay $0x3  }
0x92: {  	_ =	strace s18  }
0x93: {  	s2 =	sld [smem:$0x3FFC];
	_ =	sdelay $0x3  }
0x94: {  	_ =	strace s2  }
0x95: {  	s2 =	sld [smem:$0x3FFD];
	_ =	sdelay $0x3  }
0x96: {  	_ =	strace s2  }
0x97: {  	_ =	strace $0x8FFFFFFF  }
0x98: {  	s19 =	sld [smem:$0x3FDB];
	_ =	sdelay $0x1  }
0x99: {  	s20 =	simm.s32 $_scs_section_size  }
0x9a: {  	s4 =	simm.s32 $_size__tile_overlayer_lowered;
	s5 =	simm.s32 $_tile_overlayer_lowered  }
0x9b: {  	s6 =	simm.s32 $0x1BFF;
	s21 =	sshll.u32 s5, $0x1;
	s3 =	sadd.s32 s20, s19  }
0x9c: {  	s22 =	simm.s32 $0x0;
	s4 =	sshll.u32 s4, $0x1;
	s5 =	sadd.s32 s21, s3  }
0x9d: {  	[timem:s22], [sflag:s6] =	dma.local [hbm:s5], s4  }
0x9e: {  	_ =	swait.ge [sflag:s6], s4  }
0x9f: {  	s4 =	ssub.s32 $0x0, s4;
	[sflag:s6] =	ssyncset.done $0x0  }
0xa0: {  	[sflag:s6] =	ssyncadd.s32 s4;
	_ =	sdelay $0x1  }
0xa1: {  	s23 =	simm.s32 $0x1B8B  }
0xa2: {  	_ =	swait.ge [sflag:s23], $0x1  }
0xa3: {  	[sflag:s23] =	ssyncset.done $0x0  }
0xa4: {  	[sflag:s23] =	ssyncadd.s32 $0xFFFFFFFF  }
0xa5: {  	s4 =	sld [smem:$0x0]  }
0xa6: {  	s5 =	sand.u32 $0xFFFFFFFE, s1  }
0xa7: {  	p0 =	sne.s32 s1, s5  }
0xa8: {  	s5 =	sshll.u32 @p0 s5, $0xE  }
0xa9: {  	s5 =	sadd.s32 @p0 $0x11B8D, s5;
	s6 =	sshll.u32 @p0 s4, $0x11  }
0xaa: {  	s5 =	sor.u32 @p0 s6, s5  }
0xab: {  	[sflag:s5] =	ssyncadd.remote.s32 @p0 $0x1;
	_ =	sdelay $0x1  }
0xac: {  	s5 =	simm.s32 @p0 $0x1B8D  }
0xad: {  	_ =	swait.eq @p0 [sflag:s5], $0x1  }
0xae: {  	[sflag:s5] =	ssyncadd.s32 @p0 $0xFFFFFFFF  }
0xaf: {  	s6 =	sshll.u32 @!p0 s1, $0xE  }
0xb0: {  	s6 =	sor.u32 @!p0 $0x4000, s6;
	s5 =	simm.s32 @!p0 $0x1B8D  }
0xb1: {  	s4 =	sshll.u32 @!p0 s4, $0x11;
	s6 =	sadd.s32 @!p0 $0x11B8D, s6;
	_ =	swait.eq @!p0 [sflag:s5], $0x1  }
0xb2: {  	s4 =	sor.u32 @!p0 s4, s6;
	[sflag:s5] =	ssyncadd.s32 @!p0 $0xFFFFFFFF  }
0xb3: {  	s25 =	simm.s32 $0x1B8E;
	s24 =	sld [smem:$0x3FFE];
	[sflag:s4] =	ssyncadd.remote.s32 @!p0 $0x1  }
0xb4: {  	s26 =	simm.s32 $execute0_lowered;
	[smem:$0x3FD2] =	sst s25  }
0xb5: {  	s5 =	sshll.u32 s26, $0x1;
	_ =	strace $0x8000004F;
	[dreg:$0x1] =	wrdreg $0xFFFFFFFF  }
0xb6: {  	s28 =	simm.s32 $_size_execute0_lowered;
	s3 =	sadd.s32 s3, s5;
	[dreg:$0x0] =	wrdreg $0x0  }
0xb7: {  	s5 =	sshll.u32 s28, $0x1;
	[dreg:$0x2] =	wrdreg s3  }
0xb8: {  	[dreg:$0x3] =	wrdreg s5  }
0xb9: {  	[dreg:$0x4] =	wrdreg $0xC0  }
0xba: {  	_ =	task [dreg:s22], $0x5FFFF  }
0xbb: {  	[dreg:$0x1] =	wrdreg $0xFFFFFFFF  }
0xbc: {  	[dreg:$0x0] =	wrdreg $0x60  }
0xbd: {  	[dreg:$0x2] =	wrdreg s24  }
0xbe: {  	[dreg:$0x3] =	wrdreg $0x94000  }
0xbf: {  	[dreg:$0x4] =	wrdreg $0xA  }
0xc0: {  	_ =	task.clear_ibuf [dreg:s22], $0x5FFFF;
	_ =	strace $0x9000004F  }
0xc1: {  	s29 =	simm.s32 $0xA;
	_ =	strace $0x80000051  }
0xc2: {  	_ =	swait.ge [sflag:s29], $0x1  }
0xc3: {  	[sflag:s29] =	ssyncadd.s32 $0xFFFFFFFF  }
0xc4: {  	_ =	strace $0x90000051  }
0xc5: {  	_ =	sfence  }
0xc6: {  	s30 =	sld [smem:$0x0];
	_ =	sdelay $0x2  }
0xc7: {  	s31 =	sshll.u32 s1, $0xD;
	s1 =	sshrl.u32 s1, $0x2  }
0xc8: {  	s4 =	sand.u32 $0x4000, s31;
	s1 =	sadd.s32 s1, s30  }
0xc9: {  	s0 =	sor.u32 s4, s0;
	s1 =	sshll.u32 s1, $0x11  }
0xca: {  	s0 =	sor.u32 s1, s0  }
0xcb: {  	s0 =	sadd.s32 $0x8F2B, s0  }
0xcc: {  	[sflag:s0] =	ssyncadd.remote.s32 $0x1  }
0xcd: {  	_ =	sfence.sel $0xFFFF  }
0xce: {  	[dreg:$0x0] =	wrdreg $0xFFFFFFFF;
	(pc) =	sbr.abs _section_cstart, $3  }
0xcf: {  	[dreg:$0x1] =	wrdreg $0xFFFFFFFF  }
0xd0: {  	_ =	task.clear_ibuf [dreg:s22], $0x2FFFF;
	_ =	strace $0x9FFFFFFF  }
0xd1: {  	(tm) =	ssettm $0x7FFFFFFF  }
tec
execute0_lowered:
.L_overlay_start_1:
0x0: {  	(tag) =	ssettag $0x1  }
0x1: {  	s4 =	rddreg [dreg:$0x0]  }
0x2: {  	s0 =	srdreg.scid;
	s2 =	rddreg [dreg:$0x1]  }
0x3: {  	s1 =	rddreg [dreg:$0x2];
	s7 =	sand.u32 $0x1, s0  }
0x4: {  	s3 =	simm.s32 $0x0;
	s0 =	stileid.u32;
	s5 =	smul.u32 $0x280, s7  }
0x5: {  	s16 =	simm.s32 $0x3;
	s17 =	simm.s32 $0x5400;
	s6 =	smul.u32 $0x28, s0  }
0x6: {  	s18 =	simm.s32 $0x1;
	s19 =	simm.s32 $0x80;
	s26 =	smul.u32 $0x13C000, s7  }
0x7: {  	s20 =	simm.s32 $0x2;
	s21 =	simm.s32 $0x1300;
	s9 =	smul.u32 $0x13C00, s0  }
0x8: {  	s22 =	simm.s32 $0x1380;
	s23 =	simm.s32 $0x0;
	s28 =	smul.u32 $0x4F000, s0  }
0x9: {  	[smem:$0x7FF] =	sst s3;
	s11 =	sadd.s32 $0xABC00, s4;
	s30 =	smul.u32 $0x140000, s7  }
0xa: {  	_ =	strace $0x80000050;
	s29 =	ssub.s32 $0x2, s7;
	s15 =	smul.u32 $0x14000, s0  }
0xb: {  	s12 =	sshrl.u32 s29, $0x1;
	s8 =	sadd.s32 s6, s5;
	s5 =	sadd.s32 s9, s26  }
0xc: {  	s14 =	ssub.s32 s29, s12;
	s12 =	sadd.s32 s30, s11;
	s6 =	sshll.u32 s8, $0x4  }
0xd: {  	s5 =	sshrl.u32 s5, $0x3;
	s31 =	sshll.u32 s8, $0xB;
	s15 =	sadd.s32 s15, s12  }
0xe: {  	s10 =	sadd.s32 s6, s4;
	s6 =	sshrl.u32 s28, $0x2;
	s13 =	sadd.s32 s5, s4  }
0xf: {  	s9 =	sadd.s32 s11, s31;
	s4 =	sadd.s32 s6, s2;
	s10 =	sadd.s32 $0x9A00, s10  }
0x10: {  	s11 =	sadd.s32 $0x800, s9;
	s12 =	sadd.s32 $0x32BC00, s13;
	s13 =	smax.u32 s14, $0x1  }
0x11: {  	s14 =	sadd.s32 $0x1800, s15;
	s15 =	simm.s32 $0x1400;
	s5 =	sadd.s32 $0x4000, s4  }
0x12: {  	v0 =	vimm.f32 $0.0e+00;
	s6 =	sadd.s32 $0x8000, s4;
	s7 =	sadd.s32 $0xC000, s4;
	s8 =	sadd.s32 $0x10000, s4  }
.LBB2_1:
0x13: {  	s24 =	simm.s32 $0x0;
	s25 =	simm.s32 $0x200  }
.LBB2_2:
0x14: {  	p0 =	sne.s32 s25, $0xFE00;
	[tilespmem:s24+$0x1470] =	vst v0  }
0x15: {  	[tilespmem:s24+$0x1400] =	vst v0  }
0x16: {  	[tilespmem:s24+$0x1410] =	vst v0  }
.Ltmp0:
0x17: {  	[tilespmem:s24+$0x1420] =	vst v0;
	(pc) =	sbr.rel @p0 .LBB2_2-.Ltmp0, $4  }
0x18: {  	[tilespmem:s24+$0x1430] =	vst v0  }
0x19: {  	[tilespmem:s24+$0x1440] =	vst v0  }
0x1a: {  	[tilespmem:s24+$0x1450] =	vst v0  }
0x1b: {  	[tilespmem:s24+$0x1460] =	vst v0;
	s24 =	sshra.s32 s25, $0x2;
	s25 =	sadd.s32 $0x200, s25  }
0x1c: {  	[tilespmem:s24+$0x1470] =	vst v0  }
0x1d: {  	[tilespmem:s24+$0x1400] =	vst v0  }
0x1e: {  	[tilespmem:s24+$0x1410] =	vst v0  }
0x1f: {  	[tilespmem:s24+$0x1420] =	vst v0  }
0x20: {  	[tilespmem:s24+$0x1430] =	vst v0  }
0x21: {  	[tilespmem:s24+$0x1440] =	vst v0  }
0x22: {  	[tilespmem:s24+$0x1450] =	vst v0  }
0x23: {  	[tilespmem:s24+$0x1460] =	vst v0  }
0x24: {  	[spmem:s4] =	stream.linear.scatter [tilespmem:s15], [sflag:$0x3], $0x4000, $0x38;
	[tilespmem:$0x1D000] =	vst v63  }
0x25: {  	_ =	swait.ge [sflag:s16], $0x4000  }
0x26: {  	[sflag:s16] =	ssyncset.done $0x0  }
0x27: {  	[sflag:s16] =	ssyncadd.s32 $0xFFFFC000  }
0x28: {  	[spmem:s5] =	stream.linear.scatter [tilespmem:s15], [sflag:$0x3], $0x4000, $0x38;
	[tilespmem:$0x1D000] =	vst v63  }
0x29: {  	_ =	swait.ge [sflag:s16], $0x4000  }
0x2a: {  	[sflag:s16] =	ssyncset.done $0x0  }
0x2b: {  	[sflag:s16] =	ssyncadd.s32 $0xFFFFC000  }
0x2c: {  	[spmem:s6] =	stream.linear.scatter [tilespmem:s15], [sflag:$0x3], $0x4000, $0x38;
	[tilespmem:$0x1D000] =	vst v63  }
0x2d: {  	_ =	swait.ge [sflag:s16], $0x4000  }
0x2e: {  	[sflag:s16] =	ssyncset.done $0x0  }
0x2f: {  	[sflag:s16] =	ssyncadd.s32 $0xFFFFC000  }
0x30: {  	[spmem:s7] =	stream.linear.scatter [tilespmem:s15], [sflag:$0x3], $0x4000, $0x38;
	[tilespmem:$0x1D000] =	vst v63  }
0x31: {  	_ =	swait.ge [sflag:s16], $0x4000  }
0x32: {  	[sflag:s16] =	ssyncset.done $0x0  }
0x33: {  	[sflag:s16] =	ssyncadd.s32 $0xFFFFC000  }
0x34: {  	[spmem:s8] =	stream.linear.scatter [tilespmem:s15], [sflag:$0x3], $0x3C00, $0x38;
	[tilespmem:$0x1D000] =	vst v63  }
0x35: {  	_ =	swait.ge [sflag:s16], $0x3C00  }
0x36: {  	[sflag:s16] =	ssyncset.done $0x0  }
0x37: {  	[sflag:s16] =	ssyncadd.s32 $0xFFFFC400  }
0x38: {  	s28 =	simm.s32 $0x0;
	[bflag:$0x0] =	sbarrier.arrive $0xFFFF  }
0x39: {  	[tilespmem:s28], [sflag:$0x3] =	stream.linear.gather [hbm4b:s10+s28], $0x1400, $0x38;
	[tilespmem:$0x1D000] =	vst v63  }
0x3a: {  	_ =	swait.ge [sflag:s16], $0x1400  }
0x3b: {  	[sflag:s16] =	ssyncset.done $0x0  }
0x3c: {  	[sflag:s16] =	ssyncadd.s32 $0xFFFFEC00  }
0x3d: {  	[tilespmem:s15], [sflag:$0x1] =	stream.linear.gather [hbm4b:s9+s28], $0x4000, $0x38;
	[tilespmem:$0x1D000] =	vst v63  }
0x3e: {  	_ = 	snop  }
0x3f: {  	[tilespmem:s17], [sflag:$0x2] =	stream.linear.gather [hbm4b:s11+s28], $0x4000, $0x38;
	[tilespmem:$0x1D000] =	vst v63  }
0x40: {  	_ =	swait.ge [sflag:s18], $0x4000  }
0x41: {  	[sflag:s18] =	ssyncset.done $0x0  }
0x42: {  	s29 =	simm.s32 $0x0;
	[sflag:s18] =	ssyncadd.s32 $0xFFFFC000  }
0x43: {  	[spmem:s2] =	stream.indirect.scatter.add.f32 [tilespmem:s15], [sflag:$0x3], $0x80, s29, s19, $0xb8;
	[tilespmem:$0x1D000] =	vst v63  }
0x44: {  	_ =	swait.ge [sflag:s16], $0x4000  }
0x45: {  	[sflag:s16] =	ssyncset.done $0x0  }
0x46: {  	s30 =	sadd.s32 $0xFFFFF800, s14;
	[sflag:s16] =	ssyncadd.s32 $0xFFFFC000  }
0x47: {  	[tilespmem:s15], [sflag:$0x1] =	stream.linear.gather [hbm4b:s30+s3], $0x4000, $0x38;
	[tilespmem:$0x1D000] =	vst v63  }
0x48: {  	_ =	swait.ge [sflag:s20], $0x4000  }
0x49: {  	[sflag:s20] =	ssyncset.done $0x0  }
0x4a: {  	s31 =	simm.s32 $0x80;
	[sflag:s20] =	ssyncadd.s32 $0xFFFFC000  }
0x4b: {  	[spmem:s2] =	stream.indirect.scatter.add.f32 [tilespmem:s17], [sflag:$0x3], $0x80, s31, s19, $0xb8;
	[tilespmem:$0x1D000] =	vst v63  }
0x4c: {  	_ =	swait.ge [sflag:s16], $0x4000  }
0x4d: {  	s24 =	simm.s32 $0x400;
	[sflag:s16] =	ssyncset.done $0x0  }
0x4e: {  	s25 =	sadd.s32 $0x1000, s14;
	s26 =	smov.u32 s14;
	[sflag:s16] =	ssyncadd.s32 $0xFFFFC000  }
.LBB2_4:
0x4f: {  	[tilespmem:s17], [sflag:$0x2] =	stream.linear.gather [hbm4b:s26+s3], $0x4000, $0x38;
	[tilespmem:$0x1D000] =	vst v63  }
0x50: {  	s28 =	smov.u32 s24;
	s26 =	smov.u32 s25  }
0x51: {  	p0 =	sne.s32 s24, $0x4800;
	s24 =	sadd.s32 $0x400, s24;
	_ =	swait.ge [sflag:s18], $0x4000  }
0x52: {  	[sflag:s18] =	ssyncset.done $0x0  }
0x53: {  	s28 =	sshra.s32 s28, $0x2;
	[sflag:s18] =	ssyncadd.s32 $0xFFFFC000  }
0x54: {  	[spmem:s2] =	stream.indirect.scatter.add.f32 [tilespmem:s15], [sflag:$0x3], $0x80, s28, s19, $0xb8;
	[tilespmem:$0x1D000] =	vst v63  }
0x55: {  	_ =	swait.ge [sflag:s16], $0x4000  }
0x56: {  	[sflag:s16] =	ssyncset.done $0x0  }
0x57: {  	s29 =	sadd.s32 $0xFFFFF800, s25;
	[sflag:s16] =	ssyncadd.s32 $0xFFFFC000  }
0x58: {  	[tilespmem:s15], [sflag:$0x1] =	stream.linear.gather [hbm4b:s29+s3], $0x4000, $0x38;
	[tilespmem:$0x1D000] =	vst v63  }
0x59: {  	_ =	swait.ge [sflag:s20], $0x4000  }
0x5a: {  	[sflag:s20] =	ssyncset.done $0x0  }
.Ltmp1:
0x5b: {  	s28 =	sadd.s32 $0x80, s28;
	[sflag:s20] =	ssyncadd.s32 $0xFFFFC000;
	(pc) =	sbr.rel @p0 .LBB2_4-.Ltmp1, $4  }
0x5c: {  	[spmem:s2] =	stream.indirect.scatter.add.f32 [tilespmem:s17], [sflag:$0x3], $0x80, s28, s19, $0xb8;
	[tilespmem:$0x1D000] =	vst v63  }
0x5d: {  	_ =	swait.ge [sflag:s16], $0x4000  }
0x5e: {  	[sflag:s16] =	ssyncset.done $0x0  }
0x5f: {  	s25 =	sadd.s32 $0x1000, s25;
	[sflag:s16] =	ssyncadd.s32 $0xFFFFC000  }
0x60: {  	[tilespmem:s17], [sflag:$0x2] =	stream.linear.gather [hbm4b:s26+s3], $0x4000, $0x38;
	[tilespmem:$0x1D000] =	vst v63  }
0x61: {  	_ =	swait.ge [sflag:s18], $0x4000  }
0x62: {  	[sflag:s18] =	ssyncset.done $0x0  }
0x63: {  	[sflag:s18] =	ssyncadd.s32 $0xFFFFC000  }
0x64: {  	[spmem:s2] =	stream.indirect.scatter.add.f32 [tilespmem:s15], [sflag:$0x3], $0x80, s21, s19, $0xb8;
	[tilespmem:$0x1D000] =	vst v63  }
0x65: {  	_ =	swait.ge [sflag:s16], $0x4000  }
0x66: {  	[sflag:s16] =	ssyncset.done $0x0  }
0x67: {  	[sflag:s16] =	ssyncadd.s32 $0xFFFFC000  }
0x68: {  	_ =	swait.ge [sflag:s20], $0x4000  }
0x69: {  	[sflag:s20] =	ssyncset.done $0x0  }
0x6a: {  	[sflag:s20] =	ssyncadd.s32 $0xFFFFC000  }
0x6b: {  	[spmem:s2] =	stream.indirect.scatter.add.f32 [tilespmem:s17], [sflag:$0x3], $0x80, s22, s19, $0xb8;
	[tilespmem:$0x1D000] =	vst v63  }
0x6c: {  	_ =	swait.ge [sflag:s16], $0x4000  }
0x6d: {  	s24 =	sshll.u32 s0, $0x6;
	s23 =	sadd.s32 $0x1, s23;
	[sflag:s16] =	ssyncset.done $0x0  }
0x6e: {  	s25 =	sshrl.u32 s4, $0x3;
	p0 =	sne.s32 s23, s13;
	[sflag:s16] =	ssyncadd.s32 $0xFFFFC000  }
.Ltmp2:
0x6f: {  	s24 =	sor.u32 $0x1C03, s24;
	[bflag:$0x0] =	sbarrier.arrive $0xFFFF;
	(pc) =	sbr.rel @p0 .LBB2_1-.Ltmp2, $4  }
0x70: {  	[hbm:s12], [sflag:s24] =	dma.local [spmem:s25], $0x2780  }
0x71: {  	_ =	swait.ge [sflag:s16], $0x2780  }
0x72: {  	[sflag:s16] =	ssyncset.done $0x0  }
0x73: {  	[sflag:s16] =	ssyncadd.s32 $0xFFFFD880  }
0x74: {  	_ =	sfence.sel $0x180000  }
0x75: {  	[bflag:$0x0] =	sbarrier.arrive $0xFFFF  }
0x76: {  	p0 =	sne.s32 s0, $0x0;
	_ =	strace $0x90000050  }
0x77: {  	s0 =	sadd.s32 @!p0 $0x100000, s1;
	[bflag:$0x2] =	sbarrier.arrive $0xFFFF  }
0x78: {  	[sflag:s0] =	ssyncadd.tile.s32 @!p0 $0x1;
	_ =	shalt  }
.Lfunc_end2:
_tile_overlayer_lowered:
.L_overlay_start_2:
0x79: {  	(tag) =	ssettag $0x2  }
0x7a: {  	s0 =	rddreg [dreg:$0x0];
	s2 =	stileid.u32  }
0x7b: {  	s1 =	rddreg [dreg:$0x1];
	p0 =	sne.s32 s2, $0x0  }
0x7c: {  	s3 =	rddreg [dreg:$0x2];
	[bflag:$0x3] =	sbarrier.arrive $0xFFFF;
	s2 =	simm.s32 @!p0 $0x1C03  }
0x7d: {  	[timem:s3], [sflag:s2] =	dma.local @!p0 [hbm:s0], s1  }
0x7e: {  	s0 =	simm.s32 @!p0 $0x3  }
0x7f: {  	_ =	swait.ge @!p0 [sflag:s0], s1  }
0x80: {  	s1 =	ssub.s32 @!p0 $0x0, s1;
	[sflag:s0] =	ssyncset.done @!p0 $0x0  }
0x81: {  	[sflag:s0] =	ssyncadd.s32 @!p0 s1  }
0x82: {  	[bflag:$0x3] =	sbarrier.arrive $0xFFFF  }
0x83: {  	_ =	shalt  }

// kernel: kernel.29.cloned.1.call-start
scs
__scs_entry_jumppad:
0x0: {  	(pc) =	sbr.rel $0x88, $3  }
0x1: {  	(tag) =	ssettag $0x0;
	lr =	simm.s32 $0x1  }
0x2: {  	[smem:$0x3F8F] =	sst lr;
	_ =	strace $0xD0000000  }
0x3: {  	_ = 	snop  }
0x4: {  	_ = 	snop  }
0x5: {  	_ = 	snop  }
0x6: {  	_ = 	snop  }
0x7: {  	_ = 	snop  }
__scs_overlays_trampoline_lowered:
0x8: {  	[smem:$0x3F9E] =	sst s0  }
0x9: {  	[smem:$0x3F9F] =	sst s1  }
0xa: {  	[smem:$0x3FA0] =	sst s2  }
0xb: {  	[smem:$0x3FA1] =	sst s3  }
0xc: {  	[smem:$0x3FA2] =	sst s4  }
0xd: {  	[smem:$0x3FA3] =	sst s5  }
0xe: {  	[smem:$0x3FA4] =	sst s6  }
0xf: {  	[smem:$0x3FA5] =	sst s7  }
0x10: {  	[smem:$0x3FA6] =	sst s8  }
0x11: {  	[smem:$0x3FA7] =	sst s9;
	s0 =	simm.s32 @!p0 $0x0  }
0x12: {  	s1 =	sld [smem:$0x3F8D];
	s0 =	simm.s32 @p0 $0x1  }
0x13: {  	[smem:$0x3FA8] =	sst s0;
	s0 =	simm.s32 @!p1 $0x0  }
0x14: {  	s2 =	sld [smem:$0x3F8C];
	s0 =	simm.s32 @p1 $0x1  }
0x15: {  	[smem:$0x3FA9] =	sst s0;
	s0 =	simm.s32 @!p2 $0x0  }
0x16: {  	s3 =	sld [smem:$0x3FDB];
	s0 =	simm.s32 @p2 $0x1  }
0x17: {  	s4 =	simm.s32 $0x1BF5;
	[smem:$0x3FAB] =	sst s0  }
0x18: {  	s0 =	sld [smem:$0x3F8E];
	_ =	swait.ge [sflag:s4], $0x0  }
0x19: {  	s7 =	sld [smem:$0x3F8F]  }
0x1a: {  	s8 =	sadd.s32 $0xFFFFE003, lr  }
0x1b: {  	s9 =	sadd.s32 $0xFFFFFEF7, lr;
	s5 =	simm.s32 $0xFFFFFFFF;
	p2 =	slt.u32 s8, $0xFFFFF086  }
0x1c: {  	p1 =	slt.u32 s9, $0xF7A;
	s5 =	simm.s32 @!p2 $0x0  }
0x1d: {  	s5 =	simm.s32 @p1 $0x1;
	p0 =	seq.s32 s7, s2  }
0x1e: {  	s7 =	smul.u32 @!p0 $0xF7A, s2;
	p2 =	seq.s32 @!p0 s5, $0x0  }
0x1f: {  	s9 =	smul.u32 $0xF7A, s1;
	s8 =	simm.s32 @!p0 $0x1BF5;
	p2 =	por !p2, p0  }
0x20: {  	[sflag:s8] =	ssyncset.s32 @!p0 $0xFFFFF086;
	s6 =	sadd.s32 @!p0 s3, s7;
	s7 =	simm.s32 @!p0 $0x108  }
0x21: {  	s3 =	sadd.s32 s3, s9;
	s6 =	sadd.s32 @!p0 $0x88, s6;
	s7 =	simm.s32 @p2 $0x1082  }
0x22: {  	[simem:s7], [sflag:s8] =	dma.local @!p0 [hbm:s6], $0xF7A  }
0x23: {  	s9 =	sor.u32 $0xD0000000, s2;
	s6 =	simm.s32 $0x108;
	_ =	swait.ge @!p0 [sflag:s8], $0x0  }
0x24: {  	s3 =	sadd.s32 $0x88, s3;
	s6 =	simm.s32 @!p1 $0x1082;
	[sflag:s4] =	ssyncset.s32 $0xFFFFF086  }
0x25: {  	[simem:s6], [sflag:s4] =	dma.local [hbm:s3], $0xF7A  }
0x26: {  	[smem:$0x3F8F] =	sst s1;
	(tag) =	ssettag s2;
	_ =	strace s9  }
0x27: {  	s1 =	sld [smem:$0x3F9F]  }
0x28: {  	s2 =	sld [smem:$0x3FA0]  }
0x29: {  	s4 =	sld [smem:$0x3FA2]  }
0x2a: {  	p0 =	seq.s32 s5, $0x0;
	s5 =	sld [smem:$0x3FA3]  }
0x2b: {  	s6 =	sld [smem:$0x3FA4]  }
0x2c: {  	s7 =	sld [smem:$0x3FA5]  }
0x2d: {  	s3 =	simm.s32 $0x108;
	s8 =	sld [smem:$0x3FA6]  }
0x2e: {  	s3 =	simm.s32 @!p0 $0x1082;
	s9 =	sld [smem:$0x3FA7]  }
0x2f: {  	lr =	sadd.s32 s0, s3;
	s0 =	sld [smem:$0x3F9E]  }
0x30: {  	s3 =	sld [smem:$0x3FA1]  }
0x31: {  	[smem:$0x3FAA] =	sst s10  }
0x32: {  	s10 =	sld [smem:$0x3FA8];
	_ =	sdelay $0x3  }
0x33: {  	p0 =	seq.s32 s10, $0x1;
	s10 =	sld [smem:$0x3FAA];
	_ =	sdelay $0x3  }
0x34: {  	[smem:$0x3FAA] =	sst s10  }
0x35: {  	s10 =	sld [smem:$0x3FA9];
	_ =	sdelay $0x3  }
0x36: {  	p1 =	seq.s32 s10, $0x1;
	s10 =	sld [smem:$0x3FAA];
	_ =	sdelay $0x3  }
0x37: {  	[smem:$0x3FAA] =	sst s10  }
0x38: {  	s10 =	sld [smem:$0x3FAB]  }
0x39: {  	_ = 	snop;
	(pc) =	sbr.ind lr, $3  }
0x3a: {  	_ = 	snop  }
0x3b: {  	_ = 	snop  }
0x3c: {  	p2 =	seq.s32 s10, $0x1;
	s10 =	sld [smem:$0x3FAA]  }
0x3d: {  	_ =	shalt  }
0x3e: {  	_ =	shalt  }
0x3f: {  	_ =	shalt  }
0x40: {  	_ =	shalt  }
0x41: {  	_ =	shalt  }
0x42: {  	_ =	shalt  }
0x43: {  	_ =	shalt  }
0x44: {  	_ =	shalt  }
0x45: {  	_ =	shalt  }
0x46: {  	_ =	shalt  }
0x47: {  	_ =	shalt  }
0x48: {  	_ =	shalt  }
0x49: {  	_ =	shalt  }
0x4a: {  	_ =	shalt  }
0x4b: {  	_ =	shalt  }
0x4c: {  	_ =	shalt  }
0x4d: {  	_ =	shalt  }
0x4e: {  	_ =	shalt  }
0x4f: {  	_ =	shalt  }
0x50: {  	_ =	shalt  }
0x51: {  	_ =	shalt  }
0x52: {  	_ =	shalt  }
0x53: {  	_ =	shalt  }
0x54: {  	_ =	shalt  }
0x55: {  	_ =	shalt  }
0x56: {  	_ =	shalt  }
0x57: {  	_ =	shalt  }
0x58: {  	_ =	shalt  }
0x59: {  	_ =	shalt  }
0x5a: {  	_ =	shalt  }
0x5b: {  	_ =	shalt  }
0x5c: {  	_ =	shalt  }
0x5d: {  	_ =	shalt  }
0x5e: {  	_ =	shalt  }
0x5f: {  	_ =	shalt  }
0x60: {  	_ =	shalt  }
0x61: {  	_ =	shalt  }
0x62: {  	_ =	shalt  }
0x63: {  	_ =	shalt  }
0x64: {  	_ =	shalt  }
0x65: {  	_ =	shalt  }
0x66: {  	_ =	shalt  }
0x67: {  	_ =	shalt  }
0x68: {  	_ =	shalt  }
0x69: {  	_ =	shalt  }
0x6a: {  	_ =	shalt  }
0x6b: {  	_ =	shalt  }
0x6c: {  	_ =	shalt  }
0x6d: {  	_ =	shalt  }
0x6e: {  	_ =	shalt  }
0x6f: {  	_ =	shalt  }
0x70: {  	_ =	shalt  }
0x71: {  	_ =	shalt  }
0x72: {  	_ =	shalt  }
0x73: {  	_ =	shalt  }
0x74: {  	_ =	shalt  }
0x75: {  	_ =	shalt  }
0x76: {  	_ =	shalt  }
0x77: {  	_ =	shalt  }
0x78: {  	_ =	shalt  }
0x79: {  	_ =	shalt  }
0x7a: {  	_ =	shalt  }
0x7b: {  	_ =	shalt  }
0x7c: {  	_ =	shalt  }
0x7d: {  	_ =	shalt  }
0x7e: {  	_ =	shalt  }
0x7f: {  	_ =	shalt  }
0x80: {  	_ =	shalt  }
0x81: {  	_ =	shalt  }
0x82: {  	_ =	shalt  }
0x83: {  	_ =	shalt  }
0x84: {  	_ =	shalt  }
0x85: {  	_ =	shalt  }
0x86: {  	_ =	shalt  }
0x87: {  	_ =	shalt  }
.Lfunc_end0:
.L_simem_size_0:
called_computation.4_lowered:
.L_overlay_start_0:
0x88: {  	s2 =	sld [smem:$0x3FD9]  }
0x89: {  	s3 =	sld [smem:$0x3FFE];
	_ =	sdelay $0x1  }
0x8a: {  	s1 =	srdreg.scid  }
0x8b: {  	s0 =	sand.u32 $0x1, s1  }
0x8c: {  	s17 =	sshll.u32 s0, $0xA;
	s2 =	sadd.s32 s3, s2  }
0x8d: {  	s2 =	sadd.s32 s2, s17  }
0x8e: {  	[smem:$0x3FB6] =	sst s2  }
0x8f: {  	_ = 	snop  }
0x90: {  	s2 =	sld [smem:$0x3FD0];
	(tm) =	ssettm $0x1  }
0x91: {  	s18 =	sld [smem:$0x3FFB];
	_ =	sdelay $0x3  }
0x92: {  	_ =	strace s18  }
0x93: {  	s3 =	sld [smem:$0x3FFC];
	_ =	sdelay $0x3  }
0x94: {  	_ =	strace s3  }
0x95: {  	s3 =	sld [smem:$0x3FFD];
	_ =	sdelay $0x3  }
0x96: {  	_ =	strace s3  }
0x97: {  	_ =	strace $0x8FFFFFFF  }
0x98: {  	s19 =	sld [smem:$0x3FDB];
	_ =	sdelay $0x1  }
0x99: {  	s4 =	simm.s32 $_scs_section_size  }
0x9a: {  	s5 =	simm.s32 $_size__tile_overlayer_lowered;
	s6 =	simm.s32 $_tile_overlayer_lowered  }
0x9b: {  	s22 =	simm.s32 $0x1BFF;
	s21 =	sshll.u32 s6, $0x1;
	s3 =	sadd.s32 s4, s19  }
0x9c: {  	s7 =	simm.s32 $0x0;
	s20 =	sshll.u32 s5, $0x1;
	s5 =	sadd.s32 s21, s3  }
0x9d: {  	[timem:s7], [sflag:s22] =	dma.local [hbm:s5], s20  }
0x9e: {  	_ =	swait.ge [sflag:s22], s20  }
0x9f: {  	s4 =	ssub.s32 $0x0, s20;
	[sflag:s22] =	ssyncset.done $0x0  }
0xa0: {  	[sflag:s22] =	ssyncadd.s32 s4;
	_ =	sdelay $0x1  }
0xa1: {  	s23 =	simm.s32 $0x1B8B  }
0xa2: {  	_ =	swait.ge [sflag:s23], $0x1  }
0xa3: {  	[sflag:s23] =	ssyncset.done $0x0  }
0xa4: {  	s25 =	simm.s32 $0x1B8E;
	s24 =	sld [smem:$0x3FFE];
	[sflag:s23] =	ssyncadd.s32 $0xFFFFFFFF  }
0xa5: {  	s26 =	simm.s32 $execute0_lowered;
	[smem:$0x3FD2] =	sst s25  }
0xa6: {  	s5 =	sshll.u32 s26, $0x1;
	_ =	strace $0x80000052;
	[dreg:$0x1] =	wrdreg $0xFFFFFFFF  }
0xa7: {  	s28 =	simm.s32 $_size_execute0_lowered;
	s3 =	sadd.s32 s3, s5;
	[dreg:$0x0] =	wrdreg $0x0  }
0xa8: {  	s5 =	sshll.u32 s28, $0x1;
	[dreg:$0x2] =	wrdreg s3  }
0xa9: {  	[dreg:$0x3] =	wrdreg s5  }
0xaa: {  	[dreg:$0x4] =	wrdreg $0xC0  }
0xab: {  	_ =	task [dreg:s7], $0x5FFFF  }
0xac: {  	[dreg:$0x1] =	wrdreg $0xFFFFFFFF  }
0xad: {  	[dreg:$0x0] =	wrdreg $0x60  }
0xae: {  	[dreg:$0x2] =	wrdreg s2  }
0xaf: {  	[dreg:$0x3] =	wrdreg s24  }
0xb0: {  	[dreg:$0x4] =	wrdreg $0x94000  }
0xb1: {  	[dreg:$0x5] =	wrdreg $0x9  }
0xb2: {  	_ =	task.clear_ibuf [dreg:s7], $0x6FFFF;
	_ =	strace $0x90000052  }
0xb3: {  	s29 =	simm.s32 $0x9;
	_ =	strace $0x80000054  }
0xb4: {  	_ =	swait.ge [sflag:s29], $0x1  }
0xb5: {  	[sflag:s29] =	ssyncadd.s32 $0xFFFFFFFF  }
0xb6: {  	_ =	strace $0x90000054  }
0xb7: {  	_ =	sfence  }
0xb8: {  	s30 =	sld [smem:$0x0];
	_ =	sdelay $0x2  }
0xb9: {  	s31 =	sshll.u32 s1, $0xD;
	s1 =	sshrl.u32 s1, $0x2  }
0xba: {  	s3 =	sand.u32 $0x4000, s31;
	s1 =	sadd.s32 s1, s30  }
0xbb: {  	s0 =	sor.u32 s3, s0;
	s1 =	sshll.u32 s1, $0x11  }
0xbc: {  	s0 =	sor.u32 s1, s0  }
0xbd: {  	s0 =	sadd.s32 $0x8F2B, s0  }
0xbe: {  	[sflag:s0] =	ssyncadd.remote.s32 $0x1  }
0xbf: {  	_ =	sfence.sel $0xFFFF  }
0xc0: {  	[dreg:$0x0] =	wrdreg $0xFFFFFFFF;
	(pc) =	sbr.abs _section_cstart, $3  }
0xc1: {  	[dreg:$0x1] =	wrdreg $0xFFFFFFFF  }
0xc2: {  	_ =	task.clear_ibuf [dreg:s7], $0x2FFFF;
	_ =	strace $0x9FFFFFFF  }
0xc3: {  	(tm) =	ssettm $0x7FFFFFFF  }
tec
execute0_lowered:
.L_overlay_start_1:
0x0: {  	(tag) =	ssettag $0x1  }
0x1: {  	s2 =	srdreg.scid  }
0x2: {  	s5 =	sand.u32 $0x1, s2  }
0x3: {  	s2 =	stileid.u32;
	s6 =	smul.u32 $0x138800, s5  }
0x4: {  	s0 =	rddreg [dreg:$0x0];
	s8 =	smul.u32 $0x13C00, s2  }
0x5: {  	s4 =	rddreg [dreg:$0x1];
	s10 =	smul.u32 $0x4F000, s2  }
0x6: {  	s1 =	rddreg [dreg:$0x2];
	s3 =	simm.s32 $0x0;
	s18 =	smul.u32 $0x50, s2  }
0x7: {  	s28 =	simm.s32 $0x4;
	s29 =	simm.s32 $0x0;
	s20 =	smul.u32 $0x50000, s5  }
0x8: {  	[smem:$0x7FF] =	sst s3;
	s11 =	sadd.s32 $0xEA00, s4;
	s21 =	smul.u32 $0x2800, s2  }
0x9: {  	s16 =	sadd.s32 $0x5CC00, s4;
	s7 =	ssub.s32 $0x2, s5;
	s24 =	smul.u32 $0x1400000, s5  }
0xa: {  	_ =	strace $0x80000053;
	s12 =	smul.u32 $0x140000, s2;
	s9 =	sshrl.u32 s7, $0x1  }
0xb: {  	p0 =	seq.s32 s2, $0xF;
	s9 =	ssub.s32 s7, s9;
	s15 =	sadd.s32 s8, s6  }
0xc: {  	s17 =	sshrl.u32 s10, $0x2;
	s6 =	sshrl.u32 s6, $0x3;
	s22 =	sadd.s32 $0x28, s18  }
0xd: {  	s23 =	sadd.s32 s21, s20;
	s26 =	sadd.s32 s24, s12;
	s21 =	simm.s32 $0x80  }
0xe: {  	s19 =	sadd.s32 s17, s1;
	s4 =	sshrl.u32 s15, $0x3;
	s17 =	sadd.s32 $0x128400, s1  }
0xf: {  	s6 =	sadd.s32 s11, s6;
	s25 =	sshll.u32 s22, $0x7;
	s8 =	sshrl.u32 s23, $0x3  }
0x10: {  	s30 =	sshrl.u32 s26, $0x3;
	s12 =	sor.u32 $0x4000, s26;
	s31 =	sor.u32 $0xC000, s26  }
0x11: {  	s14 =	sor.u32 $0x8000, s26;
	s15 =	sadd.s32 $0xAC000, s26;
	s23 =	simm.s32 $0x1  }
0x12: {  	s4 =	sadd.s32 s11, s4;
	s7 =	sadd.s32 s20, s25;
	s5 =	sadd.s32 $0x25080, s6  }
0x13: {  	s6 =	sadd.s32 s0, s8;
	s8 =	smax.u32 s9, $0x1;
	s11 =	sshll.u32 s22, $0xE  }
0x14: {  	s9 =	sadd.s32 s16, s30;
	s12 =	sshrl.u32 s12, $0x3;
	s13 =	sshrl.u32 s31, $0x3  }
0x15: {  	s14 =	sshrl.u32 s14, $0x3;
	s15 =	sshrl.u32 s15, $0x3;
	s17 =	sshrl.u32 @p0 s17, $0x3  }
0x16: {  	s19 =	sshrl.u32 @!p0 s19, $0x3;
	s20 =	simm.s32 $0x5;
	s22 =	simm.s32 $0x1400  }
0x17: {  	s25 =	simm.s32 $0x2;
	s7 =	sshrl.u32 s7, $0x3;
	s11 =	sadd.s32 s24, s11  }
0x18: {  	s10 =	sadd.s32 s16, s12;
	s12 =	sadd.s32 $0x14800, s9;
	s13 =	sadd.s32 s13, s16  }
0x19: {  	s14 =	sadd.s32 s14, s16;
	s7 =	sadd.s32 s0, s7;
	s0 =	sadd.s32 $0xA8000, s26  }
0x1a: {  	s15 =	sadd.s32 s15, s16;
	s11 =	sshrl.u32 s11, $0x3;
	s0 =	sshrl.u32 s0, $0x3  }
0x1b: {  	s11 =	sadd.s32 s16, s11;
	s16 =	sadd.s32 s0, s16;
	s0 =	sshll.u32 @!p0 s2, $0x6  }
0x1c: {  	s24 =	simm.s32 $0x5400;
	s26 =	simm.s32 $0x3;
	s18 =	sor.u32 @!p0 $0x1C05, s0  }
.LBB2_1:
0x1d: {  	s0 =	simm.s32 @p0 $0x1FC5  }
0x1e: {  	[spmem:s17], [sflag:s0] =	dma.local @p0 [hbm:s5], $0x2080  }
0x1f: {  	s0 =	simm.s32 @p0 $0x5  }
0x20: {  	_ =	swait.ge @p0 [sflag:s0], $0x2080  }
0x21: {  	[sflag:s0] =	ssyncset.done @p0 $0x0  }
0x22: {  	[sflag:s0] =	ssyncadd.s32 @p0 $0xFFFFDF80;
	s0 =	simm.s32 @!p0 $0x5  }
0x23: {  	[spmem:s19], [sflag:s18] =	dma.local @!p0 [hbm:s4], $0x2780  }
0x24: {  	_ =	swait.ge @!p0 [sflag:s0], $0x2780  }
0x25: {  	[sflag:s0] =	ssyncset.done @!p0 $0x0  }
0x26: {  	[sflag:s0] =	ssyncadd.s32 @!p0 $0xFFFFD880  }
0x27: {  	[bflag:$0x0] =	sbarrier.arrive $0xFFFF  }
0x28: {  	[tilespmem:s3], [sflag:$0x5] =	stream.linear.gather [hbm4b:s6+s3], $0x1400, $0x38;
	[tilespmem:$0x1CC80] =	vst v63  }
0x29: {  	_ =	swait.ge [sflag:s20], $0x1400  }
0x2a: {  	[sflag:s20] =	ssyncset.done $0x0  }
0x2b: {  	[sflag:s20] =	ssyncadd.s32 $0xFFFFEC00  }
0x2c: {  	[tilespmem:s22], [sflag:$0x1] =	stream.indirect.gather [spmem:s1], $0x80, s3, s21, $0xb8;
	[tilespmem:$0x1CC80] =	vst v63  }
0x2d: {  	_ =	swait.ge [sflag:s23], $0x4000  }
0x2e: {  	[sflag:s23] =	ssyncset.done $0x0  }
0x2f: {  	[sflag:s23] =	ssyncadd.s32 $0xFFFFC000  }
0x30: {  	[hbm4b:s9+s3] =	stream.linear.scatter [tilespmem:s22], [sflag:$0x3], $0x4000, $0x38;
	[tilespmem:$0x1CC80] =	vst v63  }
0x31: {  	_ = 	snop  }
0x32: {  	[tilespmem:s24], [sflag:$0x2] =	stream.indirect.gather [spmem:s1], $0x80, s21, s21, $0xb8;
	[tilespmem:$0x1CC80] =	vst v63  }
0x33: {  	_ =	swait.ge [sflag:s25], $0x4000  }
0x34: {  	[sflag:s25] =	ssyncset.done $0x0  }
0x35: {  	[sflag:s25] =	ssyncadd.s32 $0xFFFFC000  }
0x36: {  	[hbm4b:s10+s3] =	stream.linear.scatter [tilespmem:s24], [sflag:$0x4], $0x4000, $0x38;
	[tilespmem:$0x1CC80] =	vst v63  }
0x37: {  	_ =	swait.ge [sflag:s26], $0x4000  }
0x38: {  	[sflag:s26] =	ssyncset.done $0x0  }
0x39: {  	s2 =	simm.s32 $0x100;
	[sflag:s26] =	ssyncadd.s32 $0xFFFFC000  }
0x3a: {  	[tilespmem:s22], [sflag:$0x1] =	stream.indirect.gather [spmem:s1], $0x80, s2, s21, $0xb8;
	[tilespmem:$0x1CC80] =	vst v63  }
0x3b: {  	_ =	swait.ge [sflag:s23], $0x4000  }
0x3c: {  	[sflag:s23] =	ssyncset.done $0x0  }
0x3d: {  	s2 =	sadd.s32 $0x0, s14;
	[sflag:s23] =	ssyncadd.s32 $0xFFFFC000  }
0x3e: {  	[hbm4b:s2+s3] =	stream.linear.scatter [tilespmem:s22], [sflag:$0x3], $0x4000, $0x38;
	[tilespmem:$0x1CC80] =	vst v63  }
0x3f: {  	_ =	swait.ge [sflag:s28], $0x4000  }
0x40: {  	[sflag:s28] =	ssyncset.done $0x0  }
0x41: {  	s2 =	simm.s32 $0x180;
	[sflag:s28] =	ssyncadd.s32 $0xFFFFC000  }
0x42: {  	[tilespmem:s24], [sflag:$0x2] =	stream.indirect.gather [spmem:s1], $0x80, s2, s21, $0xb8;
	[tilespmem:$0x1CC80] =	vst v63  }
0x43: {  	_ =	swait.ge [sflag:s25], $0x4000  }
0x44: {  	s30 =	simm.s32 $0x1000;
	[sflag:s25] =	ssyncset.done $0x0  }
0x45: {  	s31 =	simm.s32 $0x200;
	s0 =	sadd.s32 $0x0, s13;
	[sflag:s25] =	ssyncadd.s32 $0xFFFFC000  }
.LBB2_2:
0x46: {  	[hbm4b:s0+s3] =	stream.linear.scatter [tilespmem:s24], [sflag:$0x4], $0x4000, $0x38;
	[tilespmem:$0x1CC80] =	vst v63  }
0x47: {  	s0 =	smov.u32 s30  }
0x48: {  	p1 =	sne.s32 s30, $0x12000;
	s30 =	sadd.s32 $0x1000, s30;
	_ =	swait.ge [sflag:s26], $0x4000  }
0x49: {  	[sflag:s26] =	ssyncset.done $0x0  }
0x4a: {  	[sflag:s26] =	ssyncadd.s32 $0xFFFFC000  }
0x4b: {  	[tilespmem:s22], [sflag:$0x1] =	stream.indirect.gather [spmem:s1], $0x80, s31, s21, $0xb8;
	[tilespmem:$0x1CC80] =	vst v63  }
0x4c: {  	_ =	swait.ge [sflag:s23], $0x4000  }
0x4d: {  	[sflag:s23] =	ssyncset.done $0x0  }
0x4e: {  	s2 =	sadd.s32 s0, s14;
	[sflag:s23] =	ssyncadd.s32 $0xFFFFC000  }
0x4f: {  	[hbm4b:s2+s3] =	stream.linear.scatter [tilespmem:s22], [sflag:$0x3], $0x4000, $0x38;
	[tilespmem:$0x1CC80] =	vst v63  }
0x50: {  	_ =	swait.ge [sflag:s28], $0x4000  }
0x51: {  	[sflag:s28] =	ssyncset.done $0x0  }
.Ltmp0:
0x52: {  	s2 =	sadd.s32 $0x80, s31;
	[sflag:s28] =	ssyncadd.s32 $0xFFFFC000;
	(pc) =	sbr.rel @p1 .LBB2_2-.Ltmp0, $4  }
0x53: {  	[tilespmem:s24], [sflag:$0x2] =	stream.indirect.gather [spmem:s1], $0x80, s2, s21, $0xb8;
	[tilespmem:$0x1CC80] =	vst v63  }
0x54: {  	_ =	swait.ge [sflag:s25], $0x4000  }
0x55: {  	[sflag:s25] =	ssyncset.done $0x0  }
0x56: {  	s0 =	sadd.s32 s0, s13;
	s31 =	sadd.s32 $0x100, s31;
	[sflag:s25] =	ssyncadd.s32 $0xFFFFC000  }
0x57: {  	[hbm4b:s0+s3] =	stream.linear.scatter [tilespmem:s24], [sflag:$0x4], $0x4000, $0x38;
	[tilespmem:$0x1CC80] =	vst v63  }
0x58: {  	_ =	swait.ge [sflag:s26], $0x4000  }
0x59: {  	[sflag:s26] =	ssyncset.done $0x0  }
0x5a: {  	[sflag:s26] =	ssyncadd.s32 $0xFFFFC000  }
0x5b: {  	_ =	swait.ge [sflag:s28], $0x4000  }
0x5c: {  	[sflag:s28] =	ssyncset.done $0x0  }
0x5d: {  	s2 =	simm.s32 $0x0;
	[sflag:s28] =	ssyncadd.s32 $0xFFFFC000  }
0x5e: {  	[tilespmem:s2], [sflag:$0x5] =	stream.linear.gather [hbm4b:s7+s2], $0x1400, $0x38;
	[tilespmem:$0x1CC80] =	vst v63  }
0x5f: {  	_ =	swait.ge [sflag:s20], $0x1400  }
0x60: {  	[sflag:s20] =	ssyncset.done $0x0  }
0x61: {  	[sflag:s20] =	ssyncadd.s32 $0xFFFFEC00  }
0x62: {  	[tilespmem:s22], [sflag:$0x1] =	stream.indirect.gather [spmem:s1], $0x80, s2, s21, $0xb8;
	[tilespmem:$0x1CC80] =	vst v63  }
0x63: {  	_ =	swait.ge [sflag:s23], $0x4000  }
0x64: {  	[sflag:s23] =	ssyncset.done $0x0  }
0x65: {  	[sflag:s23] =	ssyncadd.s32 $0xFFFFC000  }
0x66: {  	[hbm4b:s11+s2] =	stream.linear.scatter [tilespmem:s22], [sflag:$0x3], $0x4000, $0x38;
	[tilespmem:$0x1CC80] =	vst v63  }
0x67: {  	_ = 	snop  }
0x68: {  	[tilespmem:s24], [sflag:$0x2] =	stream.indirect.gather [spmem:s1], $0x80, s21, s21, $0xb8;
	[tilespmem:$0x1CC80] =	vst v63  }
0x69: {  	_ =	swait.ge [sflag:s25], $0x4000  }
0x6a: {  	[sflag:s25] =	ssyncset.done $0x0  }
0x6b: {  	[sflag:s25] =	ssyncadd.s32 $0xFFFFC000  }
0x6c: {  	[hbm4b:s12+s2] =	stream.linear.scatter [tilespmem:s24], [sflag:$0x4], $0x4000, $0x38;
	[tilespmem:$0x1CC80] =	vst v63  }
0x6d: {  	_ =	swait.ge [sflag:s26], $0x4000  }
0x6e: {  	[sflag:s26] =	ssyncset.done $0x0  }
0x6f: {  	s2 =	simm.s32 $0x100;
	[sflag:s26] =	ssyncadd.s32 $0xFFFFC000  }
0x70: {  	[tilespmem:s22], [sflag:$0x1] =	stream.indirect.gather [spmem:s1], $0x80, s2, s21, $0xb8;
	[tilespmem:$0x1CC80] =	vst v63  }
0x71: {  	_ =	swait.ge [sflag:s23], $0x4000  }
0x72: {  	[sflag:s23] =	ssyncset.done $0x0  }
0x73: {  	s2 =	sadd.s32 $0x0, s16;
	[sflag:s23] =	ssyncadd.s32 $0xFFFFC000  }
0x74: {  	[hbm4b:s2+s3] =	stream.linear.scatter [tilespmem:s22], [sflag:$0x3], $0x4000, $0x38;
	[tilespmem:$0x1CC80] =	vst v63  }
0x75: {  	_ =	swait.ge [sflag:s28], $0x4000  }
0x76: {  	[sflag:s28] =	ssyncset.done $0x0  }
0x77: {  	s2 =	simm.s32 $0x180;
	[sflag:s28] =	ssyncadd.s32 $0xFFFFC000  }
0x78: {  	[tilespmem:s24], [sflag:$0x2] =	stream.indirect.gather [spmem:s1], $0x80, s2, s21, $0xb8;
	[tilespmem:$0x1CC80] =	vst v63  }
0x79: {  	_ =	swait.ge [sflag:s25], $0x4000  }
0x7a: {  	s30 =	simm.s32 $0x1000;
	[sflag:s25] =	ssyncset.done $0x0  }
0x7b: {  	s0 =	sadd.s32 $0x0, s15;
	s31 =	simm.s32 $0x200;
	[sflag:s25] =	ssyncadd.s32 $0xFFFFC000  }
.LBB2_4:
0x7c: {  	[hbm4b:s0+s3] =	stream.linear.scatter [tilespmem:s24], [sflag:$0x4], $0x4000, $0x38;
	[tilespmem:$0x1CC80] =	vst v63  }
0x7d: {  	s0 =	smov.u32 s30  }
0x7e: {  	p1 =	sne.s32 s30, $0x12000;
	s30 =	sadd.s32 $0x1000, s30;
	_ =	swait.ge [sflag:s26], $0x4000  }
0x7f: {  	[sflag:s26] =	ssyncset.done $0x0  }
0x80: {  	[sflag:s26] =	ssyncadd.s32 $0xFFFFC000  }
0x81: {  	[tilespmem:s22], [sflag:$0x1] =	stream.indirect.gather [spmem:s1], $0x80, s31, s21, $0xb8;
	[tilespmem:$0x1CC80] =	vst v63  }
0x82: {  	_ =	swait.ge [sflag:s23], $0x4000  }
0x83: {  	[sflag:s23] =	ssyncset.done $0x0  }
0x84: {  	s2 =	sadd.s32 s0, s16;
	[sflag:s23] =	ssyncadd.s32 $0xFFFFC000  }
0x85: {  	[hbm4b:s2+s3] =	stream.linear.scatter [tilespmem:s22], [sflag:$0x3], $0x4000, $0x38;
	[tilespmem:$0x1CC80] =	vst v63  }
0x86: {  	_ =	swait.ge [sflag:s28], $0x4000  }
0x87: {  	[sflag:s28] =	ssyncset.done $0x0  }
.Ltmp1:
0x88: {  	s2 =	sadd.s32 $0x80, s31;
	[sflag:s28] =	ssyncadd.s32 $0xFFFFC000;
	(pc) =	sbr.rel @p1 .LBB2_4-.Ltmp1, $4  }
0x89: {  	[tilespmem:s24], [sflag:$0x2] =	stream.indirect.gather [spmem:s1], $0x80, s2, s21, $0xb8;
	[tilespmem:$0x1CC80] =	vst v63  }
0x8a: {  	_ =	swait.ge [sflag:s25], $0x4000  }
0x8b: {  	[sflag:s25] =	ssyncset.done $0x0  }
0x8c: {  	s0 =	sadd.s32 s0, s15;
	s31 =	sadd.s32 $0x100, s31;
	[sflag:s25] =	ssyncadd.s32 $0xFFFFC000  }
0x8d: {  	[hbm4b:s0+s3] =	stream.linear.scatter [tilespmem:s24], [sflag:$0x4], $0x4000, $0x38;
	[tilespmem:$0x1CC80] =	vst v63  }
0x8e: {  	s29 =	sadd.s32 $0x1, s29  }
0x8f: {  	_ =	swait.ge [sflag:s26], $0x4000;
	p1 =	sne.s32 s29, s8  }
.Ltmp2:
0x90: {  	[sflag:s26] =	ssyncset.done $0x0;
	(pc) =	sbr.rel @p1 .LBB2_1-.Ltmp2, $4  }
0x91: {  	[sflag:s26] =	ssyncadd.s32 $0xFFFFC000  }
0x92: {  	_ =	swait.ge [sflag:s28], $0x4000  }
0x93: {  	[sflag:s28] =	ssyncset.done $0x0  }
0x94: {  	[sflag:s28] =	ssyncadd.s32 $0xFFFFC000  }
0x95: {  	_ =	sfence.sel $0x180000  }
0x96: {  	[bflag:$0x0] =	sbarrier.arrive $0xFFFF  }
0x97: {  	_ =	strace $0x90000053  }
0x98: {  	s0 =	stileid.u32;
	[bflag:$0x2] =	sbarrier.arrive $0xFFFF  }
0x99: {  	p0 =	sne.s32 s0, $0x0;
	s0 =	rddreg [dreg:$0x3]  }
0x9a: {  	s0 =	sadd.s32 @!p0 $0x100000, s0  }
0x9b: {  	[sflag:s0] =	ssyncadd.tile.s32 @!p0 $0x1;
	_ =	shalt  }
.Lfunc_end2:
_tile_overlayer_lowered:
.L_overlay_start_2:
0x9c: {  	(tag) =	ssettag $0x2  }
0x9d: {  	s0 =	rddreg [dreg:$0x0];
	s2 =	stileid.u32  }
0x9e: {  	s1 =	rddreg [dreg:$0x1];
	p0 =	sne.s32 s2, $0x0  }
0x9f: {  	s3 =	rddreg [dreg:$0x2];
	[bflag:$0x3] =	sbarrier.arrive $0xFFFF;
	s2 =	simm.s32 @!p0 $0x1C05  }
0xa0: {  	[timem:s3], [sflag:s2] =	dma.local @!p0 [hbm:s0], s1  }
0xa1: {  	s0 =	simm.s32 @!p0 $0x5  }
0xa2: {  	_ =	swait.ge @!p0 [sflag:s0], s1  }
0xa3: {  	s1 =	ssub.s32 @!p0 $0x0, s1;
	[sflag:s0] =	ssyncset.done @!p0 $0x0  }
0xa4: {  	[sflag:s0] =	ssyncadd.s32 @!p0 s1  }
0xa5: {  	[bflag:$0x3] =	sbarrier.arrive $0xFFFF  }
0xa6: {  	_ =	shalt  }

// kernel: kernel.32.cloned.1.call-start
scs
__scs_entry_jumppad:
0x0: {  	(pc) =	sbr.rel $0x88, $3  }
0x1: {  	(tag) =	ssettag $0x0;
	lr =	simm.s32 $0x1  }
0x2: {  	[smem:$0x3F8F] =	sst lr;
	_ =	strace $0xD0000000  }
0x3: {  	_ = 	snop  }
0x4: {  	_ = 	snop  }
0x5: {  	_ = 	snop  }
0x6: {  	_ = 	snop  }
0x7: {  	_ = 	snop  }
__scs_overlays_trampoline_lowered:
0x8: {  	[smem:$0x3F9E] =	sst s0  }
0x9: {  	[smem:$0x3F9F] =	sst s1  }
0xa: {  	[smem:$0x3FA0] =	sst s2  }
0xb: {  	[smem:$0x3FA1] =	sst s3  }
0xc: {  	[smem:$0x3FA2] =	sst s4  }
0xd: {  	[smem:$0x3FA3] =	sst s5  }
0xe: {  	[smem:$0x3FA4] =	sst s6  }
0xf: {  	[smem:$0x3FA5] =	sst s7  }
0x10: {  	[smem:$0x3FA6] =	sst s8  }
0x11: {  	[smem:$0x3FA7] =	sst s9;
	s0 =	simm.s32 @!p0 $0x0  }
0x12: {  	s1 =	sld [smem:$0x3F8D];
	s0 =	simm.s32 @p0 $0x1  }
0x13: {  	[smem:$0x3FA8] =	sst s0;
	s0 =	simm.s32 @!p1 $0x0  }
0x14: {  	s2 =	sld [smem:$0x3F8C];
	s0 =	simm.s32 @p1 $0x1  }
0x15: {  	[smem:$0x3FA9] =	sst s0;
	s0 =	simm.s32 @!p2 $0x0  }
0x16: {  	s3 =	sld [smem:$0x3FDB];
	s0 =	simm.s32 @p2 $0x1  }
0x17: {  	s4 =	simm.s32 $0x1BF5;
	[smem:$0x3FAB] =	sst s0  }
0x18: {  	s0 =	sld [smem:$0x3F8E];
	_ =	swait.ge [sflag:s4], $0x0  }
0x19: {  	s7 =	sld [smem:$0x3F8F]  }
0x1a: {  	s8 =	sadd.s32 $0xFFFFE003, lr  }
0x1b: {  	s9 =	sadd.s32 $0xFFFFFEF7, lr;
	s5 =	simm.s32 $0xFFFFFFFF;
	p2 =	slt.u32 s8, $0xFFFFF086  }
0x1c: {  	p1 =	slt.u32 s9, $0xF7A;
	s5 =	simm.s32 @!p2 $0x0  }
0x1d: {  	s5 =	simm.s32 @p1 $0x1;
	p0 =	seq.s32 s7, s2  }
0x1e: {  	s7 =	smul.u32 @!p0 $0xF7A, s2;
	p2 =	seq.s32 @!p0 s5, $0x0  }
0x1f: {  	s9 =	smul.u32 $0xF7A, s1;
	s8 =	simm.s32 @!p0 $0x1BF5;
	p2 =	por !p2, p0  }
0x20: {  	[sflag:s8] =	ssyncset.s32 @!p0 $0xFFFFF086;
	s6 =	sadd.s32 @!p0 s3, s7;
	s7 =	simm.s32 @!p0 $0x108  }
0x21: {  	s3 =	sadd.s32 s3, s9;
	s6 =	sadd.s32 @!p0 $0x88, s6;
	s7 =	simm.s32 @p2 $0x1082  }
0x22: {  	[simem:s7], [sflag:s8] =	dma.local @!p0 [hbm:s6], $0xF7A  }
0x23: {  	s9 =	sor.u32 $0xD0000000, s2;
	s6 =	simm.s32 $0x108;
	_ =	swait.ge @!p0 [sflag:s8], $0x0  }
0x24: {  	s3 =	sadd.s32 $0x88, s3;
	s6 =	simm.s32 @!p1 $0x1082;
	[sflag:s4] =	ssyncset.s32 $0xFFFFF086  }
0x25: {  	[simem:s6], [sflag:s4] =	dma.local [hbm:s3], $0xF7A  }
0x26: {  	[smem:$0x3F8F] =	sst s1;
	(tag) =	ssettag s2;
	_ =	strace s9  }
0x27: {  	s1 =	sld [smem:$0x3F9F]  }
0x28: {  	s2 =	sld [smem:$0x3FA0]  }
0x29: {  	s4 =	sld [smem:$0x3FA2]  }
0x2a: {  	p0 =	seq.s32 s5, $0x0;
	s5 =	sld [smem:$0x3FA3]  }
0x2b: {  	s6 =	sld [smem:$0x3FA4]  }
0x2c: {  	s7 =	sld [smem:$0x3FA5]  }
0x2d: {  	s3 =	simm.s32 $0x108;
	s8 =	sld [smem:$0x3FA6]  }
0x2e: {  	s3 =	simm.s32 @!p0 $0x1082;
	s9 =	sld [smem:$0x3FA7]  }
0x2f: {  	lr =	sadd.s32 s0, s3;
	s0 =	sld [smem:$0x3F9E]  }
0x30: {  	s3 =	sld [smem:$0x3FA1]  }
0x31: {  	[smem:$0x3FAA] =	sst s10  }
0x32: {  	s10 =	sld [smem:$0x3FA8];
	_ =	sdelay $0x3  }
0x33: {  	p0 =	seq.s32 s10, $0x1;
	s10 =	sld [smem:$0x3FAA];
	_ =	sdelay $0x3  }
0x34: {  	[smem:$0x3FAA] =	sst s10  }
0x35: {  	s10 =	sld [smem:$0x3FA9];
	_ =	sdelay $0x3  }
0x36: {  	p1 =	seq.s32 s10, $0x1;
	s10 =	sld [smem:$0x3FAA];
	_ =	sdelay $0x3  }
0x37: {  	[smem:$0x3FAA] =	sst s10  }
0x38: {  	s10 =	sld [smem:$0x3FAB]  }
0x39: {  	_ = 	snop;
	(pc) =	sbr.ind lr, $3  }
0x3a: {  	_ = 	snop  }
0x3b: {  	_ = 	snop  }
0x3c: {  	p2 =	seq.s32 s10, $0x1;
	s10 =	sld [smem:$0x3FAA]  }
0x3d: {  	_ =	shalt  }
0x3e: {  	_ =	shalt  }
0x3f: {  	_ =	shalt  }
0x40: {  	_ =	shalt  }
0x41: {  	_ =	shalt  }
0x42: {  	_ =	shalt  }
0x43: {  	_ =	shalt  }
0x44: {  	_ =	shalt  }
0x45: {  	_ =	shalt  }
0x46: {  	_ =	shalt  }
0x47: {  	_ =	shalt  }
0x48: {  	_ =	shalt  }
0x49: {  	_ =	shalt  }
0x4a: {  	_ =	shalt  }
0x4b: {  	_ =	shalt  }
0x4c: {  	_ =	shalt  }
0x4d: {  	_ =	shalt  }
0x4e: {  	_ =	shalt  }
0x4f: {  	_ =	shalt  }
0x50: {  	_ =	shalt  }
0x51: {  	_ =	shalt  }
0x52: {  	_ =	shalt  }
0x53: {  	_ =	shalt  }
0x54: {  	_ =	shalt  }
0x55: {  	_ =	shalt  }
0x56: {  	_ =	shalt  }
0x57: {  	_ =	shalt  }
0x58: {  	_ =	shalt  }
0x59: {  	_ =	shalt  }
0x5a: {  	_ =	shalt  }
0x5b: {  	_ =	shalt  }
0x5c: {  	_ =	shalt  }
0x5d: {  	_ =	shalt  }
0x5e: {  	_ =	shalt  }
0x5f: {  	_ =	shalt  }
0x60: {  	_ =	shalt  }
0x61: {  	_ =	shalt  }
0x62: {  	_ =	shalt  }
0x63: {  	_ =	shalt  }
0x64: {  	_ =	shalt  }
0x65: {  	_ =	shalt  }
0x66: {  	_ =	shalt  }
0x67: {  	_ =	shalt  }
0x68: {  	_ =	shalt  }
0x69: {  	_ =	shalt  }
0x6a: {  	_ =	shalt  }
0x6b: {  	_ =	shalt  }
0x6c: {  	_ =	shalt  }
0x6d: {  	_ =	shalt  }
0x6e: {  	_ =	shalt  }
0x6f: {  	_ =	shalt  }
0x70: {  	_ =	shalt  }
0x71: {  	_ =	shalt  }
0x72: {  	_ =	shalt  }
0x73: {  	_ =	shalt  }
0x74: {  	_ =	shalt  }
0x75: {  	_ =	shalt  }
0x76: {  	_ =	shalt  }
0x77: {  	_ =	shalt  }
0x78: {  	_ =	shalt  }
0x79: {  	_ =	shalt  }
0x7a: {  	_ =	shalt  }
0x7b: {  	_ =	shalt  }
0x7c: {  	_ =	shalt  }
0x7d: {  	_ =	shalt  }
0x7e: {  	_ =	shalt  }
0x7f: {  	_ =	shalt  }
0x80: {  	_ =	shalt  }
0x81: {  	_ =	shalt  }
0x82: {  	_ =	shalt  }
0x83: {  	_ =	shalt  }
0x84: {  	_ =	shalt  }
0x85: {  	_ =	shalt  }
0x86: {  	_ =	shalt  }
0x87: {  	_ =	shalt  }
.Lfunc_end0:
.L_simem_size_0:
called_computation.5_lowered:
.L_overlay_start_0:
0x88: {  	s2 =	sld [smem:$0x3FD9]  }
0x89: {  	s3 =	sld [smem:$0x3FFE];
	_ =	sdelay $0x1  }
0x8a: {  	s1 =	srdreg.scid  }
0x8b: {  	s0 =	sand.u32 $0x1, s1  }
0x8c: {  	s17 =	sshll.u32 s0, $0xA;
	s2 =	sadd.s32 s3, s2  }
0x8d: {  	s2 =	sadd.s32 s2, s17  }
0x8e: {  	[smem:$0x3FB6] =	sst s2  }
0x8f: {  	_ = 	snop  }
0x90: {  	(tm) =	ssettm $0x1  }
0x91: {  	s18 =	sld [smem:$0x3FFB];
	_ =	sdelay $0x3  }
0x92: {  	_ =	strace s18  }
0x93: {  	s2 =	sld [smem:$0x3FFC];
	_ =	sdelay $0x3  }
0x94: {  	_ =	strace s2  }
0x95: {  	s2 =	sld [smem:$0x3FFD];
	_ =	sdelay $0x3  }
0x96: {  	_ =	strace s2  }
0x97: {  	_ =	strace $0x8FFFFFFF  }
0x98: {  	s19 =	sld [smem:$0x3FDB];
	_ =	sdelay $0x1  }
0x99: {  	s20 =	simm.s32 $_scs_section_size  }
0x9a: {  	s4 =	simm.s32 $_size__tile_overlayer_lowered;
	s5 =	simm.s32 $_tile_overlayer_lowered  }
0x9b: {  	s6 =	simm.s32 $0x1BFF;
	s21 =	sshll.u32 s5, $0x1;
	s3 =	sadd.s32 s20, s19  }
0x9c: {  	s22 =	simm.s32 $0x0;
	s4 =	sshll.u32 s4, $0x1;
	s5 =	sadd.s32 s21, s3  }
0x9d: {  	[timem:s22], [sflag:s6] =	dma.local [hbm:s5], s4  }
0x9e: {  	_ =	swait.ge [sflag:s6], s4  }
0x9f: {  	s4 =	ssub.s32 $0x0, s4;
	[sflag:s6] =	ssyncset.done $0x0  }
0xa0: {  	[sflag:s6] =	ssyncadd.s32 s4;
	_ =	sdelay $0x1  }
0xa1: {  	s23 =	simm.s32 $0x1B8B  }
0xa2: {  	_ =	swait.ge [sflag:s23], $0x1  }
0xa3: {  	[sflag:s23] =	ssyncset.done $0x0  }
0xa4: {  	[sflag:s23] =	ssyncadd.s32 $0xFFFFFFFF  }
0xa5: {  	s4 =	sld [smem:$0x0]  }
0xa6: {  	s5 =	sand.u32 $0xFFFFFFFE, s1  }
0xa7: {  	p0 =	sne.s32 s1, s5  }
0xa8: {  	s5 =	sshll.u32 @p0 s5, $0xE  }
0xa9: {  	s5 =	sadd.s32 @p0 $0x11B8D, s5;
	s6 =	sshll.u32 @p0 s4, $0x11  }
0xaa: {  	s5 =	sor.u32 @p0 s6, s5  }
0xab: {  	[sflag:s5] =	ssyncadd.remote.s32 @p0 $0x1;
	_ =	sdelay $0x1  }
0xac: {  	s5 =	simm.s32 @p0 $0x1B8D  }
0xad: {  	_ =	swait.eq @p0 [sflag:s5], $0x1  }
0xae: {  	[sflag:s5] =	ssyncadd.s32 @p0 $0xFFFFFFFF  }
0xaf: {  	s6 =	sshll.u32 @!p0 s1, $0xE  }
0xb0: {  	s6 =	sor.u32 @!p0 $0x4000, s6;
	s5 =	simm.s32 @!p0 $0x1B8D  }
0xb1: {  	s4 =	sshll.u32 @!p0 s4, $0x11;
	s6 =	sadd.s32 @!p0 $0x11B8D, s6;
	_ =	swait.eq @!p0 [sflag:s5], $0x1  }
0xb2: {  	s4 =	sor.u32 @!p0 s4, s6;
	[sflag:s5] =	ssyncadd.s32 @!p0 $0xFFFFFFFF  }
0xb3: {  	s25 =	simm.s32 $0x1B8E;
	s24 =	sld [smem:$0x3FFE];
	[sflag:s4] =	ssyncadd.remote.s32 @!p0 $0x1  }
0xb4: {  	s26 =	simm.s32 $execute0_lowered;
	[smem:$0x3FD2] =	sst s25  }
0xb5: {  	s5 =	sshll.u32 s26, $0x1;
	_ =	strace $0x80000058;
	[dreg:$0x1] =	wrdreg $0xFFFFFFFF  }
0xb6: {  	s28 =	simm.s32 $_size_execute0_lowered;
	s3 =	sadd.s32 s3, s5;
	[dreg:$0x0] =	wrdreg $0x0  }
0xb7: {  	s5 =	sshll.u32 s28, $0x1;
	[dreg:$0x2] =	wrdreg s3  }
0xb8: {  	[dreg:$0x3] =	wrdreg s5  }
0xb9: {  	[dreg:$0x4] =	wrdreg $0xC0  }
0xba: {  	_ =	task [dreg:s22], $0x5FFFF  }
0xbb: {  	[dreg:$0x1] =	wrdreg $0xFFFFFFFF  }
0xbc: {  	[dreg:$0x0] =	wrdreg $0x60  }
0xbd: {  	[dreg:$0x2] =	wrdreg s24  }
0xbe: {  	[dreg:$0x3] =	wrdreg $0x94000  }
0xbf: {  	[dreg:$0x4] =	wrdreg $0x9  }
0xc0: {  	_ =	task.clear_ibuf [dreg:s22], $0x5FFFF;
	_ =	strace $0x90000058  }
0xc1: {  	s29 =	simm.s32 $0x9;
	_ =	strace $0x8000005A  }
0xc2: {  	_ =	swait.ge [sflag:s29], $0x1  }
0xc3: {  	[sflag:s29] =	ssyncadd.s32 $0xFFFFFFFF  }
0xc4: {  	_ =	strace $0x9000005A  }
0xc5: {  	_ =	sfence  }
0xc6: {  	s30 =	sld [smem:$0x0];
	_ =	sdelay $0x2  }
0xc7: {  	s31 =	sshll.u32 s1, $0xD;
	s1 =	sshrl.u32 s1, $0x2  }
0xc8: {  	s4 =	sand.u32 $0x4000, s31;
	s1 =	sadd.s32 s1, s30  }
0xc9: {  	s0 =	sor.u32 s4, s0;
	s1 =	sshll.u32 s1, $0x11  }
0xca: {  	s0 =	sor.u32 s1, s0  }
0xcb: {  	s0 =	sadd.s32 $0x8F2B, s0  }
0xcc: {  	[sflag:s0] =	ssyncadd.remote.s32 $0x1  }
0xcd: {  	_ =	sfence.sel $0xFFFF  }
0xce: {  	[dreg:$0x0] =	wrdreg $0xFFFFFFFF;
	(pc) =	sbr.abs _section_cstart, $3  }
0xcf: {  	[dreg:$0x1] =	wrdreg $0xFFFFFFFF  }
0xd0: {  	_ =	task.clear_ibuf [dreg:s22], $0x2FFFF;
	_ =	strace $0x9FFFFFFF  }
0xd1: {  	(tm) =	ssettm $0x7FFFFFFF  }
tec
execute0_lowered:
.L_overlay_start_1:
0x0: {  	(tag) =	ssettag $0x1  }
0x1: {  	s4 =	rddreg [dreg:$0x0]  }
0x2: {  	s0 =	srdreg.scid;
	s2 =	rddreg [dreg:$0x1]  }
0x3: {  	s1 =	rddreg [dreg:$0x2];
	s7 =	sand.u32 $0x1, s0  }
0x4: {  	s3 =	simm.s32 $0x0;
	s0 =	stileid.u32;
	s5 =	smul.u32 $0x280, s7  }
0x5: {  	s16 =	simm.s32 $0x3;
	s17 =	simm.s32 $0x5400;
	s6 =	smul.u32 $0x28, s0  }
0x6: {  	s18 =	simm.s32 $0x1;
	s19 =	simm.s32 $0x80;
	s26 =	smul.u32 $0x13C000, s7  }
0x7: {  	s20 =	simm.s32 $0x2;
	s21 =	simm.s32 $0x1300;
	s9 =	smul.u32 $0x13C00, s0  }
0x8: {  	s22 =	simm.s32 $0x1380;
	s23 =	simm.s32 $0x0;
	s28 =	smul.u32 $0x4F000, s0  }
0x9: {  	[smem:$0x7FF] =	sst s3;
	s11 =	sadd.s32 $0xA5CC00, s4;
	s30 =	smul.u32 $0x140000, s7  }
0xa: {  	_ =	strace $0x80000059;
	s29 =	ssub.s32 $0x2, s7;
	s15 =	smul.u32 $0x14000, s0  }
0xb: {  	s12 =	sshrl.u32 s29, $0x1;
	s8 =	sadd.s32 s6, s5;
	s5 =	sadd.s32 s9, s26  }
0xc: {  	s14 =	ssub.s32 s29, s12;
	s12 =	sadd.s32 s30, s11;
	s6 =	sshll.u32 s8, $0x4  }
0xd: {  	s5 =	sshrl.u32 s5, $0x3;
	s31 =	sshll.u32 s8, $0xB;
	s15 =	sadd.s32 s15, s12  }
0xe: {  	s10 =	sadd.s32 s6, s4;
	s6 =	sshrl.u32 s28, $0x2;
	s13 =	sadd.s32 s5, s4  }
0xf: {  	s9 =	sadd.s32 s11, s31;
	s4 =	sadd.s32 s6, s2;
	s10 =	sadd.s32 $0x4A00, s10  }
0x10: {  	s11 =	sadd.s32 $0x800, s9;
	s12 =	sadd.s32 $0x5CC00, s13;
	s13 =	smax.u32 s14, $0x1  }
0x11: {  	s14 =	sadd.s32 $0x1800, s15;
	s15 =	simm.s32 $0x1400;
	s5 =	sadd.s32 $0x4000, s4  }
0x12: {  	v0 =	vimm.f32 $0.0e+00;
	s6 =	sadd.s32 $0x8000, s4;
	s7 =	sadd.s32 $0xC000, s4;
	s8 =	sadd.s32 $0x10000, s4  }
.LBB2_1:
0x13: {  	s24 =	simm.s32 $0x0;
	s25 =	simm.s32 $0x200  }
.LBB2_2:
0x14: {  	p0 =	sne.s32 s25, $0xFE00;
	[tilespmem:s24+$0x1470] =	vst v0  }
0x15: {  	[tilespmem:s24+$0x1400] =	vst v0  }
0x16: {  	[tilespmem:s24+$0x1410] =	vst v0  }
.Ltmp0:
0x17: {  	[tilespmem:s24+$0x1420] =	vst v0;
	(pc) =	sbr.rel @p0 .LBB2_2-.Ltmp0, $4  }
0x18: {  	[tilespmem:s24+$0x1430] =	vst v0  }
0x19: {  	[tilespmem:s24+$0x1440] =	vst v0  }
0x1a: {  	[tilespmem:s24+$0x1450] =	vst v0  }
0x1b: {  	[tilespmem:s24+$0x1460] =	vst v0;
	s24 =	sshra.s32 s25, $0x2;
	s25 =	sadd.s32 $0x200, s25  }
0x1c: {  	[tilespmem:s24+$0x1470] =	vst v0  }
0x1d: {  	[tilespmem:s24+$0x1400] =	vst v0  }
0x1e: {  	[tilespmem:s24+$0x1410] =	vst v0  }
0x1f: {  	[tilespmem:s24+$0x1420] =	vst v0  }
0x20: {  	[tilespmem:s24+$0x1430] =	vst v0  }
0x21: {  	[tilespmem:s24+$0x1440] =	vst v0  }
0x22: {  	[tilespmem:s24+$0x1450] =	vst v0  }
0x23: {  	[tilespmem:s24+$0x1460] =	vst v0  }
0x24: {  	[spmem:s4] =	stream.linear.scatter [tilespmem:s15], [sflag:$0x3], $0x4000, $0x38;
	[tilespmem:$0x1D000] =	vst v63  }
0x25: {  	_ =	swait.ge [sflag:s16], $0x4000  }
0x26: {  	[sflag:s16] =	ssyncset.done $0x0  }
0x27: {  	[sflag:s16] =	ssyncadd.s32 $0xFFFFC000  }
0x28: {  	[spmem:s5] =	stream.linear.scatter [tilespmem:s15], [sflag:$0x3], $0x4000, $0x38;
	[tilespmem:$0x1D000] =	vst v63  }
0x29: {  	_ =	swait.ge [sflag:s16], $0x4000  }
0x2a: {  	[sflag:s16] =	ssyncset.done $0x0  }
0x2b: {  	[sflag:s16] =	ssyncadd.s32 $0xFFFFC000  }
0x2c: {  	[spmem:s6] =	stream.linear.scatter [tilespmem:s15], [sflag:$0x3], $0x4000, $0x38;
	[tilespmem:$0x1D000] =	vst v63  }
0x2d: {  	_ =	swait.ge [sflag:s16], $0x4000  }
0x2e: {  	[sflag:s16] =	ssyncset.done $0x0  }
0x2f: {  	[sflag:s16] =	ssyncadd.s32 $0xFFFFC000  }
0x30: {  	[spmem:s7] =	stream.linear.scatter [tilespmem:s15], [sflag:$0x3], $0x4000, $0x38;
	[tilespmem:$0x1D000] =	vst v63  }
0x31: {  	_ =	swait.ge [sflag:s16], $0x4000  }
0x32: {  	[sflag:s16] =	ssyncset.done $0x0  }
0x33: {  	[sflag:s16] =	ssyncadd.s32 $0xFFFFC000  }
0x34: {  	[spmem:s8] =	stream.linear.scatter [tilespmem:s15], [sflag:$0x3], $0x3C00, $0x38;
	[tilespmem:$0x1D000] =	vst v63  }
0x35: {  	_ =	swait.ge [sflag:s16], $0x3C00  }
0x36: {  	[sflag:s16] =	ssyncset.done $0x0  }
0x37: {  	[sflag:s16] =	ssyncadd.s32 $0xFFFFC400  }
0x38: {  	s28 =	simm.s32 $0x0;
	[bflag:$0x0] =	sbarrier.arrive $0xFFFF  }
0x39: {  	[tilespmem:s28], [sflag:$0x3] =	stream.linear.gather [hbm4b:s10+s28], $0x1400, $0x38;
	[tilespmem:$0x1D000] =	vst v63  }
0x3a: {  	_ =	swait.ge [sflag:s16], $0x1400  }
0x3b: {  	[sflag:s16] =	ssyncset.done $0x0  }
0x3c: {  	[sflag:s16] =	ssyncadd.s32 $0xFFFFEC00  }
0x3d: {  	[tilespmem:s15], [sflag:$0x1] =	stream.linear.gather [hbm4b:s9+s28], $0x4000, $0x38;
	[tilespmem:$0x1D000] =	vst v63  }
0x3e: {  	_ = 	snop  }
0x3f: {  	[tilespmem:s17], [sflag:$0x2] =	stream.linear.gather [hbm4b:s11+s28], $0x4000, $0x38;
	[tilespmem:$0x1D000] =	vst v63  }
0x40: {  	_ =	swait.ge [sflag:s18], $0x4000  }
0x41: {  	[sflag:s18] =	ssyncset.done $0x0  }
0x42: {  	s29 =	simm.s32 $0x0;
	[sflag:s18] =	ssyncadd.s32 $0xFFFFC000  }
0x43: {  	[spmem:s2] =	stream.indirect.scatter.add.f32 [tilespmem:s15], [sflag:$0x3], $0x80, s29, s19, $0xb8;
	[tilespmem:$0x1D000] =	vst v63  }
0x44: {  	_ =	swait.ge [sflag:s16], $0x4000  }
0x45: {  	[sflag:s16] =	ssyncset.done $0x0  }
0x46: {  	s30 =	sadd.s32 $0xFFFFF800, s14;
	[sflag:s16] =	ssyncadd.s32 $0xFFFFC000  }
0x47: {  	[tilespmem:s15], [sflag:$0x1] =	stream.linear.gather [hbm4b:s30+s3], $0x4000, $0x38;
	[tilespmem:$0x1D000] =	vst v63  }
0x48: {  	_ =	swait.ge [sflag:s20], $0x4000  }
0x49: {  	[sflag:s20] =	ssyncset.done $0x0  }
0x4a: {  	s31 =	simm.s32 $0x80;
	[sflag:s20] =	ssyncadd.s32 $0xFFFFC000  }
0x4b: {  	[spmem:s2] =	stream.indirect.scatter.add.f32 [tilespmem:s17], [sflag:$0x3], $0x80, s31, s19, $0xb8;
	[tilespmem:$0x1D000] =	vst v63  }
0x4c: {  	_ =	swait.ge [sflag:s16], $0x4000  }
0x4d: {  	s24 =	simm.s32 $0x400;
	[sflag:s16] =	ssyncset.done $0x0  }
0x4e: {  	s25 =	sadd.s32 $0x1000, s14;
	s26 =	smov.u32 s14;
	[sflag:s16] =	ssyncadd.s32 $0xFFFFC000  }
.LBB2_4:
0x4f: {  	[tilespmem:s17], [sflag:$0x2] =	stream.linear.gather [hbm4b:s26+s3], $0x4000, $0x38;
	[tilespmem:$0x1D000] =	vst v63  }
0x50: {  	s28 =	smov.u32 s24;
	s26 =	smov.u32 s25  }
0x51: {  	p0 =	sne.s32 s24, $0x4800;
	s24 =	sadd.s32 $0x400, s24;
	_ =	swait.ge [sflag:s18], $0x4000  }
0x52: {  	[sflag:s18] =	ssyncset.done $0x0  }
0x53: {  	s28 =	sshra.s32 s28, $0x2;
	[sflag:s18] =	ssyncadd.s32 $0xFFFFC000  }
0x54: {  	[spmem:s2] =	stream.indirect.scatter.add.f32 [tilespmem:s15], [sflag:$0x3], $0x80, s28, s19, $0xb8;
	[tilespmem:$0x1D000] =	vst v63  }
0x55: {  	_ =	swait.ge [sflag:s16], $0x4000  }
0x56: {  	[sflag:s16] =	ssyncset.done $0x0  }
0x57: {  	s29 =	sadd.s32 $0xFFFFF800, s25;
	[sflag:s16] =	ssyncadd.s32 $0xFFFFC000  }
0x58: {  	[tilespmem:s15], [sflag:$0x1] =	stream.linear.gather [hbm4b:s29+s3], $0x4000, $0x38;
	[tilespmem:$0x1D000] =	vst v63  }
0x59: {  	_ =	swait.ge [sflag:s20], $0x4000  }
0x5a: {  	[sflag:s20] =	ssyncset.done $0x0  }
.Ltmp1:
0x5b: {  	s28 =	sadd.s32 $0x80, s28;
	[sflag:s20] =	ssyncadd.s32 $0xFFFFC000;
	(pc) =	sbr.rel @p0 .LBB2_4-.Ltmp1, $4  }
0x5c: {  	[spmem:s2] =	stream.indirect.scatter.add.f32 [tilespmem:s17], [sflag:$0x3], $0x80, s28, s19, $0xb8;
	[tilespmem:$0x1D000] =	vst v63  }
0x5d: {  	_ =	swait.ge [sflag:s16], $0x4000  }
0x5e: {  	[sflag:s16] =	ssyncset.done $0x0  }
0x5f: {  	s25 =	sadd.s32 $0x1000, s25;
	[sflag:s16] =	ssyncadd.s32 $0xFFFFC000  }
0x60: {  	[tilespmem:s17], [sflag:$0x2] =	stream.linear.gather [hbm4b:s26+s3], $0x4000, $0x38;
	[tilespmem:$0x1D000] =	vst v63  }
0x61: {  	_ =	swait.ge [sflag:s18], $0x4000  }
0x62: {  	[sflag:s18] =	ssyncset.done $0x0  }
0x63: {  	[sflag:s18] =	ssyncadd.s32 $0xFFFFC000  }
0x64: {  	[spmem:s2] =	stream.indirect.scatter.add.f32 [tilespmem:s15], [sflag:$0x3], $0x80, s21, s19, $0xb8;
	[tilespmem:$0x1D000] =	vst v63  }
0x65: {  	_ =	swait.ge [sflag:s16], $0x4000  }
0x66: {  	[sflag:s16] =	ssyncset.done $0x0  }
0x67: {  	[sflag:s16] =	ssyncadd.s32 $0xFFFFC000  }
0x68: {  	_ =	swait.ge [sflag:s20], $0x4000  }
0x69: {  	[sflag:s20] =	ssyncset.done $0x0  }
0x6a: {  	[sflag:s20] =	ssyncadd.s32 $0xFFFFC000  }
0x6b: {  	[spmem:s2] =	stream.indirect.scatter.add.f32 [tilespmem:s17], [sflag:$0x3], $0x80, s22, s19, $0xb8;
	[tilespmem:$0x1D000] =	vst v63  }
0x6c: {  	_ =	swait.ge [sflag:s16], $0x4000  }
0x6d: {  	s24 =	sshll.u32 s0, $0x6;
	s23 =	sadd.s32 $0x1, s23;
	[sflag:s16] =	ssyncset.done $0x0  }
0x6e: {  	s25 =	sshrl.u32 s4, $0x3;
	p0 =	sne.s32 s23, s13;
	[sflag:s16] =	ssyncadd.s32 $0xFFFFC000  }
.Ltmp2:
0x6f: {  	s24 =	sor.u32 $0x1C03, s24;
	[bflag:$0x0] =	sbarrier.arrive $0xFFFF;
	(pc) =	sbr.rel @p0 .LBB2_1-.Ltmp2, $4  }
0x70: {  	[hbm:s12], [sflag:s24] =	dma.local [spmem:s25], $0x2780  }
0x71: {  	_ =	swait.ge [sflag:s16], $0x2780  }
0x72: {  	[sflag:s16] =	ssyncset.done $0x0  }
0x73: {  	[sflag:s16] =	ssyncadd.s32 $0xFFFFD880  }
0x74: {  	_ =	sfence.sel $0x180000  }
0x75: {  	[bflag:$0x0] =	sbarrier.arrive $0xFFFF  }
0x76: {  	p0 =	sne.s32 s0, $0x0;
	_ =	strace $0x90000059  }
0x77: {  	s0 =	sadd.s32 @!p0 $0x100000, s1;
	[bflag:$0x2] =	sbarrier.arrive $0xFFFF  }
0x78: {  	[sflag:s0] =	ssyncadd.tile.s32 @!p0 $0x1;
	_ =	shalt  }
.Lfunc_end2:
_tile_overlayer_lowered:
.L_overlay_start_2:
0x79: {  	(tag) =	ssettag $0x2  }
0x7a: {  	s0 =	rddreg [dreg:$0x0];
	s2 =	stileid.u32  }
0x7b: {  	s1 =	rddreg [dreg:$0x1];
	p0 =	sne.s32 s2, $0x0  }
0x7c: {  	s3 =	rddreg [dreg:$0x2];
	[bflag:$0x3] =	sbarrier.arrive $0xFFFF;
	s2 =	simm.s32 @!p0 $0x1C03  }
0x7d: {  	[timem:s3], [sflag:s2] =	dma.local @!p0 [hbm:s0], s1  }
0x7e: {  	s0 =	simm.s32 @!p0 $0x3  }
0x7f: {  	_ =	swait.ge @!p0 [sflag:s0], s1  }
0x80: {  	s1 =	ssub.s32 @!p0 $0x0, s1;
	[sflag:s0] =	ssyncset.done @!p0 $0x0  }
0x81: {  	[sflag:s0] =	ssyncadd.s32 @!p0 s1  }
0x82: {  	[bflag:$0x3] =	sbarrier.arrive $0xFFFF  }
0x83: {  	_ =	shalt  }

// kernel: kernel.35.cloned.1.call-start
scs
__scs_entry_jumppad:
0x0: {  	(pc) =	sbr.rel $0x88, $3  }
0x1: {  	(tag) =	ssettag $0x0;
	lr =	simm.s32 $0x1  }
0x2: {  	[smem:$0x3F8F] =	sst lr;
	_ =	strace $0xD0000000  }
0x3: {  	_ = 	snop  }
0x4: {  	_ = 	snop  }
0x5: {  	_ = 	snop  }
0x6: {  	_ = 	snop  }
0x7: {  	_ = 	snop  }
__scs_overlays_trampoline_lowered:
0x8: {  	[smem:$0x3F9E] =	sst s0  }
0x9: {  	[smem:$0x3F9F] =	sst s1  }
0xa: {  	[smem:$0x3FA0] =	sst s2  }
0xb: {  	[smem:$0x3FA1] =	sst s3  }
0xc: {  	[smem:$0x3FA2] =	sst s4  }
0xd: {  	[smem:$0x3FA3] =	sst s5  }
0xe: {  	[smem:$0x3FA4] =	sst s6  }
0xf: {  	[smem:$0x3FA5] =	sst s7  }
0x10: {  	[smem:$0x3FA6] =	sst s8  }
0x11: {  	[smem:$0x3FA7] =	sst s9;
	s0 =	simm.s32 @!p0 $0x0  }
0x12: {  	s1 =	sld [smem:$0x3F8D];
	s0 =	simm.s32 @p0 $0x1  }
0x13: {  	[smem:$0x3FA8] =	sst s0;
	s0 =	simm.s32 @!p1 $0x0  }
0x14: {  	s2 =	sld [smem:$0x3F8C];
	s0 =	simm.s32 @p1 $0x1  }
0x15: {  	[smem:$0x3FA9] =	sst s0;
	s0 =	simm.s32 @!p2 $0x0  }
0x16: {  	s3 =	sld [smem:$0x3FDB];
	s0 =	simm.s32 @p2 $0x1  }
0x17: {  	s4 =	simm.s32 $0x1BF5;
	[smem:$0x3FAB] =	sst s0  }
0x18: {  	s0 =	sld [smem:$0x3F8E];
	_ =	swait.ge [sflag:s4], $0x0  }
0x19: {  	s7 =	sld [smem:$0x3F8F]  }
0x1a: {  	s8 =	sadd.s32 $0xFFFFE003, lr  }
0x1b: {  	s9 =	sadd.s32 $0xFFFFFEF7, lr;
	s5 =	simm.s32 $0xFFFFFFFF;
	p2 =	slt.u32 s8, $0xFFFFF086  }
0x1c: {  	p1 =	slt.u32 s9, $0xF7A;
	s5 =	simm.s32 @!p2 $0x0  }
0x1d: {  	s5 =	simm.s32 @p1 $0x1;
	p0 =	seq.s32 s7, s2  }
0x1e: {  	s7 =	smul.u32 @!p0 $0xF7A, s2;
	p2 =	seq.s32 @!p0 s5, $0x0  }
0x1f: {  	s9 =	smul.u32 $0xF7A, s1;
	s8 =	simm.s32 @!p0 $0x1BF5;
	p2 =	por !p2, p0  }
0x20: {  	[sflag:s8] =	ssyncset.s32 @!p0 $0xFFFFF086;
	s6 =	sadd.s32 @!p0 s3, s7;
	s7 =	simm.s32 @!p0 $0x108  }
0x21: {  	s3 =	sadd.s32 s3, s9;
	s6 =	sadd.s32 @!p0 $0x88, s6;
	s7 =	simm.s32 @p2 $0x1082  }
0x22: {  	[simem:s7], [sflag:s8] =	dma.local @!p0 [hbm:s6], $0xF7A  }
0x23: {  	s9 =	sor.u32 $0xD0000000, s2;
	s6 =	simm.s32 $0x108;
	_ =	swait.ge @!p0 [sflag:s8], $0x0  }
0x24: {  	s3 =	sadd.s32 $0x88, s3;
	s6 =	simm.s32 @!p1 $0x1082;
	[sflag:s4] =	ssyncset.s32 $0xFFFFF086  }
0x25: {  	[simem:s6], [sflag:s4] =	dma.local [hbm:s3], $0xF7A  }
0x26: {  	[smem:$0x3F8F] =	sst s1;
	(tag) =	ssettag s2;
	_ =	strace s9  }
0x27: {  	s1 =	sld [smem:$0x3F9F]  }
0x28: {  	s2 =	sld [smem:$0x3FA0]  }
0x29: {  	s4 =	sld [smem:$0x3FA2]  }
0x2a: {  	p0 =	seq.s32 s5, $0x0;
	s5 =	sld [smem:$0x3FA3]  }
0x2b: {  	s6 =	sld [smem:$0x3FA4]  }
0x2c: {  	s7 =	sld [smem:$0x3FA5]  }
0x2d: {  	s3 =	simm.s32 $0x108;
	s8 =	sld [smem:$0x3FA6]  }
0x2e: {  	s3 =	simm.s32 @!p0 $0x1082;
	s9 =	sld [smem:$0x3FA7]  }
0x2f: {  	lr =	sadd.s32 s0, s3;
	s0 =	sld [smem:$0x3F9E]  }
0x30: {  	s3 =	sld [smem:$0x3FA1]  }
0x31: {  	[smem:$0x3FAA] =	sst s10  }
0x32: {  	s10 =	sld [smem:$0x3FA8];
	_ =	sdelay $0x3  }
0x33: {  	p0 =	seq.s32 s10, $0x1;
	s10 =	sld [smem:$0x3FAA];
	_ =	sdelay $0x3  }
0x34: {  	[smem:$0x3FAA] =	sst s10  }
0x35: {  	s10 =	sld [smem:$0x3FA9];
	_ =	sdelay $0x3  }
0x36: {  	p1 =	seq.s32 s10, $0x1;
	s10 =	sld [smem:$0x3FAA];
	_ =	sdelay $0x3  }
0x37: {  	[smem:$0x3FAA] =	sst s10  }
0x38: {  	s10 =	sld [smem:$0x3FAB]  }
0x39: {  	_ = 	snop;
	(pc) =	sbr.ind lr, $3  }
0x3a: {  	_ = 	snop  }
0x3b: {  	_ = 	snop  }
0x3c: {  	p2 =	seq.s32 s10, $0x1;
	s10 =	sld [smem:$0x3FAA]  }
0x3d: {  	_ =	shalt  }
0x3e: {  	_ =	shalt  }
0x3f: {  	_ =	shalt  }
0x40: {  	_ =	shalt  }
0x41: {  	_ =	shalt  }
0x42: {  	_ =	shalt  }
0x43: {  	_ =	shalt  }
0x44: {  	_ =	shalt  }
0x45: {  	_ =	shalt  }
0x46: {  	_ =	shalt  }
0x47: {  	_ =	shalt  }
0x48: {  	_ =	shalt  }
0x49: {  	_ =	shalt  }
0x4a: {  	_ =	shalt  }
0x4b: {  	_ =	shalt  }
0x4c: {  	_ =	shalt  }
0x4d: {  	_ =	shalt  }
0x4e: {  	_ =	shalt  }
0x4f: {  	_ =	shalt  }
0x50: {  	_ =	shalt  }
0x51: {  	_ =	shalt  }
0x52: {  	_ =	shalt  }
0x53: {  	_ =	shalt  }
0x54: {  	_ =	shalt  }
0x55: {  	_ =	shalt  }
0x56: {  	_ =	shalt  }
0x57: {  	_ =	shalt  }
0x58: {  	_ =	shalt  }
0x59: {  	_ =	shalt  }
0x5a: {  	_ =	shalt  }
0x5b: {  	_ =	shalt  }
0x5c: {  	_ =	shalt  }
0x5d: {  	_ =	shalt  }
0x5e: {  	_ =	shalt  }
0x5f: {  	_ =	shalt  }
0x60: {  	_ =	shalt  }
0x61: {  	_ =	shalt  }
0x62: {  	_ =	shalt  }
0x63: {  	_ =	shalt  }
0x64: {  	_ =	shalt  }
0x65: {  	_ =	shalt  }
0x66: {  	_ =	shalt  }
0x67: {  	_ =	shalt  }
0x68: {  	_ =	shalt  }
0x69: {  	_ =	shalt  }
0x6a: {  	_ =	shalt  }
0x6b: {  	_ =	shalt  }
0x6c: {  	_ =	shalt  }
0x6d: {  	_ =	shalt  }
0x6e: {  	_ =	shalt  }
0x6f: {  	_ =	shalt  }
0x70: {  	_ =	shalt  }
0x71: {  	_ =	shalt  }
0x72: {  	_ =	shalt  }
0x73: {  	_ =	shalt  }
0x74: {  	_ =	shalt  }
0x75: {  	_ =	shalt  }
0x76: {  	_ =	shalt  }
0x77: {  	_ =	shalt  }
0x78: {  	_ =	shalt  }
0x79: {  	_ =	shalt  }
0x7a: {  	_ =	shalt  }
0x7b: {  	_ =	shalt  }
0x7c: {  	_ =	shalt  }
0x7d: {  	_ =	shalt  }
0x7e: {  	_ =	shalt  }
0x7f: {  	_ =	shalt  }
0x80: {  	_ =	shalt  }
0x81: {  	_ =	shalt  }
0x82: {  	_ =	shalt  }
0x83: {  	_ =	shalt  }
0x84: {  	_ =	shalt  }
0x85: {  	_ =	shalt  }
0x86: {  	_ =	shalt  }
0x87: {  	_ =	shalt  }
.Lfunc_end0:
.L_simem_size_0:
called_computation.6_lowered:
.L_overlay_start_0:
0x88: {  	s2 =	sld [smem:$0x3FD9]  }
0x89: {  	s3 =	sld [smem:$0x3FFE];
	_ =	sdelay $0x1  }
0x8a: {  	s1 =	srdreg.scid  }
0x8b: {  	s0 =	sand.u32 $0x1, s1  }
0x8c: {  	s17 =	sshll.u32 s0, $0xA;
	s2 =	sadd.s32 s3, s2  }
0x8d: {  	s2 =	sadd.s32 s2, s17  }
0x8e: {  	[smem:$0x3FB6] =	sst s2  }
0x8f: {  	_ = 	snop  }
0x90: {  	s18 =	sld [smem:$0x3FD0];
	(tm) =	ssettm $0x1  }
0x91: {  	s19 =	sld [smem:$0x3FFB];
	_ =	sdelay $0x3  }
0x92: {  	_ =	strace s19  }
0x93: {  	s2 =	sld [smem:$0x3FFC];
	_ =	sdelay $0x3  }
0x94: {  	_ =	strace s2  }
0x95: {  	s2 =	sld [smem:$0x3FFD];
	_ =	sdelay $0x3  }
0x96: {  	_ =	strace s2  }
0x97: {  	_ =	strace $0x8FFFFFFF  }
0x98: {  	s20 =	sld [smem:$0x3FDB];
	_ =	sdelay $0x1  }
0x99: {  	s4 =	simm.s32 $_scs_section_size  }
0x9a: {  	s5 =	simm.s32 $_size__tile_overlayer_lowered;
	s6 =	simm.s32 $_tile_overlayer_lowered  }
0x9b: {  	s7 =	simm.s32 $0x1BFF;
	s21 =	sshll.u32 s6, $0x1;
	s4 =	sadd.s32 s4, s20  }
0x9c: {  	s22 =	simm.s32 $0x0;
	s5 =	sshll.u32 s5, $0x1;
	s6 =	sadd.s32 s21, s4  }
0x9d: {  	[timem:s22], [sflag:s7] =	dma.local [hbm:s6], s5  }
0x9e: {  	_ =	swait.ge [sflag:s7], s5  }
0x9f: {  	s5 =	ssub.s32 $0x0, s5;
	[sflag:s7] =	ssyncset.done $0x0  }
0xa0: {  	[sflag:s7] =	ssyncadd.s32 s5;
	_ =	sdelay $0x1  }
0xa1: {  	s23 =	simm.s32 $0x1B8B  }
0xa2: {  	_ =	swait.ge [sflag:s23], $0x1  }
0xa3: {  	[sflag:s23] =	ssyncset.done $0x0  }
0xa4: {  	[sflag:s23] =	ssyncadd.s32 $0xFFFFFFFF  }
0xa5: {  	s5 =	sld [smem:$0x0]  }
0xa6: {  	s6 =	sand.u32 $0xFFFFFFFE, s1  }
0xa7: {  	p0 =	sne.s32 s1, s6  }
0xa8: {  	s6 =	sshll.u32 @p0 s6, $0xE  }
0xa9: {  	s6 =	sadd.s32 @p0 $0x11B8D, s6;
	s7 =	sshll.u32 @p0 s5, $0x11  }
0xaa: {  	s6 =	sor.u32 @p0 s7, s6  }
0xab: {  	[sflag:s6] =	ssyncadd.remote.s32 @p0 $0x1;
	_ =	sdelay $0x1  }
0xac: {  	s6 =	simm.s32 @p0 $0x1B8D  }
0xad: {  	_ =	swait.eq @p0 [sflag:s6], $0x1  }
0xae: {  	[sflag:s6] =	ssyncadd.s32 @p0 $0xFFFFFFFF  }
0xaf: {  	s7 =	sshll.u32 @!p0 s1, $0xE  }
0xb0: {  	s7 =	sor.u32 @!p0 $0x4000, s7;
	s6 =	simm.s32 @!p0 $0x1B8D  }
0xb1: {  	s5 =	sshll.u32 @!p0 s5, $0x11;
	s7 =	sadd.s32 @!p0 $0x11B8D, s7;
	_ =	swait.eq @!p0 [sflag:s6], $0x1  }
0xb2: {  	s5 =	sor.u32 @!p0 s5, s7;
	[sflag:s6] =	ssyncadd.s32 @!p0 $0xFFFFFFFF  }
0xb3: {  	s25 =	simm.s32 $0x1B8E;
	s24 =	sld [smem:$0x3FFE];
	[sflag:s5] =	ssyncadd.remote.s32 @!p0 $0x1  }
0xb4: {  	s26 =	simm.s32 $execute0_lowered;
	[smem:$0x3FD2] =	sst s25  }
0xb5: {  	s6 =	sshll.u32 s26, $0x1;
	_ =	strace $0x80000055;
	[dreg:$0x1] =	wrdreg $0xFFFFFFFF  }
0xb6: {  	s28 =	simm.s32 $_size_execute0_lowered;
	s4 =	sadd.s32 s4, s6;
	[dreg:$0x0] =	wrdreg $0x0  }
0xb7: {  	s6 =	sshll.u32 s28, $0x1;
	[dreg:$0x2] =	wrdreg s4  }
0xb8: {  	[dreg:$0x3] =	wrdreg s6  }
0xb9: {  	[dreg:$0x4] =	wrdreg $0xC0  }
0xba: {  	_ =	task [dreg:s22], $0x5FFFF  }
0xbb: {  	[dreg:$0x1] =	wrdreg $0xFFFFFFFF  }
0xbc: {  	[dreg:$0x0] =	wrdreg $0x60  }
0xbd: {  	[dreg:$0x2] =	wrdreg s18  }
0xbe: {  	[dreg:$0x3] =	wrdreg s24  }
0xbf: {  	[dreg:$0x4] =	wrdreg $0x94000  }
0xc0: {  	[dreg:$0x5] =	wrdreg $0xA  }
0xc1: {  	_ =	task.clear_ibuf [dreg:s22], $0x6FFFF;
	_ =	strace $0x90000055  }
0xc2: {  	s29 =	simm.s32 $0xA;
	_ =	strace $0x80000057  }
0xc3: {  	_ =	swait.ge [sflag:s29], $0x1  }
0xc4: {  	[sflag:s29] =	ssyncadd.s32 $0xFFFFFFFF  }
0xc5: {  	_ =	strace $0x90000057  }
0xc6: {  	_ =	sfence  }
0xc7: {  	s30 =	sld [smem:$0x0];
	_ =	sdelay $0x2  }
0xc8: {  	s31 =	sshll.u32 s1, $0xD;
	s1 =	sshrl.u32 s1, $0x2  }
0xc9: {  	s4 =	sand.u32 $0x4000, s31;
	s1 =	sadd.s32 s1, s30  }
0xca: {  	s0 =	sor.u32 s4, s0;
	s1 =	sshll.u32 s1, $0x11  }
0xcb: {  	s0 =	sor.u32 s1, s0  }
0xcc: {  	s0 =	sadd.s32 $0x8F2B, s0  }
0xcd: {  	[sflag:s0] =	ssyncadd.remote.s32 $0x1  }
0xce: {  	_ =	sfence.sel $0xFFFF  }
0xcf: {  	[dreg:$0x0] =	wrdreg $0xFFFFFFFF;
	(pc) =	sbr.abs _section_cstart, $3  }
0xd0: {  	[dreg:$0x1] =	wrdreg $0xFFFFFFFF  }
0xd1: {  	_ =	task.clear_ibuf [dreg:s22], $0x2FFFF;
	_ =	strace $0x9FFFFFFF  }
0xd2: {  	(tm) =	ssettm $0x7FFFFFFF  }
0xd3: {  	_ =	shalt  }
tec
execute0_lowered:
.L_overlay_start_1:
0x0: {  	(tag) =	ssettag $0x1  }
0x1: {  	s0 =	rddreg [dreg:$0x0];
	s2 =	srdreg.scid  }
0x2: {  	s4 =	rddreg [dreg:$0x1];
	s5 =	sand.u32 $0x1, s2  }
0x3: {  	s2 =	stileid.u32;
	s6 =	smul.u32 $0x138800, s5  }
0x4: {  	s1 =	rddreg [dreg:$0x2];
	s3 =	simm.s32 $0x0;
	s8 =	smul.u32 $0x13C00, s2  }
0x5: {  	s28 =	simm.s32 $0x4;
	s29 =	simm.s32 $0x0;
	s9 =	smul.u32 $0x4F000, s2  }
0x6: {  	[smem:$0x7FF] =	sst s3;
	s16 =	sadd.s32 $0x55CC00, s4;
	s11 =	smul.u32 $0x50000, s5  }
0x7: {  	s7 =	sadd.s32 $0xEA00, s4;
	s17 =	sadd.s32 $0x128400, s1;
	s12 =	smul.u32 $0x2800, s2  }
0x8: {  	_ =	strace $0x80000056;
	s19 =	ssub.s32 $0x2, s5;
	s21 =	smul.u32 $0x1400000, s5  }
0x9: {  	s24 =	smul.u32 $0x140000, s2;
	p0 =	seq.s32 s2, $0xF;
	s10 =	sshrl.u32 s19, $0x1  }
0xa: {  	s17 =	sshrl.u32 @p0 s17, $0x3;
	s8 =	sadd.s32 s8, s6;
	s9 =	sshrl.u32 s9, $0x2  }
0xb: {  	s10 =	ssub.s32 s19, s10;
	s6 =	sshrl.u32 s6, $0x3;
	s20 =	sadd.s32 s12, s11  }
0xc: {  	s25 =	sadd.s32 s21, s24;
	s21 =	simm.s32 $0x80;
	s24 =	simm.s32 $0x5400  }
0xd: {  	s8 =	sshrl.u32 s8, $0x3;
	s19 =	sadd.s32 s9, s1;
	s22 =	sadd.s32 s7, s6  }
0xe: {  	s23 =	sshrl.u32 s20, $0x3;
	s9 =	sshrl.u32 s25, $0x3;
	s26 =	sor.u32 $0x4000, s25  }
0xf: {  	s30 =	sadd.s32 $0xA0000, s25;
	s31 =	sor.u32 $0xC000, s25;
	s14 =	sor.u32 $0x8000, s25  }
0x10: {  	s15 =	sadd.s32 $0xAC000, s25;
	s20 =	simm.s32 $0x5;
	s4 =	sadd.s32 s7, s8  }
0x11: {  	s5 =	sadd.s32 $0x25080, s22;
	s0 =	sadd.s32 s0, s23;
	s8 =	smax.u32 s10, $0x1  }
0x12: {  	s9 =	sadd.s32 s16, s9;
	s10 =	sshrl.u32 s26, $0x3;
	s11 =	sshrl.u32 s30, $0x3  }
0x13: {  	s13 =	sshrl.u32 s31, $0x3;
	s14 =	sshrl.u32 s14, $0x3;
	s15 =	sshrl.u32 s15, $0x3  }
0x14: {  	s19 =	sshrl.u32 @!p0 s19, $0x3;
	s22 =	simm.s32 $0x1400;
	s23 =	simm.s32 $0x1  }
0x15: {  	s26 =	simm.s32 $0x3;
	s6 =	sadd.s32 $0x5000, s0;
	s7 =	sadd.s32 $0x5280, s0  }
0x16: {  	s10 =	sadd.s32 s16, s10;
	s11 =	sadd.s32 s16, s11;
	s0 =	sadd.s32 $0xA8000, s25  }
0x17: {  	s13 =	sadd.s32 s13, s16;
	s14 =	sadd.s32 s14, s16;
	s0 =	sshrl.u32 s0, $0x3  }
0x18: {  	s15 =	sadd.s32 s15, s16;
	s16 =	sadd.s32 s0, s16;
	s0 =	sshll.u32 @!p0 s2, $0x6  }
0x19: {  	s12 =	sadd.s32 $0x14800, s9;
	s25 =	simm.s32 $0x2;
	s18 =	sor.u32 @!p0 $0x1C05, s0  }
.LBB2_1:
0x1a: {  	s0 =	simm.s32 @p0 $0x1FC5  }
0x1b: {  	[spmem:s17], [sflag:s0] =	dma.local @p0 [hbm:s5], $0x2080  }
0x1c: {  	s0 =	simm.s32 @p0 $0x5  }
0x1d: {  	_ =	swait.ge @p0 [sflag:s0], $0x2080  }
0x1e: {  	[sflag:s0] =	ssyncset.done @p0 $0x0  }
0x1f: {  	[sflag:s0] =	ssyncadd.s32 @p0 $0xFFFFDF80;
	s0 =	simm.s32 @!p0 $0x5  }
0x20: {  	[spmem:s19], [sflag:s18] =	dma.local @!p0 [hbm:s4], $0x2780  }
0x21: {  	_ =	swait.ge @!p0 [sflag:s0], $0x2780  }
0x22: {  	[sflag:s0] =	ssyncset.done @!p0 $0x0  }
0x23: {  	[sflag:s0] =	ssyncadd.s32 @!p0 $0xFFFFD880  }
0x24: {  	[bflag:$0x0] =	sbarrier.arrive $0xFFFF  }
0x25: {  	[tilespmem:s3], [sflag:$0x5] =	stream.linear.gather [hbm4b:s6+s3], $0x1400, $0x38;
	[tilespmem:$0x1CC80] =	vst v63  }
0x26: {  	_ =	swait.ge [sflag:s20], $0x1400  }
0x27: {  	[sflag:s20] =	ssyncset.done $0x0  }
0x28: {  	[sflag:s20] =	ssyncadd.s32 $0xFFFFEC00  }
0x29: {  	[tilespmem:s22], [sflag:$0x1] =	stream.indirect.gather [spmem:s1], $0x80, s3, s21, $0xb8;
	[tilespmem:$0x1CC80] =	vst v63  }
0x2a: {  	_ =	swait.ge [sflag:s23], $0x4000  }
0x2b: {  	[sflag:s23] =	ssyncset.done $0x0  }
0x2c: {  	[sflag:s23] =	ssyncadd.s32 $0xFFFFC000  }
0x2d: {  	[hbm4b:s9+s3] =	stream.linear.scatter [tilespmem:s22], [sflag:$0x3], $0x4000, $0x38;
	[tilespmem:$0x1CC80] =	vst v63  }
0x2e: {  	_ = 	snop  }
0x2f: {  	[tilespmem:s24], [sflag:$0x2] =	stream.indirect.gather [spmem:s1], $0x80, s21, s21, $0xb8;
	[tilespmem:$0x1CC80] =	vst v63  }
0x30: {  	_ =	swait.ge [sflag:s25], $0x4000  }
0x31: {  	[sflag:s25] =	ssyncset.done $0x0  }
0x32: {  	[sflag:s25] =	ssyncadd.s32 $0xFFFFC000  }
0x33: {  	[hbm4b:s10+s3] =	stream.linear.scatter [tilespmem:s24], [sflag:$0x4], $0x4000, $0x38;
	[tilespmem:$0x1CC80] =	vst v63  }
0x34: {  	_ =	swait.ge [sflag:s26], $0x4000  }
0x35: {  	[sflag:s26] =	ssyncset.done $0x0  }
0x36: {  	s2 =	simm.s32 $0x100;
	[sflag:s26] =	ssyncadd.s32 $0xFFFFC000  }
0x37: {  	[tilespmem:s22], [sflag:$0x1] =	stream.indirect.gather [spmem:s1], $0x80, s2, s21, $0xb8;
	[tilespmem:$0x1CC80] =	vst v63  }
0x38: {  	_ =	swait.ge [sflag:s23], $0x4000  }
0x39: {  	[sflag:s23] =	ssyncset.done $0x0  }
0x3a: {  	s2 =	sadd.s32 $0x0, s14;
	[sflag:s23] =	ssyncadd.s32 $0xFFFFC000  }
0x3b: {  	[hbm4b:s2+s3] =	stream.linear.scatter [tilespmem:s22], [sflag:$0x3], $0x4000, $0x38;
	[tilespmem:$0x1CC80] =	vst v63  }
0x3c: {  	_ =	swait.ge [sflag:s28], $0x4000  }
0x3d: {  	[sflag:s28] =	ssyncset.done $0x0  }
0x3e: {  	s2 =	simm.s32 $0x180;
	[sflag:s28] =	ssyncadd.s32 $0xFFFFC000  }
0x3f: {  	[tilespmem:s24], [sflag:$0x2] =	stream.indirect.gather [spmem:s1], $0x80, s2, s21, $0xb8;
	[tilespmem:$0x1CC80] =	vst v63  }
0x40: {  	_ =	swait.ge [sflag:s25], $0x4000  }
0x41: {  	s30 =	simm.s32 $0x1000;
	[sflag:s25] =	ssyncset.done $0x0  }
0x42: {  	s31 =	simm.s32 $0x200;
	s0 =	sadd.s32 $0x0, s13;
	[sflag:s25] =	ssyncadd.s32 $0xFFFFC000  }
.LBB2_2:
0x43: {  	[hbm4b:s0+s3] =	stream.linear.scatter [tilespmem:s24], [sflag:$0x4], $0x4000, $0x38;
	[tilespmem:$0x1CC80] =	vst v63  }
0x44: {  	s0 =	smov.u32 s30  }
0x45: {  	p1 =	sne.s32 s30, $0x12000;
	s30 =	sadd.s32 $0x1000, s30;
	_ =	swait.ge [sflag:s26], $0x4000  }
0x46: {  	[sflag:s26] =	ssyncset.done $0x0  }
0x47: {  	[sflag:s26] =	ssyncadd.s32 $0xFFFFC000  }
0x48: {  	[tilespmem:s22], [sflag:$0x1] =	stream.indirect.gather [spmem:s1], $0x80, s31, s21, $0xb8;
	[tilespmem:$0x1CC80] =	vst v63  }
0x49: {  	_ =	swait.ge [sflag:s23], $0x4000  }
0x4a: {  	[sflag:s23] =	ssyncset.done $0x0  }
0x4b: {  	s2 =	sadd.s32 s0, s14;
	[sflag:s23] =	ssyncadd.s32 $0xFFFFC000  }
0x4c: {  	[hbm4b:s2+s3] =	stream.linear.scatter [tilespmem:s22], [sflag:$0x3], $0x4000, $0x38;
	[tilespmem:$0x1CC80] =	vst v63  }
0x4d: {  	_ =	swait.ge [sflag:s28], $0x4000  }
0x4e: {  	[sflag:s28] =	ssyncset.done $0x0  }
.Ltmp0:
0x4f: {  	s2 =	sadd.s32 $0x80, s31;
	[sflag:s28] =	ssyncadd.s32 $0xFFFFC000;
	(pc) =	sbr.rel @p1 .LBB2_2-.Ltmp0, $4  }
0x50: {  	[tilespmem:s24], [sflag:$0x2] =	stream.indirect.gather [spmem:s1], $0x80, s2, s21, $0xb8;
	[tilespmem:$0x1CC80] =	vst v63  }
0x51: {  	_ =	swait.ge [sflag:s25], $0x4000  }
0x52: {  	[sflag:s25] =	ssyncset.done $0x0  }
0x53: {  	s0 =	sadd.s32 s0, s13;
	s31 =	sadd.s32 $0x100, s31;
	[sflag:s25] =	ssyncadd.s32 $0xFFFFC000  }
0x54: {  	[hbm4b:s0+s3] =	stream.linear.scatter [tilespmem:s24], [sflag:$0x4], $0x4000, $0x38;
	[tilespmem:$0x1CC80] =	vst v63  }
0x55: {  	_ =	swait.ge [sflag:s26], $0x4000  }
0x56: {  	[sflag:s26] =	ssyncset.done $0x0  }
0x57: {  	[sflag:s26] =	ssyncadd.s32 $0xFFFFC000  }
0x58: {  	_ =	swait.ge [sflag:s28], $0x4000  }
0x59: {  	[sflag:s28] =	ssyncset.done $0x0  }
0x5a: {  	s2 =	simm.s32 $0x0;
	[sflag:s28] =	ssyncadd.s32 $0xFFFFC000  }
0x5b: {  	[tilespmem:s2], [sflag:$0x5] =	stream.linear.gather [hbm4b:s7+s2], $0x1400, $0x38;
	[tilespmem:$0x1CC80] =	vst v63  }
0x5c: {  	_ =	swait.ge [sflag:s20], $0x1400  }
0x5d: {  	[sflag:s20] =	ssyncset.done $0x0  }
0x5e: {  	[sflag:s20] =	ssyncadd.s32 $0xFFFFEC00  }
0x5f: {  	[tilespmem:s22], [sflag:$0x1] =	stream.indirect.gather [spmem:s1], $0x80, s2, s21, $0xb8;
	[tilespmem:$0x1CC80] =	vst v63  }
0x60: {  	_ =	swait.ge [sflag:s23], $0x4000  }
0x61: {  	[sflag:s23] =	ssyncset.done $0x0  }
0x62: {  	[sflag:s23] =	ssyncadd.s32 $0xFFFFC000  }
0x63: {  	[hbm4b:s11+s2] =	stream.linear.scatter [tilespmem:s22], [sflag:$0x3], $0x4000, $0x38;
	[tilespmem:$0x1CC80] =	vst v63  }
0x64: {  	_ = 	snop  }
0x65: {  	[tilespmem:s24], [sflag:$0x2] =	stream.indirect.gather [spmem:s1], $0x80, s21, s21, $0xb8;
	[tilespmem:$0x1CC80] =	vst v63  }
0x66: {  	_ =	swait.ge [sflag:s25], $0x4000  }
0x67: {  	[sflag:s25] =	ssyncset.done $0x0  }
0x68: {  	[sflag:s25] =	ssyncadd.s32 $0xFFFFC000  }
0x69: {  	[hbm4b:s12+s2] =	stream.linear.scatter [tilespmem:s24], [sflag:$0x4], $0x4000, $0x38;
	[tilespmem:$0x1CC80] =	vst v63  }
0x6a: {  	_ =	swait.ge [sflag:s26], $0x4000  }
0x6b: {  	[sflag:s26] =	ssyncset.done $0x0  }
0x6c: {  	s2 =	simm.s32 $0x100;
	[sflag:s26] =	ssyncadd.s32 $0xFFFFC000  }
0x6d: {  	[tilespmem:s22], [sflag:$0x1] =	stream.indirect.gather [spmem:s1], $0x80, s2, s21, $0xb8;
	[tilespmem:$0x1CC80] =	vst v63  }
0x6e: {  	_ =	swait.ge [sflag:s23], $0x4000  }
0x6f: {  	[sflag:s23] =	ssyncset.done $0x0  }
0x70: {  	s2 =	sadd.s32 $0x0, s16;
	[sflag:s23] =	ssyncadd.s32 $0xFFFFC000  }
0x71: {  	[hbm4b:s2+s3] =	stream.linear.scatter [tilespmem:s22], [sflag:$0x3], $0x4000, $0x38;
	[tilespmem:$0x1CC80] =	vst v63  }
0x72: {  	_ =	swait.ge [sflag:s28], $0x4000  }
0x73: {  	[sflag:s28] =	ssyncset.done $0x0  }
0x74: {  	s2 =	simm.s32 $0x180;
	[sflag:s28] =	ssyncadd.s32 $0xFFFFC000  }
0x75: {  	[tilespmem:s24], [sflag:$0x2] =	stream.indirect.gather [spmem:s1], $0x80, s2, s21, $0xb8;
	[tilespmem:$0x1CC80] =	vst v63  }
0x76: {  	_ =	swait.ge [sflag:s25], $0x4000  }
0x77: {  	s30 =	simm.s32 $0x1000;
	[sflag:s25] =	ssyncset.done $0x0  }
0x78: {  	s0 =	sadd.s32 $0x0, s15;
	s31 =	simm.s32 $0x200;
	[sflag:s25] =	ssyncadd.s32 $0xFFFFC000  }
.LBB2_4:
0x79: {  	[hbm4b:s0+s3] =	stream.linear.scatter [tilespmem:s24], [sflag:$0x4], $0x4000, $0x38;
	[tilespmem:$0x1CC80] =	vst v63  }
0x7a: {  	s0 =	smov.u32 s30  }
0x7b: {  	p1 =	sne.s32 s30, $0x12000;
	s30 =	sadd.s32 $0x1000, s30;
	_ =	swait.ge [sflag:s26], $0x4000  }
0x7c: {  	[sflag:s26] =	ssyncset.done $0x0  }
0x7d: {  	[sflag:s26] =	ssyncadd.s32 $0xFFFFC000  }
0x7e: {  	[tilespmem:s22], [sflag:$0x1] =	stream.indirect.gather [spmem:s1], $0x80, s31, s21, $0xb8;
	[tilespmem:$0x1CC80] =	vst v63  }
0x7f: {  	_ =	swait.ge [sflag:s23], $0x4000  }
0x80: {  	[sflag:s23] =	ssyncset.done $0x0  }
0x81: {  	s2 =	sadd.s32 s0, s16;
	[sflag:s23] =	ssyncadd.s32 $0xFFFFC000  }
0x82: {  	[hbm4b:s2+s3] =	stream.linear.scatter [tilespmem:s22], [sflag:$0x3], $0x4000, $0x38;
	[tilespmem:$0x1CC80] =	vst v63  }
0x83: {  	_ =	swait.ge [sflag:s28], $0x4000  }
0x84: {  	[sflag:s28] =	ssyncset.done $0x0  }
.Ltmp1:
0x85: {  	s2 =	sadd.s32 $0x80, s31;
	[sflag:s28] =	ssyncadd.s32 $0xFFFFC000;
	(pc) =	sbr.rel @p1 .LBB2_4-.Ltmp1, $4  }
0x86: {  	[tilespmem:s24], [sflag:$0x2] =	stream.indirect.gather [spmem:s1], $0x80, s2, s21, $0xb8;
	[tilespmem:$0x1CC80] =	vst v63  }
0x87: {  	_ =	swait.ge [sflag:s25], $0x4000  }
0x88: {  	[sflag:s25] =	ssyncset.done $0x0  }
0x89: {  	s0 =	sadd.s32 s0, s15;
	s31 =	sadd.s32 $0x100, s31;
	[sflag:s25] =	ssyncadd.s32 $0xFFFFC000  }
0x8a: {  	[hbm4b:s0+s3] =	stream.linear.scatter [tilespmem:s24], [sflag:$0x4], $0x4000, $0x38;
	[tilespmem:$0x1CC80] =	vst v63  }
0x8b: {  	s29 =	sadd.s32 $0x1, s29  }
0x8c: {  	_ =	swait.ge [sflag:s26], $0x4000;
	p1 =	sne.s32 s29, s8  }
.Ltmp2:
0x8d: {  	[sflag:s26] =	ssyncset.done $0x0;
	(pc) =	sbr.rel @p1 .LBB2_1-.Ltmp2, $4  }
0x8e: {  	[sflag:s26] =	ssyncadd.s32 $0xFFFFC000  }
0x8f: {  	_ =	swait.ge [sflag:s28], $0x4000  }
0x90: {  	[sflag:s28] =	ssyncset.done $0x0  }
0x91: {  	[sflag:s28] =	ssyncadd.s32 $0xFFFFC000  }
0x92: {  	_ =	sfence.sel $0x180000  }
0x93: {  	[bflag:$0x0] =	sbarrier.arrive $0xFFFF  }
0x94: {  	_ =	strace $0x90000056  }
0x95: {  	s0 =	stileid.u32;
	[bflag:$0x2] =	sbarrier.arrive $0xFFFF  }
0x96: {  	p0 =	sne.s32 s0, $0x0;
	s0 =	rddreg [dreg:$0x3]  }
0x97: {  	s0 =	sadd.s32 @!p0 $0x100000, s0  }
0x98: {  	[sflag:s0] =	ssyncadd.tile.s32 @!p0 $0x1;
	_ =	shalt  }
.Lfunc_end2:
_tile_overlayer_lowered:
.L_overlay_start_2:
0x99: {  	(tag) =	ssettag $0x2  }
0x9a: {  	s0 =	rddreg [dreg:$0x0];
	s2 =	stileid.u32  }
0x9b: {  	s1 =	rddreg [dreg:$0x1];
	p0 =	sne.s32 s2, $0x0  }
0x9c: {  	s3 =	rddreg [dreg:$0x2];
	[bflag:$0x3] =	sbarrier.arrive $0xFFFF;
	s2 =	simm.s32 @!p0 $0x1C05  }
0x9d: {  	[timem:s3], [sflag:s2] =	dma.local @!p0 [hbm:s0], s1  }
0x9e: {  	s0 =	simm.s32 @!p0 $0x5  }
0x9f: {  	_ =	swait.ge @!p0 [sflag:s0], s1  }
0xa0: {  	s1 =	ssub.s32 @!p0 $0x0, s1;
	[sflag:s0] =	ssyncset.done @!p0 $0x0  }
0xa1: {  	[sflag:s0] =	ssyncadd.s32 @!p0 s1  }
0xa2: {  	[bflag:$0x3] =	sbarrier.arrive $0xFFFF  }
0xa3: {  	_ =	shalt  }

// kernel: kernel.38.cloned.1.call-start
scs
__scs_entry_jumppad:
0x0: {  	(pc) =	sbr.rel $0x88, $3  }
0x1: {  	(tag) =	ssettag $0x0;
	lr =	simm.s32 $0x1  }
0x2: {  	[smem:$0x3F8F] =	sst lr;
	_ =	strace $0xD0000000  }
0x3: {  	_ = 	snop  }
0x4: {  	_ = 	snop  }
0x5: {  	_ = 	snop  }
0x6: {  	_ = 	snop  }
0x7: {  	_ = 	snop  }
__scs_overlays_trampoline_lowered:
0x8: {  	[smem:$0x3F9E] =	sst s0  }
0x9: {  	[smem:$0x3F9F] =	sst s1  }
0xa: {  	[smem:$0x3FA0] =	sst s2  }
0xb: {  	[smem:$0x3FA1] =	sst s3  }
0xc: {  	[smem:$0x3FA2] =	sst s4  }
0xd: {  	[smem:$0x3FA3] =	sst s5  }
0xe: {  	[smem:$0x3FA4] =	sst s6  }
0xf: {  	[smem:$0x3FA5] =	sst s7  }
0x10: {  	[smem:$0x3FA6] =	sst s8  }
0x11: {  	[smem:$0x3FA7] =	sst s9;
	s0 =	simm.s32 @!p0 $0x0  }
0x12: {  	s1 =	sld [smem:$0x3F8D];
	s0 =	simm.s32 @p0 $0x1  }
0x13: {  	[smem:$0x3FA8] =	sst s0;
	s0 =	simm.s32 @!p1 $0x0  }
0x14: {  	s2 =	sld [smem:$0x3F8C];
	s0 =	simm.s32 @p1 $0x1  }
0x15: {  	[smem:$0x3FA9] =	sst s0;
	s0 =	simm.s32 @!p2 $0x0  }
0x16: {  	s3 =	sld [smem:$0x3FDB];
	s0 =	simm.s32 @p2 $0x1  }
0x17: {  	s4 =	simm.s32 $0x1BF5;
	[smem:$0x3FAB] =	sst s0  }
0x18: {  	s0 =	sld [smem:$0x3F8E];
	_ =	swait.ge [sflag:s4], $0x0  }
0x19: {  	s7 =	sld [smem:$0x3F8F]  }
0x1a: {  	s8 =	sadd.s32 $0xFFFFE003, lr  }
0x1b: {  	s9 =	sadd.s32 $0xFFFFFEF7, lr;
	s5 =	simm.s32 $0xFFFFFFFF;
	p2 =	slt.u32 s8, $0xFFFFF086  }
0x1c: {  	p1 =	slt.u32 s9, $0xF7A;
	s5 =	simm.s32 @!p2 $0x0  }
0x1d: {  	s5 =	simm.s32 @p1 $0x1;
	p0 =	seq.s32 s7, s2  }
0x1e: {  	s7 =	smul.u32 @!p0 $0xF7A, s2;
	p2 =	seq.s32 @!p0 s5, $0x0  }
0x1f: {  	s9 =	smul.u32 $0xF7A, s1;
	s8 =	simm.s32 @!p0 $0x1BF5;
	p2 =	por !p2, p0  }
0x20: {  	[sflag:s8] =	ssyncset.s32 @!p0 $0xFFFFF086;
	s6 =	sadd.s32 @!p0 s3, s7;
	s7 =	simm.s32 @!p0 $0x108  }
0x21: {  	s3 =	sadd.s32 s3, s9;
	s6 =	sadd.s32 @!p0 $0x88, s6;
	s7 =	simm.s32 @p2 $0x1082  }
0x22: {  	[simem:s7], [sflag:s8] =	dma.local @!p0 [hbm:s6], $0xF7A  }
0x23: {  	s9 =	sor.u32 $0xD0000000, s2;
	s6 =	simm.s32 $0x108;
	_ =	swait.ge @!p0 [sflag:s8], $0x0  }
0x24: {  	s3 =	sadd.s32 $0x88, s3;
	s6 =	simm.s32 @!p1 $0x1082;
	[sflag:s4] =	ssyncset.s32 $0xFFFFF086  }
0x25: {  	[simem:s6], [sflag:s4] =	dma.local [hbm:s3], $0xF7A  }
0x26: {  	[smem:$0x3F8F] =	sst s1;
	(tag) =	ssettag s2;
	_ =	strace s9  }
0x27: {  	s1 =	sld [smem:$0x3F9F]  }
0x28: {  	s2 =	sld [smem:$0x3FA0]  }
0x29: {  	s4 =	sld [smem:$0x3FA2]  }
0x2a: {  	p0 =	seq.s32 s5, $0x0;
	s5 =	sld [smem:$0x3FA3]  }
0x2b: {  	s6 =	sld [smem:$0x3FA4]  }
0x2c: {  	s7 =	sld [smem:$0x3FA5]  }
0x2d: {  	s3 =	simm.s32 $0x108;
	s8 =	sld [smem:$0x3FA6]  }
0x2e: {  	s3 =	simm.s32 @!p0 $0x1082;
	s9 =	sld [smem:$0x3FA7]  }
0x2f: {  	lr =	sadd.s32 s0, s3;
	s0 =	sld [smem:$0x3F9E]  }
0x30: {  	s3 =	sld [smem:$0x3FA1]  }
0x31: {  	[smem:$0x3FAA] =	sst s10  }
0x32: {  	s10 =	sld [smem:$0x3FA8];
	_ =	sdelay $0x3  }
0x33: {  	p0 =	seq.s32 s10, $0x1;
	s10 =	sld [smem:$0x3FAA];
	_ =	sdelay $0x3  }
0x34: {  	[smem:$0x3FAA] =	sst s10  }
0x35: {  	s10 =	sld [smem:$0x3FA9];
	_ =	sdelay $0x3  }
0x36: {  	p1 =	seq.s32 s10, $0x1;
	s10 =	sld [smem:$0x3FAA];
	_ =	sdelay $0x3  }
0x37: {  	[smem:$0x3FAA] =	sst s10  }
0x38: {  	s10 =	sld [smem:$0x3FAB]  }
0x39: {  	_ = 	snop;
	(pc) =	sbr.ind lr, $3  }
0x3a: {  	_ = 	snop  }
0x3b: {  	_ = 	snop  }
0x3c: {  	p2 =	seq.s32 s10, $0x1;
	s10 =	sld [smem:$0x3FAA]  }
0x3d: {  	_ =	shalt  }
0x3e: {  	_ =	shalt  }
0x3f: {  	_ =	shalt  }
0x40: {  	_ =	shalt  }
0x41: {  	_ =	shalt  }
0x42: {  	_ =	shalt  }
0x43: {  	_ =	shalt  }
0x44: {  	_ =	shalt  }
0x45: {  	_ =	shalt  }
0x46: {  	_ =	shalt  }
0x47: {  	_ =	shalt  }
0x48: {  	_ =	shalt  }
0x49: {  	_ =	shalt  }
0x4a: {  	_ =	shalt  }
0x4b: {  	_ =	shalt  }
0x4c: {  	_ =	shalt  }
0x4d: {  	_ =	shalt  }
0x4e: {  	_ =	shalt  }
0x4f: {  	_ =	shalt  }
0x50: {  	_ =	shalt  }
0x51: {  	_ =	shalt  }
0x52: {  	_ =	shalt  }
0x53: {  	_ =	shalt  }
0x54: {  	_ =	shalt  }
0x55: {  	_ =	shalt  }
0x56: {  	_ =	shalt  }
0x57: {  	_ =	shalt  }
0x58: {  	_ =	shalt  }
0x59: {  	_ =	shalt  }
0x5a: {  	_ =	shalt  }
0x5b: {  	_ =	shalt  }
0x5c: {  	_ =	shalt  }
0x5d: {  	_ =	shalt  }
0x5e: {  	_ =	shalt  }
0x5f: {  	_ =	shalt  }
0x60: {  	_ =	shalt  }
0x61: {  	_ =	shalt  }
0x62: {  	_ =	shalt  }
0x63: {  	_ =	shalt  }
0x64: {  	_ =	shalt  }
0x65: {  	_ =	shalt  }
0x66: {  	_ =	shalt  }
0x67: {  	_ =	shalt  }
0x68: {  	_ =	shalt  }
0x69: {  	_ =	shalt  }
0x6a: {  	_ =	shalt  }
0x6b: {  	_ =	shalt  }
0x6c: {  	_ =	shalt  }
0x6d: {  	_ =	shalt  }
0x6e: {  	_ =	shalt  }
0x6f: {  	_ =	shalt  }
0x70: {  	_ =	shalt  }
0x71: {  	_ =	shalt  }
0x72: {  	_ =	shalt  }
0x73: {  	_ =	shalt  }
0x74: {  	_ =	shalt  }
0x75: {  	_ =	shalt  }
0x76: {  	_ =	shalt  }
0x77: {  	_ =	shalt  }
0x78: {  	_ =	shalt  }
0x79: {  	_ =	shalt  }
0x7a: {  	_ =	shalt  }
0x7b: {  	_ =	shalt  }
0x7c: {  	_ =	shalt  }
0x7d: {  	_ =	shalt  }
0x7e: {  	_ =	shalt  }
0x7f: {  	_ =	shalt  }
0x80: {  	_ =	shalt  }
0x81: {  	_ =	shalt  }
0x82: {  	_ =	shalt  }
0x83: {  	_ =	shalt  }
0x84: {  	_ =	shalt  }
0x85: {  	_ =	shalt  }
0x86: {  	_ =	shalt  }
0x87: {  	_ =	shalt  }
.Lfunc_end0:
.L_simem_size_0:
called_computation.7_lowered:
.L_overlay_start_0:
0x88: {  	s2 =	sld [smem:$0x3FD9]  }
0x89: {  	s3 =	sld [smem:$0x3FFE];
	_ =	sdelay $0x1  }
0x8a: {  	s1 =	srdreg.scid  }
0x8b: {  	s0 =	sand.u32 $0x1, s1  }
0x8c: {  	s17 =	sshll.u32 s0, $0xA;
	s2 =	sadd.s32 s3, s2  }
0x8d: {  	s2 =	sadd.s32 s2, s17  }
0x8e: {  	[smem:$0x3FB6] =	sst s2  }
0x8f: {  	_ = 	snop  }
0x90: {  	(tm) =	ssettm $0x1  }
0x91: {  	s18 =	sld [smem:$0x3FFB];
	_ =	sdelay $0x3  }
0x92: {  	_ =	strace s18  }
0x93: {  	s2 =	sld [smem:$0x3FFC];
	_ =	sdelay $0x3  }
0x94: {  	_ =	strace s2  }
0x95: {  	s2 =	sld [smem:$0x3FFD];
	_ =	sdelay $0x3  }
0x96: {  	_ =	strace s2  }
0x97: {  	_ =	strace $0x8FFFFFFF  }
0x98: {  	s19 =	sld [smem:$0x3FDB];
	_ =	sdelay $0x1  }
0x99: {  	s20 =	simm.s32 $_scs_section_size  }
0x9a: {  	s4 =	simm.s32 $_size__tile_overlayer_lowered;
	s5 =	simm.s32 $_tile_overlayer_lowered  }
0x9b: {  	s6 =	simm.s32 $0x1BFF;
	s21 =	sshll.u32 s5, $0x1;
	s3 =	sadd.s32 s20, s19  }
0x9c: {  	s22 =	simm.s32 $0x0;
	s4 =	sshll.u32 s4, $0x1;
	s5 =	sadd.s32 s21, s3  }
0x9d: {  	[timem:s22], [sflag:s6] =	dma.local [hbm:s5], s4  }
0x9e: {  	_ =	swait.ge [sflag:s6], s4  }
0x9f: {  	s4 =	ssub.s32 $0x0, s4;
	[sflag:s6] =	ssyncset.done $0x0  }
0xa0: {  	[sflag:s6] =	ssyncadd.s32 s4;
	_ =	sdelay $0x1  }
0xa1: {  	s23 =	simm.s32 $0x1B8B  }
0xa2: {  	_ =	swait.ge [sflag:s23], $0x1  }
0xa3: {  	[sflag:s23] =	ssyncset.done $0x0  }
0xa4: {  	[sflag:s23] =	ssyncadd.s32 $0xFFFFFFFF  }
0xa5: {  	s4 =	sld [smem:$0x0]  }
0xa6: {  	s5 =	sand.u32 $0xFFFFFFFE, s1  }
0xa7: {  	p0 =	sne.s32 s1, s5  }
0xa8: {  	s5 =	sshll.u32 @p0 s5, $0xE  }
0xa9: {  	s5 =	sadd.s32 @p0 $0x11B8D, s5;
	s6 =	sshll.u32 @p0 s4, $0x11  }
0xaa: {  	s5 =	sor.u32 @p0 s6, s5  }
0xab: {  	[sflag:s5] =	ssyncadd.remote.s32 @p0 $0x1;
	_ =	sdelay $0x1  }
0xac: {  	s5 =	simm.s32 @p0 $0x1B8D  }
0xad: {  	_ =	swait.eq @p0 [sflag:s5], $0x1  }
0xae: {  	[sflag:s5] =	ssyncadd.s32 @p0 $0xFFFFFFFF  }
0xaf: {  	s6 =	sshll.u32 @!p0 s1, $0xE  }
0xb0: {  	s6 =	sor.u32 @!p0 $0x4000, s6;
	s5 =	simm.s32 @!p0 $0x1B8D  }
0xb1: {  	s4 =	sshll.u32 @!p0 s4, $0x11;
	s6 =	sadd.s32 @!p0 $0x11B8D, s6;
	_ =	swait.eq @!p0 [sflag:s5], $0x1  }
0xb2: {  	s4 =	sor.u32 @!p0 s4, s6;
	[sflag:s5] =	ssyncadd.s32 @!p0 $0xFFFFFFFF  }
0xb3: {  	s25 =	simm.s32 $0x1B8E;
	s24 =	sld [smem:$0x3FFE];
	[sflag:s4] =	ssyncadd.remote.s32 @!p0 $0x1  }
0xb4: {  	s26 =	simm.s32 $execute0_lowered;
	[smem:$0x3FD2] =	sst s25  }
0xb5: {  	s5 =	sshll.u32 s26, $0x1;
	_ =	strace $0x8000005B;
	[dreg:$0x1] =	wrdreg $0xFFFFFFFF  }
0xb6: {  	s28 =	simm.s32 $_size_execute0_lowered;
	s3 =	sadd.s32 s3, s5;
	[dreg:$0x0] =	wrdreg $0x0  }
0xb7: {  	s5 =	sshll.u32 s28, $0x1;
	[dreg:$0x2] =	wrdreg s3  }
0xb8: {  	[dreg:$0x3] =	wrdreg s5  }
0xb9: {  	[dreg:$0x4] =	wrdreg $0xC0  }
0xba: {  	_ =	task [dreg:s22], $0x5FFFF  }
0xbb: {  	[dreg:$0x1] =	wrdreg $0xFFFFFFFF  }
0xbc: {  	[dreg:$0x0] =	wrdreg $0x60  }
0xbd: {  	[dreg:$0x2] =	wrdreg s24  }
0xbe: {  	[dreg:$0x3] =	wrdreg $0x94000  }
0xbf: {  	[dreg:$0x4] =	wrdreg $0xA  }
0xc0: {  	_ =	task.clear_ibuf [dreg:s22], $0x5FFFF;
	_ =	strace $0x9000005B  }
0xc1: {  	s29 =	simm.s32 $0xA;
	_ =	strace $0x8000005D  }
0xc2: {  	_ =	swait.ge [sflag:s29], $0x1  }
0xc3: {  	[sflag:s29] =	ssyncadd.s32 $0xFFFFFFFF  }
0xc4: {  	_ =	strace $0x9000005D  }
0xc5: {  	_ =	sfence  }
0xc6: {  	s30 =	sld [smem:$0x0];
	_ =	sdelay $0x2  }
0xc7: {  	s31 =	sshll.u32 s1, $0xD;
	s1 =	sshrl.u32 s1, $0x2  }
0xc8: {  	s4 =	sand.u32 $0x4000, s31;
	s1 =	sadd.s32 s1, s30  }
0xc9: {  	s0 =	sor.u32 s4, s0;
	s1 =	sshll.u32 s1, $0x11  }
0xca: {  	s0 =	sor.u32 s1, s0  }
0xcb: {  	s0 =	sadd.s32 $0x8F2B, s0  }
0xcc: {  	[sflag:s0] =	ssyncadd.remote.s32 $0x1  }
0xcd: {  	_ =	sfence.sel $0xFFFF  }
0xce: {  	[dreg:$0x0] =	wrdreg $0xFFFFFFFF;
	(pc) =	sbr.abs _section_cstart, $3  }
0xcf: {  	[dreg:$0x1] =	wrdreg $0xFFFFFFFF  }
0xd0: {  	_ =	task.clear_ibuf [dreg:s22], $0x2FFFF;
	_ =	strace $0x9FFFFFFF  }
0xd1: {  	(tm) =	ssettm $0x7FFFFFFF  }
tec
execute0_lowered:
.L_overlay_start_1:
0x0: {  	(tag) =	ssettag $0x1  }
0x1: {  	s4 =	rddreg [dreg:$0x0]  }
0x2: {  	s0 =	srdreg.scid;
	s2 =	rddreg [dreg:$0x1]  }
0x3: {  	s1 =	rddreg [dreg:$0x2];
	s7 =	sand.u32 $0x1, s0  }
0x4: {  	s3 =	simm.s32 $0x0;
	s0 =	stileid.u32;
	s5 =	smul.u32 $0x280, s7  }
0x5: {  	s16 =	simm.s32 $0x3;
	s17 =	simm.s32 $0x5400;
	s6 =	smul.u32 $0x28, s0  }
0x6: {  	s18 =	simm.s32 $0x1;
	s19 =	simm.s32 $0x80;
	s26 =	smul.u32 $0x13C000, s7  }
0x7: {  	s20 =	simm.s32 $0x2;
	s21 =	simm.s32 $0x1300;
	s9 =	smul.u32 $0x13C00, s0  }
0x8: {  	s22 =	simm.s32 $0x1380;
	s23 =	simm.s32 $0x0;
	s28 =	smul.u32 $0x4F000, s0  }
0x9: {  	[smem:$0x7FF] =	sst s3;
	s11 =	sadd.s32 $0xABC00, s4;
	s30 =	smul.u32 $0x140000, s7  }
0xa: {  	_ =	strace $0x8000005C;
	s29 =	ssub.s32 $0x2, s7;
	s15 =	smul.u32 $0x14000, s0  }
0xb: {  	s12 =	sshrl.u32 s29, $0x1;
	s8 =	sadd.s32 s6, s5;
	s5 =	sadd.s32 s9, s26  }
0xc: {  	s14 =	ssub.s32 s29, s12;
	s12 =	sadd.s32 s30, s11;
	s6 =	sshll.u32 s8, $0x4  }
0xd: {  	s5 =	sshrl.u32 s5, $0x3;
	s31 =	sshll.u32 s8, $0xB;
	s15 =	sadd.s32 s15, s12  }
0xe: {  	s10 =	sadd.s32 s6, s4;
	s6 =	sshrl.u32 s28, $0x2;
	s13 =	sadd.s32 s5, s4  }
0xf: {  	s9 =	sadd.s32 s11, s31;
	s4 =	sadd.s32 s6, s2;
	s10 =	sadd.s32 $0x9A00, s10  }
0x10: {  	s11 =	sadd.s32 $0x800, s9;
	s12 =	sadd.s32 $0x32BC00, s13;
	s13 =	smax.u32 s14, $0x1  }
0x11: {  	s14 =	sadd.s32 $0x1800, s15;
	s15 =	simm.s32 $0x1400;
	s5 =	sadd.s32 $0x4000, s4  }
0x12: {  	v0 =	vimm.f32 $0.0e+00;
	s6 =	sadd.s32 $0x8000, s4;
	s7 =	sadd.s32 $0xC000, s4;
	s8 =	sadd.s32 $0x10000, s4  }
.LBB2_1:
0x13: {  	s24 =	simm.s32 $0x0;
	s25 =	simm.s32 $0x200  }
.LBB2_2:
0x14: {  	p0 =	sne.s32 s25, $0xFE00;
	[tilespmem:s24+$0x1470] =	vst v0  }
0x15: {  	[tilespmem:s24+$0x1400] =	vst v0  }
0x16: {  	[tilespmem:s24+$0x1410] =	vst v0  }
.Ltmp0:
0x17: {  	[tilespmem:s24+$0x1420] =	vst v0;
	(pc) =	sbr.rel @p0 .LBB2_2-.Ltmp0, $4  }
0x18: {  	[tilespmem:s24+$0x1430] =	vst v0  }
0x19: {  	[tilespmem:s24+$0x1440] =	vst v0  }
0x1a: {  	[tilespmem:s24+$0x1450] =	vst v0  }
0x1b: {  	[tilespmem:s24+$0x1460] =	vst v0;
	s24 =	sshra.s32 s25, $0x2;
	s25 =	sadd.s32 $0x200, s25  }
0x1c: {  	[tilespmem:s24+$0x1470] =	vst v0  }
0x1d: {  	[tilespmem:s24+$0x1400] =	vst v0  }
0x1e: {  	[tilespmem:s24+$0x1410] =	vst v0  }
0x1f: {  	[tilespmem:s24+$0x1420] =	vst v0  }
0x20: {  	[tilespmem:s24+$0x1430] =	vst v0  }
0x21: {  	[tilespmem:s24+$0x1440] =	vst v0  }
0x22: {  	[tilespmem:s24+$0x1450] =	vst v0  }
0x23: {  	[tilespmem:s24+$0x1460] =	vst v0  }
0x24: {  	[spmem:s4] =	stream.linear.scatter [tilespmem:s15], [sflag:$0x3], $0x4000, $0x38;
	[tilespmem:$0x1D000] =	vst v63  }
0x25: {  	_ =	swait.ge [sflag:s16], $0x4000  }
0x26: {  	[sflag:s16] =	ssyncset.done $0x0  }
0x27: {  	[sflag:s16] =	ssyncadd.s32 $0xFFFFC000  }
0x28: {  	[spmem:s5] =	stream.linear.scatter [tilespmem:s15], [sflag:$0x3], $0x4000, $0x38;
	[tilespmem:$0x1D000] =	vst v63  }
0x29: {  	_ =	swait.ge [sflag:s16], $0x4000  }
0x2a: {  	[sflag:s16] =	ssyncset.done $0x0  }
0x2b: {  	[sflag:s16] =	ssyncadd.s32 $0xFFFFC000  }
0x2c: {  	[spmem:s6] =	stream.linear.scatter [tilespmem:s15], [sflag:$0x3], $0x4000, $0x38;
	[tilespmem:$0x1D000] =	vst v63  }
0x2d: {  	_ =	swait.ge [sflag:s16], $0x4000  }
0x2e: {  	[sflag:s16] =	ssyncset.done $0x0  }
0x2f: {  	[sflag:s16] =	ssyncadd.s32 $0xFFFFC000  }
0x30: {  	[spmem:s7] =	stream.linear.scatter [tilespmem:s15], [sflag:$0x3], $0x4000, $0x38;
	[tilespmem:$0x1D000] =	vst v63  }
0x31: {  	_ =	swait.ge [sflag:s16], $0x4000  }
0x32: {  	[sflag:s16] =	ssyncset.done $0x0  }
0x33: {  	[sflag:s16] =	ssyncadd.s32 $0xFFFFC000  }
0x34: {  	[spmem:s8] =	stream.linear.scatter [tilespmem:s15], [sflag:$0x3], $0x3C00, $0x38;
	[tilespmem:$0x1D000] =	vst v63  }
0x35: {  	_ =	swait.ge [sflag:s16], $0x3C00  }
0x36: {  	[sflag:s16] =	ssyncset.done $0x0  }
0x37: {  	[sflag:s16] =	ssyncadd.s32 $0xFFFFC400  }
0x38: {  	s28 =	simm.s32 $0x0;
	[bflag:$0x0] =	sbarrier.arrive $0xFFFF  }
0x39: {  	[tilespmem:s28], [sflag:$0x3] =	stream.linear.gather [hbm4b:s10+s28], $0x1400, $0x38;
	[tilespmem:$0x1D000] =	vst v63  }
0x3a: {  	_ =	swait.ge [sflag:s16], $0x1400  }
0x3b: {  	[sflag:s16] =	ssyncset.done $0x0  }
0x3c: {  	[sflag:s16] =	ssyncadd.s32 $0xFFFFEC00  }
0x3d: {  	[tilespmem:s15], [sflag:$0x1] =	stream.linear.gather [hbm4b:s9+s28], $0x4000, $0x38;
	[tilespmem:$0x1D000] =	vst v63  }
0x3e: {  	_ = 	snop  }
0x3f: {  	[tilespmem:s17], [sflag:$0x2] =	stream.linear.gather [hbm4b:s11+s28], $0x4000, $0x38;
	[tilespmem:$0x1D000] =	vst v63  }
0x40: {  	_ =	swait.ge [sflag:s18], $0x4000  }
0x41: {  	[sflag:s18] =	ssyncset.done $0x0  }
0x42: {  	s29 =	simm.s32 $0x0;
	[sflag:s18] =	ssyncadd.s32 $0xFFFFC000  }
0x43: {  	[spmem:s2] =	stream.indirect.scatter.add.f32 [tilespmem:s15], [sflag:$0x3], $0x80, s29, s19, $0xb8;
	[tilespmem:$0x1D000] =	vst v63  }
0x44: {  	_ =	swait.ge [sflag:s16], $0x4000  }
0x45: {  	[sflag:s16] =	ssyncset.done $0x0  }
0x46: {  	s30 =	sadd.s32 $0xFFFFF800, s14;
	[sflag:s16] =	ssyncadd.s32 $0xFFFFC000  }
0x47: {  	[tilespmem:s15], [sflag:$0x1] =	stream.linear.gather [hbm4b:s30+s3], $0x4000, $0x38;
	[tilespmem:$0x1D000] =	vst v63  }
0x48: {  	_ =	swait.ge [sflag:s20], $0x4000  }
0x49: {  	[sflag:s20] =	ssyncset.done $0x0  }
0x4a: {  	s31 =	simm.s32 $0x80;
	[sflag:s20] =	ssyncadd.s32 $0xFFFFC000  }
0x4b: {  	[spmem:s2] =	stream.indirect.scatter.add.f32 [tilespmem:s17], [sflag:$0x3], $0x80, s31, s19, $0xb8;
	[tilespmem:$0x1D000] =	vst v63  }
0x4c: {  	_ =	swait.ge [sflag:s16], $0x4000  }
0x4d: {  	s24 =	simm.s32 $0x400;
	[sflag:s16] =	ssyncset.done $0x0  }
0x4e: {  	s25 =	sadd.s32 $0x1000, s14;
	s26 =	smov.u32 s14;
	[sflag:s16] =	ssyncadd.s32 $0xFFFFC000  }
.LBB2_4:
0x4f: {  	[tilespmem:s17], [sflag:$0x2] =	stream.linear.gather [hbm4b:s26+s3], $0x4000, $0x38;
	[tilespmem:$0x1D000] =	vst v63  }
0x50: {  	s28 =	smov.u32 s24;
	s26 =	smov.u32 s25  }
0x51: {  	p0 =	sne.s32 s24, $0x4800;
	s24 =	sadd.s32 $0x400, s24;
	_ =	swait.ge [sflag:s18], $0x4000  }
0x52: {  	[sflag:s18] =	ssyncset.done $0x0  }
0x53: {  	s28 =	sshra.s32 s28, $0x2;
	[sflag:s18] =	ssyncadd.s32 $0xFFFFC000  }
0x54: {  	[spmem:s2] =	stream.indirect.scatter.add.f32 [tilespmem:s15], [sflag:$0x3], $0x80, s28, s19, $0xb8;
	[tilespmem:$0x1D000] =	vst v63  }
0x55: {  	_ =	swait.ge [sflag:s16], $0x4000  }
0x56: {  	[sflag:s16] =	ssyncset.done $0x0  }
0x57: {  	s29 =	sadd.s32 $0xFFFFF800, s25;
	[sflag:s16] =	ssyncadd.s32 $0xFFFFC000  }
0x58: {  	[tilespmem:s15], [sflag:$0x1] =	stream.linear.gather [hbm4b:s29+s3], $0x4000, $0x38;
	[tilespmem:$0x1D000] =	vst v63  }
0x59: {  	_ =	swait.ge [sflag:s20], $0x4000  }
0x5a: {  	[sflag:s20] =	ssyncset.done $0x0  }
.Ltmp1:
0x5b: {  	s28 =	sadd.s32 $0x80, s28;
	[sflag:s20] =	ssyncadd.s32 $0xFFFFC000;
	(pc) =	sbr.rel @p0 .LBB2_4-.Ltmp1, $4  }
0x5c: {  	[spmem:s2] =	stream.indirect.scatter.add.f32 [tilespmem:s17], [sflag:$0x3], $0x80, s28, s19, $0xb8;
	[tilespmem:$0x1D000] =	vst v63  }
0x5d: {  	_ =	swait.ge [sflag:s16], $0x4000  }
0x5e: {  	[sflag:s16] =	ssyncset.done $0x0  }
0x5f: {  	s25 =	sadd.s32 $0x1000, s25;
	[sflag:s16] =	ssyncadd.s32 $0xFFFFC000  }
0x60: {  	[tilespmem:s17], [sflag:$0x2] =	stream.linear.gather [hbm4b:s26+s3], $0x4000, $0x38;
	[tilespmem:$0x1D000] =	vst v63  }
0x61: {  	_ =	swait.ge [sflag:s18], $0x4000  }
0x62: {  	[sflag:s18] =	ssyncset.done $0x0  }
0x63: {  	[sflag:s18] =	ssyncadd.s32 $0xFFFFC000  }
0x64: {  	[spmem:s2] =	stream.indirect.scatter.add.f32 [tilespmem:s15], [sflag:$0x3], $0x80, s21, s19, $0xb8;
	[tilespmem:$0x1D000] =	vst v63  }
0x65: {  	_ =	swait.ge [sflag:s16], $0x4000  }
0x66: {  	[sflag:s16] =	ssyncset.done $0x0  }
0x67: {  	[sflag:s16] =	ssyncadd.s32 $0xFFFFC000  }
0x68: {  	_ =	swait.ge [sflag:s20], $0x4000  }
0x69: {  	[sflag:s20] =	ssyncset.done $0x0  }
0x6a: {  	[sflag:s20] =	ssyncadd.s32 $0xFFFFC000  }
0x6b: {  	[spmem:s2] =	stream.indirect.scatter.add.f32 [tilespmem:s17], [sflag:$0x3], $0x80, s22, s19, $0xb8;
	[tilespmem:$0x1D000] =	vst v63  }
0x6c: {  	_ =	swait.ge [sflag:s16], $0x4000  }
0x6d: {  	s24 =	sshll.u32 s0, $0x6;
	s23 =	sadd.s32 $0x1, s23;
	[sflag:s16] =	ssyncset.done $0x0  }
0x6e: {  	s25 =	sshrl.u32 s4, $0x3;
	p0 =	sne.s32 s23, s13;
	[sflag:s16] =	ssyncadd.s32 $0xFFFFC000  }
.Ltmp2:
0x6f: {  	s24 =	sor.u32 $0x1C03, s24;
	[bflag:$0x0] =	sbarrier.arrive $0xFFFF;
	(pc) =	sbr.rel @p0 .LBB2_1-.Ltmp2, $4  }
0x70: {  	[hbm:s12], [sflag:s24] =	dma.local [spmem:s25], $0x2780  }
0x71: {  	_ =	swait.ge [sflag:s16], $0x2780  }
0x72: {  	[sflag:s16] =	ssyncset.done $0x0  }
0x73: {  	[sflag:s16] =	ssyncadd.s32 $0xFFFFD880  }
0x74: {  	_ =	sfence.sel $0x180000  }
0x75: {  	[bflag:$0x0] =	sbarrier.arrive $0xFFFF  }
0x76: {  	p0 =	sne.s32 s0, $0x0;
	_ =	strace $0x9000005C  }
0x77: {  	s0 =	sadd.s32 @!p0 $0x100000, s1;
	[bflag:$0x2] =	sbarrier.arrive $0xFFFF  }
0x78: {  	[sflag:s0] =	ssyncadd.tile.s32 @!p0 $0x1;
	_ =	shalt  }
.Lfunc_end2:
_tile_overlayer_lowered:
.L_overlay_start_2:
0x79: {  	(tag) =	ssettag $0x2  }
0x7a: {  	s0 =	rddreg [dreg:$0x0];
	s2 =	stileid.u32  }
0x7b: {  	s1 =	rddreg [dreg:$0x1];
	p0 =	sne.s32 s2, $0x0  }
0x7c: {  	s3 =	rddreg [dreg:$0x2];
	[bflag:$0x3] =	sbarrier.arrive $0xFFFF;
	s2 =	simm.s32 @!p0 $0x1C03  }
0x7d: {  	[timem:s3], [sflag:s2] =	dma.local @!p0 [hbm:s0], s1  }
0x7e: {  	s0 =	simm.s32 @!p0 $0x3  }
0x7f: {  	_ =	swait.ge @!p0 [sflag:s0], s1  }
0x80: {  	s1 =	ssub.s32 @!p0 $0x0, s1;
	[sflag:s0] =	ssyncset.done @!p0 $0x0  }
0x81: {  	[sflag:s0] =	ssyncadd.s32 @!p0 s1  }
0x82: {  	[bflag:$0x3] =	sbarrier.arrive $0xFFFF  }
0x83: {  	_ =	shalt  }

</sc_bundles>
